<compile_context>
chip_gen: v7x
topology: tpu7x:2x2x1
jax: 0.10.2.dev20260603
libtpu: 0.0.44.dev20260713+nightly
codegen_flags: <defaults>
</compile_context>

<pallas_src>
import functools
import jax
import jax.numpy as jnp
from jax import lax
from jax.experimental import pallas as pl
from jax.experimental.pallas import tpu as pltpu
from jax.experimental.pallas import tpu_sc as plsc

_D = 1024
_N = 16384
_NC, _NS, _L = 2, 16, 16
_NW = _NC * _NS
_RPW = _N // _NW
_CHUNK = 8
_NBUF = 8
_PFD = 6
_NCHUNK = _RPW // _CHUNK
_DV = _D // _L

_GATHER_DNUMS = lax.GatherDimensionNumbers(
    offset_dims=(), collapsed_slice_dims=(0,), start_index_map=(0,))


def _lane_broadcast(vec, j):
    return lax.gather(vec, jnp.full((_L, 1), j, jnp.int32), _GATHER_DNUMS,
                      (1,), mode=lax.GatherScatterMode.PROMISE_IN_BOUNDS)


def _sc_body(f_hbm, ids_hbm, w_hbm, out_hbm,
             fb0, fb1, fb2, fb3, fb4, fb5, fb6, fb7, ids_v, w_v, wt_v,
             is0, is1, is2, is3, is4, is5, is6, is7,
             os0, os1, os2, os3, os4, os5, os6, os7):
    fbufs = (fb0, fb1, fb2, fb3, fb4, fb5, fb6, fb7)
    isems = (is0, is1, is2, is3, is4, is5, is6, is7)
    osems = (os0, os1, os2, os3, os4, os5, os6, os7)
    wid = lax.axis_index("s") * _NC + lax.axis_index("c")
    row0 = wid * _RPW

    def in_copy(c, b):
        return pltpu.make_async_copy(
            f_hbm.at[pl.ds(row0 + c * _CHUNK, _CHUNK)], fbufs[b], isems[b])

    def out_copy(c, b):
        return pltpu.make_async_copy(
            fbufs[b], out_hbm.at[pl.ds(row0 + c * _CHUNK, _CHUNK)], osems[b])

    for c in range(_PFD):
        in_copy(c, c % _NBUF).start()

    pltpu.sync_copy(ids_hbm.at[pl.ds(row0, _RPW)], ids_v.at[pl.ds(0, _RPW)])
    pltpu.sync_copy(w_hbm, w_v)

    @plsc.parallel_loop(0, _DV, 1, unroll=2)
    def _prep(d):
        w0v = w_v[0, pl.ds(d * _L, _L)]
        w1v = w_v[1, pl.ds(d * _L, _L)]
        wt_v[pl.ds(d * _L, _L)] = w0v
        wt_v[pl.ds(_D + d * _L, _L)] = w1v - w0v

    def compute(c, b):
        fbuf = fbufs[b]
        idraw = ids_v[pl.ds(c * _CHUNK, _L)]
        idvec = jnp.clip(idraw, 0, 1).astype(jnp.float32)

        @plsc.parallel_loop(0, _DV, 1, unroll=2)
        def d_body(d):
            w0v = wt_v[pl.ds(d * _L, _L)]
            dv = wt_v[pl.ds(_D + d * _L, _L)]
            for j in range(_CHUNK):
                idb = _lane_broadcast(idvec, j)
                fv = fbuf[j, pl.ds(d * _L, _L)]
                fbuf[j, pl.ds(d * _L, _L)] = fv + (w0v + idb * dv)

    def outer(c0, carry):
        for b in range(_NBUF):
            c = c0 * _NBUF + b
            b2 = (b + _PFD) % _NBUF
            cp = c + _PFD

            @pl.when(cp < _NCHUNK)
            def _prefetch():
                @pl.when(cp >= _NBUF)
                def _wait_prev_out():
                    out_copy(cp - _NBUF, b2).wait()
                in_copy(cp, b2).start()

            in_copy(c, b).wait()
            compute(c, b)
            out_copy(c, b).start()
        return carry

    lax.fori_loop(0, _NCHUNK // _NBUF, outer, 0)
    for b in range(_NBUF):
        out_copy(_NCHUNK - _NBUF + b, b).wait()


_sc_call = functools.partial(
    pl.kernel,
    mesh=plsc.VectorSubcoreMesh(core_axis_name="c", subcore_axis_name="s"),
    out_type=jax.ShapeDtypeStruct((_N, _D), jnp.float32),
    scratch_types=(
        [pltpu.VMEM((_CHUNK, _D), jnp.float32) for _ in range(_NBUF)]
        + [
            pltpu.VMEM((_RPW + _L,), jnp.int32),
            pltpu.VMEM((2, _D), jnp.float32),
            pltpu.VMEM((2 * _D,), jnp.float32),
        ]
        + [pltpu.SemaphoreType.DMA for _ in range(2 * _NBUF)]
    ),
)(_sc_body)


def kernel(frames_actions, token_type_ids, emb_weight):
    B, S, D = frames_actions.shape
    f2 = frames_actions.reshape(_N, D)
    ids = token_type_ids.reshape(_N).astype(jnp.int32)
    out = _sc_call(f2, ids, emb_weight)
    return out.reshape(B, S, D)

# --- scband reference (transcript-rebuilt; emitter-appended) ---
"""Pipeline reference for scband-token-type-encoding-9423158247619 (READ-ONLY COPY).

The authoritative reference and input builder live on the scoring server;
editing this copy changes nothing except your own understanding.
"""

import jax, jax.numpy as jnp
import numpy as np

D_MODEL = 1024
NUM_TOKEN_TYPE = 2
INIT_RANGE = 0.1
B, S = 4, 4096

def setup_inputs(seed: int = 0) -> dict:
    key = jax.random.key(seed)
    k1, k2, k3 = jax.random.split(key, 3)
    frames_actions = jax.random.normal(k1, (B, S, D_MODEL), dtype=jnp.float32)
    token_type_ids = jax.random.randint(k2, (B, S), 0, NUM_TOKEN_TYPE, dtype=jnp.int64)
    emb_weight = jax.random.uniform(k3, (NUM_TOKEN_TYPE, D_MODEL), dtype=jnp.float32, minval=-INIT_RANGE, maxval=INIT_RANGE)
    return {"frames_actions": frames_actions, "token_type_ids": token_type_ids, "emb_weight": emb_weight}

def reference(frames_actions, token_type_ids, emb_weight):
    # nn.Embedding lookup -> gather rows of the table by token_type_ids
    tok = jnp.take(emb_weight, token_type_ids, axis=0)  # [B, S, D_MODEL]
    out = frames_actions + tok
    return out

if __name__ == "__main__":
    import jax
    _d = setup_inputs()
    print(jax.jit(kernel)(*tuple(_d.values())))

</pallas_src>

<mosaic_0001>
#map = affine_map<(d0, d1) -> (0, 0)>
#map1 = affine_map<(d0, d1) -> (0)>
module attributes {stable_mosaic.version = 14 : i64} {
  func.func @_sc_body(%arg0: i32, %arg1: i32, %arg2: memref<16384x1024xf32, #tpu.memory_space<hbm>>, %arg3: memref<16384xi32, #tpu.memory_space<hbm>>, %arg4: memref<2x1024xf32, #tpu.memory_space<hbm>>, %arg5: memref<16384x1024xf32, #tpu.memory_space<hbm>>, %arg6: memref<8x1024xf32, #tpu.memory_space<vmem>>, %arg7: memref<8x1024xf32, #tpu.memory_space<vmem>>, %arg8: memref<8x1024xf32, #tpu.memory_space<vmem>>, %arg9: memref<8x1024xf32, #tpu.memory_space<vmem>>, %arg10: memref<8x1024xf32, #tpu.memory_space<vmem>>, %arg11: memref<8x1024xf32, #tpu.memory_space<vmem>>, %arg12: memref<8x1024xf32, #tpu.memory_space<vmem>>, %arg13: memref<8x1024xf32, #tpu.memory_space<vmem>>, %arg14: memref<528xi32, #tpu.memory_space<vmem>>, %arg15: memref<2x1024xf32, #tpu.memory_space<vmem>>, %arg16: memref<2048xf32, #tpu.memory_space<vmem>>, %arg17: memref<!tpu.dma_semaphore, #tpu.memory_space<semaphore_mem>>, %arg18: memref<!tpu.dma_semaphore, #tpu.memory_space<semaphore_mem>>, %arg19: memref<!tpu.dma_semaphore, #tpu.memory_space<semaphore_mem>>, %arg20: memref<!tpu.dma_semaphore, #tpu.memory_space<semaphore_mem>>, %arg21: memref<!tpu.dma_semaphore, #tpu.memory_space<semaphore_mem>>, %arg22: memref<!tpu.dma_semaphore, #tpu.memory_space<semaphore_mem>>, %arg23: memref<!tpu.dma_semaphore, #tpu.memory_space<semaphore_mem>>, %arg24: memref<!tpu.dma_semaphore, #tpu.memory_space<semaphore_mem>>, %arg25: memref<!tpu.dma_semaphore, #tpu.memory_space<semaphore_mem>>, %arg26: memref<!tpu.dma_semaphore, #tpu.memory_space<semaphore_mem>>, %arg27: memref<!tpu.dma_semaphore, #tpu.memory_space<semaphore_mem>>, %arg28: memref<!tpu.dma_semaphore, #tpu.memory_space<semaphore_mem>>, %arg29: memref<!tpu.dma_semaphore, #tpu.memory_space<semaphore_mem>>, %arg30: memref<!tpu.dma_semaphore, #tpu.memory_space<semaphore_mem>>, %arg31: memref<!tpu.dma_semaphore, #tpu.memory_space<semaphore_mem>>, %arg32: memref<!tpu.dma_semaphore, #tpu.memory_space<semaphore_mem>>) attributes {dimension_semantics = [#tpu.dimension_semantics<core_parallel>, #tpu.dimension_semantics<subcore_parallel>], iteration_bounds = array<i64: 2, 16>, scalar_prefetch = 0 : i64, scratch_operands = 27 : i64, tpu.core_type = #tpu.core_type<sc_vector_subcore>, window_params = [{transform_indices = #map}, {transform_indices = #map1}, {transform_indices = #map}, {transform_indices = #map}]} {
    %mul3A = arith.constant 2 : i32
    %mul3A_0 = arith.muli %arg1, %mul3A : i32
    %add3A = arith.addi %mul3A_0, %arg0 : i32
    %mul3A_1 = arith.constant 512 : i32
    %mul3A_2 = arith.muli %add3A, %mul3A_1 : i32
    %add3A_3 = arith.constant 0 : i32
    %add3A_4 = arith.addi %mul3A_2, %add3A_3 : i32
    %dma_start3A = arith.constant 0 : i32
    %dma_start3A_5 = tpu.memref_slice %arg2[%add3A_4, %dma_start3A] : memref<16384x1024xf32, #tpu.memory_space<hbm>> -> memref<8x1024xf32, #tpu.memory_space<hbm>>
    %dma_start3A_6 = arith.constant 0 : i32
    %dma_start3A_7 = tpu.memref_slice %arg2[%add3A_4, %dma_start3A_6] : memref<16384x1024xf32, #tpu.memory_space<hbm>> -> memref<8x1024xf32, #tpu.memory_space<hbm>>
    tpu.enqueue_dma source(%dma_start3A_7 : memref<8x1024xf32, #tpu.memory_space<hbm>>) target(%arg6 : memref<8x1024xf32, #tpu.memory_space<vmem>>) target_semaphore(%arg17 : memref<!tpu.dma_semaphore, #tpu.memory_space<semaphore_mem>>)
    %add3A_8 = arith.constant 8 : i32
    %add3A_9 = arith.addi %mul3A_2, %add3A_8 : i32
    %dma_start3A_10 = arith.constant 0 : i32
    %dma_start3A_11 = tpu.memref_slice %arg2[%add3A_9, %dma_start3A_10] : memref<16384x1024xf32, #tpu.memory_space<hbm>> -> memref<8x1024xf32, #tpu.memory_space<hbm>>
    %dma_start3A_12 = arith.constant 0 : i32
    %dma_start3A_13 = tpu.memref_slice %arg2[%add3A_9, %dma_start3A_12] : memref<16384x1024xf32, #tpu.memory_space<hbm>> -> memref<8x1024xf32, #tpu.memory_space<hbm>>
    tpu.enqueue_dma source(%dma_start3A_13 : memref<8x1024xf32, #tpu.memory_space<hbm>>) target(%arg7 : memref<8x1024xf32, #tpu.memory_space<vmem>>) target_semaphore(%arg18 : memref<!tpu.dma_semaphore, #tpu.memory_space<semaphore_mem>>)
    %add3A_14 = arith.constant 16 : i32
    %add3A_15 = arith.addi %mul3A_2, %add3A_14 : i32
    %dma_start3A_16 = arith.constant 0 : i32
    %dma_start3A_17 = tpu.memref_slice %arg2[%add3A_15, %dma_start3A_16] : memref<16384x1024xf32, #tpu.memory_space<hbm>> -> memref<8x1024xf32, #tpu.memory_space<hbm>>
    %dma_start3A_18 = arith.constant 0 : i32
    %dma_start3A_19 = tpu.memref_slice %arg2[%add3A_15, %dma_start3A_18] : memref<16384x1024xf32, #tpu.memory_space<hbm>> -> memref<8x1024xf32, #tpu.memory_space<hbm>>
    tpu.enqueue_dma source(%dma_start3A_19 : memref<8x1024xf32, #tpu.memory_space<hbm>>) target(%arg8 : memref<8x1024xf32, #tpu.memory_space<vmem>>) target_semaphore(%arg19 : memref<!tpu.dma_semaphore, #tpu.memory_space<semaphore_mem>>)
    %add3A_20 = arith.constant 24 : i32
    %add3A_21 = arith.addi %mul3A_2, %add3A_20 : i32
    %dma_start3A_22 = arith.constant 0 : i32
    %dma_start3A_23 = tpu.memref_slice %arg2[%add3A_21, %dma_start3A_22] : memref<16384x1024xf32, #tpu.memory_space<hbm>> -> memref<8x1024xf32, #tpu.memory_space<hbm>>
    %dma_start3A_24 = arith.constant 0 : i32
    %dma_start3A_25 = tpu.memref_slice %arg2[%add3A_21, %dma_start3A_24] : memref<16384x1024xf32, #tpu.memory_space<hbm>> -> memref<8x1024xf32, #tpu.memory_space<hbm>>
    tpu.enqueue_dma source(%dma_start3A_25 : memref<8x1024xf32, #tpu.memory_space<hbm>>) target(%arg9 : memref<8x1024xf32, #tpu.memory_space<vmem>>) target_semaphore(%arg20 : memref<!tpu.dma_semaphore, #tpu.memory_space<semaphore_mem>>)
    %add3A_26 = arith.constant 32 : i32
    %add3A_27 = arith.addi %mul3A_2, %add3A_26 : i32
    %dma_start3A_28 = arith.constant 0 : i32
    %dma_start3A_29 = tpu.memref_slice %arg2[%add3A_27, %dma_start3A_28] : memref<16384x1024xf32, #tpu.memory_space<hbm>> -> memref<8x1024xf32, #tpu.memory_space<hbm>>
    %dma_start3A_30 = arith.constant 0 : i32
    %dma_start3A_31 = tpu.memref_slice %arg2[%add3A_27, %dma_start3A_30] : memref<16384x1024xf32, #tpu.memory_space<hbm>> -> memref<8x1024xf32, #tpu.memory_space<hbm>>
    tpu.enqueue_dma source(%dma_start3A_31 : memref<8x1024xf32, #tpu.memory_space<hbm>>) target(%arg10 : memref<8x1024xf32, #tpu.memory_space<vmem>>) target_semaphore(%arg21 : memref<!tpu.dma_semaphore, #tpu.memory_space<semaphore_mem>>)
    %add3A_32 = arith.constant 40 : i32
    %add3A_33 = arith.addi %mul3A_2, %add3A_32 : i32
    %dma_start3A_34 = arith.constant 0 : i32
    %dma_start3A_35 = tpu.memref_slice %arg2[%add3A_33, %dma_start3A_34] : memref<16384x1024xf32, #tpu.memory_space<hbm>> -> memref<8x1024xf32, #tpu.memory_space<hbm>>
    %dma_start3A_36 = arith.constant 0 : i32
    %dma_start3A_37 = tpu.memref_slice %arg2[%add3A_33, %dma_start3A_36] : memref<16384x1024xf32, #tpu.memory_space<hbm>> -> memref<8x1024xf32, #tpu.memory_space<hbm>>
    tpu.enqueue_dma source(%dma_start3A_37 : memref<8x1024xf32, #tpu.memory_space<hbm>>) target(%arg11 : memref<8x1024xf32, #tpu.memory_space<vmem>>) target_semaphore(%arg22 : memref<!tpu.dma_semaphore, #tpu.memory_space<semaphore_mem>>)
    "tpu.region"() ({
      %run_scoped3A = tpu.sem_alloc : memref<!tpu.dma_semaphore, #tpu.memory_space<semaphore_mem>>
      %dma_start3A_92 = arith.constant 0 : i32
      %dma_start3A_93 = tpu.memref_slice %arg14[%dma_start3A_92] : memref<528xi32, #tpu.memory_space<vmem>> -> memref<512xi32, #tpu.memory_space<vmem>>
      %dma_start3A_94 = tpu.memref_slice %arg3[%mul3A_2] : memref<16384xi32, #tpu.memory_space<hbm>> -> memref<512xi32, #tpu.memory_space<hbm>>
      %dma_start3A_95 = arith.constant 0 : i32
      %dma_start3A_96 = tpu.memref_slice %arg14[%dma_start3A_95] : memref<528xi32, #tpu.memory_space<vmem>> -> memref<512xi32, #tpu.memory_space<vmem>>
      %dma_start3A_97 = tpu.memref_slice %arg3[%mul3A_2] : memref<16384xi32, #tpu.memory_space<hbm>> -> memref<512xi32, #tpu.memory_space<hbm>>
      tpu.enqueue_dma source(%dma_start3A_97 : memref<512xi32, #tpu.memory_space<hbm>>) target(%dma_start3A_96 : memref<512xi32, #tpu.memory_space<vmem>>) target_semaphore(%run_scoped3A : memref<!tpu.dma_semaphore, #tpu.memory_space<semaphore_mem>>)
      %dma_wait3A_98 = arith.constant 0 : i32
      %dma_wait3A_99 = tpu.memref_slice %arg14[%dma_wait3A_98] : memref<528xi32, #tpu.memory_space<vmem>> -> memref<512xi32, #tpu.memory_space<vmem>>
      %dma_wait3A_100 = tpu.memref_slice %arg3[%mul3A_2] : memref<16384xi32, #tpu.memory_space<hbm>> -> memref<512xi32, #tpu.memory_space<hbm>>
      %dma_wait3A_101 = arith.constant 0 : i32
      %dma_wait3A_102 = tpu.memref_slice %arg14[%dma_wait3A_101] : memref<528xi32, #tpu.memory_space<vmem>> -> memref<512xi32, #tpu.memory_space<vmem>>
      %dma_wait3A_103 = tpu.memref_slice %arg3[%mul3A_2] : memref<16384xi32, #tpu.memory_space<hbm>> -> memref<512xi32, #tpu.memory_space<hbm>>
      tpu.wait_dma2 semaphore(%run_scoped3A : memref<!tpu.dma_semaphore, #tpu.memory_space<semaphore_mem>>) src(%dma_wait3A_103 : memref<512xi32, #tpu.memory_space<hbm>>) dst(%dma_wait3A_102 : memref<512xi32, #tpu.memory_space<vmem>>)
      tpu.yield
    }) : () -> ()
    "tpu.region"() ({
      %run_scoped3A = tpu.sem_alloc : memref<!tpu.dma_semaphore, #tpu.memory_space<semaphore_mem>>
      tpu.enqueue_dma source(%arg4 : memref<2x1024xf32, #tpu.memory_space<hbm>>) target(%arg15 : memref<2x1024xf32, #tpu.memory_space<vmem>>) target_semaphore(%run_scoped3A : memref<!tpu.dma_semaphore, #tpu.memory_space<semaphore_mem>>)
      tpu.wait_dma2 semaphore(%run_scoped3A : memref<!tpu.dma_semaphore, #tpu.memory_space<semaphore_mem>>) src(%arg4 : memref<2x1024xf32, #tpu.memory_space<hbm>>) dst(%arg15 : memref<2x1024xf32, #tpu.memory_space<vmem>>)
      tpu.yield
    }) : () -> ()
    %parallel_loop3A = arith.constant 0 : i32
    %parallel_loop3A_38 = arith.constant 64 : i32
    %parallel_loop3A_39 = arith.constant 1 : i32
    scf.for %parallel_loop3A_92 = %parallel_loop3A to %parallel_loop3A_38 step %parallel_loop3A_39  : i32 {
      %parallel_loop3A_93 = arith.constant 16 : i32
      %parallel_loop3A_94 = arith.muli %parallel_loop3A_92, %parallel_loop3A_93 : i32
      %parallel_loop3A_95 = arith.constant 0 : i32
      %parallel_loop3A_96 = arith.index_cast %parallel_loop3A_95 : i32 to index
      %parallel_loop3A_97 = arith.index_cast %parallel_loop3A_94 : i32 to index
      %parallel_loop3A_98 = tpu.vector_load %arg15[%parallel_loop3A_96, %parallel_loop3A_97] {strides = array<i32>} : memref<2x1024xf32, #tpu.memory_space<vmem>>, vector<1x16xf32>,
      %parallel_loop3A_99 = vector.shape_cast %parallel_loop3A_98 : vector<1x16xf32> to vector<16xf32>
      %parallel_loop3A_100 = arith.constant 16 : i32
      %parallel_loop3A_101 = arith.muli %parallel_loop3A_92, %parallel_loop3A_100 : i32
      %parallel_loop3A_102 = arith.constant 1 : i32
      %parallel_loop3A_103 = arith.index_cast %parallel_loop3A_102 : i32 to index
      %parallel_loop3A_104 = arith.index_cast %parallel_loop3A_101 : i32 to index
      %parallel_loop3A_105 = tpu.vector_load %arg15[%parallel_loop3A_103, %parallel_loop3A_104] {strides = array<i32>} : memref<2x1024xf32, #tpu.memory_space<vmem>>, vector<1x16xf32>,
      %parallel_loop3A_106 = vector.shape_cast %parallel_loop3A_105 : vector<1x16xf32> to vector<16xf32>
      %parallel_loop3A_107 = arith.constant 16 : i32
      %parallel_loop3A_108 = arith.muli %parallel_loop3A_92, %parallel_loop3A_107 : i32
      %parallel_loop3A_109 = arith.index_cast %parallel_loop3A_108 : i32 to index
      %parallel_loop3A_110 = tpu.vector_load %arg16[%parallel_loop3A_109] {strides = array<i32>} : memref<2048xf32, #tpu.memory_space<vmem>>, vector<16xf32>,
      %parallel_loop3A_111 = vector.shape_cast %parallel_loop3A_110 : vector<16xf32> to vector<16xf32>
      %parallel_loop3A_112 = vector.shape_cast %parallel_loop3A_99 : vector<16xf32> to vector<16xf32>
      tpu.vector_store %arg16[%parallel_loop3A_109], %parallel_loop3A_112 {strides = array<i32>} : memref<2048xf32, #tpu.memory_space<vmem>>, vector<16xf32>,
      %parallel_loop3A_113 = arith.subf %parallel_loop3A_106, %parallel_loop3A_99 : vector<16xf32>
      %parallel_loop3A_114 = arith.constant 16 : i32
      %parallel_loop3A_115 = arith.muli %parallel_loop3A_92, %parallel_loop3A_114 : i32
      %parallel_loop3A_116 = arith.constant 1024 : i32
      %parallel_loop3A_117 = arith.addi %parallel_loop3A_116, %parallel_loop3A_115 : i32
      %parallel_loop3A_118 = arith.index_cast %parallel_loop3A_117 : i32 to index
      %parallel_loop3A_119 = tpu.vector_load %arg16[%parallel_loop3A_118] {strides = array<i32>} : memref<2048xf32, #tpu.memory_space<vmem>>, vector<16xf32>,
      %parallel_loop3A_120 = vector.shape_cast %parallel_loop3A_119 : vector<16xf32> to vector<16xf32>
      %parallel_loop3A_121 = vector.shape_cast %parallel_loop3A_113 : vector<16xf32> to vector<16xf32>
      tpu.vector_store %arg16[%parallel_loop3A_118], %parallel_loop3A_121 {strides = array<i32>} : memref<2048xf32, #tpu.memory_space<vmem>>, vector<16xf32>,
    } {sc.loop_unroll_factor = 2 : i64, sc.parallel_access}
    %scan3A = arith.constant 0 : i32
    %scan3A_40 = arith.constant 0 : i32
    %scan3A_41 = arith.constant 8 : i32
    %scan3A_42 = arith.addi %scan3A_40, %scan3A_41 : i32
    %scan3A_43 = arith.constant 1 : i32
    scf.for %scan3A_92 = %scan3A_40 to %scan3A_42 step %scan3A_43  : i32 {
      %mul3A_93 = arith.constant 8 : i32
      %mul3A_94 = arith.muli %scan3A_92, %mul3A_93 : i32
      %add3A_95 = arith.constant 0 : i32
      %add3A_96 = arith.addi %mul3A_94, %add3A_95 : i32
      %add3A_97 = arith.constant 6 : i32
      %add3A_98 = arith.addi %add3A_96, %add3A_97 : i32
      %lt3A = arith.constant 64 : i32
      %lt3A_99 = arith.cmpi slt, %add3A_98, %lt3A : i32
      %convert_element_type3A = arith.extui %lt3A_99 : i1 to i32
      %cond3A = arith.constant 0 : i32
      %cond3A_100 = arith.cmpi ne, %convert_element_type3A, %cond3A : i32
      scf.if %cond3A_100 {
        %ge3A = arith.constant 8 : i32
        %ge3A_406 = arith.cmpi sge, %add3A_98, %ge3A : i32
        %convert_element_type3A_407 = arith.extui %ge3A_406 : i1 to i32
        %cond3A_408 = arith.constant 0 : i32
        %cond3A_409 = arith.cmpi ne, %convert_element_type3A_407, %cond3A_408 : i32
        scf.if %cond3A_409 {
          %sub3A = arith.constant 8 : i32
          %sub3A_417 = arith.subi %add3A_98, %sub3A : i32
          %mul3A_418 = arith.constant 8 : i32
          %mul3A_419 = arith.muli %sub3A_417, %mul3A_418 : i32
          %add3A_420 = arith.addi %mul3A_2, %mul3A_419 : i32
          %dma_wait3A_421 = arith.constant 0 : i32
          %dma_wait3A_422 = tpu.memref_slice %arg5[%add3A_420, %dma_wait3A_421] : memref<16384x1024xf32, #tpu.memory_space<hbm>> -> memref<8x1024xf32, #tpu.memory_space<hbm>>
          %dma_wait3A_423 = arith.constant 0 : i32
          %dma_wait3A_424 = tpu.memref_slice %arg5[%add3A_420, %dma_wait3A_423] : memref<16384x1024xf32, #tpu.memory_space<hbm>> -> memref<8x1024xf32, #tpu.memory_space<hbm>>
          tpu.wait_dma2 semaphore(%arg31 : memref<!tpu.dma_semaphore, #tpu.memory_space<semaphore_mem>>) src(%arg12 : memref<8x1024xf32, #tpu.memory_space<vmem>>) dst(%dma_wait3A_424 : memref<8x1024xf32, #tpu.memory_space<hbm>>)
        } else {
        }
        %mul3A_410 = arith.constant 8 : i32
        %mul3A_411 = arith.muli %add3A_98, %mul3A_410 : i32
        %add3A_412 = arith.addi %mul3A_2, %mul3A_411 : i32
        %dma_start3A_413 = arith.constant 0 : i32
        %dma_start3A_414 = tpu.memref_slice %arg2[%add3A_412, %dma_start3A_413] : memref<16384x1024xf32, #tpu.memory_space<hbm>> -> memref<8x1024xf32, #tpu.memory_space<hbm>>
        %dma_start3A_415 = arith.constant 0 : i32
        %dma_start3A_416 = tpu.memref_slice %arg2[%add3A_412, %dma_start3A_415] : memref<16384x1024xf32, #tpu.memory_space<hbm>> -> memref<8x1024xf32, #tpu.memory_space<hbm>>
        tpu.enqueue_dma source(%dma_start3A_416 : memref<8x1024xf32, #tpu.memory_space<hbm>>) target(%arg12 : memref<8x1024xf32, #tpu.memory_space<vmem>>) target_semaphore(%arg23 : memref<!tpu.dma_semaphore, #tpu.memory_space<semaphore_mem>>)
      } else {
      }
      %mul3A_101 = arith.constant 8 : i32
      %mul3A_102 = arith.muli %add3A_96, %mul3A_101 : i32
      %add3A_103 = arith.addi %mul3A_2, %mul3A_102 : i32
      %dma_wait3A_104 = arith.constant 0 : i32
      %dma_wait3A_105 = tpu.memref_slice %arg2[%add3A_103, %dma_wait3A_104] : memref<16384x1024xf32, #tpu.memory_space<hbm>> -> memref<8x1024xf32, #tpu.memory_space<hbm>>
      %dma_wait3A_106 = arith.constant 0 : i32
      %dma_wait3A_107 = tpu.memref_slice %arg2[%add3A_103, %dma_wait3A_106] : memref<16384x1024xf32, #tpu.memory_space<hbm>> -> memref<8x1024xf32, #tpu.memory_space<hbm>>
      tpu.wait_dma2 semaphore(%arg17 : memref<!tpu.dma_semaphore, #tpu.memory_space<semaphore_mem>>) src(%dma_wait3A_107 : memref<8x1024xf32, #tpu.memory_space<hbm>>) dst(%arg6 : memref<8x1024xf32, #tpu.memory_space<vmem>>)
      %mul3A_108 = arith.constant 8 : i32
      %mul3A_109 = arith.muli %add3A_96, %mul3A_108 : i32
      %get3A = arith.index_cast %mul3A_109 : i32 to index
      %get3A_110 = tpu.vector_load %arg14[%get3A] {strides = array<i32>} : memref<528xi32, #tpu.memory_space<vmem>>, vector<16xi32>,
      %get3A_111 = vector.shape_cast %get3A_110 : vector<16xi32> to vector<16xi32>
      %jit3A = arith.constant 0 : i32
      %jit3A_112 = arith.constant 1 : i32
      %max3A = vector.broadcast %jit3A : i32 to vector<16xi32>
      %max3A_113 = arith.maxsi %max3A, %get3A_111 : vector<16xi32>
      %min3A = vector.broadcast %jit3A_112 : i32 to vector<16xi32>
      %min3A_114 = arith.minsi %min3A, %max3A_113 : vector<16xi32>
      %convert_element_type3A_115 = arith.sitofp %min3A_114 : vector<16xi32> to vector<16xf32>
      %parallel_loop3A_116 = arith.constant 0 : i32
      %parallel_loop3A_117 = arith.constant 64 : i32
      %parallel_loop3A_118 = arith.constant 1 : i32
      scf.for %parallel_loop3A_406 = %parallel_loop3A_116 to %parallel_loop3A_117 step %parallel_loop3A_118  : i32 {
        %parallel_loop3A_407 = arith.constant 16 : i32
        %parallel_loop3A_408 = arith.muli %parallel_loop3A_406, %parallel_loop3A_407 : i32
        %parallel_loop3A_409 = arith.index_cast %parallel_loop3A_408 : i32 to index
        %parallel_loop3A_410 = tpu.vector_load %arg16[%parallel_loop3A_409] {strides = array<i32>} : memref<2048xf32, #tpu.memory_space<vmem>>, vector<16xf32>,
        %parallel_loop3A_411 = vector.shape_cast %parallel_loop3A_410 : vector<16xf32> to vector<16xf32>
        %parallel_loop3A_412 = arith.constant 16 : i32
        %parallel_loop3A_413 = arith.muli %parallel_loop3A_406, %parallel_loop3A_412 : i32
        %parallel_loop3A_414 = arith.constant 1024 : i32
        %parallel_loop3A_415 = arith.addi %parallel_loop3A_414, %parallel_loop3A_413 : i32
        %parallel_loop3A_416 = arith.index_cast %parallel_loop3A_415 : i32 to index
        %parallel_loop3A_417 = tpu.vector_load %arg16[%parallel_loop3A_416] {strides = array<i32>} : memref<2048xf32, #tpu.memory_space<vmem>>, vector<16xf32>,
        %parallel_loop3A_418 = vector.shape_cast %parallel_loop3A_417 : vector<16xf32> to vector<16xf32>
        %parallel_loop3A_419 = arith.constant 0 : i32
        %parallel_loop3A_420 = vector.broadcast %parallel_loop3A_419 : i32 to vector<16x1xi32>
        %parallel_loop3A_421 = vector.shape_cast %parallel_loop3A_420 : vector<16x1xi32> to vector<16xi32>
        %parallel_loop3A_422 = tpu.dynamic_gather %convert_element_type3A_115[%parallel_loop3A_421] in [0] : vector<16xf32>, vector<16xi32> -> vector<16xf32>
        %parallel_loop3A_423 = arith.constant 16 : i32
        %parallel_loop3A_424 = arith.muli %parallel_loop3A_406, %parallel_loop3A_423 : i32
        %parallel_loop3A_425 = arith.constant 0 : i32
        %parallel_loop3A_426 = arith.index_cast %parallel_loop3A_425 : i32 to index
        %parallel_loop3A_427 = arith.index_cast %parallel_loop3A_424 : i32 to index
        %parallel_loop3A_428 = tpu.vector_load %arg6[%parallel_loop3A_426, %parallel_loop3A_427] {strides = array<i32>} : memref<8x1024xf32, #tpu.memory_space<vmem>>, vector<1x16xf32>,
        %parallel_loop3A_429 = vector.shape_cast %parallel_loop3A_428 : vector<1x16xf32> to vector<16xf32>
        %parallel_loop3A_430 = arith.mulf %parallel_loop3A_422, %parallel_loop3A_418 : vector<16xf32>
        %parallel_loop3A_431 = arith.addf %parallel_loop3A_411, %parallel_loop3A_430 : vector<16xf32>
        %parallel_loop3A_432 = arith.addf %parallel_loop3A_429, %parallel_loop3A_431 : vector<16xf32>
        %parallel_loop3A_433 = arith.constant 16 : i32
        %parallel_loop3A_434 = arith.muli %parallel_loop3A_406, %parallel_loop3A_433 : i32
        %parallel_loop3A_435 = arith.constant 0 : i32
        %parallel_loop3A_436 = arith.index_cast %parallel_loop3A_435 : i32 to index
        %parallel_loop3A_437 = arith.index_cast %parallel_loop3A_434 : i32 to index
        %parallel_loop3A_438 = tpu.vector_load %arg6[%parallel_loop3A_436, %parallel_loop3A_437] {strides = array<i32>} : memref<8x1024xf32, #tpu.memory_space<vmem>>, vector<1x16xf32>,
        %parallel_loop3A_439 = vector.shape_cast %parallel_loop3A_438 : vector<1x16xf32> to vector<16xf32>
        %parallel_loop3A_440 = vector.shape_cast %parallel_loop3A_432 : vector<16xf32> to vector<1x16xf32>
        tpu.vector_store %arg6[%parallel_loop3A_436, %parallel_loop3A_437], %parallel_loop3A_440 {strides = array<i32>} : memref<8x1024xf32, #tpu.memory_space<vmem>>, vector<1x16xf32>,
        %parallel_loop3A_441 = arith.constant 1 : i32
        %parallel_loop3A_442 = vector.broadcast %parallel_loop3A_441 : i32 to vector<16x1xi32>
        %parallel_loop3A_443 = vector.shape_cast %parallel_loop3A_442 : vector<16x1xi32> to vector<16xi32>
        %parallel_loop3A_444 = tpu.dynamic_gather %convert_element_type3A_115[%parallel_loop3A_443] in [0] : vector<16xf32>, vector<16xi32> -> vector<16xf32>
        %parallel_loop3A_445 = arith.constant 16 : i32
        %parallel_loop3A_446 = arith.muli %parallel_loop3A_406, %parallel_loop3A_445 : i32
        %parallel_loop3A_447 = arith.constant 1 : i32
        %parallel_loop3A_448 = arith.index_cast %parallel_loop3A_447 : i32 to index
        %parallel_loop3A_449 = arith.index_cast %parallel_loop3A_446 : i32 to index
        %parallel_loop3A_450 = tpu.vector_load %arg6[%parallel_loop3A_448, %parallel_loop3A_449] {strides = array<i32>} : memref<8x1024xf32, #tpu.memory_space<vmem>>, vector<1x16xf32>,
        %parallel_loop3A_451 = vector.shape_cast %parallel_loop3A_450 : vector<1x16xf32> to vector<16xf32>
        %parallel_loop3A_452 = arith.mulf %parallel_loop3A_444, %parallel_loop3A_418 : vector<16xf32>
        %parallel_loop3A_453 = arith.addf %parallel_loop3A_411, %parallel_loop3A_452 : vector<16xf32>
        %parallel_loop3A_454 = arith.addf %parallel_loop3A_451, %parallel_loop3A_453 : vector<16xf32>
        %parallel_loop3A_455 = arith.constant 16 : i32
        %parallel_loop3A_456 = arith.muli %parallel_loop3A_406, %parallel_loop3A_455 : i32
        %parallel_loop3A_457 = arith.constant 1 : i32
        %parallel_loop3A_458 = arith.index_cast %parallel_loop3A_457 : i32 to index
        %parallel_loop3A_459 = arith.index_cast %parallel_loop3A_456 : i32 to index
        %parallel_loop3A_460 = tpu.vector_load %arg6[%parallel_loop3A_458, %parallel_loop3A_459] {strides = array<i32>} : memref<8x1024xf32, #tpu.memory_space<vmem>>, vector<1x16xf32>,
        %parallel_loop3A_461 = vector.shape_cast %parallel_loop3A_460 : vector<1x16xf32> to vector<16xf32>
        %parallel_loop3A_462 = vector.shape_cast %parallel_loop3A_454 : vector<16xf32> to vector<1x16xf32>
        tpu.vector_store %arg6[%parallel_loop3A_458, %parallel_loop3A_459], %parallel_loop3A_462 {strides = array<i32>} : memref<8x1024xf32, #tpu.memory_space<vmem>>, vector<1x16xf32>,
        %parallel_loop3A_463 = arith.constant 2 : i32
        %parallel_loop3A_464 = vector.broadcast %parallel_loop3A_463 : i32 to vector<16x1xi32>
        %parallel_loop3A_465 = vector.shape_cast %parallel_loop3A_464 : vector<16x1xi32> to vector<16xi32>
        %parallel_loop3A_466 = tpu.dynamic_gather %convert_element_type3A_115[%parallel_loop3A_465] in [0] : vector<16xf32>, vector<16xi32> -> vector<16xf32>
        %parallel_loop3A_467 = arith.constant 16 : i32
        %parallel_loop3A_468 = arith.muli %parallel_loop3A_406, %parallel_loop3A_467 : i32
        %parallel_loop3A_469 = arith.constant 2 : i32
        %parallel_loop3A_470 = arith.index_cast %parallel_loop3A_469 : i32 to index
        %parallel_loop3A_471 = arith.index_cast %parallel_loop3A_468 : i32 to index
        %parallel_loop3A_472 = tpu.vector_load %arg6[%parallel_loop3A_470, %parallel_loop3A_471] {strides = array<i32>} : memref<8x1024xf32, #tpu.memory_space<vmem>>, vector<1x16xf32>,
        %parallel_loop3A_473 = vector.shape_cast %parallel_loop3A_472 : vector<1x16xf32> to vector<16xf32>
        %parallel_loop3A_474 = arith.mulf %parallel_loop3A_466, %parallel_loop3A_418 : vector<16xf32>
        %parallel_loop3A_475 = arith.addf %parallel_loop3A_411, %parallel_loop3A_474 : vector<16xf32>
        %parallel_loop3A_476 = arith.addf %parallel_loop3A_473, %parallel_loop3A_475 : vector<16xf32>
        %parallel_loop3A_477 = arith.constant 16 : i32
        %parallel_loop3A_478 = arith.muli %parallel_loop3A_406, %parallel_loop3A_477 : i32
        %parallel_loop3A_479 = arith.constant 2 : i32
        %parallel_loop3A_480 = arith.index_cast %parallel_loop3A_479 : i32 to index
        %parallel_loop3A_481 = arith.index_cast %parallel_loop3A_478 : i32 to index
        %parallel_loop3A_482 = tpu.vector_load %arg6[%parallel_loop3A_480, %parallel_loop3A_481] {strides = array<i32>} : memref<8x1024xf32, #tpu.memory_space<vmem>>, vector<1x16xf32>,
        %parallel_loop3A_483 = vector.shape_cast %parallel_loop3A_482 : vector<1x16xf32> to vector<16xf32>
        %parallel_loop3A_484 = vector.shape_cast %parallel_loop3A_476 : vector<16xf32> to vector<1x16xf32>
        tpu.vector_store %arg6[%parallel_loop3A_480, %parallel_loop3A_481], %parallel_loop3A_484 {strides = array<i32>} : memref<8x1024xf32, #tpu.memory_space<vmem>>, vector<1x16xf32>,
        %parallel_loop3A_485 = arith.constant 3 : i32
        %parallel_loop3A_486 = vector.broadcast %parallel_loop3A_485 : i32 to vector<16x1xi32>
        %parallel_loop3A_487 = vector.shape_cast %parallel_loop3A_486 : vector<16x1xi32> to vector<16xi32>
        %parallel_loop3A_488 = tpu.dynamic_gather %convert_element_type3A_115[%parallel_loop3A_487] in [0] : vector<16xf32>, vector<16xi32> -> vector<16xf32>
        %parallel_loop3A_489 = arith.constant 16 : i32
        %parallel_loop3A_490 = arith.muli %parallel_loop3A_406, %parallel_loop3A_489 : i32
        %parallel_loop3A_491 = arith.constant 3 : i32
        %parallel_loop3A_492 = arith.index_cast %parallel_loop3A_491 : i32 to index
        %parallel_loop3A_493 = arith.index_cast %parallel_loop3A_490 : i32 to index
        %parallel_loop3A_494 = tpu.vector_load %arg6[%parallel_loop3A_492, %parallel_loop3A_493] {strides = array<i32>} : memref<8x1024xf32, #tpu.memory_space<vmem>>, vector<1x16xf32>,
        %parallel_loop3A_495 = vector.shape_cast %parallel_loop3A_494 : vector<1x16xf32> to vector<16xf32>
        %parallel_loop3A_496 = arith.mulf %parallel_loop3A_488, %parallel_loop3A_418 : vector<16xf32>
        %parallel_loop3A_497 = arith.addf %parallel_loop3A_411, %parallel_loop3A_496 : vector<16xf32>
        %parallel_loop3A_498 = arith.addf %parallel_loop3A_495, %parallel_loop3A_497 : vector<16xf32>
        %parallel_loop3A_499 = arith.constant 16 : i32
        %parallel_loop3A_500 = arith.muli %parallel_loop3A_406, %parallel_loop3A_499 : i32
        %parallel_loop3A_501 = arith.constant 3 : i32
        %parallel_loop3A_502 = arith.index_cast %parallel_loop3A_501 : i32 to index
        %parallel_loop3A_503 = arith.index_cast %parallel_loop3A_500 : i32 to index
        %parallel_loop3A_504 = tpu.vector_load %arg6[%parallel_loop3A_502, %parallel_loop3A_503] {strides = array<i32>} : memref<8x1024xf32, #tpu.memory_space<vmem>>, vector<1x16xf32>,
        %parallel_loop3A_505 = vector.shape_cast %parallel_loop3A_504 : vector<1x16xf32> to vector<16xf32>
        %parallel_loop3A_506 = vector.shape_cast %parallel_loop3A_498 : vector<16xf32> to vector<1x16xf32>
        tpu.vector_store %arg6[%parallel_loop3A_502, %parallel_loop3A_503], %parallel_loop3A_506 {strides = array<i32>} : memref<8x1024xf32, #tpu.memory_space<vmem>>, vector<1x16xf32>,
        %parallel_loop3A_507 = arith.constant 4 : i32
        %parallel_loop3A_508 = vector.broadcast %parallel_loop3A_507 : i32 to vector<16x1xi32>
        %parallel_loop3A_509 = vector.shape_cast %parallel_loop3A_508 : vector<16x1xi32> to vector<16xi32>
        %parallel_loop3A_510 = tpu.dynamic_gather %convert_element_type3A_115[%parallel_loop3A_509] in [0] : vector<16xf32>, vector<16xi32> -> vector<16xf32>
        %parallel_loop3A_511 = arith.constant 16 : i32
        %parallel_loop3A_512 = arith.muli %parallel_loop3A_406, %parallel_loop3A_511 : i32
        %parallel_loop3A_513 = arith.constant 4 : i32
        %parallel_loop3A_514 = arith.index_cast %parallel_loop3A_513 : i32 to index
        %parallel_loop3A_515 = arith.index_cast %parallel_loop3A_512 : i32 to index
        %parallel_loop3A_516 = tpu.vector_load %arg6[%parallel_loop3A_514, %parallel_loop3A_515] {strides = array<i32>} : memref<8x1024xf32, #tpu.memory_space<vmem>>, vector<1x16xf32>,
        %parallel_loop3A_517 = vector.shape_cast %parallel_loop3A_516 : vector<1x16xf32> to vector<16xf32>
        %parallel_loop3A_518 = arith.mulf %parallel_loop3A_510, %parallel_loop3A_418 : vector<16xf32>
        %parallel_loop3A_519 = arith.addf %parallel_loop3A_411, %parallel_loop3A_518 : vector<16xf32>
        %parallel_loop3A_520 = arith.addf %parallel_loop3A_517, %parallel_loop3A_519 : vector<16xf32>
        %parallel_loop3A_521 = arith.constant 16 : i32
        %parallel_loop3A_522 = arith.muli %parallel_loop3A_406, %parallel_loop3A_521 : i32
        %parallel_loop3A_523 = arith.constant 4 : i32
        %parallel_loop3A_524 = arith.index_cast %parallel_loop3A_523 : i32 to index
        %parallel_loop3A_525 = arith.index_cast %parallel_loop3A_522 : i32 to index
        %parallel_loop3A_526 = tpu.vector_load %arg6[%parallel_loop3A_524, %parallel_loop3A_525] {strides = array<i32>} : memref<8x1024xf32, #tpu.memory_space<vmem>>, vector<1x16xf32>,
        %parallel_loop3A_527 = vector.shape_cast %parallel_loop3A_526 : vector<1x16xf32> to vector<16xf32>
        %parallel_loop3A_528 = vector.shape_cast %parallel_loop3A_520 : vector<16xf32> to vector<1x16xf32>
        tpu.vector_store %arg6[%parallel_loop3A_524, %parallel_loop3A_525], %parallel_loop3A_528 {strides = array<i32>} : memref<8x1024xf32, #tpu.memory_space<vmem>>, vector<1x16xf32>,
        %parallel_loop3A_529 = arith.constant 5 : i32
        %parallel_loop3A_530 = vector.broadcast %parallel_loop3A_529 : i32 to vector<16x1xi32>
        %parallel_loop3A_531 = vector.shape_cast %parallel_loop3A_530 : vector<16x1xi32> to vector<16xi32>
        %parallel_loop3A_532 = tpu.dynamic_gather %convert_element_type3A_115[%parallel_loop3A_531] in [0] : vector<16xf32>, vector<16xi32> -> vector<16xf32>
        %parallel_loop3A_533 = arith.constant 16 : i32
        %parallel_loop3A_534 = arith.muli %parallel_loop3A_406, %parallel_loop3A_533 : i32
        %parallel_loop3A_535 = arith.constant 5 : i32
        %parallel_loop3A_536 = arith.index_cast %parallel_loop3A_535 : i32 to index
        %parallel_loop3A_537 = arith.index_cast %parallel_loop3A_534 : i32 to index
        %parallel_loop3A_538 = tpu.vector_load %arg6[%parallel_loop3A_536, %parallel_loop3A_537] {strides = array<i32>} : memref<8x1024xf32, #tpu.memory_space<vmem>>, vector<1x16xf32>,
        %parallel_loop3A_539 = vector.shape_cast %parallel_loop3A_538 : vector<1x16xf32> to vector<16xf32>
        %parallel_loop3A_540 = arith.mulf %parallel_loop3A_532, %parallel_loop3A_418 : vector<16xf32>
        %parallel_loop3A_541 = arith.addf %parallel_loop3A_411, %parallel_loop3A_540 : vector<16xf32>
        %parallel_loop3A_542 = arith.addf %parallel_loop3A_539, %parallel_loop3A_541 : vector<16xf32>
        %parallel_loop3A_543 = arith.constant 16 : i32
        %parallel_loop3A_544 = arith.muli %parallel_loop3A_406, %parallel_loop3A_543 : i32
        %parallel_loop3A_545 = arith.constant 5 : i32
        %parallel_loop3A_546 = arith.index_cast %parallel_loop3A_545 : i32 to index
        %parallel_loop3A_547 = arith.index_cast %parallel_loop3A_544 : i32 to index
        %parallel_loop3A_548 = tpu.vector_load %arg6[%parallel_loop3A_546, %parallel_loop3A_547] {strides = array<i32>} : memref<8x1024xf32, #tpu.memory_space<vmem>>, vector<1x16xf32>,
        %parallel_loop3A_549 = vector.shape_cast %parallel_loop3A_548 : vector<1x16xf32> to vector<16xf32>
        %parallel_loop3A_550 = vector.shape_cast %parallel_loop3A_542 : vector<16xf32> to vector<1x16xf32>
        tpu.vector_store %arg6[%parallel_loop3A_546, %parallel_loop3A_547], %parallel_loop3A_550 {strides = array<i32>} : memref<8x1024xf32, #tpu.memory_space<vmem>>, vector<1x16xf32>,
        %parallel_loop3A_551 = arith.constant 6 : i32
        %parallel_loop3A_552 = vector.broadcast %parallel_loop3A_551 : i32 to vector<16x1xi32>
        %parallel_loop3A_553 = vector.shape_cast %parallel_loop3A_552 : vector<16x1xi32> to vector<16xi32>
        %parallel_loop3A_554 = tpu.dynamic_gather %convert_element_type3A_115[%parallel_loop3A_553] in [0] : vector<16xf32>, vector<16xi32> -> vector<16xf32>
        %parallel_loop3A_555 = arith.constant 16 : i32
        %parallel_loop3A_556 = arith.muli %parallel_loop3A_406, %parallel_loop3A_555 : i32
        %parallel_loop3A_557 = arith.constant 6 : i32
        %parallel_loop3A_558 = arith.index_cast %parallel_loop3A_557 : i32 to index
        %parallel_loop3A_559 = arith.index_cast %parallel_loop3A_556 : i32 to index
        %parallel_loop3A_560 = tpu.vector_load %arg6[%parallel_loop3A_558, %parallel_loop3A_559] {strides = array<i32>} : memref<8x1024xf32, #tpu.memory_space<vmem>>, vector<1x16xf32>,
        %parallel_loop3A_561 = vector.shape_cast %parallel_loop3A_560 : vector<1x16xf32> to vector<16xf32>
        %parallel_loop3A_562 = arith.mulf %parallel_loop3A_554, %parallel_loop3A_418 : vector<16xf32>
        %parallel_loop3A_563 = arith.addf %parallel_loop3A_411, %parallel_loop3A_562 : vector<16xf32>
        %parallel_loop3A_564 = arith.addf %parallel_loop3A_561, %parallel_loop3A_563 : vector<16xf32>
        %parallel_loop3A_565 = arith.constant 16 : i32
        %parallel_loop3A_566 = arith.muli %parallel_loop3A_406, %parallel_loop3A_565 : i32
        %parallel_loop3A_567 = arith.constant 6 : i32
        %parallel_loop3A_568 = arith.index_cast %parallel_loop3A_567 : i32 to index
        %parallel_loop3A_569 = arith.index_cast %parallel_loop3A_566 : i32 to index
        %parallel_loop3A_570 = tpu.vector_load %arg6[%parallel_loop3A_568, %parallel_loop3A_569] {strides = array<i32>} : memref<8x1024xf32, #tpu.memory_space<vmem>>, vector<1x16xf32>,
        %parallel_loop3A_571 = vector.shape_cast %parallel_loop3A_570 : vector<1x16xf32> to vector<16xf32>
        %parallel_loop3A_572 = vector.shape_cast %parallel_loop3A_564 : vector<16xf32> to vector<1x16xf32>
        tpu.vector_store %arg6[%parallel_loop3A_568, %parallel_loop3A_569], %parallel_loop3A_572 {strides = array<i32>} : memref<8x1024xf32, #tpu.memory_space<vmem>>, vector<1x16xf32>,
        %parallel_loop3A_573 = arith.constant 7 : i32
        %parallel_loop3A_574 = vector.broadcast %parallel_loop3A_573 : i32 to vector<16x1xi32>
        %parallel_loop3A_575 = vector.shape_cast %parallel_loop3A_574 : vector<16x1xi32> to vector<16xi32>
        %parallel_loop3A_576 = tpu.dynamic_gather %convert_element_type3A_115[%parallel_loop3A_575] in [0] : vector<16xf32>, vector<16xi32> -> vector<16xf32>
        %parallel_loop3A_577 = arith.constant 16 : i32
        %parallel_loop3A_578 = arith.muli %parallel_loop3A_406, %parallel_loop3A_577 : i32
        %parallel_loop3A_579 = arith.constant 7 : i32
        %parallel_loop3A_580 = arith.index_cast %parallel_loop3A_579 : i32 to index
        %parallel_loop3A_581 = arith.index_cast %parallel_loop3A_578 : i32 to index
        %parallel_loop3A_582 = tpu.vector_load %arg6[%parallel_loop3A_580, %parallel_loop3A_581] {strides = array<i32>} : memref<8x1024xf32, #tpu.memory_space<vmem>>, vector<1x16xf32>,
        %parallel_loop3A_583 = vector.shape_cast %parallel_loop3A_582 : vector<1x16xf32> to vector<16xf32>
        %parallel_loop3A_584 = arith.mulf %parallel_loop3A_576, %parallel_loop3A_418 : vector<16xf32>
        %parallel_loop3A_585 = arith.addf %parallel_loop3A_411, %parallel_loop3A_584 : vector<16xf32>
        %parallel_loop3A_586 = arith.addf %parallel_loop3A_583, %parallel_loop3A_585 : vector<16xf32>
        %parallel_loop3A_587 = arith.constant 16 : i32
        %parallel_loop3A_588 = arith.muli %parallel_loop3A_406, %parallel_loop3A_587 : i32
        %parallel_loop3A_589 = arith.constant 7 : i32
        %parallel_loop3A_590 = arith.index_cast %parallel_loop3A_589 : i32 to index
        %parallel_loop3A_591 = arith.index_cast %parallel_loop3A_588 : i32 to index
        %parallel_loop3A_592 = tpu.vector_load %arg6[%parallel_loop3A_590, %parallel_loop3A_591] {strides = array<i32>} : memref<8x1024xf32, #tpu.memory_space<vmem>>, vector<1x16xf32>,
        %parallel_loop3A_593 = vector.shape_cast %parallel_loop3A_592 : vector<1x16xf32> to vector<16xf32>
        %parallel_loop3A_594 = vector.shape_cast %parallel_loop3A_586 : vector<16xf32> to vector<1x16xf32>
        tpu.vector_store %arg6[%parallel_loop3A_590, %parallel_loop3A_591], %parallel_loop3A_594 {strides = array<i32>} : memref<8x1024xf32, #tpu.memory_space<vmem>>, vector<1x16xf32>,
      } {sc.loop_unroll_factor = 2 : i64, sc.parallel_access}
      %mul3A_119 = arith.constant 8 : i32
      %mul3A_120 = arith.muli %add3A_96, %mul3A_119 : i32
      %add3A_121 = arith.addi %mul3A_2, %mul3A_120 : i32
      %dma_start3A_122 = arith.constant 0 : i32
      %dma_start3A_123 = tpu.memref_slice %arg5[%add3A_121, %dma_start3A_122] : memref<16384x1024xf32, #tpu.memory_space<hbm>> -> memref<8x1024xf32, #tpu.memory_space<hbm>>
      %dma_start3A_124 = arith.constant 0 : i32
      %dma_start3A_125 = tpu.memref_slice %arg5[%add3A_121, %dma_start3A_124] : memref<16384x1024xf32, #tpu.memory_space<hbm>> -> memref<8x1024xf32, #tpu.memory_space<hbm>>
      tpu.enqueue_dma source(%arg6 : memref<8x1024xf32, #tpu.memory_space<vmem>>) target(%dma_start3A_125 : memref<8x1024xf32, #tpu.memory_space<hbm>>) target_semaphore(%arg25 : memref<!tpu.dma_semaphore, #tpu.memory_space<semaphore_mem>>)
      %mul3A_126 = arith.constant 8 : i32
      %mul3A_127 = arith.muli %scan3A_92, %mul3A_126 : i32
      %add3A_128 = arith.constant 1 : i32
      %add3A_129 = arith.addi %mul3A_127, %add3A_128 : i32
      %add3A_130 = arith.constant 6 : i32
      %add3A_131 = arith.addi %add3A_129, %add3A_130 : i32
      %lt3A_132 = arith.constant 64 : i32
      %lt3A_133 = arith.cmpi slt, %add3A_131, %lt3A_132 : i32
      %convert_element_type3A_134 = arith.extui %lt3A_133 : i1 to i32
      %cond3A_135 = arith.constant 0 : i32
      %cond3A_136 = arith.cmpi ne, %convert_element_type3A_134, %cond3A_135 : i32
      scf.if %cond3A_136 {
        %ge3A = arith.constant 8 : i32
        %ge3A_406 = arith.cmpi sge, %add3A_131, %ge3A : i32
        %convert_element_type3A_407 = arith.extui %ge3A_406 : i1 to i32
        %cond3A_408 = arith.constant 0 : i32
        %cond3A_409 = arith.cmpi ne, %convert_element_type3A_407, %cond3A_408 : i32
        scf.if %cond3A_409 {
          %sub3A = arith.constant 8 : i32
          %sub3A_417 = arith.subi %add3A_131, %sub3A : i32
          %mul3A_418 = arith.constant 8 : i32
          %mul3A_419 = arith.muli %sub3A_417, %mul3A_418 : i32
          %add3A_420 = arith.addi %mul3A_2, %mul3A_419 : i32
          %dma_wait3A_421 = arith.constant 0 : i32
          %dma_wait3A_422 = tpu.memref_slice %arg5[%add3A_420, %dma_wait3A_421] : memref<16384x1024xf32, #tpu.memory_space<hbm>> -> memref<8x1024xf32, #tpu.memory_space<hbm>>
          %dma_wait3A_423 = arith.constant 0 : i32
          %dma_wait3A_424 = tpu.memref_slice %arg5[%add3A_420, %dma_wait3A_423] : memref<16384x1024xf32, #tpu.memory_space<hbm>> -> memref<8x1024xf32, #tpu.memory_space<hbm>>
          tpu.wait_dma2 semaphore(%arg32 : memref<!tpu.dma_semaphore, #tpu.memory_space<semaphore_mem>>) src(%arg13 : memref<8x1024xf32, #tpu.memory_space<vmem>>) dst(%dma_wait3A_424 : memref<8x1024xf32, #tpu.memory_space<hbm>>)
        } else {
        }
        %mul3A_410 = arith.constant 8 : i32
        %mul3A_411 = arith.muli %add3A_131, %mul3A_410 : i32
        %add3A_412 = arith.addi %mul3A_2, %mul3A_411 : i32
        %dma_start3A_413 = arith.constant 0 : i32
        %dma_start3A_414 = tpu.memref_slice %arg2[%add3A_412, %dma_start3A_413] : memref<16384x1024xf32, #tpu.memory_space<hbm>> -> memref<8x1024xf32, #tpu.memory_space<hbm>>
        %dma_start3A_415 = arith.constant 0 : i32
        %dma_start3A_416 = tpu.memref_slice %arg2[%add3A_412, %dma_start3A_415] : memref<16384x1024xf32, #tpu.memory_space<hbm>> -> memref<8x1024xf32, #tpu.memory_space<hbm>>
        tpu.enqueue_dma source(%dma_start3A_416 : memref<8x1024xf32, #tpu.memory_space<hbm>>) target(%arg13 : memref<8x1024xf32, #tpu.memory_space<vmem>>) target_semaphore(%arg24 : memref<!tpu.dma_semaphore, #tpu.memory_space<semaphore_mem>>)
      } else {
      }
      %mul3A_137 = arith.constant 8 : i32
      %mul3A_138 = arith.muli %add3A_129, %mul3A_137 : i32
      %add3A_139 = arith.addi %mul3A_2, %mul3A_138 : i32
      %dma_wait3A_140 = arith.constant 0 : i32
      %dma_wait3A_141 = tpu.memref_slice %arg2[%add3A_139, %dma_wait3A_140] : memref<16384x1024xf32, #tpu.memory_space<hbm>> -> memref<8x1024xf32, #tpu.memory_space<hbm>>
      %dma_wait3A_142 = arith.constant 0 : i32
      %dma_wait3A_143 = tpu.memref_slice %arg2[%add3A_139, %dma_wait3A_142] : memref<16384x1024xf32, #tpu.memory_space<hbm>> -> memref<8x1024xf32, #tpu.memory_space<hbm>>
      tpu.wait_dma2 semaphore(%arg18 : memref<!tpu.dma_semaphore, #tpu.memory_space<semaphore_mem>>) src(%dma_wait3A_143 : memref<8x1024xf32, #tpu.memory_space<hbm>>) dst(%arg7 : memref<8x1024xf32, #tpu.memory_space<vmem>>)
      %mul3A_144 = arith.constant 8 : i32
      %mul3A_145 = arith.muli %add3A_129, %mul3A_144 : i32
      %get3A_146 = arith.index_cast %mul3A_145 : i32 to index
      %get3A_147 = tpu.vector_load %arg14[%get3A_146] {strides = array<i32>} : memref<528xi32, #tpu.memory_space<vmem>>, vector<16xi32>,
      %get3A_148 = vector.shape_cast %get3A_147 : vector<16xi32> to vector<16xi32>
      %jit3A_149 = arith.constant 0 : i32
      %jit3A_150 = arith.constant 1 : i32
      %max3A_151 = vector.broadcast %jit3A_149 : i32 to vector<16xi32>
      %max3A_152 = arith.maxsi %max3A_151, %get3A_148 : vector<16xi32>
      %min3A_153 = vector.broadcast %jit3A_150 : i32 to vector<16xi32>
      %min3A_154 = arith.minsi %min3A_153, %max3A_152 : vector<16xi32>
      %convert_element_type3A_155 = arith.sitofp %min3A_154 : vector<16xi32> to vector<16xf32>
      %parallel_loop3A_156 = arith.constant 0 : i32
      %parallel_loop3A_157 = arith.constant 64 : i32
      %parallel_loop3A_158 = arith.constant 1 : i32
      scf.for %parallel_loop3A_406 = %parallel_loop3A_156 to %parallel_loop3A_157 step %parallel_loop3A_158  : i32 {
        %parallel_loop3A_407 = arith.constant 16 : i32
        %parallel_loop3A_408 = arith.muli %parallel_loop3A_406, %parallel_loop3A_407 : i32
        %parallel_loop3A_409 = arith.index_cast %parallel_loop3A_408 : i32 to index
        %parallel_loop3A_410 = tpu.vector_load %arg16[%parallel_loop3A_409] {strides = array<i32>} : memref<2048xf32, #tpu.memory_space<vmem>>, vector<16xf32>,
        %parallel_loop3A_411 = vector.shape_cast %parallel_loop3A_410 : vector<16xf32> to vector<16xf32>
        %parallel_loop3A_412 = arith.constant 16 : i32
        %parallel_loop3A_413 = arith.muli %parallel_loop3A_406, %parallel_loop3A_412 : i32
        %parallel_loop3A_414 = arith.constant 1024 : i32
        %parallel_loop3A_415 = arith.addi %parallel_loop3A_414, %parallel_loop3A_413 : i32
        %parallel_loop3A_416 = arith.index_cast %parallel_loop3A_415 : i32 to index
        %parallel_loop3A_417 = tpu.vector_load %arg16[%parallel_loop3A_416] {strides = array<i32>} : memref<2048xf32, #tpu.memory_space<vmem>>, vector<16xf32>,
        %parallel_loop3A_418 = vector.shape_cast %parallel_loop3A_417 : vector<16xf32> to vector<16xf32>
        %parallel_loop3A_419 = arith.constant 0 : i32
        %parallel_loop3A_420 = vector.broadcast %parallel_loop3A_419 : i32 to vector<16x1xi32>
        %parallel_loop3A_421 = vector.shape_cast %parallel_loop3A_420 : vector<16x1xi32> to vector<16xi32>
        %parallel_loop3A_422 = tpu.dynamic_gather %convert_element_type3A_155[%parallel_loop3A_421] in [0] : vector<16xf32>, vector<16xi32> -> vector<16xf32>
        %parallel_loop3A_423 = arith.constant 16 : i32
        %parallel_loop3A_424 = arith.muli %parallel_loop3A_406, %parallel_loop3A_423 : i32
        %parallel_loop3A_425 = arith.constant 0 : i32
        %parallel_loop3A_426 = arith.index_cast %parallel_loop3A_425 : i32 to index
        %parallel_loop3A_427 = arith.index_cast %parallel_loop3A_424 : i32 to index
        %parallel_loop3A_428 = tpu.vector_load %arg7[%parallel_loop3A_426, %parallel_loop3A_427] {strides = array<i32>} : memref<8x1024xf32, #tpu.memory_space<vmem>>, vector<1x16xf32>,
        %parallel_loop3A_429 = vector.shape_cast %parallel_loop3A_428 : vector<1x16xf32> to vector<16xf32>
        %parallel_loop3A_430 = arith.mulf %parallel_loop3A_422, %parallel_loop3A_418 : vector<16xf32>
        %parallel_loop3A_431 = arith.addf %parallel_loop3A_411, %parallel_loop3A_430 : vector<16xf32>
        %parallel_loop3A_432 = arith.addf %parallel_loop3A_429, %parallel_loop3A_431 : vector<16xf32>
        %parallel_loop3A_433 = arith.constant 16 : i32
        %parallel_loop3A_434 = arith.muli %parallel_loop3A_406, %parallel_loop3A_433 : i32
        %parallel_loop3A_435 = arith.constant 0 : i32
        %parallel_loop3A_436 = arith.index_cast %parallel_loop3A_435 : i32 to index
        %parallel_loop3A_437 = arith.index_cast %parallel_loop3A_434 : i32 to index
        %parallel_loop3A_438 = tpu.vector_load %arg7[%parallel_loop3A_436, %parallel_loop3A_437] {strides = array<i32>} : memref<8x1024xf32, #tpu.memory_space<vmem>>, vector<1x16xf32>,
        %parallel_loop3A_439 = vector.shape_cast %parallel_loop3A_438 : vector<1x16xf32> to vector<16xf32>
        %parallel_loop3A_440 = vector.shape_cast %parallel_loop3A_432 : vector<16xf32> to vector<1x16xf32>
        tpu.vector_store %arg7[%parallel_loop3A_436, %parallel_loop3A_437], %parallel_loop3A_440 {strides = array<i32>} : memref<8x1024xf32, #tpu.memory_space<vmem>>, vector<1x16xf32>,
        %parallel_loop3A_441 = arith.constant 1 : i32
        %parallel_loop3A_442 = vector.broadcast %parallel_loop3A_441 : i32 to vector<16x1xi32>
        %parallel_loop3A_443 = vector.shape_cast %parallel_loop3A_442 : vector<16x1xi32> to vector<16xi32>
        %parallel_loop3A_444 = tpu.dynamic_gather %convert_element_type3A_155[%parallel_loop3A_443] in [0] : vector<16xf32>, vector<16xi32> -> vector<16xf32>
        %parallel_loop3A_445 = arith.constant 16 : i32
        %parallel_loop3A_446 = arith.muli %parallel_loop3A_406, %parallel_loop3A_445 : i32
        %parallel_loop3A_447 = arith.constant 1 : i32
        %parallel_loop3A_448 = arith.index_cast %parallel_loop3A_447 : i32 to index
        %parallel_loop3A_449 = arith.index_cast %parallel_loop3A_446 : i32 to index
        %parallel_loop3A_450 = tpu.vector_load %arg7[%parallel_loop3A_448, %parallel_loop3A_449] {strides = array<i32>} : memref<8x1024xf32, #tpu.memory_space<vmem>>, vector<1x16xf32>,
        %parallel_loop3A_451 = vector.shape_cast %parallel_loop3A_450 : vector<1x16xf32> to vector<16xf32>
        %parallel_loop3A_452 = arith.mulf %parallel_loop3A_444, %parallel_loop3A_418 : vector<16xf32>
        %parallel_loop3A_453 = arith.addf %parallel_loop3A_411, %parallel_loop3A_452 : vector<16xf32>
        %parallel_loop3A_454 = arith.addf %parallel_loop3A_451, %parallel_loop3A_453 : vector<16xf32>
        %parallel_loop3A_455 = arith.constant 16 : i32
        %parallel_loop3A_456 = arith.muli %parallel_loop3A_406, %parallel_loop3A_455 : i32
        %parallel_loop3A_457 = arith.constant 1 : i32
        %parallel_loop3A_458 = arith.index_cast %parallel_loop3A_457 : i32 to index
        %parallel_loop3A_459 = arith.index_cast %parallel_loop3A_456 : i32 to index
        %parallel_loop3A_460 = tpu.vector_load %arg7[%parallel_loop3A_458, %parallel_loop3A_459] {strides = array<i32>} : memref<8x1024xf32, #tpu.memory_space<vmem>>, vector<1x16xf32>,
        %parallel_loop3A_461 = vector.shape_cast %parallel_loop3A_460 : vector<1x16xf32> to vector<16xf32>
        %parallel_loop3A_462 = vector.shape_cast %parallel_loop3A_454 : vector<16xf32> to vector<1x16xf32>
        tpu.vector_store %arg7[%parallel_loop3A_458, %parallel_loop3A_459], %parallel_loop3A_462 {strides = array<i32>} : memref<8x1024xf32, #tpu.memory_space<vmem>>, vector<1x16xf32>,
        %parallel_loop3A_463 = arith.constant 2 : i32
        %parallel_loop3A_464 = vector.broadcast %parallel_loop3A_463 : i32 to vector<16x1xi32>
        %parallel_loop3A_465 = vector.shape_cast %parallel_loop3A_464 : vector<16x1xi32> to vector<16xi32>
        %parallel_loop3A_466 = tpu.dynamic_gather %convert_element_type3A_155[%parallel_loop3A_465] in [0] : vector<16xf32>, vector<16xi32> -> vector<16xf32>
        %parallel_loop3A_467 = arith.constant 16 : i32
        %parallel_loop3A_468 = arith.muli %parallel_loop3A_406, %parallel_loop3A_467 : i32
        %parallel_loop3A_469 = arith.constant 2 : i32
        %parallel_loop3A_470 = arith.index_cast %parallel_loop3A_469 : i32 to index
        %parallel_loop3A_471 = arith.index_cast %parallel_loop3A_468 : i32 to index
        %parallel_loop3A_472 = tpu.vector_load %arg7[%parallel_loop3A_470, %parallel_loop3A_471] {strides = array<i32>} : memref<8x1024xf32, #tpu.memory_space<vmem>>, vector<1x16xf32>,
        %parallel_loop3A_473 = vector.shape_cast %parallel_loop3A_472 : vector<1x16xf32> to vector<16xf32>
        %parallel_loop3A_474 = arith.mulf %parallel_loop3A_466, %parallel_loop3A_418 : vector<16xf32>
        %parallel_loop3A_475 = arith.addf %parallel_loop3A_411, %parallel_loop3A_474 : vector<16xf32>
        %parallel_loop3A_476 = arith.addf %parallel_loop3A_473, %parallel_loop3A_475 : vector<16xf32>
        %parallel_loop3A_477 = arith.constant 16 : i32
        %parallel_loop3A_478 = arith.muli %parallel_loop3A_406, %parallel_loop3A_477 : i32
        %parallel_loop3A_479 = arith.constant 2 : i32
        %parallel_loop3A_480 = arith.index_cast %parallel_loop3A_479 : i32 to index
        %parallel_loop3A_481 = arith.index_cast %parallel_loop3A_478 : i32 to index
        %parallel_loop3A_482 = tpu.vector_load %arg7[%parallel_loop3A_480, %parallel_loop3A_481] {strides = array<i32>} : memref<8x1024xf32, #tpu.memory_space<vmem>>, vector<1x16xf32>,
        %parallel_loop3A_483 = vector.shape_cast %parallel_loop3A_482 : vector<1x16xf32> to vector<16xf32>
        %parallel_loop3A_484 = vector.shape_cast %parallel_loop3A_476 : vector<16xf32> to vector<1x16xf32>
        tpu.vector_store %arg7[%parallel_loop3A_480, %parallel_loop3A_481], %parallel_loop3A_484 {strides = array<i32>} : memref<8x1024xf32, #tpu.memory_space<vmem>>, vector<1x16xf32>,
        %parallel_loop3A_485 = arith.constant 3 : i32
        %parallel_loop3A_486 = vector.broadcast %parallel_loop3A_485 : i32 to vector<16x1xi32>
        %parallel_loop3A_487 = vector.shape_cast %parallel_loop3A_486 : vector<16x1xi32> to vector<16xi32>
        %parallel_loop3A_488 = tpu.dynamic_gather %convert_element_type3A_155[%parallel_loop3A_487] in [0] : vector<16xf32>, vector<16xi32> -> vector<16xf32>
        %parallel_loop3A_489 = arith.constant 16 : i32
        %parallel_loop3A_490 = arith.muli %parallel_loop3A_406, %parallel_loop3A_489 : i32
        %parallel_loop3A_491 = arith.constant 3 : i32
        %parallel_loop3A_492 = arith.index_cast %parallel_loop3A_491 : i32 to index
        %parallel_loop3A_493 = arith.index_cast %parallel_loop3A_490 : i32 to index
        %parallel_loop3A_494 = tpu.vector_load %arg7[%parallel_loop3A_492, %parallel_loop3A_493] {strides = array<i32>} : memref<8x1024xf32, #tpu.memory_space<vmem>>, vector<1x16xf32>,
        %parallel_loop3A_495 = vector.shape_cast %parallel_loop3A_494 : vector<1x16xf32> to vector<16xf32>
        %parallel_loop3A_496 = arith.mulf %parallel_loop3A_488, %parallel_loop3A_418 : vector<16xf32>
        %parallel_loop3A_497 = arith.addf %parallel_loop3A_411, %parallel_loop3A_496 : vector<16xf32>
        %parallel_loop3A_498 = arith.addf %parallel_loop3A_495, %parallel_loop3A_497 : vector<16xf32>
        %parallel_loop3A_499 = arith.constant 16 : i32
        %parallel_loop3A_500 = arith.muli %parallel_loop3A_406, %parallel_loop3A_499 : i32
        %parallel_loop3A_501 = arith.constant 3 : i32
        %parallel_loop3A_502 = arith.index_cast %parallel_loop3A_501 : i32 to index
        %parallel_loop3A_503 = arith.index_cast %parallel_loop3A_500 : i32 to index
        %parallel_loop3A_504 = tpu.vector_load %arg7[%parallel_loop3A_502, %parallel_loop3A_503] {strides = array<i32>} : memref<8x1024xf32, #tpu.memory_space<vmem>>, vector<1x16xf32>,
        %parallel_loop3A_505 = vector.shape_cast %parallel_loop3A_504 : vector<1x16xf32> to vector<16xf32>
        %parallel_loop3A_506 = vector.shape_cast %parallel_loop3A_498 : vector<16xf32> to vector<1x16xf32>
        tpu.vector_store %arg7[%parallel_loop3A_502, %parallel_loop3A_503], %parallel_loop3A_506 {strides = array<i32>} : memref<8x1024xf32, #tpu.memory_space<vmem>>, vector<1x16xf32>,
        %parallel_loop3A_507 = arith.constant 4 : i32
        %parallel_loop3A_508 = vector.broadcast %parallel_loop3A_507 : i32 to vector<16x1xi32>
        %parallel_loop3A_509 = vector.shape_cast %parallel_loop3A_508 : vector<16x1xi32> to vector<16xi32>
        %parallel_loop3A_510 = tpu.dynamic_gather %convert_element_type3A_155[%parallel_loop3A_509] in [0] : vector<16xf32>, vector<16xi32> -> vector<16xf32>
        %parallel_loop3A_511 = arith.constant 16 : i32
        %parallel_loop3A_512 = arith.muli %parallel_loop3A_406, %parallel_loop3A_511 : i32
        %parallel_loop3A_513 = arith.constant 4 : i32
        %parallel_loop3A_514 = arith.index_cast %parallel_loop3A_513 : i32 to index
        %parallel_loop3A_515 = arith.index_cast %parallel_loop3A_512 : i32 to index
        %parallel_loop3A_516 = tpu.vector_load %arg7[%parallel_loop3A_514, %parallel_loop3A_515] {strides = array<i32>} : memref<8x1024xf32, #tpu.memory_space<vmem>>, vector<1x16xf32>,
        %parallel_loop3A_517 = vector.shape_cast %parallel_loop3A_516 : vector<1x16xf32> to vector<16xf32>
        %parallel_loop3A_518 = arith.mulf %parallel_loop3A_510, %parallel_loop3A_418 : vector<16xf32>
        %parallel_loop3A_519 = arith.addf %parallel_loop3A_411, %parallel_loop3A_518 : vector<16xf32>
        %parallel_loop3A_520 = arith.addf %parallel_loop3A_517, %parallel_loop3A_519 : vector<16xf32>
        %parallel_loop3A_521 = arith.constant 16 : i32
        %parallel_loop3A_522 = arith.muli %parallel_loop3A_406, %parallel_loop3A_521 : i32
        %parallel_loop3A_523 = arith.constant 4 : i32
        %parallel_loop3A_524 = arith.index_cast %parallel_loop3A_523 : i32 to index
        %parallel_loop3A_525 = arith.index_cast %parallel_loop3A_522 : i32 to index
        %parallel_loop3A_526 = tpu.vector_load %arg7[%parallel_loop3A_524, %parallel_loop3A_525] {strides = array<i32>} : memref<8x1024xf32, #tpu.memory_space<vmem>>, vector<1x16xf32>,
        %parallel_loop3A_527 = vector.shape_cast %parallel_loop3A_526 : vector<1x16xf32> to vector<16xf32>
        %parallel_loop3A_528 = vector.shape_cast %parallel_loop3A_520 : vector<16xf32> to vector<1x16xf32>
        tpu.vector_store %arg7[%parallel_loop3A_524, %parallel_loop3A_525], %parallel_loop3A_528 {strides = array<i32>} : memref<8x1024xf32, #tpu.memory_space<vmem>>, vector<1x16xf32>,
        %parallel_loop3A_529 = arith.constant 5 : i32
        %parallel_loop3A_530 = vector.broadcast %parallel_loop3A_529 : i32 to vector<16x1xi32>
        %parallel_loop3A_531 = vector.shape_cast %parallel_loop3A_530 : vector<16x1xi32> to vector<16xi32>
        %parallel_loop3A_532 = tpu.dynamic_gather %convert_element_type3A_155[%parallel_loop3A_531] in [0] : vector<16xf32>, vector<16xi32> -> vector<16xf32>
        %parallel_loop3A_533 = arith.constant 16 : i32
        %parallel_loop3A_534 = arith.muli %parallel_loop3A_406, %parallel_loop3A_533 : i32
        %parallel_loop3A_535 = arith.constant 5 : i32
        %parallel_loop3A_536 = arith.index_cast %parallel_loop3A_535 : i32 to index
        %parallel_loop3A_537 = arith.index_cast %parallel_loop3A_534 : i32 to index
        %parallel_loop3A_538 = tpu.vector_load %arg7[%parallel_loop3A_536, %parallel_loop3A_537] {strides = array<i32>} : memref<8x1024xf32, #tpu.memory_space<vmem>>, vector<1x16xf32>,
        %parallel_loop3A_539 = vector.shape_cast %parallel_loop3A_538 : vector<1x16xf32> to vector<16xf32>
        %parallel_loop3A_540 = arith.mulf %parallel_loop3A_532, %parallel_loop3A_418 : vector<16xf32>
        %parallel_loop3A_541 = arith.addf %parallel_loop3A_411, %parallel_loop3A_540 : vector<16xf32>
        %parallel_loop3A_542 = arith.addf %parallel_loop3A_539, %parallel_loop3A_541 : vector<16xf32>
        %parallel_loop3A_543 = arith.constant 16 : i32
        %parallel_loop3A_544 = arith.muli %parallel_loop3A_406, %parallel_loop3A_543 : i32
        %parallel_loop3A_545 = arith.constant 5 : i32
        %parallel_loop3A_546 = arith.index_cast %parallel_loop3A_545 : i32 to index
        %parallel_loop3A_547 = arith.index_cast %parallel_loop3A_544 : i32 to index
        %parallel_loop3A_548 = tpu.vector_load %arg7[%parallel_loop3A_546, %parallel_loop3A_547] {strides = array<i32>} : memref<8x1024xf32, #tpu.memory_space<vmem>>, vector<1x16xf32>,
        %parallel_loop3A_549 = vector.shape_cast %parallel_loop3A_548 : vector<1x16xf32> to vector<16xf32>
        %parallel_loop3A_550 = vector.shape_cast %parallel_loop3A_542 : vector<16xf32> to vector<1x16xf32>
        tpu.vector_store %arg7[%parallel_loop3A_546, %parallel_loop3A_547], %parallel_loop3A_550 {strides = array<i32>} : memref<8x1024xf32, #tpu.memory_space<vmem>>, vector<1x16xf32>,
        %parallel_loop3A_551 = arith.constant 6 : i32
        %parallel_loop3A_552 = vector.broadcast %parallel_loop3A_551 : i32 to vector<16x1xi32>
        %parallel_loop3A_553 = vector.shape_cast %parallel_loop3A_552 : vector<16x1xi32> to vector<16xi32>
        %parallel_loop3A_554 = tpu.dynamic_gather %convert_element_type3A_155[%parallel_loop3A_553] in [0] : vector<16xf32>, vector<16xi32> -> vector<16xf32>
        %parallel_loop3A_555 = arith.constant 16 : i32
        %parallel_loop3A_556 = arith.muli %parallel_loop3A_406, %parallel_loop3A_555 : i32
        %parallel_loop3A_557 = arith.constant 6 : i32
        %parallel_loop3A_558 = arith.index_cast %parallel_loop3A_557 : i32 to index
        %parallel_loop3A_559 = arith.index_cast %parallel_loop3A_556 : i32 to index
        %parallel_loop3A_560 = tpu.vector_load %arg7[%parallel_loop3A_558, %parallel_loop3A_559] {strides = array<i32>} : memref<8x1024xf32, #tpu.memory_space<vmem>>, vector<1x16xf32>,
        %parallel_loop3A_561 = vector.shape_cast %parallel_loop3A_560 : vector<1x16xf32> to vector<16xf32>
        %parallel_loop3A_562 = arith.mulf %parallel_loop3A_554, %parallel_loop3A_418 : vector<16xf32>
        %parallel_loop3A_563 = arith.addf %parallel_loop3A_411, %parallel_loop3A_562 : vector<16xf32>
        %parallel_loop3A_564 = arith.addf %parallel_loop3A_561, %parallel_loop3A_563 : vector<16xf32>
        %parallel_loop3A_565 = arith.constant 16 : i32
        %parallel_loop3A_566 = arith.muli %parallel_loop3A_406, %parallel_loop3A_565 : i32
        %parallel_loop3A_567 = arith.constant 6 : i32
        %parallel_loop3A_568 = arith.index_cast %parallel_loop3A_567 : i32 to index
        %parallel_loop3A_569 = arith.index_cast %parallel_loop3A_566 : i32 to index
        %parallel_loop3A_570 = tpu.vector_load %arg7[%parallel_loop3A_568, %parallel_loop3A_569] {strides = array<i32>} : memref<8x1024xf32, #tpu.memory_space<vmem>>, vector<1x16xf32>,
        %parallel_loop3A_571 = vector.shape_cast %parallel_loop3A_570 : vector<1x16xf32> to vector<16xf32>
        %parallel_loop3A_572 = vector.shape_cast %parallel_loop3A_564 : vector<16xf32> to vector<1x16xf32>
        tpu.vector_store %arg7[%parallel_loop3A_568, %parallel_loop3A_569], %parallel_loop3A_572 {strides = array<i32>} : memref<8x1024xf32, #tpu.memory_space<vmem>>, vector<1x16xf32>,
        %parallel_loop3A_573 = arith.constant 7 : i32
        %parallel_loop3A_574 = vector.broadcast %parallel_loop3A_573 : i32 to vector<16x1xi32>
        %parallel_loop3A_575 = vector.shape_cast %parallel_loop3A_574 : vector<16x1xi32> to vector<16xi32>
        %parallel_loop3A_576 = tpu.dynamic_gather %convert_element_type3A_155[%parallel_loop3A_575] in [0] : vector<16xf32>, vector<16xi32> -> vector<16xf32>
        %parallel_loop3A_577 = arith.constant 16 : i32
        %parallel_loop3A_578 = arith.muli %parallel_loop3A_406, %parallel_loop3A_577 : i32
        %parallel_loop3A_579 = arith.constant 7 : i32
        %parallel_loop3A_580 = arith.index_cast %parallel_loop3A_579 : i32 to index
        %parallel_loop3A_581 = arith.index_cast %parallel_loop3A_578 : i32 to index
        %parallel_loop3A_582 = tpu.vector_load %arg7[%parallel_loop3A_580, %parallel_loop3A_581] {strides = array<i32>} : memref<8x1024xf32, #tpu.memory_space<vmem>>, vector<1x16xf32>,
        %parallel_loop3A_583 = vector.shape_cast %parallel_loop3A_582 : vector<1x16xf32> to vector<16xf32>
        %parallel_loop3A_584 = arith.mulf %parallel_loop3A_576, %parallel_loop3A_418 : vector<16xf32>
        %parallel_loop3A_585 = arith.addf %parallel_loop3A_411, %parallel_loop3A_584 : vector<16xf32>
        %parallel_loop3A_586 = arith.addf %parallel_loop3A_583, %parallel_loop3A_585 : vector<16xf32>
        %parallel_loop3A_587 = arith.constant 16 : i32
        %parallel_loop3A_588 = arith.muli %parallel_loop3A_406, %parallel_loop3A_587 : i32
        %parallel_loop3A_589 = arith.constant 7 : i32
        %parallel_loop3A_590 = arith.index_cast %parallel_loop3A_589 : i32 to index
        %parallel_loop3A_591 = arith.index_cast %parallel_loop3A_588 : i32 to index
        %parallel_loop3A_592 = tpu.vector_load %arg7[%parallel_loop3A_590, %parallel_loop3A_591] {strides = array<i32>} : memref<8x1024xf32, #tpu.memory_space<vmem>>, vector<1x16xf32>,
        %parallel_loop3A_593 = vector.shape_cast %parallel_loop3A_592 : vector<1x16xf32> to vector<16xf32>
        %parallel_loop3A_594 = vector.shape_cast %parallel_loop3A_586 : vector<16xf32> to vector<1x16xf32>
        tpu.vector_store %arg7[%parallel_loop3A_590, %parallel_loop3A_591], %parallel_loop3A_594 {strides = array<i32>} : memref<8x1024xf32, #tpu.memory_space<vmem>>, vector<1x16xf32>,
      } {sc.loop_unroll_factor = 2 : i64, sc.parallel_access}
      %mul3A_159 = arith.constant 8 : i32
      %mul3A_160 = arith.muli %add3A_129, %mul3A_159 : i32
      %add3A_161 = arith.addi %mul3A_2, %mul3A_160 : i32
      %dma_start3A_162 = arith.constant 0 : i32
      %dma_start3A_163 = tpu.memref_slice %arg5[%add3A_161, %dma_start3A_162] : memref<16384x1024xf32, #tpu.memory_space<hbm>> -> memref<8x1024xf32, #tpu.memory_space<hbm>>
      %dma_start3A_164 = arith.constant 0 : i32
      %dma_start3A_165 = tpu.memref_slice %arg5[%add3A_161, %dma_start3A_164] : memref<16384x1024xf32, #tpu.memory_space<hbm>> -> memref<8x1024xf32, #tpu.memory_space<hbm>>
      tpu.enqueue_dma source(%arg7 : memref<8x1024xf32, #tpu.memory_space<vmem>>) target(%dma_start3A_165 : memref<8x1024xf32, #tpu.memory_space<hbm>>) target_semaphore(%arg26 : memref<!tpu.dma_semaphore, #tpu.memory_space<semaphore_mem>>)
      %mul3A_166 = arith.constant 8 : i32
      %mul3A_167 = arith.muli %scan3A_92, %mul3A_166 : i32
      %add3A_168 = arith.constant 2 : i32
      %add3A_169 = arith.addi %mul3A_167, %add3A_168 : i32
      %add3A_170 = arith.constant 6 : i32
      %add3A_171 = arith.addi %add3A_169, %add3A_170 : i32
      %lt3A_172 = arith.constant 64 : i32
      %lt3A_173 = arith.cmpi slt, %add3A_171, %lt3A_172 : i32
      %convert_element_type3A_174 = arith.extui %lt3A_173 : i1 to i32
      %cond3A_175 = arith.constant 0 : i32
      %cond3A_176 = arith.cmpi ne, %convert_element_type3A_174, %cond3A_175 : i32
      scf.if %cond3A_176 {
        %ge3A = arith.constant 8 : i32
        %ge3A_406 = arith.cmpi sge, %add3A_171, %ge3A : i32
        %convert_element_type3A_407 = arith.extui %ge3A_406 : i1 to i32
        %cond3A_408 = arith.constant 0 : i32
        %cond3A_409 = arith.cmpi ne, %convert_element_type3A_407, %cond3A_408 : i32
        scf.if %cond3A_409 {
          %sub3A = arith.constant 8 : i32
          %sub3A_417 = arith.subi %add3A_171, %sub3A : i32
          %mul3A_418 = arith.constant 8 : i32
          %mul3A_419 = arith.muli %sub3A_417, %mul3A_418 : i32
          %add3A_420 = arith.addi %mul3A_2, %mul3A_419 : i32
          %dma_wait3A_421 = arith.constant 0 : i32
          %dma_wait3A_422 = tpu.memref_slice %arg5[%add3A_420, %dma_wait3A_421] : memref<16384x1024xf32, #tpu.memory_space<hbm>> -> memref<8x1024xf32, #tpu.memory_space<hbm>>
          %dma_wait3A_423 = arith.constant 0 : i32
          %dma_wait3A_424 = tpu.memref_slice %arg5[%add3A_420, %dma_wait3A_423] : memref<16384x1024xf32, #tpu.memory_space<hbm>> -> memref<8x1024xf32, #tpu.memory_space<hbm>>
          tpu.wait_dma2 semaphore(%arg25 : memref<!tpu.dma_semaphore, #tpu.memory_space<semaphore_mem>>) src(%arg6 : memref<8x1024xf32, #tpu.memory_space<vmem>>) dst(%dma_wait3A_424 : memref<8x1024xf32, #tpu.memory_space<hbm>>)
        } else {
        }
        %mul3A_410 = arith.constant 8 : i32
        %mul3A_411 = arith.muli %add3A_171, %mul3A_410 : i32
        %add3A_412 = arith.addi %mul3A_2, %mul3A_411 : i32
        %dma_start3A_413 = arith.constant 0 : i32
        %dma_start3A_414 = tpu.memref_slice %arg2[%add3A_412, %dma_start3A_413] : memref<16384x1024xf32, #tpu.memory_space<hbm>> -> memref<8x1024xf32, #tpu.memory_space<hbm>>
        %dma_start3A_415 = arith.constant 0 : i32
        %dma_start3A_416 = tpu.memref_slice %arg2[%add3A_412, %dma_start3A_415] : memref<16384x1024xf32, #tpu.memory_space<hbm>> -> memref<8x1024xf32, #tpu.memory_space<hbm>>
        tpu.enqueue_dma source(%dma_start3A_416 : memref<8x1024xf32, #tpu.memory_space<hbm>>) target(%arg6 : memref<8x1024xf32, #tpu.memory_space<vmem>>) target_semaphore(%arg17 : memref<!tpu.dma_semaphore, #tpu.memory_space<semaphore_mem>>)
      } else {
      }
      %mul3A_177 = arith.constant 8 : i32
      %mul3A_178 = arith.muli %add3A_169, %mul3A_177 : i32
      %add3A_179 = arith.addi %mul3A_2, %mul3A_178 : i32
      %dma_wait3A_180 = arith.constant 0 : i32
      %dma_wait3A_181 = tpu.memref_slice %arg2[%add3A_179, %dma_wait3A_180] : memref<16384x1024xf32, #tpu.memory_space<hbm>> -> memref<8x1024xf32, #tpu.memory_space<hbm>>
      %dma_wait3A_182 = arith.constant 0 : i32
      %dma_wait3A_183 = tpu.memref_slice %arg2[%add3A_179, %dma_wait3A_182] : memref<16384x1024xf32, #tpu.memory_space<hbm>> -> memref<8x1024xf32, #tpu.memory_space<hbm>>
      tpu.wait_dma2 semaphore(%arg19 : memref<!tpu.dma_semaphore, #tpu.memory_space<semaphore_mem>>) src(%dma_wait3A_183 : memref<8x1024xf32, #tpu.memory_space<hbm>>) dst(%arg8 : memref<8x1024xf32, #tpu.memory_space<vmem>>)
      %mul3A_184 = arith.constant 8 : i32
      %mul3A_185 = arith.muli %add3A_169, %mul3A_184 : i32
      %get3A_186 = arith.index_cast %mul3A_185 : i32 to index
      %get3A_187 = tpu.vector_load %arg14[%get3A_186] {strides = array<i32>} : memref<528xi32, #tpu.memory_space<vmem>>, vector<16xi32>,
      %get3A_188 = vector.shape_cast %get3A_187 : vector<16xi32> to vector<16xi32>
      %jit3A_189 = arith.constant 0 : i32
      %jit3A_190 = arith.constant 1 : i32
      %max3A_191 = vector.broadcast %jit3A_189 : i32 to vector<16xi32>
      %max3A_192 = arith.maxsi %max3A_191, %get3A_188 : vector<16xi32>
      %min3A_193 = vector.broadcast %jit3A_190 : i32 to vector<16xi32>
      %min3A_194 = arith.minsi %min3A_193, %max3A_192 : vector<16xi32>
      %convert_element_type3A_195 = arith.sitofp %min3A_194 : vector<16xi32> to vector<16xf32>
      %parallel_loop3A_196 = arith.constant 0 : i32
      %parallel_loop3A_197 = arith.constant 64 : i32
      %parallel_loop3A_198 = arith.constant 1 : i32
      scf.for %parallel_loop3A_406 = %parallel_loop3A_196 to %parallel_loop3A_197 step %parallel_loop3A_198  : i32 {
        %parallel_loop3A_407 = arith.constant 16 : i32
        %parallel_loop3A_408 = arith.muli %parallel_loop3A_406, %parallel_loop3A_407 : i32
        %parallel_loop3A_409 = arith.index_cast %parallel_loop3A_408 : i32 to index
        %parallel_loop3A_410 = tpu.vector_load %arg16[%parallel_loop3A_409] {strides = array<i32>} : memref<2048xf32, #tpu.memory_space<vmem>>, vector<16xf32>,
        %parallel_loop3A_411 = vector.shape_cast %parallel_loop3A_410 : vector<16xf32> to vector<16xf32>
        %parallel_loop3A_412 = arith.constant 16 : i32
        %parallel_loop3A_413 = arith.muli %parallel_loop3A_406, %parallel_loop3A_412 : i32
        %parallel_loop3A_414 = arith.constant 1024 : i32
        %parallel_loop3A_415 = arith.addi %parallel_loop3A_414, %parallel_loop3A_413 : i32
        %parallel_loop3A_416 = arith.index_cast %parallel_loop3A_415 : i32 to index
        %parallel_loop3A_417 = tpu.vector_load %arg16[%parallel_loop3A_416] {strides = array<i32>} : memref<2048xf32, #tpu.memory_space<vmem>>, vector<16xf32>,
        %parallel_loop3A_418 = vector.shape_cast %parallel_loop3A_417 : vector<16xf32> to vector<16xf32>
        %parallel_loop3A_419 = arith.constant 0 : i32
        %parallel_loop3A_420 = vector.broadcast %parallel_loop3A_419 : i32 to vector<16x1xi32>
        %parallel_loop3A_421 = vector.shape_cast %parallel_loop3A_420 : vector<16x1xi32> to vector<16xi32>
        %parallel_loop3A_422 = tpu.dynamic_gather %convert_element_type3A_195[%parallel_loop3A_421] in [0] : vector<16xf32>, vector<16xi32> -> vector<16xf32>
        %parallel_loop3A_423 = arith.constant 16 : i32
        %parallel_loop3A_424 = arith.muli %parallel_loop3A_406, %parallel_loop3A_423 : i32
        %parallel_loop3A_425 = arith.constant 0 : i32
        %parallel_loop3A_426 = arith.index_cast %parallel_loop3A_425 : i32 to index
        %parallel_loop3A_427 = arith.index_cast %parallel_loop3A_424 : i32 to index
        %parallel_loop3A_428 = tpu.vector_load %arg8[%parallel_loop3A_426, %parallel_loop3A_427] {strides = array<i32>} : memref<8x1024xf32, #tpu.memory_space<vmem>>, vector<1x16xf32>,
        %parallel_loop3A_429 = vector.shape_cast %parallel_loop3A_428 : vector<1x16xf32> to vector<16xf32>
        %parallel_loop3A_430 = arith.mulf %parallel_loop3A_422, %parallel_loop3A_418 : vector<16xf32>
        %parallel_loop3A_431 = arith.addf %parallel_loop3A_411, %parallel_loop3A_430 : vector<16xf32>
        %parallel_loop3A_432 = arith.addf %parallel_loop3A_429, %parallel_loop3A_431 : vector<16xf32>
        %parallel_loop3A_433 = arith.constant 16 : i32
        %parallel_loop3A_434 = arith.muli %parallel_loop3A_406, %parallel_loop3A_433 : i32
        %parallel_loop3A_435 = arith.constant 0 : i32
        %parallel_loop3A_436 = arith.index_cast %parallel_loop3A_435 : i32 to index
        %parallel_loop3A_437 = arith.index_cast %parallel_loop3A_434 : i32 to index
        %parallel_loop3A_438 = tpu.vector_load %arg8[%parallel_loop3A_436, %parallel_loop3A_437] {strides = array<i32>} : memref<8x1024xf32, #tpu.memory_space<vmem>>, vector<1x16xf32>,
        %parallel_loop3A_439 = vector.shape_cast %parallel_loop3A_438 : vector<1x16xf32> to vector<16xf32>
        %parallel_loop3A_440 = vector.shape_cast %parallel_loop3A_432 : vector<16xf32> to vector<1x16xf32>
        tpu.vector_store %arg8[%parallel_loop3A_436, %parallel_loop3A_437], %parallel_loop3A_440 {strides = array<i32>} : memref<8x1024xf32, #tpu.memory_space<vmem>>, vector<1x16xf32>,
        %parallel_loop3A_441 = arith.constant 1 : i32
        %parallel_loop3A_442 = vector.broadcast %parallel_loop3A_441 : i32 to vector<16x1xi32>
        %parallel_loop3A_443 = vector.shape_cast %parallel_loop3A_442 : vector<16x1xi32> to vector<16xi32>
        %parallel_loop3A_444 = tpu.dynamic_gather %convert_element_type3A_195[%parallel_loop3A_443] in [0] : vector<16xf32>, vector<16xi32> -> vector<16xf32>
        %parallel_loop3A_445 = arith.constant 16 : i32
        %parallel_loop3A_446 = arith.muli %parallel_loop3A_406, %parallel_loop3A_445 : i32
        %parallel_loop3A_447 = arith.constant 1 : i32
        %parallel_loop3A_448 = arith.index_cast %parallel_loop3A_447 : i32 to index
        %parallel_loop3A_449 = arith.index_cast %parallel_loop3A_446 : i32 to index
        %parallel_loop3A_450 = tpu.vector_load %arg8[%parallel_loop3A_448, %parallel_loop3A_449] {strides = array<i32>} : memref<8x1024xf32, #tpu.memory_space<vmem>>, vector<1x16xf32>,
        %parallel_loop3A_451 = vector.shape_cast %parallel_loop3A_450 : vector<1x16xf32> to vector<16xf32>
        %parallel_loop3A_452 = arith.mulf %parallel_loop3A_444, %parallel_loop3A_418 : vector<16xf32>
        %parallel_loop3A_453 = arith.addf %parallel_loop3A_411, %parallel_loop3A_452 : vector<16xf32>
        %parallel_loop3A_454 = arith.addf %parallel_loop3A_451, %parallel_loop3A_453 : vector<16xf32>
        %parallel_loop3A_455 = arith.constant 16 : i32
        %parallel_loop3A_456 = arith.muli %parallel_loop3A_406, %parallel_loop3A_455 : i32
        %parallel_loop3A_457 = arith.constant 1 : i32
        %parallel_loop3A_458 = arith.index_cast %parallel_loop3A_457 : i32 to index
        %parallel_loop3A_459 = arith.index_cast %parallel_loop3A_456 : i32 to index
        %parallel_loop3A_460 = tpu.vector_load %arg8[%parallel_loop3A_458, %parallel_loop3A_459] {strides = array<i32>} : memref<8x1024xf32, #tpu.memory_space<vmem>>, vector<1x16xf32>,
        %parallel_loop3A_461 = vector.shape_cast %parallel_loop3A_460 : vector<1x16xf32> to vector<16xf32>
        %parallel_loop3A_462 = vector.shape_cast %parallel_loop3A_454 : vector<16xf32> to vector<1x16xf32>
        tpu.vector_store %arg8[%parallel_loop3A_458, %parallel_loop3A_459], %parallel_loop3A_462 {strides = array<i32>} : memref<8x1024xf32, #tpu.memory_space<vmem>>, vector<1x16xf32>,
        %parallel_loop3A_463 = arith.constant 2 : i32
        %parallel_loop3A_464 = vector.broadcast %parallel_loop3A_463 : i32 to vector<16x1xi32>
        %parallel_loop3A_465 = vector.shape_cast %parallel_loop3A_464 : vector<16x1xi32> to vector<16xi32>
        %parallel_loop3A_466 = tpu.dynamic_gather %convert_element_type3A_195[%parallel_loop3A_465] in [0] : vector<16xf32>, vector<16xi32> -> vector<16xf32>
        %parallel_loop3A_467 = arith.constant 16 : i32
        %parallel_loop3A_468 = arith.muli %parallel_loop3A_406, %parallel_loop3A_467 : i32
        %parallel_loop3A_469 = arith.constant 2 : i32
        %parallel_loop3A_470 = arith.index_cast %parallel_loop3A_469 : i32 to index
        %parallel_loop3A_471 = arith.index_cast %parallel_loop3A_468 : i32 to index
        %parallel_loop3A_472 = tpu.vector_load %arg8[%parallel_loop3A_470, %parallel_loop3A_471] {strides = array<i32>} : memref<8x1024xf32, #tpu.memory_space<vmem>>, vector<1x16xf32>,
        %parallel_loop3A_473 = vector.shape_cast %parallel_loop3A_472 : vector<1x16xf32> to vector<16xf32>
        %parallel_loop3A_474 = arith.mulf %parallel_loop3A_466, %parallel_loop3A_418 : vector<16xf32>
        %parallel_loop3A_475 = arith.addf %parallel_loop3A_411, %parallel_loop3A_474 : vector<16xf32>
        %parallel_loop3A_476 = arith.addf %parallel_loop3A_473, %parallel_loop3A_475 : vector<16xf32>
        %parallel_loop3A_477 = arith.constant 16 : i32
        %parallel_loop3A_478 = arith.muli %parallel_loop3A_406, %parallel_loop3A_477 : i32
        %parallel_loop3A_479 = arith.constant 2 : i32
        %parallel_loop3A_480 = arith.index_cast %parallel_loop3A_479 : i32 to index
        %parallel_loop3A_481 = arith.index_cast %parallel_loop3A_478 : i32 to index
        %parallel_loop3A_482 = tpu.vector_load %arg8[%parallel_loop3A_480, %parallel_loop3A_481] {strides = array<i32>} : memref<8x1024xf32, #tpu.memory_space<vmem>>, vector<1x16xf32>,
        %parallel_loop3A_483 = vector.shape_cast %parallel_loop3A_482 : vector<1x16xf32> to vector<16xf32>
        %parallel_loop3A_484 = vector.shape_cast %parallel_loop3A_476 : vector<16xf32> to vector<1x16xf32>
        tpu.vector_store %arg8[%parallel_loop3A_480, %parallel_loop3A_481], %parallel_loop3A_484 {strides = array<i32>} : memref<8x1024xf32, #tpu.memory_space<vmem>>, vector<1x16xf32>,
        %parallel_loop3A_485 = arith.constant 3 : i32
        %parallel_loop3A_486 = vector.broadcast %parallel_loop3A_485 : i32 to vector<16x1xi32>
        %parallel_loop3A_487 = vector.shape_cast %parallel_loop3A_486 : vector<16x1xi32> to vector<16xi32>
        %parallel_loop3A_488 = tpu.dynamic_gather %convert_element_type3A_195[%parallel_loop3A_487] in [0] : vector<16xf32>, vector<16xi32> -> vector<16xf32>
        %parallel_loop3A_489 = arith.constant 16 : i32
        %parallel_loop3A_490 = arith.muli %parallel_loop3A_406, %parallel_loop3A_489 : i32
        %parallel_loop3A_491 = arith.constant 3 : i32
        %parallel_loop3A_492 = arith.index_cast %parallel_loop3A_491 : i32 to index
        %parallel_loop3A_493 = arith.index_cast %parallel_loop3A_490 : i32 to index
        %parallel_loop3A_494 = tpu.vector_load %arg8[%parallel_loop3A_492, %parallel_loop3A_493] {strides = array<i32>} : memref<8x1024xf32, #tpu.memory_space<vmem>>, vector<1x16xf32>,
        %parallel_loop3A_495 = vector.shape_cast %parallel_loop3A_494 : vector<1x16xf32> to vector<16xf32>
        %parallel_loop3A_496 = arith.mulf %parallel_loop3A_488, %parallel_loop3A_418 : vector<16xf32>
        %parallel_loop3A_497 = arith.addf %parallel_loop3A_411, %parallel_loop3A_496 : vector<16xf32>
        %parallel_loop3A_498 = arith.addf %parallel_loop3A_495, %parallel_loop3A_497 : vector<16xf32>
        %parallel_loop3A_499 = arith.constant 16 : i32
        %parallel_loop3A_500 = arith.muli %parallel_loop3A_406, %parallel_loop3A_499 : i32
        %parallel_loop3A_501 = arith.constant 3 : i32
        %parallel_loop3A_502 = arith.index_cast %parallel_loop3A_501 : i32 to index
        %parallel_loop3A_503 = arith.index_cast %parallel_loop3A_500 : i32 to index
        %parallel_loop3A_504 = tpu.vector_load %arg8[%parallel_loop3A_502, %parallel_loop3A_503] {strides = array<i32>} : memref<8x1024xf32, #tpu.memory_space<vmem>>, vector<1x16xf32>,
        %parallel_loop3A_505 = vector.shape_cast %parallel_loop3A_504 : vector<1x16xf32> to vector<16xf32>
        %parallel_loop3A_506 = vector.shape_cast %parallel_loop3A_498 : vector<16xf32> to vector<1x16xf32>
        tpu.vector_store %arg8[%parallel_loop3A_502, %parallel_loop3A_503], %parallel_loop3A_506 {strides = array<i32>} : memref<8x1024xf32, #tpu.memory_space<vmem>>, vector<1x16xf32>,
        %parallel_loop3A_507 = arith.constant 4 : i32
        %parallel_loop3A_508 = vector.broadcast %parallel_loop3A_507 : i32 to vector<16x1xi32>
        %parallel_loop3A_509 = vector.shape_cast %parallel_loop3A_508 : vector<16x1xi32> to vector<16xi32>
        %parallel_loop3A_510 = tpu.dynamic_gather %convert_element_type3A_195[%parallel_loop3A_509] in [0] : vector<16xf32>, vector<16xi32> -> vector<16xf32>
        %parallel_loop3A_511 = arith.constant 16 : i32
        %parallel_loop3A_512 = arith.muli %parallel_loop3A_406, %parallel_loop3A_511 : i32
        %parallel_loop3A_513 = arith.constant 4 : i32
        %parallel_loop3A_514 = arith.index_cast %parallel_loop3A_513 : i32 to index
        %parallel_loop3A_515 = arith.index_cast %parallel_loop3A_512 : i32 to index
        %parallel_loop3A_516 = tpu.vector_load %arg8[%parallel_loop3A_514, %parallel_loop3A_515] {strides = array<i32>} : memref<8x1024xf32, #tpu.memory_space<vmem>>, vector<1x16xf32>,
        %parallel_loop3A_517 = vector.shape_cast %parallel_loop3A_516 : vector<1x16xf32> to vector<16xf32>
        %parallel_loop3A_518 = arith.mulf %parallel_loop3A_510, %parallel_loop3A_418 : vector<16xf32>
        %parallel_loop3A_519 = arith.addf %parallel_loop3A_411, %parallel_loop3A_518 : vector<16xf32>
        %parallel_loop3A_520 = arith.addf %parallel_loop3A_517, %parallel_loop3A_519 : vector<16xf32>
        %parallel_loop3A_521 = arith.constant 16 : i32
        %parallel_loop3A_522 = arith.muli %parallel_loop3A_406, %parallel_loop3A_521 : i32
        %parallel_loop3A_523 = arith.constant 4 : i32
        %parallel_loop3A_524 = arith.index_cast %parallel_loop3A_523 : i32 to index
        %parallel_loop3A_525 = arith.index_cast %parallel_loop3A_522 : i32 to index
        %parallel_loop3A_526 = tpu.vector_load %arg8[%parallel_loop3A_524, %parallel_loop3A_525] {strides = array<i32>} : memref<8x1024xf32, #tpu.memory_space<vmem>>, vector<1x16xf32>,
        %parallel_loop3A_527 = vector.shape_cast %parallel_loop3A_526 : vector<1x16xf32> to vector<16xf32>
        %parallel_loop3A_528 = vector.shape_cast %parallel_loop3A_520 : vector<16xf32> to vector<1x16xf32>
        tpu.vector_store %arg8[%parallel_loop3A_524, %parallel_loop3A_525], %parallel_loop3A_528 {strides = array<i32>} : memref<8x1024xf32, #tpu.memory_space<vmem>>, vector<1x16xf32>,
        %parallel_loop3A_529 = arith.constant 5 : i32
        %parallel_loop3A_530 = vector.broadcast %parallel_loop3A_529 : i32 to vector<16x1xi32>
        %parallel_loop3A_531 = vector.shape_cast %parallel_loop3A_530 : vector<16x1xi32> to vector<16xi32>
        %parallel_loop3A_532 = tpu.dynamic_gather %convert_element_type3A_195[%parallel_loop3A_531] in [0] : vector<16xf32>, vector<16xi32> -> vector<16xf32>
        %parallel_loop3A_533 = arith.constant 16 : i32
        %parallel_loop3A_534 = arith.muli %parallel_loop3A_406, %parallel_loop3A_533 : i32
        %parallel_loop3A_535 = arith.constant 5 : i32
        %parallel_loop3A_536 = arith.index_cast %parallel_loop3A_535 : i32 to index
        %parallel_loop3A_537 = arith.index_cast %parallel_loop3A_534 : i32 to index
        %parallel_loop3A_538 = tpu.vector_load %arg8[%parallel_loop3A_536, %parallel_loop3A_537] {strides = array<i32>} : memref<8x1024xf32, #tpu.memory_space<vmem>>, vector<1x16xf32>,
        %parallel_loop3A_539 = vector.shape_cast %parallel_loop3A_538 : vector<1x16xf32> to vector<16xf32>
        %parallel_loop3A_540 = arith.mulf %parallel_loop3A_532, %parallel_loop3A_418 : vector<16xf32>
        %parallel_loop3A_541 = arith.addf %parallel_loop3A_411, %parallel_loop3A_540 : vector<16xf32>
        %parallel_loop3A_542 = arith.addf %parallel_loop3A_539, %parallel_loop3A_541 : vector<16xf32>
        %parallel_loop3A_543 = arith.constant 16 : i32
        %parallel_loop3A_544 = arith.muli %parallel_loop3A_406, %parallel_loop3A_543 : i32
        %parallel_loop3A_545 = arith.constant 5 : i32
        %parallel_loop3A_546 = arith.index_cast %parallel_loop3A_545 : i32 to index
        %parallel_loop3A_547 = arith.index_cast %parallel_loop3A_544 : i32 to index
        %parallel_loop3A_548 = tpu.vector_load %arg8[%parallel_loop3A_546, %parallel_loop3A_547] {strides = array<i32>} : memref<8x1024xf32, #tpu.memory_space<vmem>>, vector<1x16xf32>,
        %parallel_loop3A_549 = vector.shape_cast %parallel_loop3A_548 : vector<1x16xf32> to vector<16xf32>
        %parallel_loop3A_550 = vector.shape_cast %parallel_loop3A_542 : vector<16xf32> to vector<1x16xf32>
        tpu.vector_store %arg8[%parallel_loop3A_546, %parallel_loop3A_547], %parallel_loop3A_550 {strides = array<i32>} : memref<8x1024xf32, #tpu.memory_space<vmem>>, vector<1x16xf32>,
        %parallel_loop3A_551 = arith.constant 6 : i32
        %parallel_loop3A_552 = vector.broadcast %parallel_loop3A_551 : i32 to vector<16x1xi32>
        %parallel_loop3A_553 = vector.shape_cast %parallel_loop3A_552 : vector<16x1xi32> to vector<16xi32>
        %parallel_loop3A_554 = tpu.dynamic_gather %convert_element_type3A_195[%parallel_loop3A_553] in [0] : vector<16xf32>, vector<16xi32> -> vector<16xf32>
        %parallel_loop3A_555 = arith.constant 16 : i32
        %parallel_loop3A_556 = arith.muli %parallel_loop3A_406, %parallel_loop3A_555 : i32
        %parallel_loop3A_557 = arith.constant 6 : i32
        %parallel_loop3A_558 = arith.index_cast %parallel_loop3A_557 : i32 to index
        %parallel_loop3A_559 = arith.index_cast %parallel_loop3A_556 : i32 to index
        %parallel_loop3A_560 = tpu.vector_load %arg8[%parallel_loop3A_558, %parallel_loop3A_559] {strides = array<i32>} : memref<8x1024xf32, #tpu.memory_space<vmem>>, vector<1x16xf32>,
        %parallel_loop3A_561 = vector.shape_cast %parallel_loop3A_560 : vector<1x16xf32> to vector<16xf32>
        %parallel_loop3A_562 = arith.mulf %parallel_loop3A_554, %parallel_loop3A_418 : vector<16xf32>
        %parallel_loop3A_563 = arith.addf %parallel_loop3A_411, %parallel_loop3A_562 : vector<16xf32>
        %parallel_loop3A_564 = arith.addf %parallel_loop3A_561, %parallel_loop3A_563 : vector<16xf32>
        %parallel_loop3A_565 = arith.constant 16 : i32
        %parallel_loop3A_566 = arith.muli %parallel_loop3A_406, %parallel_loop3A_565 : i32
        %parallel_loop3A_567 = arith.constant 6 : i32
        %parallel_loop3A_568 = arith.index_cast %parallel_loop3A_567 : i32 to index
        %parallel_loop3A_569 = arith.index_cast %parallel_loop3A_566 : i32 to index
        %parallel_loop3A_570 = tpu.vector_load %arg8[%parallel_loop3A_568, %parallel_loop3A_569] {strides = array<i32>} : memref<8x1024xf32, #tpu.memory_space<vmem>>, vector<1x16xf32>,
        %parallel_loop3A_571 = vector.shape_cast %parallel_loop3A_570 : vector<1x16xf32> to vector<16xf32>
        %parallel_loop3A_572 = vector.shape_cast %parallel_loop3A_564 : vector<16xf32> to vector<1x16xf32>
        tpu.vector_store %arg8[%parallel_loop3A_568, %parallel_loop3A_569], %parallel_loop3A_572 {strides = array<i32>} : memref<8x1024xf32, #tpu.memory_space<vmem>>, vector<1x16xf32>,
        %parallel_loop3A_573 = arith.constant 7 : i32
        %parallel_loop3A_574 = vector.broadcast %parallel_loop3A_573 : i32 to vector<16x1xi32>
        %parallel_loop3A_575 = vector.shape_cast %parallel_loop3A_574 : vector<16x1xi32> to vector<16xi32>
        %parallel_loop3A_576 = tpu.dynamic_gather %convert_element_type3A_195[%parallel_loop3A_575] in [0] : vector<16xf32>, vector<16xi32> -> vector<16xf32>
        %parallel_loop3A_577 = arith.constant 16 : i32
        %parallel_loop3A_578 = arith.muli %parallel_loop3A_406, %parallel_loop3A_577 : i32
        %parallel_loop3A_579 = arith.constant 7 : i32
        %parallel_loop3A_580 = arith.index_cast %parallel_loop3A_579 : i32 to index
        %parallel_loop3A_581 = arith.index_cast %parallel_loop3A_578 : i32 to index
        %parallel_loop3A_582 = tpu.vector_load %arg8[%parallel_loop3A_580, %parallel_loop3A_581] {strides = array<i32>} : memref<8x1024xf32, #tpu.memory_space<vmem>>, vector<1x16xf32>,
        %parallel_loop3A_583 = vector.shape_cast %parallel_loop3A_582 : vector<1x16xf32> to vector<16xf32>
        %parallel_loop3A_584 = arith.mulf %parallel_loop3A_576, %parallel_loop3A_418 : vector<16xf32>
        %parallel_loop3A_585 = arith.addf %parallel_loop3A_411, %parallel_loop3A_584 : vector<16xf32>
        %parallel_loop3A_586 = arith.addf %parallel_loop3A_583, %parallel_loop3A_585 : vector<16xf32>
        %parallel_loop3A_587 = arith.constant 16 : i32
        %parallel_loop3A_588 = arith.muli %parallel_loop3A_406, %parallel_loop3A_587 : i32
        %parallel_loop3A_589 = arith.constant 7 : i32
        %parallel_loop3A_590 = arith.index_cast %parallel_loop3A_589 : i32 to index
        %parallel_loop3A_591 = arith.index_cast %parallel_loop3A_588 : i32 to index
        %parallel_loop3A_592 = tpu.vector_load %arg8[%parallel_loop3A_590, %parallel_loop3A_591] {strides = array<i32>} : memref<8x1024xf32, #tpu.memory_space<vmem>>, vector<1x16xf32>,
        %parallel_loop3A_593 = vector.shape_cast %parallel_loop3A_592 : vector<1x16xf32> to vector<16xf32>
        %parallel_loop3A_594 = vector.shape_cast %parallel_loop3A_586 : vector<16xf32> to vector<1x16xf32>
        tpu.vector_store %arg8[%parallel_loop3A_590, %parallel_loop3A_591], %parallel_loop3A_594 {strides = array<i32>} : memref<8x1024xf32, #tpu.memory_space<vmem>>, vector<1x16xf32>,
      } {sc.loop_unroll_factor = 2 : i64, sc.parallel_access}
      %mul3A_199 = arith.constant 8 : i32
      %mul3A_200 = arith.muli %add3A_169, %mul3A_199 : i32
      %add3A_201 = arith.addi %mul3A_2, %mul3A_200 : i32
      %dma_start3A_202 = arith.constant 0 : i32
      %dma_start3A_203 = tpu.memref_slice %arg5[%add3A_201, %dma_start3A_202] : memref<16384x1024xf32, #tpu.memory_space<hbm>> -> memref<8x1024xf32, #tpu.memory_space<hbm>>
      %dma_start3A_204 = arith.constant 0 : i32
      %dma_start3A_205 = tpu.memref_slice %arg5[%add3A_201, %dma_start3A_204] : memref<16384x1024xf32, #tpu.memory_space<hbm>> -> memref<8x1024xf32, #tpu.memory_space<hbm>>
      tpu.enqueue_dma source(%arg8 : memref<8x1024xf32, #tpu.memory_space<vmem>>) target(%dma_start3A_205 : memref<8x1024xf32, #tpu.memory_space<hbm>>) target_semaphore(%arg27 : memref<!tpu.dma_semaphore, #tpu.memory_space<semaphore_mem>>)
      %mul3A_206 = arith.constant 8 : i32
      %mul3A_207 = arith.muli %scan3A_92, %mul3A_206 : i32
      %add3A_208 = arith.constant 3 : i32
      %add3A_209 = arith.addi %mul3A_207, %add3A_208 : i32
      %add3A_210 = arith.constant 6 : i32
      %add3A_211 = arith.addi %add3A_209, %add3A_210 : i32
      %lt3A_212 = arith.constant 64 : i32
      %lt3A_213 = arith.cmpi slt, %add3A_211, %lt3A_212 : i32
      %convert_element_type3A_214 = arith.extui %lt3A_213 : i1 to i32
      %cond3A_215 = arith.constant 0 : i32
      %cond3A_216 = arith.cmpi ne, %convert_element_type3A_214, %cond3A_215 : i32
      scf.if %cond3A_216 {
        %ge3A = arith.constant 8 : i32
        %ge3A_406 = arith.cmpi sge, %add3A_211, %ge3A : i32
        %convert_element_type3A_407 = arith.extui %ge3A_406 : i1 to i32
        %cond3A_408 = arith.constant 0 : i32
        %cond3A_409 = arith.cmpi ne, %convert_element_type3A_407, %cond3A_408 : i32
        scf.if %cond3A_409 {
          %sub3A = arith.constant 8 : i32
          %sub3A_417 = arith.subi %add3A_211, %sub3A : i32
          %mul3A_418 = arith.constant 8 : i32
          %mul3A_419 = arith.muli %sub3A_417, %mul3A_418 : i32
          %add3A_420 = arith.addi %mul3A_2, %mul3A_419 : i32
          %dma_wait3A_421 = arith.constant 0 : i32
          %dma_wait3A_422 = tpu.memref_slice %arg5[%add3A_420, %dma_wait3A_421] : memref<16384x1024xf32, #tpu.memory_space<hbm>> -> memref<8x1024xf32, #tpu.memory_space<hbm>>
          %dma_wait3A_423 = arith.constant 0 : i32
          %dma_wait3A_424 = tpu.memref_slice %arg5[%add3A_420, %dma_wait3A_423] : memref<16384x1024xf32, #tpu.memory_space<hbm>> -> memref<8x1024xf32, #tpu.memory_space<hbm>>
          tpu.wait_dma2 semaphore(%arg26 : memref<!tpu.dma_semaphore, #tpu.memory_space<semaphore_mem>>) src(%arg7 : memref<8x1024xf32, #tpu.memory_space<vmem>>) dst(%dma_wait3A_424 : memref<8x1024xf32, #tpu.memory_space<hbm>>)
        } else {
        }
        %mul3A_410 = arith.constant 8 : i32
        %mul3A_411 = arith.muli %add3A_211, %mul3A_410 : i32
        %add3A_412 = arith.addi %mul3A_2, %mul3A_411 : i32
        %dma_start3A_413 = arith.constant 0 : i32
        %dma_start3A_414 = tpu.memref_slice %arg2[%add3A_412, %dma_start3A_413] : memref<16384x1024xf32, #tpu.memory_space<hbm>> -> memref<8x1024xf32, #tpu.memory_space<hbm>>
        %dma_start3A_415 = arith.constant 0 : i32
        %dma_start3A_416 = tpu.memref_slice %arg2[%add3A_412, %dma_start3A_415] : memref<16384x1024xf32, #tpu.memory_space<hbm>> -> memref<8x1024xf32, #tpu.memory_space<hbm>>
        tpu.enqueue_dma source(%dma_start3A_416 : memref<8x1024xf32, #tpu.memory_space<hbm>>) target(%arg7 : memref<8x1024xf32, #tpu.memory_space<vmem>>) target_semaphore(%arg18 : memref<!tpu.dma_semaphore, #tpu.memory_space<semaphore_mem>>)
      } else {
      }
      %mul3A_217 = arith.constant 8 : i32
      %mul3A_218 = arith.muli %add3A_209, %mul3A_217 : i32
      %add3A_219 = arith.addi %mul3A_2, %mul3A_218 : i32
      %dma_wait3A_220 = arith.constant 0 : i32
      %dma_wait3A_221 = tpu.memref_slice %arg2[%add3A_219, %dma_wait3A_220] : memref<16384x1024xf32, #tpu.memory_space<hbm>> -> memref<8x1024xf32, #tpu.memory_space<hbm>>
      %dma_wait3A_222 = arith.constant 0 : i32
      %dma_wait3A_223 = tpu.memref_slice %arg2[%add3A_219, %dma_wait3A_222] : memref<16384x1024xf32, #tpu.memory_space<hbm>> -> memref<8x1024xf32, #tpu.memory_space<hbm>>
      tpu.wait_dma2 semaphore(%arg20 : memref<!tpu.dma_semaphore, #tpu.memory_space<semaphore_mem>>) src(%dma_wait3A_223 : memref<8x1024xf32, #tpu.memory_space<hbm>>) dst(%arg9 : memref<8x1024xf32, #tpu.memory_space<vmem>>)
      %mul3A_224 = arith.constant 8 : i32
      %mul3A_225 = arith.muli %add3A_209, %mul3A_224 : i32
      %get3A_226 = arith.index_cast %mul3A_225 : i32 to index
      %get3A_227 = tpu.vector_load %arg14[%get3A_226] {strides = array<i32>} : memref<528xi32, #tpu.memory_space<vmem>>, vector<16xi32>,
      %get3A_228 = vector.shape_cast %get3A_227 : vector<16xi32> to vector<16xi32>
      %jit3A_229 = arith.constant 0 : i32
      %jit3A_230 = arith.constant 1 : i32
      %max3A_231 = vector.broadcast %jit3A_229 : i32 to vector<16xi32>
      %max3A_232 = arith.maxsi %max3A_231, %get3A_228 : vector<16xi32>
      %min3A_233 = vector.broadcast %jit3A_230 : i32 to vector<16xi32>
      %min3A_234 = arith.minsi %min3A_233, %max3A_232 : vector<16xi32>
      %convert_element_type3A_235 = arith.sitofp %min3A_234 : vector<16xi32> to vector<16xf32>
      %parallel_loop3A_236 = arith.constant 0 : i32
      %parallel_loop3A_237 = arith.constant 64 : i32
      %parallel_loop3A_238 = arith.constant 1 : i32
      scf.for %parallel_loop3A_406 = %parallel_loop3A_236 to %parallel_loop3A_237 step %parallel_loop3A_238  : i32 {
        %parallel_loop3A_407 = arith.constant 16 : i32
        %parallel_loop3A_408 = arith.muli %parallel_loop3A_406, %parallel_loop3A_407 : i32
        %parallel_loop3A_409 = arith.index_cast %parallel_loop3A_408 : i32 to index
        %parallel_loop3A_410 = tpu.vector_load %arg16[%parallel_loop3A_409] {strides = array<i32>} : memref<2048xf32, #tpu.memory_space<vmem>>, vector<16xf32>,
        %parallel_loop3A_411 = vector.shape_cast %parallel_loop3A_410 : vector<16xf32> to vector<16xf32>
        %parallel_loop3A_412 = arith.constant 16 : i32
        %parallel_loop3A_413 = arith.muli %parallel_loop3A_406, %parallel_loop3A_412 : i32
        %parallel_loop3A_414 = arith.constant 1024 : i32
        %parallel_loop3A_415 = arith.addi %parallel_loop3A_414, %parallel_loop3A_413 : i32
        %parallel_loop3A_416 = arith.index_cast %parallel_loop3A_415 : i32 to index
        %parallel_loop3A_417 = tpu.vector_load %arg16[%parallel_loop3A_416] {strides = array<i32>} : memref<2048xf32, #tpu.memory_space<vmem>>, vector<16xf32>,
        %parallel_loop3A_418 = vector.shape_cast %parallel_loop3A_417 : vector<16xf32> to vector<16xf32>
        %parallel_loop3A_419 = arith.constant 0 : i32
        %parallel_loop3A_420 = vector.broadcast %parallel_loop3A_419 : i32 to vector<16x1xi32>
        %parallel_loop3A_421 = vector.shape_cast %parallel_loop3A_420 : vector<16x1xi32> to vector<16xi32>
        %parallel_loop3A_422 = tpu.dynamic_gather %convert_element_type3A_235[%parallel_loop3A_421] in [0] : vector<16xf32>, vector<16xi32> -> vector<16xf32>
        %parallel_loop3A_423 = arith.constant 16 : i32
        %parallel_loop3A_424 = arith.muli %parallel_loop3A_406, %parallel_loop3A_423 : i32
        %parallel_loop3A_425 = arith.constant 0 : i32
        %parallel_loop3A_426 = arith.index_cast %parallel_loop3A_425 : i32 to index
        %parallel_loop3A_427 = arith.index_cast %parallel_loop3A_424 : i32 to index
        %parallel_loop3A_428 = tpu.vector_load %arg9[%parallel_loop3A_426, %parallel_loop3A_427] {strides = array<i32>} : memref<8x1024xf32, #tpu.memory_space<vmem>>, vector<1x16xf32>,
        %parallel_loop3A_429 = vector.shape_cast %parallel_loop3A_428 : vector<1x16xf32> to vector<16xf32>
        %parallel_loop3A_430 = arith.mulf %parallel_loop3A_422, %parallel_loop3A_418 : vector<16xf32>
        %parallel_loop3A_431 = arith.addf %parallel_loop3A_411, %parallel_loop3A_430 : vector<16xf32>
        %parallel_loop3A_432 = arith.addf %parallel_loop3A_429, %parallel_loop3A_431 : vector<16xf32>
        %parallel_loop3A_433 = arith.constant 16 : i32
        %parallel_loop3A_434 = arith.muli %parallel_loop3A_406, %parallel_loop3A_433 : i32
        %parallel_loop3A_435 = arith.constant 0 : i32
        %parallel_loop3A_436 = arith.index_cast %parallel_loop3A_435 : i32 to index
        %parallel_loop3A_437 = arith.index_cast %parallel_loop3A_434 : i32 to index
        %parallel_loop3A_438 = tpu.vector_load %arg9[%parallel_loop3A_436, %parallel_loop3A_437] {strides = array<i32>} : memref<8x1024xf32, #tpu.memory_space<vmem>>, vector<1x16xf32>,
        %parallel_loop3A_439 = vector.shape_cast %parallel_loop3A_438 : vector<1x16xf32> to vector<16xf32>
        %parallel_loop3A_440 = vector.shape_cast %parallel_loop3A_432 : vector<16xf32> to vector<1x16xf32>
        tpu.vector_store %arg9[%parallel_loop3A_436, %parallel_loop3A_437], %parallel_loop3A_440 {strides = array<i32>} : memref<8x1024xf32, #tpu.memory_space<vmem>>, vector<1x16xf32>,
        %parallel_loop3A_441 = arith.constant 1 : i32
        %parallel_loop3A_442 = vector.broadcast %parallel_loop3A_441 : i32 to vector<16x1xi32>
        %parallel_loop3A_443 = vector.shape_cast %parallel_loop3A_442 : vector<16x1xi32> to vector<16xi32>
        %parallel_loop3A_444 = tpu.dynamic_gather %convert_element_type3A_235[%parallel_loop3A_443] in [0] : vector<16xf32>, vector<16xi32> -> vector<16xf32>
        %parallel_loop3A_445 = arith.constant 16 : i32
        %parallel_loop3A_446 = arith.muli %parallel_loop3A_406, %parallel_loop3A_445 : i32
        %parallel_loop3A_447 = arith.constant 1 : i32
        %parallel_loop3A_448 = arith.index_cast %parallel_loop3A_447 : i32 to index
        %parallel_loop3A_449 = arith.index_cast %parallel_loop3A_446 : i32 to index
        %parallel_loop3A_450 = tpu.vector_load %arg9[%parallel_loop3A_448, %parallel_loop3A_449] {strides = array<i32>} : memref<8x1024xf32, #tpu.memory_space<vmem>>, vector<1x16xf32>,
        %parallel_loop3A_451 = vector.shape_cast %parallel_loop3A_450 : vector<1x16xf32> to vector<16xf32>
        %parallel_loop3A_452 = arith.mulf %parallel_loop3A_444, %parallel_loop3A_418 : vector<16xf32>
        %parallel_loop3A_453 = arith.addf %parallel_loop3A_411, %parallel_loop3A_452 : vector<16xf32>
        %parallel_loop3A_454 = arith.addf %parallel_loop3A_451, %parallel_loop3A_453 : vector<16xf32>
        %parallel_loop3A_455 = arith.constant 16 : i32
        %parallel_loop3A_456 = arith.muli %parallel_loop3A_406, %parallel_loop3A_455 : i32
        %parallel_loop3A_457 = arith.constant 1 : i32
        %parallel_loop3A_458 = arith.index_cast %parallel_loop3A_457 : i32 to index
        %parallel_loop3A_459 = arith.index_cast %parallel_loop3A_456 : i32 to index
        %parallel_loop3A_460 = tpu.vector_load %arg9[%parallel_loop3A_458, %parallel_loop3A_459] {strides = array<i32>} : memref<8x1024xf32, #tpu.memory_space<vmem>>, vector<1x16xf32>,
        %parallel_loop3A_461 = vector.shape_cast %parallel_loop3A_460 : vector<1x16xf32> to vector<16xf32>
        %parallel_loop3A_462 = vector.shape_cast %parallel_loop3A_454 : vector<16xf32> to vector<1x16xf32>
        tpu.vector_store %arg9[%parallel_loop3A_458, %parallel_loop3A_459], %parallel_loop3A_462 {strides = array<i32>} : memref<8x1024xf32, #tpu.memory_space<vmem>>, vector<1x16xf32>,
        %parallel_loop3A_463 = arith.constant 2 : i32
        %parallel_loop3A_464 = vector.broadcast %parallel_loop3A_463 : i32 to vector<16x1xi32>
        %parallel_loop3A_465 = vector.shape_cast %parallel_loop3A_464 : vector<16x1xi32> to vector<16xi32>
        %parallel_loop3A_466 = tpu.dynamic_gather %convert_element_type3A_235[%parallel_loop3A_465] in [0] : vector<16xf32>, vector<16xi32> -> vector<16xf32>
        %parallel_loop3A_467 = arith.constant 16 : i32
        %parallel_loop3A_468 = arith.muli %parallel_loop3A_406, %parallel_loop3A_467 : i32
        %parallel_loop3A_469 = arith.constant 2 : i32
        %parallel_loop3A_470 = arith.index_cast %parallel_loop3A_469 : i32 to index
        %parallel_loop3A_471 = arith.index_cast %parallel_loop3A_468 : i32 to index
        %parallel_loop3A_472 = tpu.vector_load %arg9[%parallel_loop3A_470, %parallel_loop3A_471] {strides = array<i32>} : memref<8x1024xf32, #tpu.memory_space<vmem>>, vector<1x16xf32>,
        %parallel_loop3A_473 = vector.shape_cast %parallel_loop3A_472 : vector<1x16xf32> to vector<16xf32>
        %parallel_loop3A_474 = arith.mulf %parallel_loop3A_466, %parallel_loop3A_418 : vector<16xf32>
        %parallel_loop3A_475 = arith.addf %parallel_loop3A_411, %parallel_loop3A_474 : vector<16xf32>
        %parallel_loop3A_476 = arith.addf %parallel_loop3A_473, %parallel_loop3A_475 : vector<16xf32>
        %parallel_loop3A_477 = arith.constant 16 : i32
        %parallel_loop3A_478 = arith.muli %parallel_loop3A_406, %parallel_loop3A_477 : i32
        %parallel_loop3A_479 = arith.constant 2 : i32
        %parallel_loop3A_480 = arith.index_cast %parallel_loop3A_479 : i32 to index
        %parallel_loop3A_481 = arith.index_cast %parallel_loop3A_478 : i32 to index
        %parallel_loop3A_482 = tpu.vector_load %arg9[%parallel_loop3A_480, %parallel_loop3A_481] {strides = array<i32>} : memref<8x1024xf32, #tpu.memory_space<vmem>>, vector<1x16xf32>,
        %parallel_loop3A_483 = vector.shape_cast %parallel_loop3A_482 : vector<1x16xf32> to vector<16xf32>
        %parallel_loop3A_484 = vector.shape_cast %parallel_loop3A_476 : vector<16xf32> to vector<1x16xf32>
        tpu.vector_store %arg9[%parallel_loop3A_480, %parallel_loop3A_481], %parallel_loop3A_484 {strides = array<i32>} : memref<8x1024xf32, #tpu.memory_space<vmem>>, vector<1x16xf32>,
        %parallel_loop3A_485 = arith.constant 3 : i32
        %parallel_loop3A_486 = vector.broadcast %parallel_loop3A_485 : i32 to vector<16x1xi32>
        %parallel_loop3A_487 = vector.shape_cast %parallel_loop3A_486 : vector<16x1xi32> to vector<16xi32>
        %parallel_loop3A_488 = tpu.dynamic_gather %convert_element_type3A_235[%parallel_loop3A_487] in [0] : vector<16xf32>, vector<16xi32> -> vector<16xf32>
        %parallel_loop3A_489 = arith.constant 16 : i32
        %parallel_loop3A_490 = arith.muli %parallel_loop3A_406, %parallel_loop3A_489 : i32
        %parallel_loop3A_491 = arith.constant 3 : i32
        %parallel_loop3A_492 = arith.index_cast %parallel_loop3A_491 : i32 to index
        %parallel_loop3A_493 = arith.index_cast %parallel_loop3A_490 : i32 to index
        %parallel_loop3A_494 = tpu.vector_load %arg9[%parallel_loop3A_492, %parallel_loop3A_493] {strides = array<i32>} : memref<8x1024xf32, #tpu.memory_space<vmem>>, vector<1x16xf32>,
        %parallel_loop3A_495 = vector.shape_cast %parallel_loop3A_494 : vector<1x16xf32> to vector<16xf32>
        %parallel_loop3A_496 = arith.mulf %parallel_loop3A_488, %parallel_loop3A_418 : vector<16xf32>
        %parallel_loop3A_497 = arith.addf %parallel_loop3A_411, %parallel_loop3A_496 : vector<16xf32>
        %parallel_loop3A_498 = arith.addf %parallel_loop3A_495, %parallel_loop3A_497 : vector<16xf32>
        %parallel_loop3A_499 = arith.constant 16 : i32
        %parallel_loop3A_500 = arith.muli %parallel_loop3A_406, %parallel_loop3A_499 : i32
        %parallel_loop3A_501 = arith.constant 3 : i32
        %parallel_loop3A_502 = arith.index_cast %parallel_loop3A_501 : i32 to index
        %parallel_loop3A_503 = arith.index_cast %parallel_loop3A_500 : i32 to index
        %parallel_loop3A_504 = tpu.vector_load %arg9[%parallel_loop3A_502, %parallel_loop3A_503] {strides = array<i32>} : memref<8x1024xf32, #tpu.memory_space<vmem>>, vector<1x16xf32>,
        %parallel_loop3A_505 = vector.shape_cast %parallel_loop3A_504 : vector<1x16xf32> to vector<16xf32>
        %parallel_loop3A_506 = vector.shape_cast %parallel_loop3A_498 : vector<16xf32> to vector<1x16xf32>
        tpu.vector_store %arg9[%parallel_loop3A_502, %parallel_loop3A_503], %parallel_loop3A_506 {strides = array<i32>} : memref<8x1024xf32, #tpu.memory_space<vmem>>, vector<1x16xf32>,
        %parallel_loop3A_507 = arith.constant 4 : i32
        %parallel_loop3A_508 = vector.broadcast %parallel_loop3A_507 : i32 to vector<16x1xi32>
        %parallel_loop3A_509 = vector.shape_cast %parallel_loop3A_508 : vector<16x1xi32> to vector<16xi32>
        %parallel_loop3A_510 = tpu.dynamic_gather %convert_element_type3A_235[%parallel_loop3A_509] in [0] : vector<16xf32>, vector<16xi32> -> vector<16xf32>
        %parallel_loop3A_511 = arith.constant 16 : i32
        %parallel_loop3A_512 = arith.muli %parallel_loop3A_406, %parallel_loop3A_511 : i32
        %parallel_loop3A_513 = arith.constant 4 : i32
        %parallel_loop3A_514 = arith.index_cast %parallel_loop3A_513 : i32 to index
        %parallel_loop3A_515 = arith.index_cast %parallel_loop3A_512 : i32 to index
        %parallel_loop3A_516 = tpu.vector_load %arg9[%parallel_loop3A_514, %parallel_loop3A_515] {strides = array<i32>} : memref<8x1024xf32, #tpu.memory_space<vmem>>, vector<1x16xf32>,
        %parallel_loop3A_517 = vector.shape_cast %parallel_loop3A_516 : vector<1x16xf32> to vector<16xf32>
        %parallel_loop3A_518 = arith.mulf %parallel_loop3A_510, %parallel_loop3A_418 : vector<16xf32>
        %parallel_loop3A_519 = arith.addf %parallel_loop3A_411, %parallel_loop3A_518 : vector<16xf32>
        %parallel_loop3A_520 = arith.addf %parallel_loop3A_517, %parallel_loop3A_519 : vector<16xf32>
        %parallel_loop3A_521 = arith.constant 16 : i32
        %parallel_loop3A_522 = arith.muli %parallel_loop3A_406, %parallel_loop3A_521 : i32
        %parallel_loop3A_523 = arith.constant 4 : i32
        %parallel_loop3A_524 = arith.index_cast %parallel_loop3A_523 : i32 to index
        %parallel_loop3A_525 = arith.index_cast %parallel_loop3A_522 : i32 to index
        %parallel_loop3A_526 = tpu.vector_load %arg9[%parallel_loop3A_524, %parallel_loop3A_525] {strides = array<i32>} : memref<8x1024xf32, #tpu.memory_space<vmem>>, vector<1x16xf32>,
        %parallel_loop3A_527 = vector.shape_cast %parallel_loop3A_526 : vector<1x16xf32> to vector<16xf32>
        %parallel_loop3A_528 = vector.shape_cast %parallel_loop3A_520 : vector<16xf32> to vector<1x16xf32>
        tpu.vector_store %arg9[%parallel_loop3A_524, %parallel_loop3A_525], %parallel_loop3A_528 {strides = array<i32>} : memref<8x1024xf32, #tpu.memory_space<vmem>>, vector<1x16xf32>,
        %parallel_loop3A_529 = arith.constant 5 : i32
        %parallel_loop3A_530 = vector.broadcast %parallel_loop3A_529 : i32 to vector<16x1xi32>
        %parallel_loop3A_531 = vector.shape_cast %parallel_loop3A_530 : vector<16x1xi32> to vector<16xi32>
        %parallel_loop3A_532 = tpu.dynamic_gather %convert_element_type3A_235[%parallel_loop3A_531] in [0] : vector<16xf32>, vector<16xi32> -> vector<16xf32>
        %parallel_loop3A_533 = arith.constant 16 : i32
        %parallel_loop3A_534 = arith.muli %parallel_loop3A_406, %parallel_loop3A_533 : i32
        %parallel_loop3A_535 = arith.constant 5 : i32
        %parallel_loop3A_536 = arith.index_cast %parallel_loop3A_535 : i32 to index
        %parallel_loop3A_537 = arith.index_cast %parallel_loop3A_534 : i32 to index
        %parallel_loop3A_538 = tpu.vector_load %arg9[%parallel_loop3A_536, %parallel_loop3A_537] {strides = array<i32>} : memref<8x1024xf32, #tpu.memory_space<vmem>>, vector<1x16xf32>,
        %parallel_loop3A_539 = vector.shape_cast %parallel_loop3A_538 : vector<1x16xf32> to vector<16xf32>
        %parallel_loop3A_540 = arith.mulf %parallel_loop3A_532, %parallel_loop3A_418 : vector<16xf32>
        %parallel_loop3A_541 = arith.addf %parallel_loop3A_411, %parallel_loop3A_540 : vector<16xf32>
        %parallel_loop3A_542 = arith.addf %parallel_loop3A_539, %parallel_loop3A_541 : vector<16xf32>
        %parallel_loop3A_543 = arith.constant 16 : i32
        %parallel_loop3A_544 = arith.muli %parallel_loop3A_406, %parallel_loop3A_543 : i32
        %parallel_loop3A_545 = arith.constant 5 : i32
        %parallel_loop3A_546 = arith.index_cast %parallel_loop3A_545 : i32 to index
        %parallel_loop3A_547 = arith.index_cast %parallel_loop3A_544 : i32 to index
        %parallel_loop3A_548 = tpu.vector_load %arg9[%parallel_loop3A_546, %parallel_loop3A_547] {strides = array<i32>} : memref<8x1024xf32, #tpu.memory_space<vmem>>, vector<1x16xf32>,
        %parallel_loop3A_549 = vector.shape_cast %parallel_loop3A_548 : vector<1x16xf32> to vector<16xf32>
        %parallel_loop3A_550 = vector.shape_cast %parallel_loop3A_542 : vector<16xf32> to vector<1x16xf32>
        tpu.vector_store %arg9[%parallel_loop3A_546, %parallel_loop3A_547], %parallel_loop3A_550 {strides = array<i32>} : memref<8x1024xf32, #tpu.memory_space<vmem>>, vector<1x16xf32>,
        %parallel_loop3A_551 = arith.constant 6 : i32
        %parallel_loop3A_552 = vector.broadcast %parallel_loop3A_551 : i32 to vector<16x1xi32>
        %parallel_loop3A_553 = vector.shape_cast %parallel_loop3A_552 : vector<16x1xi32> to vector<16xi32>
        %parallel_loop3A_554 = tpu.dynamic_gather %convert_element_type3A_235[%parallel_loop3A_553] in [0] : vector<16xf32>, vector<16xi32> -> vector<16xf32>
        %parallel_loop3A_555 = arith.constant 16 : i32
        %parallel_loop3A_556 = arith.muli %parallel_loop3A_406, %parallel_loop3A_555 : i32
        %parallel_loop3A_557 = arith.constant 6 : i32
        %parallel_loop3A_558 = arith.index_cast %parallel_loop3A_557 : i32 to index
        %parallel_loop3A_559 = arith.index_cast %parallel_loop3A_556 : i32 to index
        %parallel_loop3A_560 = tpu.vector_load %arg9[%parallel_loop3A_558, %parallel_loop3A_559] {strides = array<i32>} : memref<8x1024xf32, #tpu.memory_space<vmem>>, vector<1x16xf32>,
        %parallel_loop3A_561 = vector.shape_cast %parallel_loop3A_560 : vector<1x16xf32> to vector<16xf32>
        %parallel_loop3A_562 = arith.mulf %parallel_loop3A_554, %parallel_loop3A_418 : vector<16xf32>
        %parallel_loop3A_563 = arith.addf %parallel_loop3A_411, %parallel_loop3A_562 : vector<16xf32>
        %parallel_loop3A_564 = arith.addf %parallel_loop3A_561, %parallel_loop3A_563 : vector<16xf32>
        %parallel_loop3A_565 = arith.constant 16 : i32
        %parallel_loop3A_566 = arith.muli %parallel_loop3A_406, %parallel_loop3A_565 : i32
        %parallel_loop3A_567 = arith.constant 6 : i32
        %parallel_loop3A_568 = arith.index_cast %parallel_loop3A_567 : i32 to index
        %parallel_loop3A_569 = arith.index_cast %parallel_loop3A_566 : i32 to index
        %parallel_loop3A_570 = tpu.vector_load %arg9[%parallel_loop3A_568, %parallel_loop3A_569] {strides = array<i32>} : memref<8x1024xf32, #tpu.memory_space<vmem>>, vector<1x16xf32>,
        %parallel_loop3A_571 = vector.shape_cast %parallel_loop3A_570 : vector<1x16xf32> to vector<16xf32>
        %parallel_loop3A_572 = vector.shape_cast %parallel_loop3A_564 : vector<16xf32> to vector<1x16xf32>
        tpu.vector_store %arg9[%parallel_loop3A_568, %parallel_loop3A_569], %parallel_loop3A_572 {strides = array<i32>} : memref<8x1024xf32, #tpu.memory_space<vmem>>, vector<1x16xf32>,
        %parallel_loop3A_573 = arith.constant 7 : i32
        %parallel_loop3A_574 = vector.broadcast %parallel_loop3A_573 : i32 to vector<16x1xi32>
        %parallel_loop3A_575 = vector.shape_cast %parallel_loop3A_574 : vector<16x1xi32> to vector<16xi32>
        %parallel_loop3A_576 = tpu.dynamic_gather %convert_element_type3A_235[%parallel_loop3A_575] in [0] : vector<16xf32>, vector<16xi32> -> vector<16xf32>
        %parallel_loop3A_577 = arith.constant 16 : i32
        %parallel_loop3A_578 = arith.muli %parallel_loop3A_406, %parallel_loop3A_577 : i32
        %parallel_loop3A_579 = arith.constant 7 : i32
        %parallel_loop3A_580 = arith.index_cast %parallel_loop3A_579 : i32 to index
        %parallel_loop3A_581 = arith.index_cast %parallel_loop3A_578 : i32 to index
        %parallel_loop3A_582 = tpu.vector_load %arg9[%parallel_loop3A_580, %parallel_loop3A_581] {strides = array<i32>} : memref<8x1024xf32, #tpu.memory_space<vmem>>, vector<1x16xf32>,
        %parallel_loop3A_583 = vector.shape_cast %parallel_loop3A_582 : vector<1x16xf32> to vector<16xf32>
        %parallel_loop3A_584 = arith.mulf %parallel_loop3A_576, %parallel_loop3A_418 : vector<16xf32>
        %parallel_loop3A_585 = arith.addf %parallel_loop3A_411, %parallel_loop3A_584 : vector<16xf32>
        %parallel_loop3A_586 = arith.addf %parallel_loop3A_583, %parallel_loop3A_585 : vector<16xf32>
        %parallel_loop3A_587 = arith.constant 16 : i32
        %parallel_loop3A_588 = arith.muli %parallel_loop3A_406, %parallel_loop3A_587 : i32
        %parallel_loop3A_589 = arith.constant 7 : i32
        %parallel_loop3A_590 = arith.index_cast %parallel_loop3A_589 : i32 to index
        %parallel_loop3A_591 = arith.index_cast %parallel_loop3A_588 : i32 to index
        %parallel_loop3A_592 = tpu.vector_load %arg9[%parallel_loop3A_590, %parallel_loop3A_591] {strides = array<i32>} : memref<8x1024xf32, #tpu.memory_space<vmem>>, vector<1x16xf32>,
        %parallel_loop3A_593 = vector.shape_cast %parallel_loop3A_592 : vector<1x16xf32> to vector<16xf32>
        %parallel_loop3A_594 = vector.shape_cast %parallel_loop3A_586 : vector<16xf32> to vector<1x16xf32>
        tpu.vector_store %arg9[%parallel_loop3A_590, %parallel_loop3A_591], %parallel_loop3A_594 {strides = array<i32>} : memref<8x1024xf32, #tpu.memory_space<vmem>>, vector<1x16xf32>,
      } {sc.loop_unroll_factor = 2 : i64, sc.parallel_access}
      %mul3A_239 = arith.constant 8 : i32
      %mul3A_240 = arith.muli %add3A_209, %mul3A_239 : i32
      %add3A_241 = arith.addi %mul3A_2, %mul3A_240 : i32
      %dma_start3A_242 = arith.constant 0 : i32
      %dma_start3A_243 = tpu.memref_slice %arg5[%add3A_241, %dma_start3A_242] : memref<16384x1024xf32, #tpu.memory_space<hbm>> -> memref<8x1024xf32, #tpu.memory_space<hbm>>
      %dma_start3A_244 = arith.constant 0 : i32
      %dma_start3A_245 = tpu.memref_slice %arg5[%add3A_241, %dma_start3A_244] : memref<16384x1024xf32, #tpu.memory_space<hbm>> -> memref<8x1024xf32, #tpu.memory_space<hbm>>
      tpu.enqueue_dma source(%arg9 : memref<8x1024xf32, #tpu.memory_space<vmem>>) target(%dma_start3A_245 : memref<8x1024xf32, #tpu.memory_space<hbm>>) target_semaphore(%arg28 : memref<!tpu.dma_semaphore, #tpu.memory_space<semaphore_mem>>)
      %mul3A_246 = arith.constant 8 : i32
      %mul3A_247 = arith.muli %scan3A_92, %mul3A_246 : i32
      %add3A_248 = arith.constant 4 : i32
      %add3A_249 = arith.addi %mul3A_247, %add3A_248 : i32
      %add3A_250 = arith.constant 6 : i32
      %add3A_251 = arith.addi %add3A_249, %add3A_250 : i32
      %lt3A_252 = arith.constant 64 : i32
      %lt3A_253 = arith.cmpi slt, %add3A_251, %lt3A_252 : i32
      %convert_element_type3A_254 = arith.extui %lt3A_253 : i1 to i32
      %cond3A_255 = arith.constant 0 : i32
      %cond3A_256 = arith.cmpi ne, %convert_element_type3A_254, %cond3A_255 : i32
      scf.if %cond3A_256 {
        %ge3A = arith.constant 8 : i32
        %ge3A_406 = arith.cmpi sge, %add3A_251, %ge3A : i32
        %convert_element_type3A_407 = arith.extui %ge3A_406 : i1 to i32
        %cond3A_408 = arith.constant 0 : i32
        %cond3A_409 = arith.cmpi ne, %convert_element_type3A_407, %cond3A_408 : i32
        scf.if %cond3A_409 {
          %sub3A = arith.constant 8 : i32
          %sub3A_417 = arith.subi %add3A_251, %sub3A : i32
          %mul3A_418 = arith.constant 8 : i32
          %mul3A_419 = arith.muli %sub3A_417, %mul3A_418 : i32
          %add3A_420 = arith.addi %mul3A_2, %mul3A_419 : i32
          %dma_wait3A_421 = arith.constant 0 : i32
          %dma_wait3A_422 = tpu.memref_slice %arg5[%add3A_420, %dma_wait3A_421] : memref<16384x1024xf32, #tpu.memory_space<hbm>> -> memref<8x1024xf32, #tpu.memory_space<hbm>>
          %dma_wait3A_423 = arith.constant 0 : i32
          %dma_wait3A_424 = tpu.memref_slice %arg5[%add3A_420, %dma_wait3A_423] : memref<16384x1024xf32, #tpu.memory_space<hbm>> -> memref<8x1024xf32, #tpu.memory_space<hbm>>
          tpu.wait_dma2 semaphore(%arg27 : memref<!tpu.dma_semaphore, #tpu.memory_space<semaphore_mem>>) src(%arg8 : memref<8x1024xf32, #tpu.memory_space<vmem>>) dst(%dma_wait3A_424 : memref<8x1024xf32, #tpu.memory_space<hbm>>)
        } else {
        }
        %mul3A_410 = arith.constant 8 : i32
        %mul3A_411 = arith.muli %add3A_251, %mul3A_410 : i32
        %add3A_412 = arith.addi %mul3A_2, %mul3A_411 : i32
        %dma_start3A_413 = arith.constant 0 : i32
        %dma_start3A_414 = tpu.memref_slice %arg2[%add3A_412, %dma_start3A_413] : memref<16384x1024xf32, #tpu.memory_space<hbm>> -> memref<8x1024xf32, #tpu.memory_space<hbm>>
        %dma_start3A_415 = arith.constant 0 : i32
        %dma_start3A_416 = tpu.memref_slice %arg2[%add3A_412, %dma_start3A_415] : memref<16384x1024xf32, #tpu.memory_space<hbm>> -> memref<8x1024xf32, #tpu.memory_space<hbm>>
        tpu.enqueue_dma source(%dma_start3A_416 : memref<8x1024xf32, #tpu.memory_space<hbm>>) target(%arg8 : memref<8x1024xf32, #tpu.memory_space<vmem>>) target_semaphore(%arg19 : memref<!tpu.dma_semaphore, #tpu.memory_space<semaphore_mem>>)
      } else {
      }
      %mul3A_257 = arith.constant 8 : i32
      %mul3A_258 = arith.muli %add3A_249, %mul3A_257 : i32
      %add3A_259 = arith.addi %mul3A_2, %mul3A_258 : i32
      %dma_wait3A_260 = arith.constant 0 : i32
      %dma_wait3A_261 = tpu.memref_slice %arg2[%add3A_259, %dma_wait3A_260] : memref<16384x1024xf32, #tpu.memory_space<hbm>> -> memref<8x1024xf32, #tpu.memory_space<hbm>>
      %dma_wait3A_262 = arith.constant 0 : i32
      %dma_wait3A_263 = tpu.memref_slice %arg2[%add3A_259, %dma_wait3A_262] : memref<16384x1024xf32, #tpu.memory_space<hbm>> -> memref<8x1024xf32, #tpu.memory_space<hbm>>
      tpu.wait_dma2 semaphore(%arg21 : memref<!tpu.dma_semaphore, #tpu.memory_space<semaphore_mem>>) src(%dma_wait3A_263 : memref<8x1024xf32, #tpu.memory_space<hbm>>) dst(%arg10 : memref<8x1024xf32, #tpu.memory_space<vmem>>)
      %mul3A_264 = arith.constant 8 : i32
      %mul3A_265 = arith.muli %add3A_249, %mul3A_264 : i32
      %get3A_266 = arith.index_cast %mul3A_265 : i32 to index
      %get3A_267 = tpu.vector_load %arg14[%get3A_266] {strides = array<i32>} : memref<528xi32, #tpu.memory_space<vmem>>, vector<16xi32>,
      %get3A_268 = vector.shape_cast %get3A_267 : vector<16xi32> to vector<16xi32>
      %jit3A_269 = arith.constant 0 : i32
      %jit3A_270 = arith.constant 1 : i32
      %max3A_271 = vector.broadcast %jit3A_269 : i32 to vector<16xi32>
      %max3A_272 = arith.maxsi %max3A_271, %get3A_268 : vector<16xi32>
      %min3A_273 = vector.broadcast %jit3A_270 : i32 to vector<16xi32>
      %min3A_274 = arith.minsi %min3A_273, %max3A_272 : vector<16xi32>
      %convert_element_type3A_275 = arith.sitofp %min3A_274 : vector<16xi32> to vector<16xf32>
      %parallel_loop3A_276 = arith.constant 0 : i32
      %parallel_loop3A_277 = arith.constant 64 : i32
      %parallel_loop3A_278 = arith.constant 1 : i32
      scf.for %parallel_loop3A_406 = %parallel_loop3A_276 to %parallel_loop3A_277 step %parallel_loop3A_278  : i32 {
        %parallel_loop3A_407 = arith.constant 16 : i32
        %parallel_loop3A_408 = arith.muli %parallel_loop3A_406, %parallel_loop3A_407 : i32
        %parallel_loop3A_409 = arith.index_cast %parallel_loop3A_408 : i32 to index
        %parallel_loop3A_410 = tpu.vector_load %arg16[%parallel_loop3A_409] {strides = array<i32>} : memref<2048xf32, #tpu.memory_space<vmem>>, vector<16xf32>,
        %parallel_loop3A_411 = vector.shape_cast %parallel_loop3A_410 : vector<16xf32> to vector<16xf32>
        %parallel_loop3A_412 = arith.constant 16 : i32
        %parallel_loop3A_413 = arith.muli %parallel_loop3A_406, %parallel_loop3A_412 : i32
        %parallel_loop3A_414 = arith.constant 1024 : i32
        %parallel_loop3A_415 = arith.addi %parallel_loop3A_414, %parallel_loop3A_413 : i32
        %parallel_loop3A_416 = arith.index_cast %parallel_loop3A_415 : i32 to index
        %parallel_loop3A_417 = tpu.vector_load %arg16[%parallel_loop3A_416] {strides = array<i32>} : memref<2048xf32, #tpu.memory_space<vmem>>, vector<16xf32>,
        %parallel_loop3A_418 = vector.shape_cast %parallel_loop3A_417 : vector<16xf32> to vector<16xf32>
        %parallel_loop3A_419 = arith.constant 0 : i32
        %parallel_loop3A_420 = vector.broadcast %parallel_loop3A_419 : i32 to vector<16x1xi32>
        %parallel_loop3A_421 = vector.shape_cast %parallel_loop3A_420 : vector<16x1xi32> to vector<16xi32>
        %parallel_loop3A_422 = tpu.dynamic_gather %convert_element_type3A_275[%parallel_loop3A_421] in [0] : vector<16xf32>, vector<16xi32> -> vector<16xf32>
        %parallel_loop3A_423 = arith.constant 16 : i32
        %parallel_loop3A_424 = arith.muli %parallel_loop3A_406, %parallel_loop3A_423 : i32
        %parallel_loop3A_425 = arith.constant 0 : i32
        %parallel_loop3A_426 = arith.index_cast %parallel_loop3A_425 : i32 to index
        %parallel_loop3A_427 = arith.index_cast %parallel_loop3A_424 : i32 to index
        %parallel_loop3A_428 = tpu.vector_load %arg10[%parallel_loop3A_426, %parallel_loop3A_427] {strides = array<i32>} : memref<8x1024xf32, #tpu.memory_space<vmem>>, vector<1x16xf32>,
        %parallel_loop3A_429 = vector.shape_cast %parallel_loop3A_428 : vector<1x16xf32> to vector<16xf32>
        %parallel_loop3A_430 = arith.mulf %parallel_loop3A_422, %parallel_loop3A_418 : vector<16xf32>
        %parallel_loop3A_431 = arith.addf %parallel_loop3A_411, %parallel_loop3A_430 : vector<16xf32>
        %parallel_loop3A_432 = arith.addf %parallel_loop3A_429, %parallel_loop3A_431 : vector<16xf32>
        %parallel_loop3A_433 = arith.constant 16 : i32
        %parallel_loop3A_434 = arith.muli %parallel_loop3A_406, %parallel_loop3A_433 : i32
        %parallel_loop3A_435 = arith.constant 0 : i32
        %parallel_loop3A_436 = arith.index_cast %parallel_loop3A_435 : i32 to index
        %parallel_loop3A_437 = arith.index_cast %parallel_loop3A_434 : i32 to index
        %parallel_loop3A_438 = tpu.vector_load %arg10[%parallel_loop3A_436, %parallel_loop3A_437] {strides = array<i32>} : memref<8x1024xf32, #tpu.memory_space<vmem>>, vector<1x16xf32>,
        %parallel_loop3A_439 = vector.shape_cast %parallel_loop3A_438 : vector<1x16xf32> to vector<16xf32>
        %parallel_loop3A_440 = vector.shape_cast %parallel_loop3A_432 : vector<16xf32> to vector<1x16xf32>
        tpu.vector_store %arg10[%parallel_loop3A_436, %parallel_loop3A_437], %parallel_loop3A_440 {strides = array<i32>} : memref<8x1024xf32, #tpu.memory_space<vmem>>, vector<1x16xf32>,
        %parallel_loop3A_441 = arith.constant 1 : i32
        %parallel_loop3A_442 = vector.broadcast %parallel_loop3A_441 : i32 to vector<16x1xi32>
        %parallel_loop3A_443 = vector.shape_cast %parallel_loop3A_442 : vector<16x1xi32> to vector<16xi32>
        %parallel_loop3A_444 = tpu.dynamic_gather %convert_element_type3A_275[%parallel_loop3A_443] in [0] : vector<16xf32>, vector<16xi32> -> vector<16xf32>
        %parallel_loop3A_445 = arith.constant 16 : i32
        %parallel_loop3A_446 = arith.muli %parallel_loop3A_406, %parallel_loop3A_445 : i32
        %parallel_loop3A_447 = arith.constant 1 : i32
        %parallel_loop3A_448 = arith.index_cast %parallel_loop3A_447 : i32 to index
        %parallel_loop3A_449 = arith.index_cast %parallel_loop3A_446 : i32 to index
        %parallel_loop3A_450 = tpu.vector_load %arg10[%parallel_loop3A_448, %parallel_loop3A_449] {strides = array<i32>} : memref<8x1024xf32, #tpu.memory_space<vmem>>, vector<1x16xf32>,
        %parallel_loop3A_451 = vector.shape_cast %parallel_loop3A_450 : vector<1x16xf32> to vector<16xf32>
        %parallel_loop3A_452 = arith.mulf %parallel_loop3A_444, %parallel_loop3A_418 : vector<16xf32>
        %parallel_loop3A_453 = arith.addf %parallel_loop3A_411, %parallel_loop3A_452 : vector<16xf32>
        %parallel_loop3A_454 = arith.addf %parallel_loop3A_451, %parallel_loop3A_453 : vector<16xf32>
        %parallel_loop3A_455 = arith.constant 16 : i32
        %parallel_loop3A_456 = arith.muli %parallel_loop3A_406, %parallel_loop3A_455 : i32
        %parallel_loop3A_457 = arith.constant 1 : i32
        %parallel_loop3A_458 = arith.index_cast %parallel_loop3A_457 : i32 to index
        %parallel_loop3A_459 = arith.index_cast %parallel_loop3A_456 : i32 to index
        %parallel_loop3A_460 = tpu.vector_load %arg10[%parallel_loop3A_458, %parallel_loop3A_459] {strides = array<i32>} : memref<8x1024xf32, #tpu.memory_space<vmem>>, vector<1x16xf32>,
        %parallel_loop3A_461 = vector.shape_cast %parallel_loop3A_460 : vector<1x16xf32> to vector<16xf32>
        %parallel_loop3A_462 = vector.shape_cast %parallel_loop3A_454 : vector<16xf32> to vector<1x16xf32>
        tpu.vector_store %arg10[%parallel_loop3A_458, %parallel_loop3A_459], %parallel_loop3A_462 {strides = array<i32>} : memref<8x1024xf32, #tpu.memory_space<vmem>>, vector<1x16xf32>,
        %parallel_loop3A_463 = arith.constant 2 : i32
        %parallel_loop3A_464 = vector.broadcast %parallel_loop3A_463 : i32 to vector<16x1xi32>
        %parallel_loop3A_465 = vector.shape_cast %parallel_loop3A_464 : vector<16x1xi32> to vector<16xi32>
        %parallel_loop3A_466 = tpu.dynamic_gather %convert_element_type3A_275[%parallel_loop3A_465] in [0] : vector<16xf32>, vector<16xi32> -> vector<16xf32>
        %parallel_loop3A_467 = arith.constant 16 : i32
        %parallel_loop3A_468 = arith.muli %parallel_loop3A_406, %parallel_loop3A_467 : i32
        %parallel_loop3A_469 = arith.constant 2 : i32
        %parallel_loop3A_470 = arith.index_cast %parallel_loop3A_469 : i32 to index
        %parallel_loop3A_471 = arith.index_cast %parallel_loop3A_468 : i32 to index
        %parallel_loop3A_472 = tpu.vector_load %arg10[%parallel_loop3A_470, %parallel_loop3A_471] {strides = array<i32>} : memref<8x1024xf32, #tpu.memory_space<vmem>>, vector<1x16xf32>,
        %parallel_loop3A_473 = vector.shape_cast %parallel_loop3A_472 : vector<1x16xf32> to vector<16xf32>
        %parallel_loop3A_474 = arith.mulf %parallel_loop3A_466, %parallel_loop3A_418 : vector<16xf32>
        %parallel_loop3A_475 = arith.addf %parallel_loop3A_411, %parallel_loop3A_474 : vector<16xf32>
        %parallel_loop3A_476 = arith.addf %parallel_loop3A_473, %parallel_loop3A_475 : vector<16xf32>
        %parallel_loop3A_477 = arith.constant 16 : i32
        %parallel_loop3A_478 = arith.muli %parallel_loop3A_406, %parallel_loop3A_477 : i32
        %parallel_loop3A_479 = arith.constant 2 : i32
        %parallel_loop3A_480 = arith.index_cast %parallel_loop3A_479 : i32 to index
        %parallel_loop3A_481 = arith.index_cast %parallel_loop3A_478 : i32 to index
        %parallel_loop3A_482 = tpu.vector_load %arg10[%parallel_loop3A_480, %parallel_loop3A_481] {strides = array<i32>} : memref<8x1024xf32, #tpu.memory_space<vmem>>, vector<1x16xf32>,
        %parallel_loop3A_483 = vector.shape_cast %parallel_loop3A_482 : vector<1x16xf32> to vector<16xf32>
        %parallel_loop3A_484 = vector.shape_cast %parallel_loop3A_476 : vector<16xf32> to vector<1x16xf32>
        tpu.vector_store %arg10[%parallel_loop3A_480, %parallel_loop3A_481], %parallel_loop3A_484 {strides = array<i32>} : memref<8x1024xf32, #tpu.memory_space<vmem>>, vector<1x16xf32>,
        %parallel_loop3A_485 = arith.constant 3 : i32
        %parallel_loop3A_486 = vector.broadcast %parallel_loop3A_485 : i32 to vector<16x1xi32>
        %parallel_loop3A_487 = vector.shape_cast %parallel_loop3A_486 : vector<16x1xi32> to vector<16xi32>
        %parallel_loop3A_488 = tpu.dynamic_gather %convert_element_type3A_275[%parallel_loop3A_487] in [0] : vector<16xf32>, vector<16xi32> -> vector<16xf32>
        %parallel_loop3A_489 = arith.constant 16 : i32
        %parallel_loop3A_490 = arith.muli %parallel_loop3A_406, %parallel_loop3A_489 : i32
        %parallel_loop3A_491 = arith.constant 3 : i32
        %parallel_loop3A_492 = arith.index_cast %parallel_loop3A_491 : i32 to index
        %parallel_loop3A_493 = arith.index_cast %parallel_loop3A_490 : i32 to index
        %parallel_loop3A_494 = tpu.vector_load %arg10[%parallel_loop3A_492, %parallel_loop3A_493] {strides = array<i32>} : memref<8x1024xf32, #tpu.memory_space<vmem>>, vector<1x16xf32>,
        %parallel_loop3A_495 = vector.shape_cast %parallel_loop3A_494 : vector<1x16xf32> to vector<16xf32>
        %parallel_loop3A_496 = arith.mulf %parallel_loop3A_488, %parallel_loop3A_418 : vector<16xf32>
        %parallel_loop3A_497 = arith.addf %parallel_loop3A_411, %parallel_loop3A_496 : vector<16xf32>
        %parallel_loop3A_498 = arith.addf %parallel_loop3A_495, %parallel_loop3A_497 : vector<16xf32>
        %parallel_loop3A_499 = arith.constant 16 : i32
        %parallel_loop3A_500 = arith.muli %parallel_loop3A_406, %parallel_loop3A_499 : i32
        %parallel_loop3A_501 = arith.constant 3 : i32
        %parallel_loop3A_502 = arith.index_cast %parallel_loop3A_501 : i32 to index
        %parallel_loop3A_503 = arith.index_cast %parallel_loop3A_500 : i32 to index
        %parallel_loop3A_504 = tpu.vector_load %arg10[%parallel_loop3A_502, %parallel_loop3A_503] {strides = array<i32>} : memref<8x1024xf32, #tpu.memory_space<vmem>>, vector<1x16xf32>,
        %parallel_loop3A_505 = vector.shape_cast %parallel_loop3A_504 : vector<1x16xf32> to vector<16xf32>
        %parallel_loop3A_506 = vector.shape_cast %parallel_loop3A_498 : vector<16xf32> to vector<1x16xf32>
        tpu.vector_store %arg10[%parallel_loop3A_502, %parallel_loop3A_503], %parallel_loop3A_506 {strides = array<i32>} : memref<8x1024xf32, #tpu.memory_space<vmem>>, vector<1x16xf32>,
        %parallel_loop3A_507 = arith.constant 4 : i32
        %parallel_loop3A_508 = vector.broadcast %parallel_loop3A_507 : i32 to vector<16x1xi32>
        %parallel_loop3A_509 = vector.shape_cast %parallel_loop3A_508 : vector<16x1xi32> to vector<16xi32>
        %parallel_loop3A_510 = tpu.dynamic_gather %convert_element_type3A_275[%parallel_loop3A_509] in [0] : vector<16xf32>, vector<16xi32> -> vector<16xf32>
        %parallel_loop3A_511 = arith.constant 16 : i32
        %parallel_loop3A_512 = arith.muli %parallel_loop3A_406, %parallel_loop3A_511 : i32
        %parallel_loop3A_513 = arith.constant 4 : i32
        %parallel_loop3A_514 = arith.index_cast %parallel_loop3A_513 : i32 to index
        %parallel_loop3A_515 = arith.index_cast %parallel_loop3A_512 : i32 to index
        %parallel_loop3A_516 = tpu.vector_load %arg10[%parallel_loop3A_514, %parallel_loop3A_515] {strides = array<i32>} : memref<8x1024xf32, #tpu.memory_space<vmem>>, vector<1x16xf32>,
        %parallel_loop3A_517 = vector.shape_cast %parallel_loop3A_516 : vector<1x16xf32> to vector<16xf32>
        %parallel_loop3A_518 = arith.mulf %parallel_loop3A_510, %parallel_loop3A_418 : vector<16xf32>
        %parallel_loop3A_519 = arith.addf %parallel_loop3A_411, %parallel_loop3A_518 : vector<16xf32>
        %parallel_loop3A_520 = arith.addf %parallel_loop3A_517, %parallel_loop3A_519 : vector<16xf32>
        %parallel_loop3A_521 = arith.constant 16 : i32
        %parallel_loop3A_522 = arith.muli %parallel_loop3A_406, %parallel_loop3A_521 : i32
        %parallel_loop3A_523 = arith.constant 4 : i32
        %parallel_loop3A_524 = arith.index_cast %parallel_loop3A_523 : i32 to index
        %parallel_loop3A_525 = arith.index_cast %parallel_loop3A_522 : i32 to index
        %parallel_loop3A_526 = tpu.vector_load %arg10[%parallel_loop3A_524, %parallel_loop3A_525] {strides = array<i32>} : memref<8x1024xf32, #tpu.memory_space<vmem>>, vector<1x16xf32>,
        %parallel_loop3A_527 = vector.shape_cast %parallel_loop3A_526 : vector<1x16xf32> to vector<16xf32>
        %parallel_loop3A_528 = vector.shape_cast %parallel_loop3A_520 : vector<16xf32> to vector<1x16xf32>
        tpu.vector_store %arg10[%parallel_loop3A_524, %parallel_loop3A_525], %parallel_loop3A_528 {strides = array<i32>} : memref<8x1024xf32, #tpu.memory_space<vmem>>, vector<1x16xf32>,
        %parallel_loop3A_529 = arith.constant 5 : i32
        %parallel_loop3A_530 = vector.broadcast %parallel_loop3A_529 : i32 to vector<16x1xi32>
        %parallel_loop3A_531 = vector.shape_cast %parallel_loop3A_530 : vector<16x1xi32> to vector<16xi32>
        %parallel_loop3A_532 = tpu.dynamic_gather %convert_element_type3A_275[%parallel_loop3A_531] in [0] : vector<16xf32>, vector<16xi32> -> vector<16xf32>
        %parallel_loop3A_533 = arith.constant 16 : i32
        %parallel_loop3A_534 = arith.muli %parallel_loop3A_406, %parallel_loop3A_533 : i32
        %parallel_loop3A_535 = arith.constant 5 : i32
        %parallel_loop3A_536 = arith.index_cast %parallel_loop3A_535 : i32 to index
        %parallel_loop3A_537 = arith.index_cast %parallel_loop3A_534 : i32 to index
        %parallel_loop3A_538 = tpu.vector_load %arg10[%parallel_loop3A_536, %parallel_loop3A_537] {strides = array<i32>} : memref<8x1024xf32, #tpu.memory_space<vmem>>, vector<1x16xf32>,
        %parallel_loop3A_539 = vector.shape_cast %parallel_loop3A_538 : vector<1x16xf32> to vector<16xf32>
        %parallel_loop3A_540 = arith.mulf %parallel_loop3A_532, %parallel_loop3A_418 : vector<16xf32>
        %parallel_loop3A_541 = arith.addf %parallel_loop3A_411, %parallel_loop3A_540 : vector<16xf32>
        %parallel_loop3A_542 = arith.addf %parallel_loop3A_539, %parallel_loop3A_541 : vector<16xf32>
        %parallel_loop3A_543 = arith.constant 16 : i32
        %parallel_loop3A_544 = arith.muli %parallel_loop3A_406, %parallel_loop3A_543 : i32
        %parallel_loop3A_545 = arith.constant 5 : i32
        %parallel_loop3A_546 = arith.index_cast %parallel_loop3A_545 : i32 to index
        %parallel_loop3A_547 = arith.index_cast %parallel_loop3A_544 : i32 to index
        %parallel_loop3A_548 = tpu.vector_load %arg10[%parallel_loop3A_546, %parallel_loop3A_547] {strides = array<i32>} : memref<8x1024xf32, #tpu.memory_space<vmem>>, vector<1x16xf32>,
        %parallel_loop3A_549 = vector.shape_cast %parallel_loop3A_548 : vector<1x16xf32> to vector<16xf32>
        %parallel_loop3A_550 = vector.shape_cast %parallel_loop3A_542 : vector<16xf32> to vector<1x16xf32>
        tpu.vector_store %arg10[%parallel_loop3A_546, %parallel_loop3A_547], %parallel_loop3A_550 {strides = array<i32>} : memref<8x1024xf32, #tpu.memory_space<vmem>>, vector<1x16xf32>,
        %parallel_loop3A_551 = arith.constant 6 : i32
        %parallel_loop3A_552 = vector.broadcast %parallel_loop3A_551 : i32 to vector<16x1xi32>
        %parallel_loop3A_553 = vector.shape_cast %parallel_loop3A_552 : vector<16x1xi32> to vector<16xi32>
        %parallel_loop3A_554 = tpu.dynamic_gather %convert_element_type3A_275[%parallel_loop3A_553] in [0] : vector<16xf32>, vector<16xi32> -> vector<16xf32>
        %parallel_loop3A_555 = arith.constant 16 : i32
        %parallel_loop3A_556 = arith.muli %parallel_loop3A_406, %parallel_loop3A_555 : i32
        %parallel_loop3A_557 = arith.constant 6 : i32
        %parallel_loop3A_558 = arith.index_cast %parallel_loop3A_557 : i32 to index
        %parallel_loop3A_559 = arith.index_cast %parallel_loop3A_556 : i32 to index
        %parallel_loop3A_560 = tpu.vector_load %arg10[%parallel_loop3A_558, %parallel_loop3A_559] {strides = array<i32>} : memref<8x1024xf32, #tpu.memory_space<vmem>>, vector<1x16xf32>,
        %parallel_loop3A_561 = vector.shape_cast %parallel_loop3A_560 : vector<1x16xf32> to vector<16xf32>
        %parallel_loop3A_562 = arith.mulf %parallel_loop3A_554, %parallel_loop3A_418 : vector<16xf32>
        %parallel_loop3A_563 = arith.addf %parallel_loop3A_411, %parallel_loop3A_562 : vector<16xf32>
        %parallel_loop3A_564 = arith.addf %parallel_loop3A_561, %parallel_loop3A_563 : vector<16xf32>
        %parallel_loop3A_565 = arith.constant 16 : i32
        %parallel_loop3A_566 = arith.muli %parallel_loop3A_406, %parallel_loop3A_565 : i32
        %parallel_loop3A_567 = arith.constant 6 : i32
        %parallel_loop3A_568 = arith.index_cast %parallel_loop3A_567 : i32 to index
        %parallel_loop3A_569 = arith.index_cast %parallel_loop3A_566 : i32 to index
        %parallel_loop3A_570 = tpu.vector_load %arg10[%parallel_loop3A_568, %parallel_loop3A_569] {strides = array<i32>} : memref<8x1024xf32, #tpu.memory_space<vmem>>, vector<1x16xf32>,
        %parallel_loop3A_571 = vector.shape_cast %parallel_loop3A_570 : vector<1x16xf32> to vector<16xf32>
        %parallel_loop3A_572 = vector.shape_cast %parallel_loop3A_564 : vector<16xf32> to vector<1x16xf32>
        tpu.vector_store %arg10[%parallel_loop3A_568, %parallel_loop3A_569], %parallel_loop3A_572 {strides = array<i32>} : memref<8x1024xf32, #tpu.memory_space<vmem>>, vector<1x16xf32>,
        %parallel_loop3A_573 = arith.constant 7 : i32
        %parallel_loop3A_574 = vector.broadcast %parallel_loop3A_573 : i32 to vector<16x1xi32>
        %parallel_loop3A_575 = vector.shape_cast %parallel_loop3A_574 : vector<16x1xi32> to vector<16xi32>
        %parallel_loop3A_576 = tpu.dynamic_gather %convert_element_type3A_275[%parallel_loop3A_575] in [0] : vector<16xf32>, vector<16xi32> -> vector<16xf32>
        %parallel_loop3A_577 = arith.constant 16 : i32
        %parallel_loop3A_578 = arith.muli %parallel_loop3A_406, %parallel_loop3A_577 : i32
        %parallel_loop3A_579 = arith.constant 7 : i32
        %parallel_loop3A_580 = arith.index_cast %parallel_loop3A_579 : i32 to index
        %parallel_loop3A_581 = arith.index_cast %parallel_loop3A_578 : i32 to index
        %parallel_loop3A_582 = tpu.vector_load %arg10[%parallel_loop3A_580, %parallel_loop3A_581] {strides = array<i32>} : memref<8x1024xf32, #tpu.memory_space<vmem>>, vector<1x16xf32>,
        %parallel_loop3A_583 = vector.shape_cast %parallel_loop3A_582 : vector<1x16xf32> to vector<16xf32>
        %parallel_loop3A_584 = arith.mulf %parallel_loop3A_576, %parallel_loop3A_418 : vector<16xf32>
        %parallel_loop3A_585 = arith.addf %parallel_loop3A_411, %parallel_loop3A_584 : vector<16xf32>
        %parallel_loop3A_586 = arith.addf %parallel_loop3A_583, %parallel_loop3A_585 : vector<16xf32>
        %parallel_loop3A_587 = arith.constant 16 : i32
        %parallel_loop3A_588 = arith.muli %parallel_loop3A_406, %parallel_loop3A_587 : i32
        %parallel_loop3A_589 = arith.constant 7 : i32
        %parallel_loop3A_590 = arith.index_cast %parallel_loop3A_589 : i32 to index
        %parallel_loop3A_591 = arith.index_cast %parallel_loop3A_588 : i32 to index
        %parallel_loop3A_592 = tpu.vector_load %arg10[%parallel_loop3A_590, %parallel_loop3A_591] {strides = array<i32>} : memref<8x1024xf32, #tpu.memory_space<vmem>>, vector<1x16xf32>,
        %parallel_loop3A_593 = vector.shape_cast %parallel_loop3A_592 : vector<1x16xf32> to vector<16xf32>
        %parallel_loop3A_594 = vector.shape_cast %parallel_loop3A_586 : vector<16xf32> to vector<1x16xf32>
        tpu.vector_store %arg10[%parallel_loop3A_590, %parallel_loop3A_591], %parallel_loop3A_594 {strides = array<i32>} : memref<8x1024xf32, #tpu.memory_space<vmem>>, vector<1x16xf32>,
      } {sc.loop_unroll_factor = 2 : i64, sc.parallel_access}
      %mul3A_279 = arith.constant 8 : i32
      %mul3A_280 = arith.muli %add3A_249, %mul3A_279 : i32
      %add3A_281 = arith.addi %mul3A_2, %mul3A_280 : i32
      %dma_start3A_282 = arith.constant 0 : i32
      %dma_start3A_283 = tpu.memref_slice %arg5[%add3A_281, %dma_start3A_282] : memref<16384x1024xf32, #tpu.memory_space<hbm>> -> memref<8x1024xf32, #tpu.memory_space<hbm>>
      %dma_start3A_284 = arith.constant 0 : i32
      %dma_start3A_285 = tpu.memref_slice %arg5[%add3A_281, %dma_start3A_284] : memref<16384x1024xf32, #tpu.memory_space<hbm>> -> memref<8x1024xf32, #tpu.memory_space<hbm>>
      tpu.enqueue_dma source(%arg10 : memref<8x1024xf32, #tpu.memory_space<vmem>>) target(%dma_start3A_285 : memref<8x1024xf32, #tpu.memory_space<hbm>>) target_semaphore(%arg29 : memref<!tpu.dma_semaphore, #tpu.memory_space<semaphore_mem>>)
      %mul3A_286 = arith.constant 8 : i32
      %mul3A_287 = arith.muli %scan3A_92, %mul3A_286 : i32
      %add3A_288 = arith.constant 5 : i32
      %add3A_289 = arith.addi %mul3A_287, %add3A_288 : i32
      %add3A_290 = arith.constant 6 : i32
      %add3A_291 = arith.addi %add3A_289, %add3A_290 : i32
      %lt3A_292 = arith.constant 64 : i32
      %lt3A_293 = arith.cmpi slt, %add3A_291, %lt3A_292 : i32
      %convert_element_type3A_294 = arith.extui %lt3A_293 : i1 to i32
      %cond3A_295 = arith.constant 0 : i32
      %cond3A_296 = arith.cmpi ne, %convert_element_type3A_294, %cond3A_295 : i32
      scf.if %cond3A_296 {
        %ge3A = arith.constant 8 : i32
        %ge3A_406 = arith.cmpi sge, %add3A_291, %ge3A : i32
        %convert_element_type3A_407 = arith.extui %ge3A_406 : i1 to i32
        %cond3A_408 = arith.constant 0 : i32
        %cond3A_409 = arith.cmpi ne, %convert_element_type3A_407, %cond3A_408 : i32
        scf.if %cond3A_409 {
          %sub3A = arith.constant 8 : i32
          %sub3A_417 = arith.subi %add3A_291, %sub3A : i32
          %mul3A_418 = arith.constant 8 : i32
          %mul3A_419 = arith.muli %sub3A_417, %mul3A_418 : i32
          %add3A_420 = arith.addi %mul3A_2, %mul3A_419 : i32
          %dma_wait3A_421 = arith.constant 0 : i32
          %dma_wait3A_422 = tpu.memref_slice %arg5[%add3A_420, %dma_wait3A_421] : memref<16384x1024xf32, #tpu.memory_space<hbm>> -> memref<8x1024xf32, #tpu.memory_space<hbm>>
          %dma_wait3A_423 = arith.constant 0 : i32
          %dma_wait3A_424 = tpu.memref_slice %arg5[%add3A_420, %dma_wait3A_423] : memref<16384x1024xf32, #tpu.memory_space<hbm>> -> memref<8x1024xf32, #tpu.memory_space<hbm>>
          tpu.wait_dma2 semaphore(%arg28 : memref<!tpu.dma_semaphore, #tpu.memory_space<semaphore_mem>>) src(%arg9 : memref<8x1024xf32, #tpu.memory_space<vmem>>) dst(%dma_wait3A_424 : memref<8x1024xf32, #tpu.memory_space<hbm>>)
        } else {
        }
        %mul3A_410 = arith.constant 8 : i32
        %mul3A_411 = arith.muli %add3A_291, %mul3A_410 : i32
        %add3A_412 = arith.addi %mul3A_2, %mul3A_411 : i32
        %dma_start3A_413 = arith.constant 0 : i32
        %dma_start3A_414 = tpu.memref_slice %arg2[%add3A_412, %dma_start3A_413] : memref<16384x1024xf32, #tpu.memory_space<hbm>> -> memref<8x1024xf32, #tpu.memory_space<hbm>>
        %dma_start3A_415 = arith.constant 0 : i32
        %dma_start3A_416 = tpu.memref_slice %arg2[%add3A_412, %dma_start3A_415] : memref<16384x1024xf32, #tpu.memory_space<hbm>> -> memref<8x1024xf32, #tpu.memory_space<hbm>>
        tpu.enqueue_dma source(%dma_start3A_416 : memref<8x1024xf32, #tpu.memory_space<hbm>>) target(%arg9 : memref<8x1024xf32, #tpu.memory_space<vmem>>) target_semaphore(%arg20 : memref<!tpu.dma_semaphore, #tpu.memory_space<semaphore_mem>>)
      } else {
      }
      %mul3A_297 = arith.constant 8 : i32
      %mul3A_298 = arith.muli %add3A_289, %mul3A_297 : i32
      %add3A_299 = arith.addi %mul3A_2, %mul3A_298 : i32
      %dma_wait3A_300 = arith.constant 0 : i32
      %dma_wait3A_301 = tpu.memref_slice %arg2[%add3A_299, %dma_wait3A_300] : memref<16384x1024xf32, #tpu.memory_space<hbm>> -> memref<8x1024xf32, #tpu.memory_space<hbm>>
      %dma_wait3A_302 = arith.constant 0 : i32
      %dma_wait3A_303 = tpu.memref_slice %arg2[%add3A_299, %dma_wait3A_302] : memref<16384x1024xf32, #tpu.memory_space<hbm>> -> memref<8x1024xf32, #tpu.memory_space<hbm>>
      tpu.wait_dma2 semaphore(%arg22 : memref<!tpu.dma_semaphore, #tpu.memory_space<semaphore_mem>>) src(%dma_wait3A_303 : memref<8x1024xf32, #tpu.memory_space<hbm>>) dst(%arg11 : memref<8x1024xf32, #tpu.memory_space<vmem>>)
      %mul3A_304 = arith.constant 8 : i32
      %mul3A_305 = arith.muli %add3A_289, %mul3A_304 : i32
      %get3A_306 = arith.index_cast %mul3A_305 : i32 to index
      %get3A_307 = tpu.vector_load %arg14[%get3A_306] {strides = array<i32>} : memref<528xi32, #tpu.memory_space<vmem>>, vector<16xi32>,
      %get3A_308 = vector.shape_cast %get3A_307 : vector<16xi32> to vector<16xi32>
      %jit3A_309 = arith.constant 0 : i32
      %jit3A_310 = arith.constant 1 : i32
      %max3A_311 = vector.broadcast %jit3A_309 : i32 to vector<16xi32>
      %max3A_312 = arith.maxsi %max3A_311, %get3A_308 : vector<16xi32>
      %min3A_313 = vector.broadcast %jit3A_310 : i32 to vector<16xi32>
      %min3A_314 = arith.minsi %min3A_313, %max3A_312 : vector<16xi32>
      %convert_element_type3A_315 = arith.sitofp %min3A_314 : vector<16xi32> to vector<16xf32>
      %parallel_loop3A_316 = arith.constant 0 : i32
      %parallel_loop3A_317 = arith.constant 64 : i32
      %parallel_loop3A_318 = arith.constant 1 : i32
      scf.for %parallel_loop3A_406 = %parallel_loop3A_316 to %parallel_loop3A_317 step %parallel_loop3A_318  : i32 {
        %parallel_loop3A_407 = arith.constant 16 : i32
        %parallel_loop3A_408 = arith.muli %parallel_loop3A_406, %parallel_loop3A_407 : i32
        %parallel_loop3A_409 = arith.index_cast %parallel_loop3A_408 : i32 to index
        %parallel_loop3A_410 = tpu.vector_load %arg16[%parallel_loop3A_409] {strides = array<i32>} : memref<2048xf32, #tpu.memory_space<vmem>>, vector<16xf32>,
        %parallel_loop3A_411 = vector.shape_cast %parallel_loop3A_410 : vector<16xf32> to vector<16xf32>
        %parallel_loop3A_412 = arith.constant 16 : i32
        %parallel_loop3A_413 = arith.muli %parallel_loop3A_406, %parallel_loop3A_412 : i32
        %parallel_loop3A_414 = arith.constant 1024 : i32
        %parallel_loop3A_415 = arith.addi %parallel_loop3A_414, %parallel_loop3A_413 : i32
        %parallel_loop3A_416 = arith.index_cast %parallel_loop3A_415 : i32 to index
        %parallel_loop3A_417 = tpu.vector_load %arg16[%parallel_loop3A_416] {strides = array<i32>} : memref<2048xf32, #tpu.memory_space<vmem>>, vector<16xf32>,
        %parallel_loop3A_418 = vector.shape_cast %parallel_loop3A_417 : vector<16xf32> to vector<16xf32>
        %parallel_loop3A_419 = arith.constant 0 : i32
        %parallel_loop3A_420 = vector.broadcast %parallel_loop3A_419 : i32 to vector<16x1xi32>
        %parallel_loop3A_421 = vector.shape_cast %parallel_loop3A_420 : vector<16x1xi32> to vector<16xi32>
        %parallel_loop3A_422 = tpu.dynamic_gather %convert_element_type3A_315[%parallel_loop3A_421] in [0] : vector<16xf32>, vector<16xi32> -> vector<16xf32>
        %parallel_loop3A_423 = arith.constant 16 : i32
        %parallel_loop3A_424 = arith.muli %parallel_loop3A_406, %parallel_loop3A_423 : i32
        %parallel_loop3A_425 = arith.constant 0 : i32
        %parallel_loop3A_426 = arith.index_cast %parallel_loop3A_425 : i32 to index
        %parallel_loop3A_427 = arith.index_cast %parallel_loop3A_424 : i32 to index
        %parallel_loop3A_428 = tpu.vector_load %arg11[%parallel_loop3A_426, %parallel_loop3A_427] {strides = array<i32>} : memref<8x1024xf32, #tpu.memory_space<vmem>>, vector<1x16xf32>,
        %parallel_loop3A_429 = vector.shape_cast %parallel_loop3A_428 : vector<1x16xf32> to vector<16xf32>
        %parallel_loop3A_430 = arith.mulf %parallel_loop3A_422, %parallel_loop3A_418 : vector<16xf32>
        %parallel_loop3A_431 = arith.addf %parallel_loop3A_411, %parallel_loop3A_430 : vector<16xf32>
        %parallel_loop3A_432 = arith.addf %parallel_loop3A_429, %parallel_loop3A_431 : vector<16xf32>
        %parallel_loop3A_433 = arith.constant 16 : i32
        %parallel_loop3A_434 = arith.muli %parallel_loop3A_406, %parallel_loop3A_433 : i32
        %parallel_loop3A_435 = arith.constant 0 : i32
        %parallel_loop3A_436 = arith.index_cast %parallel_loop3A_435 : i32 to index
        %parallel_loop3A_437 = arith.index_cast %parallel_loop3A_434 : i32 to index
        %parallel_loop3A_438 = tpu.vector_load %arg11[%parallel_loop3A_436, %parallel_loop3A_437] {strides = array<i32>} : memref<8x1024xf32, #tpu.memory_space<vmem>>, vector<1x16xf32>,
        %parallel_loop3A_439 = vector.shape_cast %parallel_loop3A_438 : vector<1x16xf32> to vector<16xf32>
        %parallel_loop3A_440 = vector.shape_cast %parallel_loop3A_432 : vector<16xf32> to vector<1x16xf32>
        tpu.vector_store %arg11[%parallel_loop3A_436, %parallel_loop3A_437], %parallel_loop3A_440 {strides = array<i32>} : memref<8x1024xf32, #tpu.memory_space<vmem>>, vector<1x16xf32>,
        %parallel_loop3A_441 = arith.constant 1 : i32
        %parallel_loop3A_442 = vector.broadcast %parallel_loop3A_441 : i32 to vector<16x1xi32>
        %parallel_loop3A_443 = vector.shape_cast %parallel_loop3A_442 : vector<16x1xi32> to vector<16xi32>
        %parallel_loop3A_444 = tpu.dynamic_gather %convert_element_type3A_315[%parallel_loop3A_443] in [0] : vector<16xf32>, vector<16xi32> -> vector<16xf32>
        %parallel_loop3A_445 = arith.constant 16 : i32
        %parallel_loop3A_446 = arith.muli %parallel_loop3A_406, %parallel_loop3A_445 : i32
        %parallel_loop3A_447 = arith.constant 1 : i32
        %parallel_loop3A_448 = arith.index_cast %parallel_loop3A_447 : i32 to index
        %parallel_loop3A_449 = arith.index_cast %parallel_loop3A_446 : i32 to index
        %parallel_loop3A_450 = tpu.vector_load %arg11[%parallel_loop3A_448, %parallel_loop3A_449] {strides = array<i32>} : memref<8x1024xf32, #tpu.memory_space<vmem>>, vector<1x16xf32>,
        %parallel_loop3A_451 = vector.shape_cast %parallel_loop3A_450 : vector<1x16xf32> to vector<16xf32>
        %parallel_loop3A_452 = arith.mulf %parallel_loop3A_444, %parallel_loop3A_418 : vector<16xf32>
        %parallel_loop3A_453 = arith.addf %parallel_loop3A_411, %parallel_loop3A_452 : vector<16xf32>
        %parallel_loop3A_454 = arith.addf %parallel_loop3A_451, %parallel_loop3A_453 : vector<16xf32>
        %parallel_loop3A_455 = arith.constant 16 : i32
        %parallel_loop3A_456 = arith.muli %parallel_loop3A_406, %parallel_loop3A_455 : i32
        %parallel_loop3A_457 = arith.constant 1 : i32
        %parallel_loop3A_458 = arith.index_cast %parallel_loop3A_457 : i32 to index
        %parallel_loop3A_459 = arith.index_cast %parallel_loop3A_456 : i32 to index
        %parallel_loop3A_460 = tpu.vector_load %arg11[%parallel_loop3A_458, %parallel_loop3A_459] {strides = array<i32>} : memref<8x1024xf32, #tpu.memory_space<vmem>>, vector<1x16xf32>,
        %parallel_loop3A_461 = vector.shape_cast %parallel_loop3A_460 : vector<1x16xf32> to vector<16xf32>
        %parallel_loop3A_462 = vector.shape_cast %parallel_loop3A_454 : vector<16xf32> to vector<1x16xf32>
        tpu.vector_store %arg11[%parallel_loop3A_458, %parallel_loop3A_459], %parallel_loop3A_462 {strides = array<i32>} : memref<8x1024xf32, #tpu.memory_space<vmem>>, vector<1x16xf32>,
        %parallel_loop3A_463 = arith.constant 2 : i32
        %parallel_loop3A_464 = vector.broadcast %parallel_loop3A_463 : i32 to vector<16x1xi32>
        %parallel_loop3A_465 = vector.shape_cast %parallel_loop3A_464 : vector<16x1xi32> to vector<16xi32>
        %parallel_loop3A_466 = tpu.dynamic_gather %convert_element_type3A_315[%parallel_loop3A_465] in [0] : vector<16xf32>, vector<16xi32> -> vector<16xf32>
        %parallel_loop3A_467 = arith.constant 16 : i32
        %parallel_loop3A_468 = arith.muli %parallel_loop3A_406, %parallel_loop3A_467 : i32
        %parallel_loop3A_469 = arith.constant 2 : i32
        %parallel_loop3A_470 = arith.index_cast %parallel_loop3A_469 : i32 to index
        %parallel_loop3A_471 = arith.index_cast %parallel_loop3A_468 : i32 to index
        %parallel_loop3A_472 = tpu.vector_load %arg11[%parallel_loop3A_470, %parallel_loop3A_471] {strides = array<i32>} : memref<8x1024xf32, #tpu.memory_space<vmem>>, vector<1x16xf32>,
        %parallel_loop3A_473 = vector.shape_cast %parallel_loop3A_472 : vector<1x16xf32> to vector<16xf32>
        %parallel_loop3A_474 = arith.mulf %parallel_loop3A_466, %parallel_loop3A_418 : vector<16xf32>
        %parallel_loop3A_475 = arith.addf %parallel_loop3A_411, %parallel_loop3A_474 : vector<16xf32>
        %parallel_loop3A_476 = arith.addf %parallel_loop3A_473, %parallel_loop3A_475 : vector<16xf32>
        %parallel_loop3A_477 = arith.constant 16 : i32
        %parallel_loop3A_478 = arith.muli %parallel_loop3A_406, %parallel_loop3A_477 : i32
        %parallel_loop3A_479 = arith.constant 2 : i32
        %parallel_loop3A_480 = arith.index_cast %parallel_loop3A_479 : i32 to index
        %parallel_loop3A_481 = arith.index_cast %parallel_loop3A_478 : i32 to index
        %parallel_loop3A_482 = tpu.vector_load %arg11[%parallel_loop3A_480, %parallel_loop3A_481] {strides = array<i32>} : memref<8x1024xf32, #tpu.memory_space<vmem>>, vector<1x16xf32>,
        %parallel_loop3A_483 = vector.shape_cast %parallel_loop3A_482 : vector<1x16xf32> to vector<16xf32>
        %parallel_loop3A_484 = vector.shape_cast %parallel_loop3A_476 : vector<16xf32> to vector<1x16xf32>
        tpu.vector_store %arg11[%parallel_loop3A_480, %parallel_loop3A_481], %parallel_loop3A_484 {strides = array<i32>} : memref<8x1024xf32, #tpu.memory_space<vmem>>, vector<1x16xf32>,
        %parallel_loop3A_485 = arith.constant 3 : i32
        %parallel_loop3A_486 = vector.broadcast %parallel_loop3A_485 : i32 to vector<16x1xi32>
        %parallel_loop3A_487 = vector.shape_cast %parallel_loop3A_486 : vector<16x1xi32> to vector<16xi32>
        %parallel_loop3A_488 = tpu.dynamic_gather %convert_element_type3A_315[%parallel_loop3A_487] in [0] : vector<16xf32>, vector<16xi32> -> vector<16xf32>
        %parallel_loop3A_489 = arith.constant 16 : i32
        %parallel_loop3A_490 = arith.muli %parallel_loop3A_406, %parallel_loop3A_489 : i32
        %parallel_loop3A_491 = arith.constant 3 : i32
        %parallel_loop3A_492 = arith.index_cast %parallel_loop3A_491 : i32 to index
        %parallel_loop3A_493 = arith.index_cast %parallel_loop3A_490 : i32 to index
        %parallel_loop3A_494 = tpu.vector_load %arg11[%parallel_loop3A_492, %parallel_loop3A_493] {strides = array<i32>} : memref<8x1024xf32, #tpu.memory_space<vmem>>, vector<1x16xf32>,
        %parallel_loop3A_495 = vector.shape_cast %parallel_loop3A_494 : vector<1x16xf32> to vector<16xf32>
        %parallel_loop3A_496 = arith.mulf %parallel_loop3A_488, %parallel_loop3A_418 : vector<16xf32>
        %parallel_loop3A_497 = arith.addf %parallel_loop3A_411, %parallel_loop3A_496 : vector<16xf32>
        %parallel_loop3A_498 = arith.addf %parallel_loop3A_495, %parallel_loop3A_497 : vector<16xf32>
        %parallel_loop3A_499 = arith.constant 16 : i32
        %parallel_loop3A_500 = arith.muli %parallel_loop3A_406, %parallel_loop3A_499 : i32
        %parallel_loop3A_501 = arith.constant 3 : i32
        %parallel_loop3A_502 = arith.index_cast %parallel_loop3A_501 : i32 to index
        %parallel_loop3A_503 = arith.index_cast %parallel_loop3A_500 : i32 to index
        %parallel_loop3A_504 = tpu.vector_load %arg11[%parallel_loop3A_502, %parallel_loop3A_503] {strides = array<i32>} : memref<8x1024xf32, #tpu.memory_space<vmem>>, vector<1x16xf32>,
        %parallel_loop3A_505 = vector.shape_cast %parallel_loop3A_504 : vector<1x16xf32> to vector<16xf32>
        %parallel_loop3A_506 = vector.shape_cast %parallel_loop3A_498 : vector<16xf32> to vector<1x16xf32>
        tpu.vector_store %arg11[%parallel_loop3A_502, %parallel_loop3A_503], %parallel_loop3A_506 {strides = array<i32>} : memref<8x1024xf32, #tpu.memory_space<vmem>>, vector<1x16xf32>,
        %parallel_loop3A_507 = arith.constant 4 : i32
        %parallel_loop3A_508 = vector.broadcast %parallel_loop3A_507 : i32 to vector<16x1xi32>
        %parallel_loop3A_509 = vector.shape_cast %parallel_loop3A_508 : vector<16x1xi32> to vector<16xi32>
        %parallel_loop3A_510 = tpu.dynamic_gather %convert_element_type3A_315[%parallel_loop3A_509] in [0] : vector<16xf32>, vector<16xi32> -> vector<16xf32>
        %parallel_loop3A_511 = arith.constant 16 : i32
        %parallel_loop3A_512 = arith.muli %parallel_loop3A_406, %parallel_loop3A_511 : i32
        %parallel_loop3A_513 = arith.constant 4 : i32
        %parallel_loop3A_514 = arith.index_cast %parallel_loop3A_513 : i32 to index
        %parallel_loop3A_515 = arith.index_cast %parallel_loop3A_512 : i32 to index
        %parallel_loop3A_516 = tpu.vector_load %arg11[%parallel_loop3A_514, %parallel_loop3A_515] {strides = array<i32>} : memref<8x1024xf32, #tpu.memory_space<vmem>>, vector<1x16xf32>,
        %parallel_loop3A_517 = vector.shape_cast %parallel_loop3A_516 : vector<1x16xf32> to vector<16xf32>
        %parallel_loop3A_518 = arith.mulf %parallel_loop3A_510, %parallel_loop3A_418 : vector<16xf32>
        %parallel_loop3A_519 = arith.addf %parallel_loop3A_411, %parallel_loop3A_518 : vector<16xf32>
        %parallel_loop3A_520 = arith.addf %parallel_loop3A_517, %parallel_loop3A_519 : vector<16xf32>
        %parallel_loop3A_521 = arith.constant 16 : i32
        %parallel_loop3A_522 = arith.muli %parallel_loop3A_406, %parallel_loop3A_521 : i32
        %parallel_loop3A_523 = arith.constant 4 : i32
        %parallel_loop3A_524 = arith.index_cast %parallel_loop3A_523 : i32 to index
        %parallel_loop3A_525 = arith.index_cast %parallel_loop3A_522 : i32 to index
        %parallel_loop3A_526 = tpu.vector_load %arg11[%parallel_loop3A_524, %parallel_loop3A_525] {strides = array<i32>} : memref<8x1024xf32, #tpu.memory_space<vmem>>, vector<1x16xf32>,
        %parallel_loop3A_527 = vector.shape_cast %parallel_loop3A_526 : vector<1x16xf32> to vector<16xf32>
        %parallel_loop3A_528 = vector.shape_cast %parallel_loop3A_520 : vector<16xf32> to vector<1x16xf32>
        tpu.vector_store %arg11[%parallel_loop3A_524, %parallel_loop3A_525], %parallel_loop3A_528 {strides = array<i32>} : memref<8x1024xf32, #tpu.memory_space<vmem>>, vector<1x16xf32>,
        %parallel_loop3A_529 = arith.constant 5 : i32
        %parallel_loop3A_530 = vector.broadcast %parallel_loop3A_529 : i32 to vector<16x1xi32>
        %parallel_loop3A_531 = vector.shape_cast %parallel_loop3A_530 : vector<16x1xi32> to vector<16xi32>
        %parallel_loop3A_532 = tpu.dynamic_gather %convert_element_type3A_315[%parallel_loop3A_531] in [0] : vector<16xf32>, vector<16xi32> -> vector<16xf32>
        %parallel_loop3A_533 = arith.constant 16 : i32
        %parallel_loop3A_534 = arith.muli %parallel_loop3A_406, %parallel_loop3A_533 : i32
        %parallel_loop3A_535 = arith.constant 5 : i32
        %parallel_loop3A_536 = arith.index_cast %parallel_loop3A_535 : i32 to index
        %parallel_loop3A_537 = arith.index_cast %parallel_loop3A_534 : i32 to index
        %parallel_loop3A_538 = tpu.vector_load %arg11[%parallel_loop3A_536, %parallel_loop3A_537] {strides = array<i32>} : memref<8x1024xf32, #tpu.memory_space<vmem>>, vector<1x16xf32>,
        %parallel_loop3A_539 = vector.shape_cast %parallel_loop3A_538 : vector<1x16xf32> to vector<16xf32>
        %parallel_loop3A_540 = arith.mulf %parallel_loop3A_532, %parallel_loop3A_418 : vector<16xf32>
        %parallel_loop3A_541 = arith.addf %parallel_loop3A_411, %parallel_loop3A_540 : vector<16xf32>
        %parallel_loop3A_542 = arith.addf %parallel_loop3A_539, %parallel_loop3A_541 : vector<16xf32>
        %parallel_loop3A_543 = arith.constant 16 : i32
        %parallel_loop3A_544 = arith.muli %parallel_loop3A_406, %parallel_loop3A_543 : i32
        %parallel_loop3A_545 = arith.constant 5 : i32
        %parallel_loop3A_546 = arith.index_cast %parallel_loop3A_545 : i32 to index
        %parallel_loop3A_547 = arith.index_cast %parallel_loop3A_544 : i32 to index
        %parallel_loop3A_548 = tpu.vector_load %arg11[%parallel_loop3A_546, %parallel_loop3A_547] {strides = array<i32>} : memref<8x1024xf32, #tpu.memory_space<vmem>>, vector<1x16xf32>,
        %parallel_loop3A_549 = vector.shape_cast %parallel_loop3A_548 : vector<1x16xf32> to vector<16xf32>
        %parallel_loop3A_550 = vector.shape_cast %parallel_loop3A_542 : vector<16xf32> to vector<1x16xf32>
        tpu.vector_store %arg11[%parallel_loop3A_546, %parallel_loop3A_547], %parallel_loop3A_550 {strides = array<i32>} : memref<8x1024xf32, #tpu.memory_space<vmem>>, vector<1x16xf32>,
        %parallel_loop3A_551 = arith.constant 6 : i32
        %parallel_loop3A_552 = vector.broadcast %parallel_loop3A_551 : i32 to vector<16x1xi32>
        %parallel_loop3A_553 = vector.shape_cast %parallel_loop3A_552 : vector<16x1xi32> to vector<16xi32>
        %parallel_loop3A_554 = tpu.dynamic_gather %convert_element_type3A_315[%parallel_loop3A_553] in [0] : vector<16xf32>, vector<16xi32> -> vector<16xf32>
        %parallel_loop3A_555 = arith.constant 16 : i32
        %parallel_loop3A_556 = arith.muli %parallel_loop3A_406, %parallel_loop3A_555 : i32
        %parallel_loop3A_557 = arith.constant 6 : i32
        %parallel_loop3A_558 = arith.index_cast %parallel_loop3A_557 : i32 to index
        %parallel_loop3A_559 = arith.index_cast %parallel_loop3A_556 : i32 to index
        %parallel_loop3A_560 = tpu.vector_load %arg11[%parallel_loop3A_558, %parallel_loop3A_559] {strides = array<i32>} : memref<8x1024xf32, #tpu.memory_space<vmem>>, vector<1x16xf32>,
        %parallel_loop3A_561 = vector.shape_cast %parallel_loop3A_560 : vector<1x16xf32> to vector<16xf32>
        %parallel_loop3A_562 = arith.mulf %parallel_loop3A_554, %parallel_loop3A_418 : vector<16xf32>
        %parallel_loop3A_563 = arith.addf %parallel_loop3A_411, %parallel_loop3A_562 : vector<16xf32>
        %parallel_loop3A_564 = arith.addf %parallel_loop3A_561, %parallel_loop3A_563 : vector<16xf32>
        %parallel_loop3A_565 = arith.constant 16 : i32
        %parallel_loop3A_566 = arith.muli %parallel_loop3A_406, %parallel_loop3A_565 : i32
        %parallel_loop3A_567 = arith.constant 6 : i32
        %parallel_loop3A_568 = arith.index_cast %parallel_loop3A_567 : i32 to index
        %parallel_loop3A_569 = arith.index_cast %parallel_loop3A_566 : i32 to index
        %parallel_loop3A_570 = tpu.vector_load %arg11[%parallel_loop3A_568, %parallel_loop3A_569] {strides = array<i32>} : memref<8x1024xf32, #tpu.memory_space<vmem>>, vector<1x16xf32>,
        %parallel_loop3A_571 = vector.shape_cast %parallel_loop3A_570 : vector<1x16xf32> to vector<16xf32>
        %parallel_loop3A_572 = vector.shape_cast %parallel_loop3A_564 : vector<16xf32> to vector<1x16xf32>
        tpu.vector_store %arg11[%parallel_loop3A_568, %parallel_loop3A_569], %parallel_loop3A_572 {strides = array<i32>} : memref<8x1024xf32, #tpu.memory_space<vmem>>, vector<1x16xf32>,
        %parallel_loop3A_573 = arith.constant 7 : i32
        %parallel_loop3A_574 = vector.broadcast %parallel_loop3A_573 : i32 to vector<16x1xi32>
        %parallel_loop3A_575 = vector.shape_cast %parallel_loop3A_574 : vector<16x1xi32> to vector<16xi32>
        %parallel_loop3A_576 = tpu.dynamic_gather %convert_element_type3A_315[%parallel_loop3A_575] in [0] : vector<16xf32>, vector<16xi32> -> vector<16xf32>
        %parallel_loop3A_577 = arith.constant 16 : i32
        %parallel_loop3A_578 = arith.muli %parallel_loop3A_406, %parallel_loop3A_577 : i32
        %parallel_loop3A_579 = arith.constant 7 : i32
        %parallel_loop3A_580 = arith.index_cast %parallel_loop3A_579 : i32 to index
        %parallel_loop3A_581 = arith.index_cast %parallel_loop3A_578 : i32 to index
        %parallel_loop3A_582 = tpu.vector_load %arg11[%parallel_loop3A_580, %parallel_loop3A_581] {strides = array<i32>} : memref<8x1024xf32, #tpu.memory_space<vmem>>, vector<1x16xf32>,
        %parallel_loop3A_583 = vector.shape_cast %parallel_loop3A_582 : vector<1x16xf32> to vector<16xf32>
        %parallel_loop3A_584 = arith.mulf %parallel_loop3A_576, %parallel_loop3A_418 : vector<16xf32>
        %parallel_loop3A_585 = arith.addf %parallel_loop3A_411, %parallel_loop3A_584 : vector<16xf32>
        %parallel_loop3A_586 = arith.addf %parallel_loop3A_583, %parallel_loop3A_585 : vector<16xf32>
        %parallel_loop3A_587 = arith.constant 16 : i32
        %parallel_loop3A_588 = arith.muli %parallel_loop3A_406, %parallel_loop3A_587 : i32
        %parallel_loop3A_589 = arith.constant 7 : i32
        %parallel_loop3A_590 = arith.index_cast %parallel_loop3A_589 : i32 to index
        %parallel_loop3A_591 = arith.index_cast %parallel_loop3A_588 : i32 to index
        %parallel_loop3A_592 = tpu.vector_load %arg11[%parallel_loop3A_590, %parallel_loop3A_591] {strides = array<i32>} : memref<8x1024xf32, #tpu.memory_space<vmem>>, vector<1x16xf32>,
        %parallel_loop3A_593 = vector.shape_cast %parallel_loop3A_592 : vector<1x16xf32> to vector<16xf32>
        %parallel_loop3A_594 = vector.shape_cast %parallel_loop3A_586 : vector<16xf32> to vector<1x16xf32>
        tpu.vector_store %arg11[%parallel_loop3A_590, %parallel_loop3A_591], %parallel_loop3A_594 {strides = array<i32>} : memref<8x1024xf32, #tpu.memory_space<vmem>>, vector<1x16xf32>,
      } {sc.loop_unroll_factor = 2 : i64, sc.parallel_access}
      %mul3A_319 = arith.constant 8 : i32
      %mul3A_320 = arith.muli %add3A_289, %mul3A_319 : i32
      %add3A_321 = arith.addi %mul3A_2, %mul3A_320 : i32
      %dma_start3A_322 = arith.constant 0 : i32
      %dma_start3A_323 = tpu.memref_slice %arg5[%add3A_321, %dma_start3A_322] : memref<16384x1024xf32, #tpu.memory_space<hbm>> -> memref<8x1024xf32, #tpu.memory_space<hbm>>
      %dma_start3A_324 = arith.constant 0 : i32
      %dma_start3A_325 = tpu.memref_slice %arg5[%add3A_321, %dma_start3A_324] : memref<16384x1024xf32, #tpu.memory_space<hbm>> -> memref<8x1024xf32, #tpu.memory_space<hbm>>
      tpu.enqueue_dma source(%arg11 : memref<8x1024xf32, #tpu.memory_space<vmem>>) target(%dma_start3A_325 : memref<8x1024xf32, #tpu.memory_space<hbm>>) target_semaphore(%arg30 : memref<!tpu.dma_semaphore, #tpu.memory_space<semaphore_mem>>)
      %mul3A_326 = arith.constant 8 : i32
      %mul3A_327 = arith.muli %scan3A_92, %mul3A_326 : i32
      %add3A_328 = arith.constant 6 : i32
      %add3A_329 = arith.addi %mul3A_327, %add3A_328 : i32
      %add3A_330 = arith.constant 6 : i32
      %add3A_331 = arith.addi %add3A_329, %add3A_330 : i32
      %lt3A_332 = arith.constant 64 : i32
      %lt3A_333 = arith.cmpi slt, %add3A_331, %lt3A_332 : i32
      %convert_element_type3A_334 = arith.extui %lt3A_333 : i1 to i32
      %cond3A_335 = arith.constant 0 : i32
      %cond3A_336 = arith.cmpi ne, %convert_element_type3A_334, %cond3A_335 : i32
      scf.if %cond3A_336 {
        %ge3A = arith.constant 8 : i32
        %ge3A_406 = arith.cmpi sge, %add3A_331, %ge3A : i32
        %convert_element_type3A_407 = arith.extui %ge3A_406 : i1 to i32
        %cond3A_408 = arith.constant 0 : i32
        %cond3A_409 = arith.cmpi ne, %convert_element_type3A_407, %cond3A_408 : i32
        scf.if %cond3A_409 {
          %sub3A = arith.constant 8 : i32
          %sub3A_417 = arith.subi %add3A_331, %sub3A : i32
          %mul3A_418 = arith.constant 8 : i32
          %mul3A_419 = arith.muli %sub3A_417, %mul3A_418 : i32
          %add3A_420 = arith.addi %mul3A_2, %mul3A_419 : i32
          %dma_wait3A_421 = arith.constant 0 : i32
          %dma_wait3A_422 = tpu.memref_slice %arg5[%add3A_420, %dma_wait3A_421] : memref<16384x1024xf32, #tpu.memory_space<hbm>> -> memref<8x1024xf32, #tpu.memory_space<hbm>>
          %dma_wait3A_423 = arith.constant 0 : i32
          %dma_wait3A_424 = tpu.memref_slice %arg5[%add3A_420, %dma_wait3A_423] : memref<16384x1024xf32, #tpu.memory_space<hbm>> -> memref<8x1024xf32, #tpu.memory_space<hbm>>
          tpu.wait_dma2 semaphore(%arg29 : memref<!tpu.dma_semaphore, #tpu.memory_space<semaphore_mem>>) src(%arg10 : memref<8x1024xf32, #tpu.memory_space<vmem>>) dst(%dma_wait3A_424 : memref<8x1024xf32, #tpu.memory_space<hbm>>)
        } else {
        }
        %mul3A_410 = arith.constant 8 : i32
        %mul3A_411 = arith.muli %add3A_331, %mul3A_410 : i32
        %add3A_412 = arith.addi %mul3A_2, %mul3A_411 : i32
        %dma_start3A_413 = arith.constant 0 : i32
        %dma_start3A_414 = tpu.memref_slice %arg2[%add3A_412, %dma_start3A_413] : memref<16384x1024xf32, #tpu.memory_space<hbm>> -> memref<8x1024xf32, #tpu.memory_space<hbm>>
        %dma_start3A_415 = arith.constant 0 : i32
        %dma_start3A_416 = tpu.memref_slice %arg2[%add3A_412, %dma_start3A_415] : memref<16384x1024xf32, #tpu.memory_space<hbm>> -> memref<8x1024xf32, #tpu.memory_space<hbm>>
        tpu.enqueue_dma source(%dma_start3A_416 : memref<8x1024xf32, #tpu.memory_space<hbm>>) target(%arg10 : memref<8x1024xf32, #tpu.memory_space<vmem>>) target_semaphore(%arg21 : memref<!tpu.dma_semaphore, #tpu.memory_space<semaphore_mem>>)
      } else {
      }
      %mul3A_337 = arith.constant 8 : i32
      %mul3A_338 = arith.muli %add3A_329, %mul3A_337 : i32
      %add3A_339 = arith.addi %mul3A_2, %mul3A_338 : i32
      %dma_wait3A_340 = arith.constant 0 : i32
      %dma_wait3A_341 = tpu.memref_slice %arg2[%add3A_339, %dma_wait3A_340] : memref<16384x1024xf32, #tpu.memory_space<hbm>> -> memref<8x1024xf32, #tpu.memory_space<hbm>>
      %dma_wait3A_342 = arith.constant 0 : i32
      %dma_wait3A_343 = tpu.memref_slice %arg2[%add3A_339, %dma_wait3A_342] : memref<16384x1024xf32, #tpu.memory_space<hbm>> -> memref<8x1024xf32, #tpu.memory_space<hbm>>
      tpu.wait_dma2 semaphore(%arg23 : memref<!tpu.dma_semaphore, #tpu.memory_space<semaphore_mem>>) src(%dma_wait3A_343 : memref<8x1024xf32, #tpu.memory_space<hbm>>) dst(%arg12 : memref<8x1024xf32, #tpu.memory_space<vmem>>)
      %mul3A_344 = arith.constant 8 : i32
      %mul3A_345 = arith.muli %add3A_329, %mul3A_344 : i32
      %get3A_346 = arith.index_cast %mul3A_345 : i32 to index
      %get3A_347 = tpu.vector_load %arg14[%get3A_346] {strides = array<i32>} : memref<528xi32, #tpu.memory_space<vmem>>, vector<16xi32>,
      %get3A_348 = vector.shape_cast %get3A_347 : vector<16xi32> to vector<16xi32>
      %jit3A_349 = arith.constant 0 : i32
      %jit3A_350 = arith.constant 1 : i32
      %max3A_351 = vector.broadcast %jit3A_349 : i32 to vector<16xi32>
      %max3A_352 = arith.maxsi %max3A_351, %get3A_348 : vector<16xi32>
      %min3A_353 = vector.broadcast %jit3A_350 : i32 to vector<16xi32>
      %min3A_354 = arith.minsi %min3A_353, %max3A_352 : vector<16xi32>
      %convert_element_type3A_355 = arith.sitofp %min3A_354 : vector<16xi32> to vector<16xf32>
      %parallel_loop3A_356 = arith.constant 0 : i32
      %parallel_loop3A_357 = arith.constant 64 : i32
      %parallel_loop3A_358 = arith.constant 1 : i32
      scf.for %parallel_loop3A_406 = %parallel_loop3A_356 to %parallel_loop3A_357 step %parallel_loop3A_358  : i32 {
        %parallel_loop3A_407 = arith.constant 16 : i32
        %parallel_loop3A_408 = arith.muli %parallel_loop3A_406, %parallel_loop3A_407 : i32
        %parallel_loop3A_409 = arith.index_cast %parallel_loop3A_408 : i32 to index
        %parallel_loop3A_410 = tpu.vector_load %arg16[%parallel_loop3A_409] {strides = array<i32>} : memref<2048xf32, #tpu.memory_space<vmem>>, vector<16xf32>,
        %parallel_loop3A_411 = vector.shape_cast %parallel_loop3A_410 : vector<16xf32> to vector<16xf32>
        %parallel_loop3A_412 = arith.constant 16 : i32
        %parallel_loop3A_413 = arith.muli %parallel_loop3A_406, %parallel_loop3A_412 : i32
        %parallel_loop3A_414 = arith.constant 1024 : i32
        %parallel_loop3A_415 = arith.addi %parallel_loop3A_414, %parallel_loop3A_413 : i32
        %parallel_loop3A_416 = arith.index_cast %parallel_loop3A_415 : i32 to index
        %parallel_loop3A_417 = tpu.vector_load %arg16[%parallel_loop3A_416] {strides = array<i32>} : memref<2048xf32, #tpu.memory_space<vmem>>, vector<16xf32>,
        %parallel_loop3A_418 = vector.shape_cast %parallel_loop3A_417 : vector<16xf32> to vector<16xf32>
        %parallel_loop3A_419 = arith.constant 0 : i32
        %parallel_loop3A_420 = vector.broadcast %parallel_loop3A_419 : i32 to vector<16x1xi32>
        %parallel_loop3A_421 = vector.shape_cast %parallel_loop3A_420 : vector<16x1xi32> to vector<16xi32>
        %parallel_loop3A_422 = tpu.dynamic_gather %convert_element_type3A_355[%parallel_loop3A_421] in [0] : vector<16xf32>, vector<16xi32> -> vector<16xf32>
        %parallel_loop3A_423 = arith.constant 16 : i32
        %parallel_loop3A_424 = arith.muli %parallel_loop3A_406, %parallel_loop3A_423 : i32
        %parallel_loop3A_425 = arith.constant 0 : i32
        %parallel_loop3A_426 = arith.index_cast %parallel_loop3A_425 : i32 to index
        %parallel_loop3A_427 = arith.index_cast %parallel_loop3A_424 : i32 to index
        %parallel_loop3A_428 = tpu.vector_load %arg12[%parallel_loop3A_426, %parallel_loop3A_427] {strides = array<i32>} : memref<8x1024xf32, #tpu.memory_space<vmem>>, vector<1x16xf32>,
        %parallel_loop3A_429 = vector.shape_cast %parallel_loop3A_428 : vector<1x16xf32> to vector<16xf32>
        %parallel_loop3A_430 = arith.mulf %parallel_loop3A_422, %parallel_loop3A_418 : vector<16xf32>
        %parallel_loop3A_431 = arith.addf %parallel_loop3A_411, %parallel_loop3A_430 : vector<16xf32>
        %parallel_loop3A_432 = arith.addf %parallel_loop3A_429, %parallel_loop3A_431 : vector<16xf32>
        %parallel_loop3A_433 = arith.constant 16 : i32
        %parallel_loop3A_434 = arith.muli %parallel_loop3A_406, %parallel_loop3A_433 : i32
        %parallel_loop3A_435 = arith.constant 0 : i32
        %parallel_loop3A_436 = arith.index_cast %parallel_loop3A_435 : i32 to index
        %parallel_loop3A_437 = arith.index_cast %parallel_loop3A_434 : i32 to index
        %parallel_loop3A_438 = tpu.vector_load %arg12[%parallel_loop3A_436, %parallel_loop3A_437] {strides = array<i32>} : memref<8x1024xf32, #tpu.memory_space<vmem>>, vector<1x16xf32>,
        %parallel_loop3A_439 = vector.shape_cast %parallel_loop3A_438 : vector<1x16xf32> to vector<16xf32>
        %parallel_loop3A_440 = vector.shape_cast %parallel_loop3A_432 : vector<16xf32> to vector<1x16xf32>
        tpu.vector_store %arg12[%parallel_loop3A_436, %parallel_loop3A_437], %parallel_loop3A_440 {strides = array<i32>} : memref<8x1024xf32, #tpu.memory_space<vmem>>, vector<1x16xf32>,
        %parallel_loop3A_441 = arith.constant 1 : i32
        %parallel_loop3A_442 = vector.broadcast %parallel_loop3A_441 : i32 to vector<16x1xi32>
        %parallel_loop3A_443 = vector.shape_cast %parallel_loop3A_442 : vector<16x1xi32> to vector<16xi32>
        %parallel_loop3A_444 = tpu.dynamic_gather %convert_element_type3A_355[%parallel_loop3A_443] in [0] : vector<16xf32>, vector<16xi32> -> vector<16xf32>
        %parallel_loop3A_445 = arith.constant 16 : i32
        %parallel_loop3A_446 = arith.muli %parallel_loop3A_406, %parallel_loop3A_445 : i32
        %parallel_loop3A_447 = arith.constant 1 : i32
        %parallel_loop3A_448 = arith.index_cast %parallel_loop3A_447 : i32 to index
        %parallel_loop3A_449 = arith.index_cast %parallel_loop3A_446 : i32 to index
        %parallel_loop3A_450 = tpu.vector_load %arg12[%parallel_loop3A_448, %parallel_loop3A_449] {strides = array<i32>} : memref<8x1024xf32, #tpu.memory_space<vmem>>, vector<1x16xf32>,
        %parallel_loop3A_451 = vector.shape_cast %parallel_loop3A_450 : vector<1x16xf32> to vector<16xf32>
        %parallel_loop3A_452 = arith.mulf %parallel_loop3A_444, %parallel_loop3A_418 : vector<16xf32>
        %parallel_loop3A_453 = arith.addf %parallel_loop3A_411, %parallel_loop3A_452 : vector<16xf32>
        %parallel_loop3A_454 = arith.addf %parallel_loop3A_451, %parallel_loop3A_453 : vector<16xf32>
        %parallel_loop3A_455 = arith.constant 16 : i32
        %parallel_loop3A_456 = arith.muli %parallel_loop3A_406, %parallel_loop3A_455 : i32
        %parallel_loop3A_457 = arith.constant 1 : i32
        %parallel_loop3A_458 = arith.index_cast %parallel_loop3A_457 : i32 to index
        %parallel_loop3A_459 = arith.index_cast %parallel_loop3A_456 : i32 to index
        %parallel_loop3A_460 = tpu.vector_load %arg12[%parallel_loop3A_458, %parallel_loop3A_459] {strides = array<i32>} : memref<8x1024xf32, #tpu.memory_space<vmem>>, vector<1x16xf32>,
        %parallel_loop3A_461 = vector.shape_cast %parallel_loop3A_460 : vector<1x16xf32> to vector<16xf32>
        %parallel_loop3A_462 = vector.shape_cast %parallel_loop3A_454 : vector<16xf32> to vector<1x16xf32>
        tpu.vector_store %arg12[%parallel_loop3A_458, %parallel_loop3A_459], %parallel_loop3A_462 {strides = array<i32>} : memref<8x1024xf32, #tpu.memory_space<vmem>>, vector<1x16xf32>,
        %parallel_loop3A_463 = arith.constant 2 : i32
        %parallel_loop3A_464 = vector.broadcast %parallel_loop3A_463 : i32 to vector<16x1xi32>
        %parallel_loop3A_465 = vector.shape_cast %parallel_loop3A_464 : vector<16x1xi32> to vector<16xi32>
        %parallel_loop3A_466 = tpu.dynamic_gather %convert_element_type3A_355[%parallel_loop3A_465] in [0] : vector<16xf32>, vector<16xi32> -> vector<16xf32>
        %parallel_loop3A_467 = arith.constant 16 : i32
        %parallel_loop3A_468 = arith.muli %parallel_loop3A_406, %parallel_loop3A_467 : i32
        %parallel_loop3A_469 = arith.constant 2 : i32
        %parallel_loop3A_470 = arith.index_cast %parallel_loop3A_469 : i32 to index
        %parallel_loop3A_471 = arith.index_cast %parallel_loop3A_468 : i32 to index
        %parallel_loop3A_472 = tpu.vector_load %arg12[%parallel_loop3A_470, %parallel_loop3A_471] {strides = array<i32>} : memref<8x1024xf32, #tpu.memory_space<vmem>>, vector<1x16xf32>,
        %parallel_loop3A_473 = vector.shape_cast %parallel_loop3A_472 : vector<1x16xf32> to vector<16xf32>
        %parallel_loop3A_474 = arith.mulf %parallel_loop3A_466, %parallel_loop3A_418 : vector<16xf32>
        %parallel_loop3A_475 = arith.addf %parallel_loop3A_411, %parallel_loop3A_474 : vector<16xf32>
        %parallel_loop3A_476 = arith.addf %parallel_loop3A_473, %parallel_loop3A_475 : vector<16xf32>
        %parallel_loop3A_477 = arith.constant 16 : i32
        %parallel_loop3A_478 = arith.muli %parallel_loop3A_406, %parallel_loop3A_477 : i32
        %parallel_loop3A_479 = arith.constant 2 : i32
        %parallel_loop3A_480 = arith.index_cast %parallel_loop3A_479 : i32 to index
        %parallel_loop3A_481 = arith.index_cast %parallel_loop3A_478 : i32 to index
        %parallel_loop3A_482 = tpu.vector_load %arg12[%parallel_loop3A_480, %parallel_loop3A_481] {strides = array<i32>} : memref<8x1024xf32, #tpu.memory_space<vmem>>, vector<1x16xf32>,
        %parallel_loop3A_483 = vector.shape_cast %parallel_loop3A_482 : vector<1x16xf32> to vector<16xf32>
        %parallel_loop3A_484 = vector.shape_cast %parallel_loop3A_476 : vector<16xf32> to vector<1x16xf32>
        tpu.vector_store %arg12[%parallel_loop3A_480, %parallel_loop3A_481], %parallel_loop3A_484 {strides = array<i32>} : memref<8x1024xf32, #tpu.memory_space<vmem>>, vector<1x16xf32>,
        %parallel_loop3A_485 = arith.constant 3 : i32
        %parallel_loop3A_486 = vector.broadcast %parallel_loop3A_485 : i32 to vector<16x1xi32>
        %parallel_loop3A_487 = vector.shape_cast %parallel_loop3A_486 : vector<16x1xi32> to vector<16xi32>
        %parallel_loop3A_488 = tpu.dynamic_gather %convert_element_type3A_355[%parallel_loop3A_487] in [0] : vector<16xf32>, vector<16xi32> -> vector<16xf32>
        %parallel_loop3A_489 = arith.constant 16 : i32
        %parallel_loop3A_490 = arith.muli %parallel_loop3A_406, %parallel_loop3A_489 : i32
        %parallel_loop3A_491 = arith.constant 3 : i32
        %parallel_loop3A_492 = arith.index_cast %parallel_loop3A_491 : i32 to index
        %parallel_loop3A_493 = arith.index_cast %parallel_loop3A_490 : i32 to index
        %parallel_loop3A_494 = tpu.vector_load %arg12[%parallel_loop3A_492, %parallel_loop3A_493] {strides = array<i32>} : memref<8x1024xf32, #tpu.memory_space<vmem>>, vector<1x16xf32>,
        %parallel_loop3A_495 = vector.shape_cast %parallel_loop3A_494 : vector<1x16xf32> to vector<16xf32>
        %parallel_loop3A_496 = arith.mulf %parallel_loop3A_488, %parallel_loop3A_418 : vector<16xf32>
        %parallel_loop3A_497 = arith.addf %parallel_loop3A_411, %parallel_loop3A_496 : vector<16xf32>
        %parallel_loop3A_498 = arith.addf %parallel_loop3A_495, %parallel_loop3A_497 : vector<16xf32>
        %parallel_loop3A_499 = arith.constant 16 : i32
        %parallel_loop3A_500 = arith.muli %parallel_loop3A_406, %parallel_loop3A_499 : i32
        %parallel_loop3A_501 = arith.constant 3 : i32
        %parallel_loop3A_502 = arith.index_cast %parallel_loop3A_501 : i32 to index
        %parallel_loop3A_503 = arith.index_cast %parallel_loop3A_500 : i32 to index
        %parallel_loop3A_504 = tpu.vector_load %arg12[%parallel_loop3A_502, %parallel_loop3A_503] {strides = array<i32>} : memref<8x1024xf32, #tpu.memory_space<vmem>>, vector<1x16xf32>,
        %parallel_loop3A_505 = vector.shape_cast %parallel_loop3A_504 : vector<1x16xf32> to vector<16xf32>
        %parallel_loop3A_506 = vector.shape_cast %parallel_loop3A_498 : vector<16xf32> to vector<1x16xf32>
        tpu.vector_store %arg12[%parallel_loop3A_502, %parallel_loop3A_503], %parallel_loop3A_506 {strides = array<i32>} : memref<8x1024xf32, #tpu.memory_space<vmem>>, vector<1x16xf32>,
        %parallel_loop3A_507 = arith.constant 4 : i32
        %parallel_loop3A_508 = vector.broadcast %parallel_loop3A_507 : i32 to vector<16x1xi32>
        %parallel_loop3A_509 = vector.shape_cast %parallel_loop3A_508 : vector<16x1xi32> to vector<16xi32>
        %parallel_loop3A_510 = tpu.dynamic_gather %convert_element_type3A_355[%parallel_loop3A_509] in [0] : vector<16xf32>, vector<16xi32> -> vector<16xf32>
        %parallel_loop3A_511 = arith.constant 16 : i32
        %parallel_loop3A_512 = arith.muli %parallel_loop3A_406, %parallel_loop3A_511 : i32
        %parallel_loop3A_513 = arith.constant 4 : i32
        %parallel_loop3A_514 = arith.index_cast %parallel_loop3A_513 : i32 to index
        %parallel_loop3A_515 = arith.index_cast %parallel_loop3A_512 : i32 to index
        %parallel_loop3A_516 = tpu.vector_load %arg12[%parallel_loop3A_514, %parallel_loop3A_515] {strides = array<i32>} : memref<8x1024xf32, #tpu.memory_space<vmem>>, vector<1x16xf32>,
        %parallel_loop3A_517 = vector.shape_cast %parallel_loop3A_516 : vector<1x16xf32> to vector<16xf32>
        %parallel_loop3A_518 = arith.mulf %parallel_loop3A_510, %parallel_loop3A_418 : vector<16xf32>
        %parallel_loop3A_519 = arith.addf %parallel_loop3A_411, %parallel_loop3A_518 : vector<16xf32>
        %parallel_loop3A_520 = arith.addf %parallel_loop3A_517, %parallel_loop3A_519 : vector<16xf32>
        %parallel_loop3A_521 = arith.constant 16 : i32
        %parallel_loop3A_522 = arith.muli %parallel_loop3A_406, %parallel_loop3A_521 : i32
        %parallel_loop3A_523 = arith.constant 4 : i32
        %parallel_loop3A_524 = arith.index_cast %parallel_loop3A_523 : i32 to index
        %parallel_loop3A_525 = arith.index_cast %parallel_loop3A_522 : i32 to index
        %parallel_loop3A_526 = tpu.vector_load %arg12[%parallel_loop3A_524, %parallel_loop3A_525] {strides = array<i32>} : memref<8x1024xf32, #tpu.memory_space<vmem>>, vector<1x16xf32>,
        %parallel_loop3A_527 = vector.shape_cast %parallel_loop3A_526 : vector<1x16xf32> to vector<16xf32>
        %parallel_loop3A_528 = vector.shape_cast %parallel_loop3A_520 : vector<16xf32> to vector<1x16xf32>
        tpu.vector_store %arg12[%parallel_loop3A_524, %parallel_loop3A_525], %parallel_loop3A_528 {strides = array<i32>} : memref<8x1024xf32, #tpu.memory_space<vmem>>, vector<1x16xf32>,
        %parallel_loop3A_529 = arith.constant 5 : i32
        %parallel_loop3A_530 = vector.broadcast %parallel_loop3A_529 : i32 to vector<16x1xi32>
        %parallel_loop3A_531 = vector.shape_cast %parallel_loop3A_530 : vector<16x1xi32> to vector<16xi32>
        %parallel_loop3A_532 = tpu.dynamic_gather %convert_element_type3A_355[%parallel_loop3A_531] in [0] : vector<16xf32>, vector<16xi32> -> vector<16xf32>
        %parallel_loop3A_533 = arith.constant 16 : i32
        %parallel_loop3A_534 = arith.muli %parallel_loop3A_406, %parallel_loop3A_533 : i32
        %parallel_loop3A_535 = arith.constant 5 : i32
        %parallel_loop3A_536 = arith.index_cast %parallel_loop3A_535 : i32 to index
        %parallel_loop3A_537 = arith.index_cast %parallel_loop3A_534 : i32 to index
        %parallel_loop3A_538 = tpu.vector_load %arg12[%parallel_loop3A_536, %parallel_loop3A_537] {strides = array<i32>} : memref<8x1024xf32, #tpu.memory_space<vmem>>, vector<1x16xf32>,
        %parallel_loop3A_539 = vector.shape_cast %parallel_loop3A_538 : vector<1x16xf32> to vector<16xf32>
        %parallel_loop3A_540 = arith.mulf %parallel_loop3A_532, %parallel_loop3A_418 : vector<16xf32>
        %parallel_loop3A_541 = arith.addf %parallel_loop3A_411, %parallel_loop3A_540 : vector<16xf32>
        %parallel_loop3A_542 = arith.addf %parallel_loop3A_539, %parallel_loop3A_541 : vector<16xf32>
        %parallel_loop3A_543 = arith.constant 16 : i32
        %parallel_loop3A_544 = arith.muli %parallel_loop3A_406, %parallel_loop3A_543 : i32
        %parallel_loop3A_545 = arith.constant 5 : i32
        %parallel_loop3A_546 = arith.index_cast %parallel_loop3A_545 : i32 to index
        %parallel_loop3A_547 = arith.index_cast %parallel_loop3A_544 : i32 to index
        %parallel_loop3A_548 = tpu.vector_load %arg12[%parallel_loop3A_546, %parallel_loop3A_547] {strides = array<i32>} : memref<8x1024xf32, #tpu.memory_space<vmem>>, vector<1x16xf32>,
        %parallel_loop3A_549 = vector.shape_cast %parallel_loop3A_548 : vector<1x16xf32> to vector<16xf32>
        %parallel_loop3A_550 = vector.shape_cast %parallel_loop3A_542 : vector<16xf32> to vector<1x16xf32>
        tpu.vector_store %arg12[%parallel_loop3A_546, %parallel_loop3A_547], %parallel_loop3A_550 {strides = array<i32>} : memref<8x1024xf32, #tpu.memory_space<vmem>>, vector<1x16xf32>,
        %parallel_loop3A_551 = arith.constant 6 : i32
        %parallel_loop3A_552 = vector.broadcast %parallel_loop3A_551 : i32 to vector<16x1xi32>
        %parallel_loop3A_553 = vector.shape_cast %parallel_loop3A_552 : vector<16x1xi32> to vector<16xi32>
        %parallel_loop3A_554 = tpu.dynamic_gather %convert_element_type3A_355[%parallel_loop3A_553] in [0] : vector<16xf32>, vector<16xi32> -> vector<16xf32>
        %parallel_loop3A_555 = arith.constant 16 : i32
        %parallel_loop3A_556 = arith.muli %parallel_loop3A_406, %parallel_loop3A_555 : i32
        %parallel_loop3A_557 = arith.constant 6 : i32
        %parallel_loop3A_558 = arith.index_cast %parallel_loop3A_557 : i32 to index
        %parallel_loop3A_559 = arith.index_cast %parallel_loop3A_556 : i32 to index
        %parallel_loop3A_560 = tpu.vector_load %arg12[%parallel_loop3A_558, %parallel_loop3A_559] {strides = array<i32>} : memref<8x1024xf32, #tpu.memory_space<vmem>>, vector<1x16xf32>,
        %parallel_loop3A_561 = vector.shape_cast %parallel_loop3A_560 : vector<1x16xf32> to vector<16xf32>
        %parallel_loop3A_562 = arith.mulf %parallel_loop3A_554, %parallel_loop3A_418 : vector<16xf32>
        %parallel_loop3A_563 = arith.addf %parallel_loop3A_411, %parallel_loop3A_562 : vector<16xf32>
        %parallel_loop3A_564 = arith.addf %parallel_loop3A_561, %parallel_loop3A_563 : vector<16xf32>
        %parallel_loop3A_565 = arith.constant 16 : i32
        %parallel_loop3A_566 = arith.muli %parallel_loop3A_406, %parallel_loop3A_565 : i32
        %parallel_loop3A_567 = arith.constant 6 : i32
        %parallel_loop3A_568 = arith.index_cast %parallel_loop3A_567 : i32 to index
        %parallel_loop3A_569 = arith.index_cast %parallel_loop3A_566 : i32 to index
        %parallel_loop3A_570 = tpu.vector_load %arg12[%parallel_loop3A_568, %parallel_loop3A_569] {strides = array<i32>} : memref<8x1024xf32, #tpu.memory_space<vmem>>, vector<1x16xf32>,
        %parallel_loop3A_571 = vector.shape_cast %parallel_loop3A_570 : vector<1x16xf32> to vector<16xf32>
        %parallel_loop3A_572 = vector.shape_cast %parallel_loop3A_564 : vector<16xf32> to vector<1x16xf32>
        tpu.vector_store %arg12[%parallel_loop3A_568, %parallel_loop3A_569], %parallel_loop3A_572 {strides = array<i32>} : memref<8x1024xf32, #tpu.memory_space<vmem>>, vector<1x16xf32>,
        %parallel_loop3A_573 = arith.constant 7 : i32
        %parallel_loop3A_574 = vector.broadcast %parallel_loop3A_573 : i32 to vector<16x1xi32>
        %parallel_loop3A_575 = vector.shape_cast %parallel_loop3A_574 : vector<16x1xi32> to vector<16xi32>
        %parallel_loop3A_576 = tpu.dynamic_gather %convert_element_type3A_355[%parallel_loop3A_575] in [0] : vector<16xf32>, vector<16xi32> -> vector<16xf32>
        %parallel_loop3A_577 = arith.constant 16 : i32
        %parallel_loop3A_578 = arith.muli %parallel_loop3A_406, %parallel_loop3A_577 : i32
        %parallel_loop3A_579 = arith.constant 7 : i32
        %parallel_loop3A_580 = arith.index_cast %parallel_loop3A_579 : i32 to index
        %parallel_loop3A_581 = arith.index_cast %parallel_loop3A_578 : i32 to index
        %parallel_loop3A_582 = tpu.vector_load %arg12[%parallel_loop3A_580, %parallel_loop3A_581] {strides = array<i32>} : memref<8x1024xf32, #tpu.memory_space<vmem>>, vector<1x16xf32>,
        %parallel_loop3A_583 = vector.shape_cast %parallel_loop3A_582 : vector<1x16xf32> to vector<16xf32>
        %parallel_loop3A_584 = arith.mulf %parallel_loop3A_576, %parallel_loop3A_418 : vector<16xf32>
        %parallel_loop3A_585 = arith.addf %parallel_loop3A_411, %parallel_loop3A_584 : vector<16xf32>
        %parallel_loop3A_586 = arith.addf %parallel_loop3A_583, %parallel_loop3A_585 : vector<16xf32>
        %parallel_loop3A_587 = arith.constant 16 : i32
        %parallel_loop3A_588 = arith.muli %parallel_loop3A_406, %parallel_loop3A_587 : i32
        %parallel_loop3A_589 = arith.constant 7 : i32
        %parallel_loop3A_590 = arith.index_cast %parallel_loop3A_589 : i32 to index
        %parallel_loop3A_591 = arith.index_cast %parallel_loop3A_588 : i32 to index
        %parallel_loop3A_592 = tpu.vector_load %arg12[%parallel_loop3A_590, %parallel_loop3A_591] {strides = array<i32>} : memref<8x1024xf32, #tpu.memory_space<vmem>>, vector<1x16xf32>,
        %parallel_loop3A_593 = vector.shape_cast %parallel_loop3A_592 : vector<1x16xf32> to vector<16xf32>
        %parallel_loop3A_594 = vector.shape_cast %parallel_loop3A_586 : vector<16xf32> to vector<1x16xf32>
        tpu.vector_store %arg12[%parallel_loop3A_590, %parallel_loop3A_591], %parallel_loop3A_594 {strides = array<i32>} : memref<8x1024xf32, #tpu.memory_space<vmem>>, vector<1x16xf32>,
      } {sc.loop_unroll_factor = 2 : i64, sc.parallel_access}
      %mul3A_359 = arith.constant 8 : i32
      %mul3A_360 = arith.muli %add3A_329, %mul3A_359 : i32
      %add3A_361 = arith.addi %mul3A_2, %mul3A_360 : i32
      %dma_start3A_362 = arith.constant 0 : i32
      %dma_start3A_363 = tpu.memref_slice %arg5[%add3A_361, %dma_start3A_362] : memref<16384x1024xf32, #tpu.memory_space<hbm>> -> memref<8x1024xf32, #tpu.memory_space<hbm>>
      %dma_start3A_364 = arith.constant 0 : i32
      %dma_start3A_365 = tpu.memref_slice %arg5[%add3A_361, %dma_start3A_364] : memref<16384x1024xf32, #tpu.memory_space<hbm>> -> memref<8x1024xf32, #tpu.memory_space<hbm>>
      tpu.enqueue_dma source(%arg12 : memref<8x1024xf32, #tpu.memory_space<vmem>>) target(%dma_start3A_365 : memref<8x1024xf32, #tpu.memory_space<hbm>>) target_semaphore(%arg31 : memref<!tpu.dma_semaphore, #tpu.memory_space<semaphore_mem>>)
      %mul3A_366 = arith.constant 8 : i32
      %mul3A_367 = arith.muli %scan3A_92, %mul3A_366 : i32
      %add3A_368 = arith.constant 7 : i32
      %add3A_369 = arith.addi %mul3A_367, %add3A_368 : i32
      %add3A_370 = arith.constant 6 : i32
      %add3A_371 = arith.addi %add3A_369, %add3A_370 : i32
      %lt3A_372 = arith.constant 64 : i32
      %lt3A_373 = arith.cmpi slt, %add3A_371, %lt3A_372 : i32
      %convert_element_type3A_374 = arith.extui %lt3A_373 : i1 to i32
      %cond3A_375 = arith.constant 0 : i32
      %cond3A_376 = arith.cmpi ne, %convert_element_type3A_374, %cond3A_375 : i32
      scf.if %cond3A_376 {
        %ge3A = arith.constant 8 : i32
        %ge3A_406 = arith.cmpi sge, %add3A_371, %ge3A : i32
        %convert_element_type3A_407 = arith.extui %ge3A_406 : i1 to i32
        %cond3A_408 = arith.constant 0 : i32
        %cond3A_409 = arith.cmpi ne, %convert_element_type3A_407, %cond3A_408 : i32
        scf.if %cond3A_409 {
          %sub3A = arith.constant 8 : i32
          %sub3A_417 = arith.subi %add3A_371, %sub3A : i32
          %mul3A_418 = arith.constant 8 : i32
          %mul3A_419 = arith.muli %sub3A_417, %mul3A_418 : i32
          %add3A_420 = arith.addi %mul3A_2, %mul3A_419 : i32
          %dma_wait3A_421 = arith.constant 0 : i32
          %dma_wait3A_422 = tpu.memref_slice %arg5[%add3A_420, %dma_wait3A_421] : memref<16384x1024xf32, #tpu.memory_space<hbm>> -> memref<8x1024xf32, #tpu.memory_space<hbm>>
          %dma_wait3A_423 = arith.constant 0 : i32
          %dma_wait3A_424 = tpu.memref_slice %arg5[%add3A_420, %dma_wait3A_423] : memref<16384x1024xf32, #tpu.memory_space<hbm>> -> memref<8x1024xf32, #tpu.memory_space<hbm>>
          tpu.wait_dma2 semaphore(%arg30 : memref<!tpu.dma_semaphore, #tpu.memory_space<semaphore_mem>>) src(%arg11 : memref<8x1024xf32, #tpu.memory_space<vmem>>) dst(%dma_wait3A_424 : memref<8x1024xf32, #tpu.memory_space<hbm>>)
        } else {
        }
        %mul3A_410 = arith.constant 8 : i32
        %mul3A_411 = arith.muli %add3A_371, %mul3A_410 : i32
        %add3A_412 = arith.addi %mul3A_2, %mul3A_411 : i32
        %dma_start3A_413 = arith.constant 0 : i32
        %dma_start3A_414 = tpu.memref_slice %arg2[%add3A_412, %dma_start3A_413] : memref<16384x1024xf32, #tpu.memory_space<hbm>> -> memref<8x1024xf32, #tpu.memory_space<hbm>>
        %dma_start3A_415 = arith.constant 0 : i32
        %dma_start3A_416 = tpu.memref_slice %arg2[%add3A_412, %dma_start3A_415] : memref<16384x1024xf32, #tpu.memory_space<hbm>> -> memref<8x1024xf32, #tpu.memory_space<hbm>>
        tpu.enqueue_dma source(%dma_start3A_416 : memref<8x1024xf32, #tpu.memory_space<hbm>>) target(%arg11 : memref<8x1024xf32, #tpu.memory_space<vmem>>) target_semaphore(%arg22 : memref<!tpu.dma_semaphore, #tpu.memory_space<semaphore_mem>>)
      } else {
      }
      %mul3A_377 = arith.constant 8 : i32
      %mul3A_378 = arith.muli %add3A_369, %mul3A_377 : i32
      %add3A_379 = arith.addi %mul3A_2, %mul3A_378 : i32
      %dma_wait3A_380 = arith.constant 0 : i32
      %dma_wait3A_381 = tpu.memref_slice %arg2[%add3A_379, %dma_wait3A_380] : memref<16384x1024xf32, #tpu.memory_space<hbm>> -> memref<8x1024xf32, #tpu.memory_space<hbm>>
      %dma_wait3A_382 = arith.constant 0 : i32
      %dma_wait3A_383 = tpu.memref_slice %arg2[%add3A_379, %dma_wait3A_382] : memref<16384x1024xf32, #tpu.memory_space<hbm>> -> memref<8x1024xf32, #tpu.memory_space<hbm>>
      tpu.wait_dma2 semaphore(%arg24 : memref<!tpu.dma_semaphore, #tpu.memory_space<semaphore_mem>>) src(%dma_wait3A_383 : memref<8x1024xf32, #tpu.memory_space<hbm>>) dst(%arg13 : memref<8x1024xf32, #tpu.memory_space<vmem>>)
      %mul3A_384 = arith.constant 8 : i32
      %mul3A_385 = arith.muli %add3A_369, %mul3A_384 : i32
      %get3A_386 = arith.index_cast %mul3A_385 : i32 to index
      %get3A_387 = tpu.vector_load %arg14[%get3A_386] {strides = array<i32>} : memref<528xi32, #tpu.memory_space<vmem>>, vector<16xi32>,
      %get3A_388 = vector.shape_cast %get3A_387 : vector<16xi32> to vector<16xi32>
      %jit3A_389 = arith.constant 0 : i32
      %jit3A_390 = arith.constant 1 : i32
      %max3A_391 = vector.broadcast %jit3A_389 : i32 to vector<16xi32>
      %max3A_392 = arith.maxsi %max3A_391, %get3A_388 : vector<16xi32>
      %min3A_393 = vector.broadcast %jit3A_390 : i32 to vector<16xi32>
      %min3A_394 = arith.minsi %min3A_393, %max3A_392 : vector<16xi32>
      %convert_element_type3A_395 = arith.sitofp %min3A_394 : vector<16xi32> to vector<16xf32>
      %parallel_loop3A_396 = arith.constant 0 : i32
      %parallel_loop3A_397 = arith.constant 64 : i32
      %parallel_loop3A_398 = arith.constant 1 : i32
      scf.for %parallel_loop3A_406 = %parallel_loop3A_396 to %parallel_loop3A_397 step %parallel_loop3A_398  : i32 {
        %parallel_loop3A_407 = arith.constant 16 : i32
        %parallel_loop3A_408 = arith.muli %parallel_loop3A_406, %parallel_loop3A_407 : i32
        %parallel_loop3A_409 = arith.index_cast %parallel_loop3A_408 : i32 to index
        %parallel_loop3A_410 = tpu.vector_load %arg16[%parallel_loop3A_409] {strides = array<i32>} : memref<2048xf32, #tpu.memory_space<vmem>>, vector<16xf32>,
        %parallel_loop3A_411 = vector.shape_cast %parallel_loop3A_410 : vector<16xf32> to vector<16xf32>
        %parallel_loop3A_412 = arith.constant 16 : i32
        %parallel_loop3A_413 = arith.muli %parallel_loop3A_406, %parallel_loop3A_412 : i32
        %parallel_loop3A_414 = arith.constant 1024 : i32
        %parallel_loop3A_415 = arith.addi %parallel_loop3A_414, %parallel_loop3A_413 : i32
        %parallel_loop3A_416 = arith.index_cast %parallel_loop3A_415 : i32 to index
        %parallel_loop3A_417 = tpu.vector_load %arg16[%parallel_loop3A_416] {strides = array<i32>} : memref<2048xf32, #tpu.memory_space<vmem>>, vector<16xf32>,
        %parallel_loop3A_418 = vector.shape_cast %parallel_loop3A_417 : vector<16xf32> to vector<16xf32>
        %parallel_loop3A_419 = arith.constant 0 : i32
        %parallel_loop3A_420 = vector.broadcast %parallel_loop3A_419 : i32 to vector<16x1xi32>
        %parallel_loop3A_421 = vector.shape_cast %parallel_loop3A_420 : vector<16x1xi32> to vector<16xi32>
        %parallel_loop3A_422 = tpu.dynamic_gather %convert_element_type3A_395[%parallel_loop3A_421] in [0] : vector<16xf32>, vector<16xi32> -> vector<16xf32>
        %parallel_loop3A_423 = arith.constant 16 : i32
        %parallel_loop3A_424 = arith.muli %parallel_loop3A_406, %parallel_loop3A_423 : i32
        %parallel_loop3A_425 = arith.constant 0 : i32
        %parallel_loop3A_426 = arith.index_cast %parallel_loop3A_425 : i32 to index
        %parallel_loop3A_427 = arith.index_cast %parallel_loop3A_424 : i32 to index
        %parallel_loop3A_428 = tpu.vector_load %arg13[%parallel_loop3A_426, %parallel_loop3A_427] {strides = array<i32>} : memref<8x1024xf32, #tpu.memory_space<vmem>>, vector<1x16xf32>,
        %parallel_loop3A_429 = vector.shape_cast %parallel_loop3A_428 : vector<1x16xf32> to vector<16xf32>
        %parallel_loop3A_430 = arith.mulf %parallel_loop3A_422, %parallel_loop3A_418 : vector<16xf32>
        %parallel_loop3A_431 = arith.addf %parallel_loop3A_411, %parallel_loop3A_430 : vector<16xf32>
        %parallel_loop3A_432 = arith.addf %parallel_loop3A_429, %parallel_loop3A_431 : vector<16xf32>
        %parallel_loop3A_433 = arith.constant 16 : i32
        %parallel_loop3A_434 = arith.muli %parallel_loop3A_406, %parallel_loop3A_433 : i32
        %parallel_loop3A_435 = arith.constant 0 : i32
        %parallel_loop3A_436 = arith.index_cast %parallel_loop3A_435 : i32 to index
        %parallel_loop3A_437 = arith.index_cast %parallel_loop3A_434 : i32 to index
        %parallel_loop3A_438 = tpu.vector_load %arg13[%parallel_loop3A_436, %parallel_loop3A_437] {strides = array<i32>} : memref<8x1024xf32, #tpu.memory_space<vmem>>, vector<1x16xf32>,
        %parallel_loop3A_439 = vector.shape_cast %parallel_loop3A_438 : vector<1x16xf32> to vector<16xf32>
        %parallel_loop3A_440 = vector.shape_cast %parallel_loop3A_432 : vector<16xf32> to vector<1x16xf32>
        tpu.vector_store %arg13[%parallel_loop3A_436, %parallel_loop3A_437], %parallel_loop3A_440 {strides = array<i32>} : memref<8x1024xf32, #tpu.memory_space<vmem>>, vector<1x16xf32>,
        %parallel_loop3A_441 = arith.constant 1 : i32
        %parallel_loop3A_442 = vector.broadcast %parallel_loop3A_441 : i32 to vector<16x1xi32>
        %parallel_loop3A_443 = vector.shape_cast %parallel_loop3A_442 : vector<16x1xi32> to vector<16xi32>
        %parallel_loop3A_444 = tpu.dynamic_gather %convert_element_type3A_395[%parallel_loop3A_443] in [0] : vector<16xf32>, vector<16xi32> -> vector<16xf32>
        %parallel_loop3A_445 = arith.constant 16 : i32
        %parallel_loop3A_446 = arith.muli %parallel_loop3A_406, %parallel_loop3A_445 : i32
        %parallel_loop3A_447 = arith.constant 1 : i32
        %parallel_loop3A_448 = arith.index_cast %parallel_loop3A_447 : i32 to index
        %parallel_loop3A_449 = arith.index_cast %parallel_loop3A_446 : i32 to index
        %parallel_loop3A_450 = tpu.vector_load %arg13[%parallel_loop3A_448, %parallel_loop3A_449] {strides = array<i32>} : memref<8x1024xf32, #tpu.memory_space<vmem>>, vector<1x16xf32>,
        %parallel_loop3A_451 = vector.shape_cast %parallel_loop3A_450 : vector<1x16xf32> to vector<16xf32>
        %parallel_loop3A_452 = arith.mulf %parallel_loop3A_444, %parallel_loop3A_418 : vector<16xf32>
        %parallel_loop3A_453 = arith.addf %parallel_loop3A_411, %parallel_loop3A_452 : vector<16xf32>
        %parallel_loop3A_454 = arith.addf %parallel_loop3A_451, %parallel_loop3A_453 : vector<16xf32>
        %parallel_loop3A_455 = arith.constant 16 : i32
        %parallel_loop3A_456 = arith.muli %parallel_loop3A_406, %parallel_loop3A_455 : i32
        %parallel_loop3A_457 = arith.constant 1 : i32
        %parallel_loop3A_458 = arith.index_cast %parallel_loop3A_457 : i32 to index
        %parallel_loop3A_459 = arith.index_cast %parallel_loop3A_456 : i32 to index
        %parallel_loop3A_460 = tpu.vector_load %arg13[%parallel_loop3A_458, %parallel_loop3A_459] {strides = array<i32>} : memref<8x1024xf32, #tpu.memory_space<vmem>>, vector<1x16xf32>,
        %parallel_loop3A_461 = vector.shape_cast %parallel_loop3A_460 : vector<1x16xf32> to vector<16xf32>
        %parallel_loop3A_462 = vector.shape_cast %parallel_loop3A_454 : vector<16xf32> to vector<1x16xf32>
        tpu.vector_store %arg13[%parallel_loop3A_458, %parallel_loop3A_459], %parallel_loop3A_462 {strides = array<i32>} : memref<8x1024xf32, #tpu.memory_space<vmem>>, vector<1x16xf32>,
        %parallel_loop3A_463 = arith.constant 2 : i32
        %parallel_loop3A_464 = vector.broadcast %parallel_loop3A_463 : i32 to vector<16x1xi32>
        %parallel_loop3A_465 = vector.shape_cast %parallel_loop3A_464 : vector<16x1xi32> to vector<16xi32>
        %parallel_loop3A_466 = tpu.dynamic_gather %convert_element_type3A_395[%parallel_loop3A_465] in [0] : vector<16xf32>, vector<16xi32> -> vector<16xf32>
        %parallel_loop3A_467 = arith.constant 16 : i32
        %parallel_loop3A_468 = arith.muli %parallel_loop3A_406, %parallel_loop3A_467 : i32
        %parallel_loop3A_469 = arith.constant 2 : i32
        %parallel_loop3A_470 = arith.index_cast %parallel_loop3A_469 : i32 to index
        %parallel_loop3A_471 = arith.index_cast %parallel_loop3A_468 : i32 to index
        %parallel_loop3A_472 = tpu.vector_load %arg13[%parallel_loop3A_470, %parallel_loop3A_471] {strides = array<i32>} : memref<8x1024xf32, #tpu.memory_space<vmem>>, vector<1x16xf32>,
        %parallel_loop3A_473 = vector.shape_cast %parallel_loop3A_472 : vector<1x16xf32> to vector<16xf32>
        %parallel_loop3A_474 = arith.mulf %parallel_loop3A_466, %parallel_loop3A_418 : vector<16xf32>
        %parallel_loop3A_475 = arith.addf %parallel_loop3A_411, %parallel_loop3A_474 : vector<16xf32>
        %parallel_loop3A_476 = arith.addf %parallel_loop3A_473, %parallel_loop3A_475 : vector<16xf32>
        %parallel_loop3A_477 = arith.constant 16 : i32
        %parallel_loop3A_478 = arith.muli %parallel_loop3A_406, %parallel_loop3A_477 : i32
        %parallel_loop3A_479 = arith.constant 2 : i32
        %parallel_loop3A_480 = arith.index_cast %parallel_loop3A_479 : i32 to index
        %parallel_loop3A_481 = arith.index_cast %parallel_loop3A_478 : i32 to index
        %parallel_loop3A_482 = tpu.vector_load %arg13[%parallel_loop3A_480, %parallel_loop3A_481] {strides = array<i32>} : memref<8x1024xf32, #tpu.memory_space<vmem>>, vector<1x16xf32>,
        %parallel_loop3A_483 = vector.shape_cast %parallel_loop3A_482 : vector<1x16xf32> to vector<16xf32>
        %parallel_loop3A_484 = vector.shape_cast %parallel_loop3A_476 : vector<16xf32> to vector<1x16xf32>
        tpu.vector_store %arg13[%parallel_loop3A_480, %parallel_loop3A_481], %parallel_loop3A_484 {strides = array<i32>} : memref<8x1024xf32, #tpu.memory_space<vmem>>, vector<1x16xf32>,
        %parallel_loop3A_485 = arith.constant 3 : i32
        %parallel_loop3A_486 = vector.broadcast %parallel_loop3A_485 : i32 to vector<16x1xi32>
        %parallel_loop3A_487 = vector.shape_cast %parallel_loop3A_486 : vector<16x1xi32> to vector<16xi32>
        %parallel_loop3A_488 = tpu.dynamic_gather %convert_element_type3A_395[%parallel_loop3A_487] in [0] : vector<16xf32>, vector<16xi32> -> vector<16xf32>
        %parallel_loop3A_489 = arith.constant 16 : i32
        %parallel_loop3A_490 = arith.muli %parallel_loop3A_406, %parallel_loop3A_489 : i32
        %parallel_loop3A_491 = arith.constant 3 : i32
        %parallel_loop3A_492 = arith.index_cast %parallel_loop3A_491 : i32 to index
        %parallel_loop3A_493 = arith.index_cast %parallel_loop3A_490 : i32 to index
        %parallel_loop3A_494 = tpu.vector_load %arg13[%parallel_loop3A_492, %parallel_loop3A_493] {strides = array<i32>} : memref<8x1024xf32, #tpu.memory_space<vmem>>, vector<1x16xf32>,
        %parallel_loop3A_495 = vector.shape_cast %parallel_loop3A_494 : vector<1x16xf32> to vector<16xf32>
        %parallel_loop3A_496 = arith.mulf %parallel_loop3A_488, %parallel_loop3A_418 : vector<16xf32>
        %parallel_loop3A_497 = arith.addf %parallel_loop3A_411, %parallel_loop3A_496 : vector<16xf32>
        %parallel_loop3A_498 = arith.addf %parallel_loop3A_495, %parallel_loop3A_497 : vector<16xf32>
        %parallel_loop3A_499 = arith.constant 16 : i32
        %parallel_loop3A_500 = arith.muli %parallel_loop3A_406, %parallel_loop3A_499 : i32
        %parallel_loop3A_501 = arith.constant 3 : i32
        %parallel_loop3A_502 = arith.index_cast %parallel_loop3A_501 : i32 to index
        %parallel_loop3A_503 = arith.index_cast %parallel_loop3A_500 : i32 to index
        %parallel_loop3A_504 = tpu.vector_load %arg13[%parallel_loop3A_502, %parallel_loop3A_503] {strides = array<i32>} : memref<8x1024xf32, #tpu.memory_space<vmem>>, vector<1x16xf32>,
        %parallel_loop3A_505 = vector.shape_cast %parallel_loop3A_504 : vector<1x16xf32> to vector<16xf32>
        %parallel_loop3A_506 = vector.shape_cast %parallel_loop3A_498 : vector<16xf32> to vector<1x16xf32>
        tpu.vector_store %arg13[%parallel_loop3A_502, %parallel_loop3A_503], %parallel_loop3A_506 {strides = array<i32>} : memref<8x1024xf32, #tpu.memory_space<vmem>>, vector<1x16xf32>,
        %parallel_loop3A_507 = arith.constant 4 : i32
        %parallel_loop3A_508 = vector.broadcast %parallel_loop3A_507 : i32 to vector<16x1xi32>
        %parallel_loop3A_509 = vector.shape_cast %parallel_loop3A_508 : vector<16x1xi32> to vector<16xi32>
        %parallel_loop3A_510 = tpu.dynamic_gather %convert_element_type3A_395[%parallel_loop3A_509] in [0] : vector<16xf32>, vector<16xi32> -> vector<16xf32>
        %parallel_loop3A_511 = arith.constant 16 : i32
        %parallel_loop3A_512 = arith.muli %parallel_loop3A_406, %parallel_loop3A_511 : i32
        %parallel_loop3A_513 = arith.constant 4 : i32
        %parallel_loop3A_514 = arith.index_cast %parallel_loop3A_513 : i32 to index
        %parallel_loop3A_515 = arith.index_cast %parallel_loop3A_512 : i32 to index
        %parallel_loop3A_516 = tpu.vector_load %arg13[%parallel_loop3A_514, %parallel_loop3A_515] {strides = array<i32>} : memref<8x1024xf32, #tpu.memory_space<vmem>>, vector<1x16xf32>,
        %parallel_loop3A_517 = vector.shape_cast %parallel_loop3A_516 : vector<1x16xf32> to vector<16xf32>
        %parallel_loop3A_518 = arith.mulf %parallel_loop3A_510, %parallel_loop3A_418 : vector<16xf32>
        %parallel_loop3A_519 = arith.addf %parallel_loop3A_411, %parallel_loop3A_518 : vector<16xf32>
        %parallel_loop3A_520 = arith.addf %parallel_loop3A_517, %parallel_loop3A_519 : vector<16xf32>
        %parallel_loop3A_521 = arith.constant 16 : i32
        %parallel_loop3A_522 = arith.muli %parallel_loop3A_406, %parallel_loop3A_521 : i32
        %parallel_loop3A_523 = arith.constant 4 : i32
        %parallel_loop3A_524 = arith.index_cast %parallel_loop3A_523 : i32 to index
        %parallel_loop3A_525 = arith.index_cast %parallel_loop3A_522 : i32 to index
        %parallel_loop3A_526 = tpu.vector_load %arg13[%parallel_loop3A_524, %parallel_loop3A_525] {strides = array<i32>} : memref<8x1024xf32, #tpu.memory_space<vmem>>, vector<1x16xf32>,
        %parallel_loop3A_527 = vector.shape_cast %parallel_loop3A_526 : vector<1x16xf32> to vector<16xf32>
        %parallel_loop3A_528 = vector.shape_cast %parallel_loop3A_520 : vector<16xf32> to vector<1x16xf32>
        tpu.vector_store %arg13[%parallel_loop3A_524, %parallel_loop3A_525], %parallel_loop3A_528 {strides = array<i32>} : memref<8x1024xf32, #tpu.memory_space<vmem>>, vector<1x16xf32>,
        %parallel_loop3A_529 = arith.constant 5 : i32
        %parallel_loop3A_530 = vector.broadcast %parallel_loop3A_529 : i32 to vector<16x1xi32>
        %parallel_loop3A_531 = vector.shape_cast %parallel_loop3A_530 : vector<16x1xi32> to vector<16xi32>
        %parallel_loop3A_532 = tpu.dynamic_gather %convert_element_type3A_395[%parallel_loop3A_531] in [0] : vector<16xf32>, vector<16xi32> -> vector<16xf32>
        %parallel_loop3A_533 = arith.constant 16 : i32
        %parallel_loop3A_534 = arith.muli %parallel_loop3A_406, %parallel_loop3A_533 : i32
        %parallel_loop3A_535 = arith.constant 5 : i32
        %parallel_loop3A_536 = arith.index_cast %parallel_loop3A_535 : i32 to index
        %parallel_loop3A_537 = arith.index_cast %parallel_loop3A_534 : i32 to index
        %parallel_loop3A_538 = tpu.vector_load %arg13[%parallel_loop3A_536, %parallel_loop3A_537] {strides = array<i32>} : memref<8x1024xf32, #tpu.memory_space<vmem>>, vector<1x16xf32>,
        %parallel_loop3A_539 = vector.shape_cast %parallel_loop3A_538 : vector<1x16xf32> to vector<16xf32>
        %parallel_loop3A_540 = arith.mulf %parallel_loop3A_532, %parallel_loop3A_418 : vector<16xf32>
        %parallel_loop3A_541 = arith.addf %parallel_loop3A_411, %parallel_loop3A_540 : vector<16xf32>
        %parallel_loop3A_542 = arith.addf %parallel_loop3A_539, %parallel_loop3A_541 : vector<16xf32>
        %parallel_loop3A_543 = arith.constant 16 : i32
        %parallel_loop3A_544 = arith.muli %parallel_loop3A_406, %parallel_loop3A_543 : i32
        %parallel_loop3A_545 = arith.constant 5 : i32
        %parallel_loop3A_546 = arith.index_cast %parallel_loop3A_545 : i32 to index
        %parallel_loop3A_547 = arith.index_cast %parallel_loop3A_544 : i32 to index
        %parallel_loop3A_548 = tpu.vector_load %arg13[%parallel_loop3A_546, %parallel_loop3A_547] {strides = array<i32>} : memref<8x1024xf32, #tpu.memory_space<vmem>>, vector<1x16xf32>,
        %parallel_loop3A_549 = vector.shape_cast %parallel_loop3A_548 : vector<1x16xf32> to vector<16xf32>
        %parallel_loop3A_550 = vector.shape_cast %parallel_loop3A_542 : vector<16xf32> to vector<1x16xf32>
        tpu.vector_store %arg13[%parallel_loop3A_546, %parallel_loop3A_547], %parallel_loop3A_550 {strides = array<i32>} : memref<8x1024xf32, #tpu.memory_space<vmem>>, vector<1x16xf32>,
        %parallel_loop3A_551 = arith.constant 6 : i32
        %parallel_loop3A_552 = vector.broadcast %parallel_loop3A_551 : i32 to vector<16x1xi32>
        %parallel_loop3A_553 = vector.shape_cast %parallel_loop3A_552 : vector<16x1xi32> to vector<16xi32>
        %parallel_loop3A_554 = tpu.dynamic_gather %convert_element_type3A_395[%parallel_loop3A_553] in [0] : vector<16xf32>, vector<16xi32> -> vector<16xf32>
        %parallel_loop3A_555 = arith.constant 16 : i32
        %parallel_loop3A_556 = arith.muli %parallel_loop3A_406, %parallel_loop3A_555 : i32
        %parallel_loop3A_557 = arith.constant 6 : i32
        %parallel_loop3A_558 = arith.index_cast %parallel_loop3A_557 : i32 to index
        %parallel_loop3A_559 = arith.index_cast %parallel_loop3A_556 : i32 to index
        %parallel_loop3A_560 = tpu.vector_load %arg13[%parallel_loop3A_558, %parallel_loop3A_559] {strides = array<i32>} : memref<8x1024xf32, #tpu.memory_space<vmem>>, vector<1x16xf32>,
        %parallel_loop3A_561 = vector.shape_cast %parallel_loop3A_560 : vector<1x16xf32> to vector<16xf32>
        %parallel_loop3A_562 = arith.mulf %parallel_loop3A_554, %parallel_loop3A_418 : vector<16xf32>
        %parallel_loop3A_563 = arith.addf %parallel_loop3A_411, %parallel_loop3A_562 : vector<16xf32>
        %parallel_loop3A_564 = arith.addf %parallel_loop3A_561, %parallel_loop3A_563 : vector<16xf32>
        %parallel_loop3A_565 = arith.constant 16 : i32
        %parallel_loop3A_566 = arith.muli %parallel_loop3A_406, %parallel_loop3A_565 : i32
        %parallel_loop3A_567 = arith.constant 6 : i32
        %parallel_loop3A_568 = arith.index_cast %parallel_loop3A_567 : i32 to index
        %parallel_loop3A_569 = arith.index_cast %parallel_loop3A_566 : i32 to index
        %parallel_loop3A_570 = tpu.vector_load %arg13[%parallel_loop3A_568, %parallel_loop3A_569] {strides = array<i32>} : memref<8x1024xf32, #tpu.memory_space<vmem>>, vector<1x16xf32>,
        %parallel_loop3A_571 = vector.shape_cast %parallel_loop3A_570 : vector<1x16xf32> to vector<16xf32>
        %parallel_loop3A_572 = vector.shape_cast %parallel_loop3A_564 : vector<16xf32> to vector<1x16xf32>
        tpu.vector_store %arg13[%parallel_loop3A_568, %parallel_loop3A_569], %parallel_loop3A_572 {strides = array<i32>} : memref<8x1024xf32, #tpu.memory_space<vmem>>, vector<1x16xf32>,
        %parallel_loop3A_573 = arith.constant 7 : i32
        %parallel_loop3A_574 = vector.broadcast %parallel_loop3A_573 : i32 to vector<16x1xi32>
        %parallel_loop3A_575 = vector.shape_cast %parallel_loop3A_574 : vector<16x1xi32> to vector<16xi32>
        %parallel_loop3A_576 = tpu.dynamic_gather %convert_element_type3A_395[%parallel_loop3A_575] in [0] : vector<16xf32>, vector<16xi32> -> vector<16xf32>
        %parallel_loop3A_577 = arith.constant 16 : i32
        %parallel_loop3A_578 = arith.muli %parallel_loop3A_406, %parallel_loop3A_577 : i32
        %parallel_loop3A_579 = arith.constant 7 : i32
        %parallel_loop3A_580 = arith.index_cast %parallel_loop3A_579 : i32 to index
        %parallel_loop3A_581 = arith.index_cast %parallel_loop3A_578 : i32 to index
        %parallel_loop3A_582 = tpu.vector_load %arg13[%parallel_loop3A_580, %parallel_loop3A_581] {strides = array<i32>} : memref<8x1024xf32, #tpu.memory_space<vmem>>, vector<1x16xf32>,
        %parallel_loop3A_583 = vector.shape_cast %parallel_loop3A_582 : vector<1x16xf32> to vector<16xf32>
        %parallel_loop3A_584 = arith.mulf %parallel_loop3A_576, %parallel_loop3A_418 : vector<16xf32>
        %parallel_loop3A_585 = arith.addf %parallel_loop3A_411, %parallel_loop3A_584 : vector<16xf32>
        %parallel_loop3A_586 = arith.addf %parallel_loop3A_583, %parallel_loop3A_585 : vector<16xf32>
        %parallel_loop3A_587 = arith.constant 16 : i32
        %parallel_loop3A_588 = arith.muli %parallel_loop3A_406, %parallel_loop3A_587 : i32
        %parallel_loop3A_589 = arith.constant 7 : i32
        %parallel_loop3A_590 = arith.index_cast %parallel_loop3A_589 : i32 to index
        %parallel_loop3A_591 = arith.index_cast %parallel_loop3A_588 : i32 to index
        %parallel_loop3A_592 = tpu.vector_load %arg13[%parallel_loop3A_590, %parallel_loop3A_591] {strides = array<i32>} : memref<8x1024xf32, #tpu.memory_space<vmem>>, vector<1x16xf32>,
        %parallel_loop3A_593 = vector.shape_cast %parallel_loop3A_592 : vector<1x16xf32> to vector<16xf32>
        %parallel_loop3A_594 = vector.shape_cast %parallel_loop3A_586 : vector<16xf32> to vector<1x16xf32>
        tpu.vector_store %arg13[%parallel_loop3A_590, %parallel_loop3A_591], %parallel_loop3A_594 {strides = array<i32>} : memref<8x1024xf32, #tpu.memory_space<vmem>>, vector<1x16xf32>,
      } {sc.loop_unroll_factor = 2 : i64, sc.parallel_access}
      %mul3A_399 = arith.constant 8 : i32
      %mul3A_400 = arith.muli %add3A_369, %mul3A_399 : i32
      %add3A_401 = arith.addi %mul3A_2, %mul3A_400 : i32
      %dma_start3A_402 = arith.constant 0 : i32
      %dma_start3A_403 = tpu.memref_slice %arg5[%add3A_401, %dma_start3A_402] : memref<16384x1024xf32, #tpu.memory_space<hbm>> -> memref<8x1024xf32, #tpu.memory_space<hbm>>
      %dma_start3A_404 = arith.constant 0 : i32
      %dma_start3A_405 = tpu.memref_slice %arg5[%add3A_401, %dma_start3A_404] : memref<16384x1024xf32, #tpu.memory_space<hbm>> -> memref<8x1024xf32, #tpu.memory_space<hbm>>
      tpu.enqueue_dma source(%arg13 : memref<8x1024xf32, #tpu.memory_space<vmem>>) target(%dma_start3A_405 : memref<8x1024xf32, #tpu.memory_space<hbm>>) target_semaphore(%arg32 : memref<!tpu.dma_semaphore, #tpu.memory_space<semaphore_mem>>)
    }
    %scan3A_44 = arith.constant 8 : i32
    %add3A_45 = arith.constant 448 : i32
    %add3A_46 = arith.addi %mul3A_2, %add3A_45 : i32
    %dma_wait3A = arith.constant 0 : i32
    %dma_wait3A_47 = tpu.memref_slice %arg5[%add3A_46, %dma_wait3A] : memref<16384x1024xf32, #tpu.memory_space<hbm>> -> memref<8x1024xf32, #tpu.memory_space<hbm>>
    %dma_wait3A_48 = arith.constant 0 : i32
    %dma_wait3A_49 = tpu.memref_slice %arg5[%add3A_46, %dma_wait3A_48] : memref<16384x1024xf32, #tpu.memory_space<hbm>> -> memref<8x1024xf32, #tpu.memory_space<hbm>>
    tpu.wait_dma2 semaphore(%arg25 : memref<!tpu.dma_semaphore, #tpu.memory_space<semaphore_mem>>) src(%arg6 : memref<8x1024xf32, #tpu.memory_space<vmem>>) dst(%dma_wait3A_49 : memref<8x1024xf32, #tpu.memory_space<hbm>>)
    %add3A_50 = arith.constant 456 : i32
    %add3A_51 = arith.addi %mul3A_2, %add3A_50 : i32
    %dma_wait3A_52 = arith.constant 0 : i32
    %dma_wait3A_53 = tpu.memref_slice %arg5[%add3A_51, %dma_wait3A_52] : memref<16384x1024xf32, #tpu.memory_space<hbm>> -> memref<8x1024xf32, #tpu.memory_space<hbm>>
    %dma_wait3A_54 = arith.constant 0 : i32
    %dma_wait3A_55 = tpu.memref_slice %arg5[%add3A_51, %dma_wait3A_54] : memref<16384x1024xf32, #tpu.memory_space<hbm>> -> memref<8x1024xf32, #tpu.memory_space<hbm>>
    tpu.wait_dma2 semaphore(%arg26 : memref<!tpu.dma_semaphore, #tpu.memory_space<semaphore_mem>>) src(%arg7 : memref<8x1024xf32, #tpu.memory_space<vmem>>) dst(%dma_wait3A_55 : memref<8x1024xf32, #tpu.memory_space<hbm>>)
    %add3A_56 = arith.constant 464 : i32
    %add3A_57 = arith.addi %mul3A_2, %add3A_56 : i32
    %dma_wait3A_58 = arith.constant 0 : i32
    %dma_wait3A_59 = tpu.memref_slice %arg5[%add3A_57, %dma_wait3A_58] : memref<16384x1024xf32, #tpu.memory_space<hbm>> -> memref<8x1024xf32, #tpu.memory_space<hbm>>
    %dma_wait3A_60 = arith.constant 0 : i32
    %dma_wait3A_61 = tpu.memref_slice %arg5[%add3A_57, %dma_wait3A_60] : memref<16384x1024xf32, #tpu.memory_space<hbm>> -> memref<8x1024xf32, #tpu.memory_space<hbm>>
    tpu.wait_dma2 semaphore(%arg27 : memref<!tpu.dma_semaphore, #tpu.memory_space<semaphore_mem>>) src(%arg8 : memref<8x1024xf32, #tpu.memory_space<vmem>>) dst(%dma_wait3A_61 : memref<8x1024xf32, #tpu.memory_space<hbm>>)
    %add3A_62 = arith.constant 472 : i32
    %add3A_63 = arith.addi %mul3A_2, %add3A_62 : i32
    %dma_wait3A_64 = arith.constant 0 : i32
    %dma_wait3A_65 = tpu.memref_slice %arg5[%add3A_63, %dma_wait3A_64] : memref<16384x1024xf32, #tpu.memory_space<hbm>> -> memref<8x1024xf32, #tpu.memory_space<hbm>>
    %dma_wait3A_66 = arith.constant 0 : i32
    %dma_wait3A_67 = tpu.memref_slice %arg5[%add3A_63, %dma_wait3A_66] : memref<16384x1024xf32, #tpu.memory_space<hbm>> -> memref<8x1024xf32, #tpu.memory_space<hbm>>
    tpu.wait_dma2 semaphore(%arg28 : memref<!tpu.dma_semaphore, #tpu.memory_space<semaphore_mem>>) src(%arg9 : memref<8x1024xf32, #tpu.memory_space<vmem>>) dst(%dma_wait3A_67 : memref<8x1024xf32, #tpu.memory_space<hbm>>)
    %add3A_68 = arith.constant 480 : i32
    %add3A_69 = arith.addi %mul3A_2, %add3A_68 : i32
    %dma_wait3A_70 = arith.constant 0 : i32
    %dma_wait3A_71 = tpu.memref_slice %arg5[%add3A_69, %dma_wait3A_70] : memref<16384x1024xf32, #tpu.memory_space<hbm>> -> memref<8x1024xf32, #tpu.memory_space<hbm>>
    %dma_wait3A_72 = arith.constant 0 : i32
    %dma_wait3A_73 = tpu.memref_slice %arg5[%add3A_69, %dma_wait3A_72] : memref<16384x1024xf32, #tpu.memory_space<hbm>> -> memref<8x1024xf32, #tpu.memory_space<hbm>>
    tpu.wait_dma2 semaphore(%arg29 : memref<!tpu.dma_semaphore, #tpu.memory_space<semaphore_mem>>) src(%arg10 : memref<8x1024xf32, #tpu.memory_space<vmem>>) dst(%dma_wait3A_73 : memref<8x1024xf32, #tpu.memory_space<hbm>>)
    %add3A_74 = arith.constant 488 : i32
    %add3A_75 = arith.addi %mul3A_2, %add3A_74 : i32
    %dma_wait3A_76 = arith.constant 0 : i32
    %dma_wait3A_77 = tpu.memref_slice %arg5[%add3A_75, %dma_wait3A_76] : memref<16384x1024xf32, #tpu.memory_space<hbm>> -> memref<8x1024xf32, #tpu.memory_space<hbm>>
    %dma_wait3A_78 = arith.constant 0 : i32
    %dma_wait3A_79 = tpu.memref_slice %arg5[%add3A_75, %dma_wait3A_78] : memref<16384x1024xf32, #tpu.memory_space<hbm>> -> memref<8x1024xf32, #tpu.memory_space<hbm>>
    tpu.wait_dma2 semaphore(%arg30 : memref<!tpu.dma_semaphore, #tpu.memory_space<semaphore_mem>>) src(%arg11 : memref<8x1024xf32, #tpu.memory_space<vmem>>) dst(%dma_wait3A_79 : memref<8x1024xf32, #tpu.memory_space<hbm>>)
    %add3A_80 = arith.constant 496 : i32
    %add3A_81 = arith.addi %mul3A_2, %add3A_80 : i32
    %dma_wait3A_82 = arith.constant 0 : i32
    %dma_wait3A_83 = tpu.memref_slice %arg5[%add3A_81, %dma_wait3A_82] : memref<16384x1024xf32, #tpu.memory_space<hbm>> -> memref<8x1024xf32, #tpu.memory_space<hbm>>
    %dma_wait3A_84 = arith.constant 0 : i32
    %dma_wait3A_85 = tpu.memref_slice %arg5[%add3A_81, %dma_wait3A_84] : memref<16384x1024xf32, #tpu.memory_space<hbm>> -> memref<8x1024xf32, #tpu.memory_space<hbm>>
    tpu.wait_dma2 semaphore(%arg31 : memref<!tpu.dma_semaphore, #tpu.memory_space<semaphore_mem>>) src(%arg12 : memref<8x1024xf32, #tpu.memory_space<vmem>>) dst(%dma_wait3A_85 : memref<8x1024xf32, #tpu.memory_space<hbm>>)
    %add3A_86 = arith.constant 504 : i32
    %add3A_87 = arith.addi %mul3A_2, %add3A_86 : i32
    %dma_wait3A_88 = arith.constant 0 : i32
    %dma_wait3A_89 = tpu.memref_slice %arg5[%add3A_87, %dma_wait3A_88] : memref<16384x1024xf32, #tpu.memory_space<hbm>> -> memref<8x1024xf32, #tpu.memory_space<hbm>>
    %dma_wait3A_90 = arith.constant 0 : i32
    %dma_wait3A_91 = tpu.memref_slice %arg5[%add3A_87, %dma_wait3A_90] : memref<16384x1024xf32, #tpu.memory_space<hbm>> -> memref<8x1024xf32, #tpu.memory_space<hbm>>
    tpu.wait_dma2 semaphore(%arg32 : memref<!tpu.dma_semaphore, #tpu.memory_space<semaphore_mem>>) src(%arg13 : memref<8x1024xf32, #tpu.memory_space<vmem>>) dst(%dma_wait3A_91 : memref<8x1024xf32, #tpu.memory_space<hbm>>)
    return
  }
}

</mosaic_0001>

<sc_bundles>
// kernel: kernel.3.cloned.1.call-start
scs
__scs_entry_jumppad:
0x0: {  	(pc) =	sbr.rel $0x88, $3  }
0x1: {  	(tag) =	ssettag $0x0;
	lr =	simm.s32 $0x1  }
0x2: {  	[smem:$0x3F9E] =	sst lr;
	_ =	strace $0xD0000000  }
0x3: {  	_ = 	snop  }
0x4: {  	_ = 	snop  }
0x5: {  	_ = 	snop  }
0x6: {  	_ = 	snop  }
0x7: {  	_ = 	snop  }
__scs_overlays_trampoline_lowered:
0x8: {  	[smem:$0x3FAD] =	sst s0  }
0x9: {  	[smem:$0x3FAE] =	sst s1  }
0xa: {  	[smem:$0x3FAF] =	sst s2  }
0xb: {  	[smem:$0x3FB0] =	sst s3  }
0xc: {  	[smem:$0x3FB1] =	sst s4  }
0xd: {  	[smem:$0x3FB2] =	sst s5  }
0xe: {  	[smem:$0x3FB3] =	sst s6  }
0xf: {  	[smem:$0x3FB4] =	sst s7  }
0x10: {  	[smem:$0x3FB5] =	sst s8  }
0x11: {  	[smem:$0x3FB6] =	sst s9;
	s0 =	simm.s32 @!p0 $0x0  }
0x12: {  	s1 =	sld [smem:$0x3F9C];
	s0 =	simm.s32 @p0 $0x1  }
0x13: {  	[smem:$0x3FB7] =	sst s0;
	s0 =	simm.s32 @!p1 $0x0  }
0x14: {  	s2 =	sld [smem:$0x3F9B];
	s0 =	simm.s32 @p1 $0x1  }
0x15: {  	[smem:$0x3FB8] =	sst s0;
	s0 =	simm.s32 @!p2 $0x0  }
0x16: {  	s3 =	sld [smem:$0x3FDB];
	s0 =	simm.s32 @p2 $0x1  }
0x17: {  	s4 =	simm.s32 $0x1BF5;
	[smem:$0x3FBA] =	sst s0  }
0x18: {  	s0 =	sld [smem:$0x3F9D];
	_ =	swait.ge [sflag:s4], $0x0  }
0x19: {  	s7 =	sld [smem:$0x3F9E]  }
0x1a: {  	s8 =	sadd.s32 $0xFFFFE003, lr  }
0x1b: {  	s9 =	sadd.s32 $0xFFFFFEF7, lr;
	s5 =	simm.s32 $0xFFFFFFFF;
	p2 =	slt.u32 s8, $0xFFFFF086  }
0x1c: {  	p1 =	slt.u32 s9, $0xF7A;
	s5 =	simm.s32 @!p2 $0x0  }
0x1d: {  	s5 =	simm.s32 @p1 $0x1;
	p0 =	seq.s32 s7, s2  }
0x1e: {  	s7 =	smul.u32 @!p0 $0xF7A, s2;
	p2 =	seq.s32 @!p0 s5, $0x0  }
0x1f: {  	s9 =	smul.u32 $0xF7A, s1;
	s8 =	simm.s32 @!p0 $0x1BF5;
	p2 =	por !p2, p0  }
0x20: {  	[sflag:s8] =	ssyncset.s32 @!p0 $0xFFFFF086;
	s6 =	sadd.s32 @!p0 s3, s7;
	s7 =	simm.s32 @!p0 $0x108  }
0x21: {  	s3 =	sadd.s32 s3, s9;
	s6 =	sadd.s32 @!p0 $0x88, s6;
	s7 =	simm.s32 @p2 $0x1082  }
0x22: {  	[simem:s7], [sflag:s8] =	dma.local @!p0 [hbm:s6], $0xF7A  }
0x23: {  	s9 =	sor.u32 $0xD0000000, s2;
	s6 =	simm.s32 $0x108;
	_ =	swait.ge @!p0 [sflag:s8], $0x0  }
0x24: {  	s3 =	sadd.s32 $0x88, s3;
	s6 =	simm.s32 @!p1 $0x1082;
	[sflag:s4] =	ssyncset.s32 $0xFFFFF086  }
0x25: {  	[simem:s6], [sflag:s4] =	dma.local [hbm:s3], $0xF7A  }
0x26: {  	[smem:$0x3F9E] =	sst s1;
	(tag) =	ssettag s2;
	_ =	strace s9  }
0x27: {  	s1 =	sld [smem:$0x3FAE]  }
0x28: {  	s2 =	sld [smem:$0x3FAF]  }
0x29: {  	s4 =	sld [smem:$0x3FB1]  }
0x2a: {  	p0 =	seq.s32 s5, $0x0;
	s5 =	sld [smem:$0x3FB2]  }
0x2b: {  	s6 =	sld [smem:$0x3FB3]  }
0x2c: {  	s7 =	sld [smem:$0x3FB4]  }
0x2d: {  	s3 =	simm.s32 $0x108;
	s8 =	sld [smem:$0x3FB5]  }
0x2e: {  	s3 =	simm.s32 @!p0 $0x1082;
	s9 =	sld [smem:$0x3FB6]  }
0x2f: {  	lr =	sadd.s32 s0, s3;
	s0 =	sld [smem:$0x3FAD]  }
0x30: {  	s3 =	sld [smem:$0x3FB0]  }
0x31: {  	[smem:$0x3FB9] =	sst s10  }
0x32: {  	s10 =	sld [smem:$0x3FB7];
	_ =	sdelay $0x3  }
0x33: {  	p0 =	seq.s32 s10, $0x1;
	s10 =	sld [smem:$0x3FB9];
	_ =	sdelay $0x3  }
0x34: {  	[smem:$0x3FB9] =	sst s10  }
0x35: {  	s10 =	sld [smem:$0x3FB8];
	_ =	sdelay $0x3  }
0x36: {  	p1 =	seq.s32 s10, $0x1;
	s10 =	sld [smem:$0x3FB9];
	_ =	sdelay $0x3  }
0x37: {  	[smem:$0x3FB9] =	sst s10  }
0x38: {  	s10 =	sld [smem:$0x3FBA]  }
0x39: {  	_ = 	snop;
	(pc) =	sbr.ind lr, $3  }
0x3a: {  	_ = 	snop  }
0x3b: {  	_ = 	snop  }
0x3c: {  	p2 =	seq.s32 s10, $0x1;
	s10 =	sld [smem:$0x3FB9]  }
0x3d: {  	_ =	shalt  }
0x3e: {  	_ =	shalt  }
0x3f: {  	_ =	shalt  }
0x40: {  	_ =	shalt  }
0x41: {  	_ =	shalt  }
0x42: {  	_ =	shalt  }
0x43: {  	_ =	shalt  }
0x44: {  	_ =	shalt  }
0x45: {  	_ =	shalt  }
0x46: {  	_ =	shalt  }
0x47: {  	_ =	shalt  }
0x48: {  	_ =	shalt  }
0x49: {  	_ =	shalt  }
0x4a: {  	_ =	shalt  }
0x4b: {  	_ =	shalt  }
0x4c: {  	_ =	shalt  }
0x4d: {  	_ =	shalt  }
0x4e: {  	_ =	shalt  }
0x4f: {  	_ =	shalt  }
0x50: {  	_ =	shalt  }
0x51: {  	_ =	shalt  }
0x52: {  	_ =	shalt  }
0x53: {  	_ =	shalt  }
0x54: {  	_ =	shalt  }
0x55: {  	_ =	shalt  }
0x56: {  	_ =	shalt  }
0x57: {  	_ =	shalt  }
0x58: {  	_ =	shalt  }
0x59: {  	_ =	shalt  }
0x5a: {  	_ =	shalt  }
0x5b: {  	_ =	shalt  }
0x5c: {  	_ =	shalt  }
0x5d: {  	_ =	shalt  }
0x5e: {  	_ =	shalt  }
0x5f: {  	_ =	shalt  }
0x60: {  	_ =	shalt  }
0x61: {  	_ =	shalt  }
0x62: {  	_ =	shalt  }
0x63: {  	_ =	shalt  }
0x64: {  	_ =	shalt  }
0x65: {  	_ =	shalt  }
0x66: {  	_ =	shalt  }
0x67: {  	_ =	shalt  }
0x68: {  	_ =	shalt  }
0x69: {  	_ =	shalt  }
0x6a: {  	_ =	shalt  }
0x6b: {  	_ =	shalt  }
0x6c: {  	_ =	shalt  }
0x6d: {  	_ =	shalt  }
0x6e: {  	_ =	shalt  }
0x6f: {  	_ =	shalt  }
0x70: {  	_ =	shalt  }
0x71: {  	_ =	shalt  }
0x72: {  	_ =	shalt  }
0x73: {  	_ =	shalt  }
0x74: {  	_ =	shalt  }
0x75: {  	_ =	shalt  }
0x76: {  	_ =	shalt  }
0x77: {  	_ =	shalt  }
0x78: {  	_ =	shalt  }
0x79: {  	_ =	shalt  }
0x7a: {  	_ =	shalt  }
0x7b: {  	_ =	shalt  }
0x7c: {  	_ =	shalt  }
0x7d: {  	_ =	shalt  }
0x7e: {  	_ =	shalt  }
0x7f: {  	_ =	shalt  }
0x80: {  	_ =	shalt  }
0x81: {  	_ =	shalt  }
0x82: {  	_ =	shalt  }
0x83: {  	_ =	shalt  }
0x84: {  	_ =	shalt  }
0x85: {  	_ =	shalt  }
0x86: {  	_ =	shalt  }
0x87: {  	_ =	shalt  }
.Lfunc_end0:
.L_simem_size_0:
called_computation_lowered:
.L_overlay_start_0:
0x88: {  	s2 =	sld [smem:$0x3FD9]  }
0x89: {  	s3 =	sld [smem:$0x3FFE];
	_ =	sdelay $0x1  }
0x8a: {  	s1 =	srdreg.scid  }
0x8b: {  	s0 =	sand.u32 $0x1, s1  }
0x8c: {  	s17 =	sshll.u32 s0, $0xA;
	s2 =	sadd.s32 s3, s2  }
0x8d: {  	s2 =	sadd.s32 s2, s17  }
0x8e: {  	[smem:$0x3FC5] =	sst s2  }
0x8f: {  	_ = 	snop  }
0x90: {  	s2 =	sld [smem:$0x3FC9]  }
0x91: {  	s18 =	sld [smem:$0x3FC7]  }
0x92: {  	s4 =	sld [smem:$0x3FD0];
	(tm) =	ssettm $0x1  }
0x93: {  	s5 =	sld [smem:$0x3FFB];
	_ =	sdelay $0x3  }
0x94: {  	_ =	strace s5  }
0x95: {  	s5 =	sld [smem:$0x3FFC];
	_ =	sdelay $0x3  }
0x96: {  	_ =	strace s5  }
0x97: {  	s5 =	sld [smem:$0x3FFD];
	_ =	sdelay $0x3  }
0x98: {  	_ =	strace s5  }
0x99: {  	_ =	strace $0x8FFFFFFF  }
0x9a: {  	s19 =	sld [smem:$0x3FDB];
	_ =	sdelay $0x1  }
0x9b: {  	s6 =	simm.s32 $_scs_section_size  }
0x9c: {  	s7 =	simm.s32 $_size__tile_overlayer_lowered;
	s8 =	simm.s32 $_tile_overlayer_lowered  }
0x9d: {  	s22 =	simm.s32 $0x1BFF;
	s21 =	sshll.u32 s8, $0x1;
	s5 =	sadd.s32 s6, s19  }
0x9e: {  	s9 =	simm.s32 $0x0;
	s20 =	sshll.u32 s7, $0x1;
	s7 =	sadd.s32 s21, s5  }
0x9f: {  	[timem:s9], [sflag:s22] =	dma.local [hbm:s7], s20  }
0xa0: {  	_ =	swait.ge [sflag:s22], s20  }
0xa1: {  	s6 =	ssub.s32 $0x0, s20;
	[sflag:s22] =	ssyncset.done $0x0  }
0xa2: {  	[sflag:s22] =	ssyncadd.s32 s6;
	_ =	sdelay $0x1  }
0xa3: {  	s23 =	simm.s32 $0x1B8B  }
0xa4: {  	_ =	swait.ge [sflag:s23], $0x1  }
0xa5: {  	[sflag:s23] =	ssyncset.done $0x0  }
0xa6: {  	s25 =	simm.s32 $0x1B8E;
	s24 =	sld [smem:$0x3FFE];
	[sflag:s23] =	ssyncadd.s32 $0xFFFFFFFF  }
0xa7: {  	s26 =	simm.s32 $execute0_lowered;
	[smem:$0x3FD2] =	sst s25  }
0xa8: {  	s7 =	sshll.u32 s26, $0x1;
	_ =	strace $0x80000046;
	[dreg:$0x1] =	wrdreg $0xFFFFFFFF  }
0xa9: {  	s28 =	simm.s32 $_size_execute0_lowered;
	s5 =	sadd.s32 s5, s7;
	[dreg:$0x0] =	wrdreg $0x0  }
0xaa: {  	s7 =	sshll.u32 s28, $0x1;
	[dreg:$0x2] =	wrdreg s5  }
0xab: {  	[dreg:$0x3] =	wrdreg s7  }
0xac: {  	[dreg:$0x4] =	wrdreg $0xC0  }
0xad: {  	_ =	task [dreg:s9], $0x5FFFF  }
0xae: {  	[dreg:$0x1] =	wrdreg $0xFFFFFFFF  }
0xaf: {  	[dreg:$0x0] =	wrdreg $0x60  }
0xb0: {  	[dreg:$0x2] =	wrdreg s2  }
0xb1: {  	[dreg:$0x3] =	wrdreg s24  }
0xb2: {  	[dreg:$0x4] =	wrdreg s18  }
0xb3: {  	[dreg:$0x5] =	wrdreg s4  }
0xb4: {  	[dreg:$0x6] =	wrdreg $0x9  }
0xb5: {  	_ =	task.clear_ibuf [dreg:s9], $0x7FFFF;
	_ =	strace $0x90000046  }
0xb6: {  	s29 =	simm.s32 $0x9;
	_ =	strace $0x80000048  }
0xb7: {  	_ =	swait.ge [sflag:s29], $0x1  }
0xb8: {  	[sflag:s29] =	ssyncadd.s32 $0xFFFFFFFF  }
0xb9: {  	_ =	strace $0x90000048  }
0xba: {  	_ =	sfence  }
0xbb: {  	s30 =	sld [smem:$0x0];
	_ =	sdelay $0x2  }
0xbc: {  	s31 =	sshll.u32 s1, $0xD;
	s1 =	sshrl.u32 s1, $0x2  }
0xbd: {  	s3 =	sand.u32 $0x4000, s31;
	s1 =	sadd.s32 s1, s30  }
0xbe: {  	s0 =	sor.u32 s3, s0;
	s1 =	sshll.u32 s1, $0x11  }
0xbf: {  	s0 =	sor.u32 s1, s0  }
0xc0: {  	s0 =	sadd.s32 $0x8F2B, s0  }
0xc1: {  	[sflag:s0] =	ssyncadd.remote.s32 $0x1  }
0xc2: {  	_ =	sfence.sel $0xFFFF  }
0xc3: {  	[dreg:$0x0] =	wrdreg $0xFFFFFFFF;
	(pc) =	sbr.abs _section_cstart, $3  }
0xc4: {  	[dreg:$0x1] =	wrdreg $0xFFFFFFFF  }
0xc5: {  	_ =	task.clear_ibuf [dreg:s9], $0x2FFFF;
	_ =	strace $0x9FFFFFFF  }
0xc6: {  	(tm) =	ssettm $0x7FFFFFFF  }
0xc7: {  	_ =	shalt  }
tec
execute0_lowered:
.L_overlay_start_1:
0x0: {  	(tag) =	ssettag $0x1  }
0x1: {  	s1 =	rddreg [dreg:$0x0];
	s2 =	srdreg.scid  }
0x2: {  	s0 =	rddreg [dreg:$0x1];
	s3 =	stileid.u32;
	s2 =	sand.u32 $0x1, s2  }
0x3: {  	s5 =	simm.s32 $0x0;
	s3 =	sshll.u32 s3, $0xA;
	s6 =	sshll.u32 s2, $0x9  }
0x4: {  	[smem:$0x7FF] =	sst s5;
	s6 =	sor.u32 s6, s3  }
0x5: {  	s4 =	smov.u32 s1;
	s3 =	sshll.u32 s6, $0x7;
	s7 =	sshrl.u32 s6, $0x3  }
0x6: {  	_ =	strace $0x80000047;
	s1 =	sadd.s32 s1, s3;
	[dreg:$0x5] =	wrdreg s7  }
0x7: {  	s23 =	sor.u32 $0x8, s7;
	[dreg:$0x6] =	wrdreg s1  }
0x8: {  	s24 =	sor.u32 $0x9, s7;
	[dreg:$0xd] =	wrdreg s23  }
0x9: {  	s25 =	sor.u32 $0xA, s7;
	[dreg:$0xe] =	wrdreg s24  }
0xa: {  	s2 =	ssub.s32 $0x2, s2;
	s26 =	sor.u32 $0xB, s7;
	[dreg:$0xf] =	wrdreg s25  }
0xb: {  	s8 =	sshrl.u32 s2, $0x1;
	s29 =	sor.u32 $0xC, s7;
	[dreg:$0x10] =	wrdreg s26  }
0xc: {  	s2 =	ssub.s32 s2, s8;
	s30 =	sor.u32 $0xD, s7;
	[dreg:$0x11] =	wrdreg s29  }
0xd: {  	s31 =	smax.u32 s2, $0x1;
	[dreg:$0x12] =	wrdreg s30  }
0xe: {  	s3 =	sadd.s32 $0x400, s1;
	[dreg:$0x13] =	wrdreg s31  }
0xf: {  	s20 =	sadd.s32 $0x800, s1;
	[dreg:$0x7] =	wrdreg s3  }
0x10: {  	s21 =	sadd.s32 $0xC00, s1;
	[dreg:$0x8] =	wrdreg s20  }
0x11: {  	s28 =	simm.s32 $0xC000;
	s22 =	sadd.s32 $0x1000, s1;
	[dreg:$0x9] =	wrdreg s21  }
0x12: {  	v0 =	vimm.s32 $0x0;
	v1 =	vimm.s32 $0x1;
	s0 =	sadd.s32 s7, s0;
	s1 =	sadd.s32 $0x1400, s1;
	[dreg:$0xa] =	wrdreg s22  }
0x13: {  	s12 =	simm.s32 $0xE000;
	v2 =	vimm.s32 $0x2;
	v3 =	vimm.s32 $0x3;
	v4 =	vimm.s32 $0x4;
	s0 =	sadd.s32 $0x400, s0;
	[dreg:$0xb] =	wrdreg s1  }
0x14: {  	v5 =	vimm.s32 $0x5;
	v6 =	vimm.s32 $0x6;
	v7 =	vimm.s32 $0x7;
	[dreg:$0xc] =	wrdreg s0;
	s3 =	simm.s32 $0x10;
	s1 =	simm.s32 $0x0  }
.LBB2_1:
0x15: {  	[dreg:$0x14] =	wrdreg s1  }
0x16: {  	s0 =	rddreg [dreg:$0x6]  }
0x17: {  	[tilespmem:s5], [sflag:$0x1] =	stream.linear.gather [hbm4b:s0+s5], $0x2000, $0x38;
	[tilespmem:$0x11280] =	vst v63  }
0x18: {  	s11 =	rddreg [dreg:$0x7];
	s13 =	simm.s32 $0x2000  }
0x19: {  	[tilespmem:s13], [sflag:$0x2] =	stream.linear.gather [hbm4b:s11+s5], $0x2000, $0x38;
	[tilespmem:$0x11280] =	vst v63  }
0x1a: {  	s14 =	rddreg [dreg:$0x8];
	s15 =	simm.s32 $0x4000  }
0x1b: {  	[tilespmem:s15], [sflag:$0x3] =	stream.linear.gather [hbm4b:s14+s5], $0x2000, $0x38;
	[tilespmem:$0x11280] =	vst v63  }
0x1c: {  	s16 =	rddreg [dreg:$0x9];
	s17 =	simm.s32 $0x6000  }
0x1d: {  	[tilespmem:s17], [sflag:$0x4] =	stream.linear.gather [hbm4b:s16+s5], $0x2000, $0x38;
	[tilespmem:$0x11280] =	vst v63  }
0x1e: {  	s18 =	rddreg [dreg:$0xa];
	s19 =	simm.s32 $0x8000  }
0x1f: {  	[tilespmem:s19], [sflag:$0x5] =	stream.linear.gather [hbm4b:s18+s5], $0x2000, $0x38;
	[tilespmem:$0x11280] =	vst v63  }
0x20: {  	s20 =	rddreg [dreg:$0xb];
	s21 =	simm.s32 $0xA000  }
0x21: {  	[tilespmem:s21], [sflag:$0x6] =	stream.linear.gather [hbm4b:s20+s5], $0x2000, $0x38;
	[tilespmem:$0x11280] =	vst v63  }
0x22: {  	s22 =	rddreg [dreg:$0xc];
	s23 =	simm.s32 $0x10000;
	s24 =	simm.s32 $0x11  }
0x23: {  	[tilespmem:s23], [sflag:$0x11] =	stream.linear.gather [hbm4b:s22+s5], $0x200, $0x38;
	[tilespmem:$0x11280] =	vst v63  }
0x24: {  	_ =	swait.ge [sflag:s24], $0x200  }
0x25: {  	[sflag:s24] =	ssyncset.done $0x0  }
0x26: {  	[sflag:s24] =	ssyncadd.s32 $0xFFFFFE00  }
0x27: {  	s2 =	simm.s32 $0x10280;
	s25 =	rddreg [dreg:$0x2]  }
0x28: {  	[tilespmem:s2], [sflag:$0x11] =	stream.linear.gather [hbm4b:s25+s5], $0x800, $0x38;
	[tilespmem:$0x11280] =	vst v63  }
0x29: {  	s26 =	sand.u32 $0x700, s5;
	_ =	swait.ge [sflag:s24], $0x800  }
0x2a: {  	s29 =	sand.u32 $0x70, s3;
	s0 =	sadd.s32 $0x10280, s26;
	[sflag:s24] =	ssyncset.done $0x0  }
0x2b: {  	s2 =	sor.u32 s29, s0;
	[sflag:s24] =	ssyncadd.s32 $0xFFFFF800  }
0x2c: {  	s13 =	simm.s32 $0x0;
	v11 =	vld [tilespmem:s2+$0x80]  }
0x2d: {  	s30 =	sand.u32 $0x60, s13;
	v12 =	vld [tilespmem:s2+$0x0]  }
0x2e: {  	s3 =	simm.s32 $0x40;
	s9 =	sor.u32 s30, s0  }
0x2f: {  	s8 =	simm.s32 $0x30;
	s31 =	sand.u32 $0x700, s3;
	v8 =	vld [tilespmem:s9+$0x80]  }
0x30: {  	s14 =	sadd.s32 $0x10280, s31;
	s15 =	sand.u32 $0x70, s8;
	s0 =	simm.s32 $0x20;
	v10 =	vld [tilespmem:s9+$0x0]  }
0x31: {  	s16 =	sor.u32 s15, s14;
	s17 =	sand.u32 $0x60, s0;
	s2 =	simm.s32 $0x10A80  }
0x32: {  	s15 =	simm.s32 $0x10A80;
	s14 =	sor.u32 s17, s14;
	s9 =	simm.s32 $0x2;
	v9 =	vld [tilespmem:s16+$0x80];
	[tilespmem:s2+$0x10] =	vst v12;
	v11 =	vsub.f32 v11, v12  }
.LBB2_2:
0x33: {  	s9 =	sadd.s32 $0x2, s9  }
0x34: {  	v12 =	vld [tilespmem:s16+$0x0];
	s13 =	sand.u32 $0x3E0, s13;
	s2 =	sadd.s32 $0x20, s2;
	p0 =	slt.u32 s9, $0x3E  }
.Ltmp0:
0x35: {  	s3 =	sadd.s32 $0x40, s3;
	s8 =	sadd.s32 $0x20, s8;
	[tilespmem:s15+$0x0] =	vst v10;
	v13 =	vsub.f32 v8, v10;
	v8 =	vld [tilespmem:s14+$0x80];
	(pc) =	sbr.rel @p0 .LBB2_2-.Ltmp0, $4  }
0x36: {  	s17 =	sadd.s32 $0xFFFFFFF0, s8;
	s16 =	sand.u32 $0x700, s3;
	v10 =	vld [tilespmem:s14+$0x0];
	[tilespmem:s15+$0x410] =	vst v11  }
0x37: {  	s14 =	sand.u32 $0x60, s17;
	s15 =	sadd.s32 $0x10280, s16;
	s16 =	sand.u32 $0x70, s8;
	[tilespmem:s13+$0x10E80] =	vst v13  }
0x38: {  	s14 =	sor.u32 s14, s15;
	s16 =	sor.u32 s16, s15;
	s15 =	smov.u32 s2  }
0x39: {  	s13 =	smov.u32 s0;
	s0 =	smov.u32 s17;
	[tilespmem:s2+$0x10] =	vst v12;
	v11 =	vsub.f32 v9, v12;
	v9 =	vld [tilespmem:s16+$0x80]  }
0x3a: {  	v12 =	vld [tilespmem:s16+$0x0]  }
0x3b: {  	v13 =	vld [tilespmem:s14+$0x80]  }
0x3c: {  	v14 =	vld [tilespmem:s14+$0x0]  }
0x3d: {  	[tilespmem:s15+$0x0] =	vst v10;
	v8 =	vsub.f32 v8, v10  }
0x3e: {  	s3 =	sand.u32 $0x3E0, s13;
	[tilespmem:s15+$0x410] =	vst v11  }
0x3f: {  	s2 =	sadd.s32 $0x20, s2;
	[tilespmem:s3+$0x10E80] =	vst v8  }
0x40: {  	[tilespmem:s2+$0x10] =	vst v12;
	v8 =	vsub.f32 v9, v12  }
0x41: {  	[tilespmem:s2+$0x0] =	vst v14;
	v63 =	vsub.f32 v13, v14  }
0x42: {  	s0 =	sand.u32 $0x3E0, s0;
	[tilespmem:s2+$0x410] =	vst v8  }
0x43: {  	s14 =	simm.s32 $0x0;
	s21 =	simm.s32 $0x0;
	[tilespmem:s0+$0x10E80] =	vst v63  }
.LBB2_4:
0x44: {  	s8 =	sshll.u32 s21, $0x3  }
0x45: {  	p0 =	seq.s32 s21, $0x0;
	s13 =	sor.u32 $0x6, s8  }
0x46: {  	s0 =	simm.s32 @!p0 $0xF;
	s2 =	sadd.s32 s7, s13  }
0x47: {  	_ =	swait.ge @!p0 [sflag:s0], $0x2000;
	s2 =	sshll.u32 s2, $0xA  }
0x48: {  	[sflag:s0] =	ssyncset.done @!p0 $0x0;
	s2 =	sand.u32 $0x1FFFF800, s2  }
0x49: {  	s19 =	simm.s32 $0x1;
	[sflag:s0] =	ssyncadd.s32 @!p0 $0xFFFFE000;
	s18 =	sadd.s32 s4, s2  }
0x4a: {  	[tilespmem:s28], [sflag:$0x7] =	stream.linear.gather [hbm4b:s18+s14], $0x2000, $0x38;
	[tilespmem:$0x11280] =	vst v63  }
0x4b: {  	_ =	swait.ge [sflag:s19], $0x2000  }
0x4c: {  	[sflag:s19] =	ssyncset.done $0x0  }
0x4d: {  	s22 =	sshll.u32 s21, $0x6;
	[sflag:s19] =	ssyncadd.s32 $0xFFFFE000  }
0x4e: {  	v8 =	vld [tilespmem:s22+$0x10000]  }
0x4f: {  	s20 =	sand.u32 $0x3E0, s14  }
0x50: {  	s23 =	simm.s32 $0x10A80;
	v17 =	vld [tilespmem:s20+$0x10E80]  }
0x51: {  	s24 =	sand.u32 $0x60, s14;
	s3 =	sand.u32 $0x1C00, s14;
	v16 =	vld [tilespmem:s23+$0x0]  }
0x52: {  	s0 =	sor.u32 s24, s3;
	v18 =	vld [tilespmem:s23+$0x410]  }
0x53: {  	v14 =	vld [tilespmem:s0+$0x0];
	vm0 =	vgt.s32 v8, $0x0  }
0x54: {  	v19 =	vld [tilespmem:s0+$0x80];
	v15 =	vsel vm0, $0x3F800000, v0  }
0x55: {  	v20 =	vld [tilespmem:s0+$0x100];
	v8 =	vperm.xlane v15, v0  }
0x56: {  	v22 =	vld [tilespmem:s0+$0x180];
	v9 =	vperm.xlane v15, v1  }
0x57: {  	s15 =	simm.s32 $0x10;
	v25 =	vld [tilespmem:s0+$0x200];
	v10 =	vperm.xlane v15, v2;
	v13 =	vmul.f32 v8, v17  }
0x58: {  	s9 =	sand.u32 $0x70, s15;
	v27 =	vld [tilespmem:s0+$0x280];
	v11 =	vperm.xlane v15, v3;
	v21 =	vmul.f32 v9, v17  }
0x59: {  	s3 =	sor.u32 s9, s3;
	s2 =	simm.s32 $0x20;
	s18 =	simm.s32 $0x100;
	v28 =	vld [tilespmem:s23+$0x10];
	v24 =	vmul.f32 v10, v17;
	v23 =	vadd.f32 v13, v16  }
0x5a: {  	s28 =	sand.u32 $0x60, s2;
	s30 =	sand.u32 $0x1C00, s18;
	s19 =	simm.s32 $0x10AA0;
	v29 =	vld [tilespmem:s3+$0x0];
	v12 =	vperm.xlane v15, v4;
	v26 =	vmul.f32 v11, v17;
	v21 =	vadd.f32 v21, v16  }
0x5b: {  	s17 =	sor.u32 s28, s30;
	v36 =	vld [tilespmem:s19+$0x410];
	v13 =	vperm.xlane v15, v5;
	v14 =	vadd.f32 v23, v14;
	v23 =	vadd.f32 v24, v16  }
0x5c: {  	v37 =	vld [tilespmem:s17+$0x0];
	v24 =	vmul.f32 v12, v17;
	v19 =	vadd.f32 v21, v19  }
0x5d: {  	v21 =	vadd.f32 v26, v16;
	v26 =	vmul.f32 v13, v17;
	[tilespmem:s0+$0x0] =	vst v14;
	v14 =	vadd.f32 v23, v20;
	v23 =	vld [tilespmem:s3+$0x80]  }
0x5e: {  	v20 =	vadd.f32 v24, v16;
	v24 =	vld [tilespmem:s3+$0x100]  }
0x5f: {  	s16 =	sand.u32 $0x3E0, s2;
	v30 =	vmul.f32 v18, v10;
	[tilespmem:s0+$0x80] =	vst v19;
	v19 =	vadd.f32 v21, v22;
	v21 =	vadd.f32 v26, v16;
	v26 =	vld [tilespmem:s3+$0x200]  }
0x60: {  	s25 =	sand.u32 $0x3, s14;
	v31 =	vmul.f32 v18, v12;
	v22 =	vld [tilespmem:s16+$0x10E80];
	[tilespmem:s0+$0x100] =	vst v14;
	v20 =	vadd.f32 v20, v25  }
0x61: {  	s26 =	sshll.u32 s25, $0x5;
	v30 =	vadd.f32 v30, v28;
	v25 =	vld [tilespmem:s3+$0x180];
	[tilespmem:s0+$0x180] =	vst v19;
	v19 =	vadd.f32 v21, v27;
	v21 =	vmul.f32 v18, v8  }
0x62: {  	s9 =	sadd.s32 $0x0, s26;
	v31 =	vadd.f32 v31, v28;
	v14 =	vperm.xlane v15, v6;
	v27 =	vmul.f32 v18, v9;
	[tilespmem:s0+$0x200] =	vst v20;
	v20 =	vld [tilespmem:s3+$0x280]  }
0x63: {  	s9 =	sor.u32 $0x300, s9;
	[tilespmem:s0+$0x280] =	vst v19;
	v19 =	vmul.f32 v18, v11;
	v34 =	vadd.f32 v21, v28;
	v21 =	vld [tilespmem:s19+$0x0];
	v24 =	vadd.f32 v24, v30  }
0x64: {  	v33 =	vmul.f32 v18, v13;
	v27 =	vadd.f32 v27, v28;
	v32 =	vld [tilespmem:s9+$0x0];
	v26 =	vadd.f32 v26, v31  }
0x65: {  	v38 =	vld [tilespmem:s17+$0x80];
	v35 =	vmul.f32 v14, v17;
	v19 =	vadd.f32 v19, v28;
	v29 =	vadd.f32 v34, v29;
	[tilespmem:s3+$0x100] =	vst v24  }
0x66: {  	v40 =	vld [tilespmem:s17+$0x180];
	v33 =	vadd.f32 v33, v28;
	v23 =	vadd.f32 v23, v27;
	v27 =	vmul.f32 v9, v22;
	[tilespmem:s3+$0x200] =	vst v26  }
0x67: {  	v43 =	vld [tilespmem:s17+$0x280];
	s0 =	simm.s32 $0x30;
	v62 =	vmul.f32 v8, v22;
	v61 =	vadd.f32 v35, v16;
	[tilespmem:s3+$0x0] =	vst v29;
	v19 =	vadd.f32 v25, v19  }
0x68: {  	v30 =	vld [tilespmem:s17+$0x100];
	s31 =	sand.u32 $0x70, s0;
	[tilespmem:s3+$0x80] =	vst v23;
	v25 =	vmul.f32 v11, v22;
	v23 =	vadd.f32 v27, v21;
	v20 =	vadd.f32 v20, v33  }
0x69: {  	v39 =	vmul.f32 v10, v22;
	s16 =	sor.u32 s31, s30;
	v63 =	vadd.f32 v62, v21;
	v27 =	vld [tilespmem:s17+$0x200];
	v29 =	vadd.f32 v61, v32;
	[tilespmem:s3+$0x180] =	vst v19  }
0x6a: {  	v42 =	vmul.f32 v12, v22;
	v46 =	vld [tilespmem:s16+$0x0];
	v25 =	vadd.f32 v25, v21;
	v23 =	vadd.f32 v23, v38;
	[tilespmem:s3+$0x280] =	vst v20  }
0x6b: {  	s20 =	sor.u32 s14, s14;
	v44 =	vmul.f32 v13, v22;
	v31 =	vld [tilespmem:s16+$0x80];
	v41 =	vadd.f32 v39, v21;
	[tilespmem:s9+$0x0] =	vst v29;
	v29 =	vadd.f32 v63, v37  }
0x6c: {  	s24 =	simm.s32 $0x200;
	s23 =	simm.s32 $0x40;
	v15 =	vperm.xlane v15, v7;
	v48 =	vld [tilespmem:s16+$0x180];
	v45 =	vadd.f32 v42, v21;
	s9 =	sor.u32 $0x380, s20;
	v25 =	vadd.f32 v25, v40;
	[tilespmem:s17+$0x80] =	vst v23  }
0x6d: {  	s1 =	simm.s32 $0x1;
	s28 =	sand.u32 $0x60, s23;
	s30 =	sand.u32 $0x1C00, s24;
	v47 =	vadd.f32 v44, v21;
	v24 =	vld [tilespmem:s9+$0x0];
	[tilespmem:s17+$0x0] =	vst v29;
	v29 =	vadd.f32 v41, v30  }
0x6e: {  	v17 =	vmul.f32 v15, v17;
	s3 =	sor.u32 s28, s30;
	v30 =	vld [tilespmem:s19+$0x10];
	s19 =	sand.u32 $0x3, s1;
	v27 =	vadd.f32 v45, v27;
	[tilespmem:s17+$0x180] =	vst v25  }
0x6f: {  	v55 =	vld [tilespmem:s3+$0x0];
	v23 =	vmul.f32 v18, v14;
	v18 =	vmul.f32 v18, v15;
	v25 =	vadd.f32 v47, v43;
	s19 =	sshll.u32 s19, $0x5;
	[tilespmem:s17+$0x100] =	vst v29  }
0x70: {  	v17 =	vadd.f32 v17, v16;
	v57 =	vld [tilespmem:s3+$0x80];
	[tilespmem:s17+$0x200] =	vst v27;
	s19 =	sadd.s32 $0x100, s19  }
0x71: {  	v49 =	vmul.f32 v14, v22;
	v23 =	vadd.f32 v23, v28;
	v16 =	vadd.f32 v18, v28;
	v28 =	vld [tilespmem:s16+$0x200];
	[tilespmem:s17+$0x280] =	vst v25;
	s11 =	sor.u32 $0x300, s19  }
0x72: {  	s10 =	sand.u32 $0x7, s14;
	v18 =	vmul.f32 v36, v8;
	v19 =	vadd.f32 v17, v24;
	v17 =	vmul.f32 v36, v10;
	v25 =	vld [tilespmem:s11+$0x0]  }
0x73: {  	s26 =	sand.u32 $0x3E0, s23;
	v33 =	vadd.f32 v49, v21;
	v20 =	vmul.f32 v36, v12;
	s20 =	sshll.u32 s10, $0x4;
	v29 =	vld [tilespmem:s16+$0x100];
	v27 =	vmul.f32 v36, v9  }
0x74: {  	v52 =	vmul.f32 v36, v13;
	s25 =	sadd.s32 $0x0, s20;
	v18 =	vadd.f32 v18, v30;
	v50 =	vadd.f32 v17, v30;
	v17 =	vld [tilespmem:s26+$0x10E80]  }
0x75: {  	s19 =	sadd.s32 $0x10, s25;
	s25 =	simm.s32 $0x10AC0;
	v24 =	vmul.f32 v36, v11;
	v26 =	vadd.f32 v27, v30;
	v27 =	vld [tilespmem:s16+$0x280];
	v20 =	vadd.f32 v20, v30  }
0x76: {  	v53 =	vmul.f32 v36, v15;
	v54 =	vadd.f32 v52, v30;
	v34 =	vadd.f32 v18, v46;
	v18 =	vld [tilespmem:s25+$0x0]  }
0x77: {  	v22 =	vmul.f32 v15, v22;
	v58 =	vld [tilespmem:s3+$0x180];
	s19 =	sor.u32 $0x300, s19;
	v24 =	vadd.f32 v24, v30;
	[tilespmem:s9+$0x0] =	vst v19;
	v25 =	vadd.f32 v33, v25  }
0x78: {  	s2 =	sor.u32 s2, s18;
	v51 =	vld [tilespmem:s19+$0x0];
	v26 =	vadd.f32 v31, v26;
	v19 =	vadd.f32 v29, v50;
	v29 =	vmul.f32 v36, v14;
	[tilespmem:s16+$0x0] =	vst v34  }
0x79: {  	s2 =	sor.u32 $0x380, s2;
	v31 =	vld [tilespmem:s25+$0x410];
	v28 =	vadd.f32 v28, v20;
	v24 =	vadd.f32 v48, v24;
	v56 =	vmul.f32 v8, v17;
	[tilespmem:s11+$0x0] =	vst v25  }
0x7a: {  	[tilespmem:s16+$0x80] =	vst v26;
	v20 =	vadd.f32 v29, v30;
	v25 =	vadd.f32 v27, v54;
	v26 =	vmul.f32 v9, v17;
	v27 =	vld [tilespmem:s2+$0x0]  }
0x7b: {  	[tilespmem:s16+$0x100] =	vst v19;
	v19 =	vadd.f32 v53, v30;
	v30 =	vld [tilespmem:s3+$0x100];
	v29 =	vadd.f32 v56, v18  }
0x7c: {  	v22 =	vadd.f32 v22, v21;
	v59 =	vld [tilespmem:s3+$0x200];
	[tilespmem:s16+$0x180] =	vst v24;
	v24 =	vadd.f32 v26, v18;
	v26 =	vmul.f32 v10, v17  }
0x7d: {  	s31 =	simm.s32 $0x2;
	v21 =	vld [tilespmem:s25+$0x10];
	s26 =	simm.s32 $0x50;
	[tilespmem:s16+$0x200] =	vst v28;
	v23 =	vadd.f32 v51, v23;
	v28 =	vadd.f32 v29, v55;
	v29 =	vmul.f32 v11, v17  }
0x7e: {  	s29 =	simm.s32 $0x2;
	v60 =	vld [tilespmem:s3+$0x280];
	s9 =	sand.u32 $0x7, s31;
	s1 =	sand.u32 $0x70, s26;
	[tilespmem:s16+$0x280] =	vst v25;
	v24 =	vadd.f32 v24, v57;
	v25 =	vadd.f32 v26, v18;
	v26 =	vmul.f32 v12, v17  }
0x7f: {  	s15 =	sor.u32 s15, s14;
	s9 =	sshll.u32 s9, $0x4;
	s17 =	sor.u32 s1, s30;
	[tilespmem:s19+$0x0] =	vst v23;
	v23 =	vadd.f32 v29, v18;
	v29 =	vmul.f32 v13, v17;
	v61 =	vadd.f32 v22, v27  }
0x80: {  	s15 =	sor.u32 $0x380, s15;
	s20 =	simm.s32 $0x4;
	s9 =	sadd.s32 $0x100, s9;
	v62 =	vmul.f32 v31, v11;
	[tilespmem:s3+$0x0] =	vst v28;
	v25 =	vadd.f32 v25, v30;
	v26 =	vadd.f32 v26, v18;
	v22 =	vld [tilespmem:s17+$0x0]  }
0x81: {  	s0 =	sor.u32 s0, s18;
	s10 =	sand.u32 $0x7, s20;
	s9 =	sadd.s32 $0x10, s9;
	v63 =	vmul.f32 v31, v12;
	[tilespmem:s3+$0x80] =	vst v24;
	v24 =	vld [tilespmem:s17+$0x80];
	v23 =	vadd.f32 v23, v58;
	v27 =	vadd.f32 v29, v18  }
0x82: {  	s11 =	sand.u32 $0x3, s29;
	s16 =	sor.u32 $0x300, s9;
	s9 =	sshll.u32 s10, $0x4;
	v34 =	vadd.f32 v62, v21;
	v29 =	vmul.f32 v31, v9;
	[tilespmem:s3+$0x100] =	vst v25;
	v25 =	vadd.f32 v26, v59;
	v26 =	vld [tilespmem:s17+$0x100]  }
0x83: {  	s18 =	sor.u32 $0x380, s0;
	s30 =	sshll.u32 s11, $0x5;
	s28 =	sadd.s32 $0x200, s9;
	v28 =	vmul.f32 v31, v8;
	v30 =	vmul.f32 v31, v10;
	[tilespmem:s3+$0x180] =	vst v23;
	v23 =	vadd.f32 v27, v60;
	v27 =	vld [tilespmem:s17+$0x180]  }
0x84: {  	s31 =	sor.u32 s26, s24;
	v39 =	vmul.f32 v31, v13;
	s9 =	sadd.s32 $0x200, s30;
	v36 =	vadd.f32 v63, v21;
	s0 =	sadd.s32 $0x10, s28;
	[tilespmem:s3+$0x200] =	vst v25;
	v33 =	vadd.f32 v29, v21;
	v29 =	vld [tilespmem:s17+$0x200]  }
0x85: {  	s19 =	sor.u32 $0x380, s31;
	s9 =	sor.u32 $0x300, s9;
	s26 =	sor.u32 $0x300, s0;
	v32 =	vadd.f32 v28, v21;
	v35 =	vadd.f32 v30, v21;
	v30 =	vld [tilespmem:s17+$0x280];
	[tilespmem:s3+$0x280] =	vst v23  }
0x86: {  	s0 =	simm.s32 $0x4;
	[tilespmem:s2+$0x0] =	vst v61;
	s2 =	simm.s32 $0x60;
	v25 =	vmul.f32 v31, v14;
	v23 =	vmul.f32 v31, v15;
	v31 =	vadd.f32 v39, v21;
	s3 =	simm.s32 $0x200;
	v28 =	vld [tilespmem:s9+$0x0]  }
.LBB2_5:
0x87: {  	s28 =	sand.u32 $0x3E0, s2;
	s30 =	sadd.s32 $0x10, s2;
	v37 =	vmul.f32 v14, v17;
	v22 =	vadd.f32 v32, v22;
	v24 =	vadd.f32 v24, v33;
	s20 =	sadd.s32 $0x2, s20;
	v32 =	vld [tilespmem:s16+$0x0]  }
0x88: {  	v26 =	vadd.f32 v26, v35;
	s31 =	sand.u32 $0x7, s20;
	v33 =	vld [tilespmem:s28+$0x10E80];
	s10 =	sand.u32 $0x70, s30;
	v27 =	vadd.f32 v27, v34  }
0x89: {  	s24 =	sadd.s32 $0x100, s24;
	s25 =	sadd.s32 $0x20, s25;
	s28 =	sshll.u32 s31, $0x4;
	v34 =	vadd.f32 v37, v18;
	[tilespmem:s17+$0x0] =	vst v22;
	v22 =	vadd.f32 v29, v36;
	v29 =	vld [tilespmem:s15+$0x0]  }
0x8a: {  	v25 =	vadd.f32 v25, v21;
	s11 =	sand.u32 $0x1C00, s24;
	s31 =	sadd.s32 s24, s28;
	s28 =	sand.u32 $0x60, s2;
	v35 =	vld [tilespmem:s25+$0x0];
	[tilespmem:s17+$0x80] =	vst v24;
	v24 =	vadd.f32 v30, v31  }
0x8b: {  	v21 =	vadd.f32 v23, v21;
	s10 =	sor.u32 s10, s11;
	s28 =	sor.u32 s28, s11;
	v30 =	vld [tilespmem:s25+$0x410];
	s11 =	sadd.s32 $0x10, s31;
	v28 =	vadd.f32 v34, v28;
	[tilespmem:s17+$0x100] =	vst v26  }
0x8c: {  	s3 =	sor.u32 s23, s3;
	s30 =	sor.u32 s30, s24;
	v23 =	vld [tilespmem:s28+$0x0];
	s11 =	sor.u32 $0x300, s11;
	[tilespmem:s17+$0x180] =	vst v27;
	v26 =	vadd.f32 v32, v20;
	v20 =	vmov v25  }
0x8d: {  	s0 =	sadd.s32 $0x2, s0;
	s30 =	sor.u32 $0x380, s30;
	v25 =	vmul.f32 v8, v33;
	v27 =	vld [tilespmem:s28+$0x80];
	[tilespmem:s9+$0x0] =	vst v28;
	s9 =	sor.u32 $0x380, s3  }
0x8e: {  	s23 =	smov.u32 s2;
	p1 =	slt.u32 s0, $0x3E;
	v28 =	vmul.f32 v9, v33;
	s3 =	smov.u32 s24;
	v31 =	vld [tilespmem:s9+$0x0];
	[tilespmem:s17+$0x200] =	vst v22;
	v22 =	vadd.f32 v29, v16;
	v16 =	vmovc v19;
	v19 =	vmov v21  }
0x8f: {  	v29 =	vmul.f32 v15, v17;
	v17 =	vmov v33;
	v21 =	vadd.f32 v25, v35;
	v25 =	vld [tilespmem:s28+$0x100];
	[tilespmem:s17+$0x280] =	vst v24;
	s17 =	smov.u32 s10  }
0x90: {  	v24 =	vadd.f32 v28, v35;
	v28 =	vmul.f32 v10, v17;
	v32 =	vld [tilespmem:s28+$0x180];
	v33 =	vmul.f32 v30, v8;
	[tilespmem:s16+$0x0] =	vst v26;
	s16 =	smov.u32 s26;
	s26 =	smov.u32 s11  }
0x91: {  	v29 =	vadd.f32 v29, v18;
	v21 =	vadd.f32 v21, v23;
	v23 =	vmul.f32 v11, v17;
	v26 =	vld [tilespmem:s28+$0x200];
	[tilespmem:s15+$0x0] =	vst v22;
	s15 =	smov.u32 s18;
	s18 =	smov.u32 s19;
	s19 =	smov.u32 s30  }
0x92: {  	v18 =	vmovc v35;
	v22 =	vadd.f32 v24, v27;
	v24 =	vadd.f32 v28, v35;
	v27 =	vmul.f32 v12, v17;
	v28 =	vld [tilespmem:s28+$0x280]  }
0x93: {  	v34 =	vmul.f32 v13, v17;
	[tilespmem:s28+$0x0] =	vst v21;
	v23 =	vadd.f32 v23, v18;
	v21 =	vld [tilespmem:s25+$0x10];
	v29 =	vadd.f32 v29, v31  }
0x94: {  	v31 =	vmul.f32 v30, v9;
	[tilespmem:s28+$0x80] =	vst v22;
	v25 =	vadd.f32 v24, v25;
	v27 =	vadd.f32 v27, v18;
	v22 =	vld [tilespmem:s17+$0x0]  }
0x95: {  	s29 =	sadd.s32 $0x1, s29;
	v23 =	vadd.f32 v23, v32;
	v32 =	vadd.f32 v34, v18;
	v24 =	vld [tilespmem:s17+$0x80];
	v34 =	vmul.f32 v30, v10;
	[tilespmem:s9+$0x0] =	vst v29  }
.Ltmp1:
0x96: {  	v36 =	vmul.f32 v30, v11;
	v37 =	vmul.f32 v30, v12;
	s9 =	sand.u32 $0x3, s29;
	[tilespmem:s28+$0x100] =	vst v25;
	v29 =	vadd.f32 v27, v26;
	v26 =	vld [tilespmem:s17+$0x100];
	(pc) =	sbr.rel @p1 .LBB2_5-.Ltmp1, $4  }
0x97: {  	v38 =	vmul.f32 v30, v13;
	s9 =	sshll.u32 s9, $0x5;
	v25 =	vmul.f32 v30, v14;
	[tilespmem:s28+$0x180] =	vst v23;
	v28 =	vadd.f32 v32, v28;
	v27 =	vld [tilespmem:s17+$0x180]  }
0x98: {  	s9 =	sadd.s32 s9, s24;
	v23 =	vmul.f32 v30, v15;
	[tilespmem:s28+$0x200] =	vst v29;
	v32 =	vadd.f32 v33, v21;
	v33 =	vadd.f32 v31, v21;
	v29 =	vld [tilespmem:s17+$0x200]  }
0x99: {  	s9 =	sor.u32 $0x300, s9;
	v35 =	vadd.f32 v34, v21;
	v34 =	vadd.f32 v36, v21;
	[tilespmem:s28+$0x280] =	vst v28;
	v30 =	vld [tilespmem:s17+$0x280]  }
0x9a: {  	s2 =	sadd.s32 $0x20, s2;
	v36 =	vadd.f32 v37, v21;
	v31 =	vadd.f32 v38, v21;
	v28 =	vld [tilespmem:s9+$0x0]  }
0x9b: {  	v8 =	vadd.f32 v32, v22  }
0x9c: {  	v9 =	vadd.f32 v24, v33  }
0x9d: {  	v10 =	vadd.f32 v26, v35;
	[tilespmem:s17+$0x0] =	vst v8  }
0x9e: {  	v8 =	vadd.f32 v27, v34;
	[tilespmem:s17+$0x80] =	vst v9  }
0x9f: {  	v9 =	vadd.f32 v29, v36;
	[tilespmem:s17+$0x100] =	vst v10  }
0xa0: {  	v10 =	vadd.f32 v30, v31;
	[tilespmem:s17+$0x180] =	vst v8  }
0xa1: {  	[tilespmem:s17+$0x200] =	vst v9  }
0xa2: {  	v8 =	vmul.f32 v14, v17;
	v9 =	vld [tilespmem:s16+$0x0];
	[tilespmem:s17+$0x280] =	vst v10  }
0xa3: {  	v10 =	vld [tilespmem:s26+$0x0]  }
0xa4: {  	v8 =	vadd.f32 v8, v18;
	_ =	sdelay $0x1  }
0xa5: {  	v11 =	vadd.f32 v25, v21;
	v8 =	vadd.f32 v8, v28  }
0xa6: {  	s0 =	sor.u32 s23, s3;
	v9 =	vadd.f32 v9, v20  }
0xa7: {  	v12 =	vld [tilespmem:s15+$0x0];
	s0 =	sor.u32 $0x380, s0;
	[tilespmem:s9+$0x0] =	vst v8;
	v8 =	vadd.f32 v10, v11  }
0xa8: {  	v10 =	vld [tilespmem:s0+$0x0];
	[tilespmem:s16+$0x0] =	vst v9  }
0xa9: {  	v9 =	vmul.f32 v15, v17;
	v11 =	vld [tilespmem:s18+$0x0];
	[tilespmem:s26+$0x0] =	vst v8  }
0xaa: {  	v8 =	vld [tilespmem:s19+$0x0]  }
0xab: {  	v9 =	vadd.f32 v9, v18  }
0xac: {  	v12 =	vadd.f32 v12, v16  }
0xad: {  	v13 =	vadd.f32 v23, v21;
	v9 =	vadd.f32 v9, v10  }
0xae: {  	[tilespmem:s15+$0x0] =	vst v12;
	v10 =	vadd.f32 v11, v19  }
0xaf: {  	s3 =	sadd.s32 s6, s22;
	[tilespmem:s0+$0x0] =	vst v9;
	v8 =	vadd.f32 v8, v13  }
0xb0: {  	s1 =	rddreg [dreg:$0x3];
	s0 =	sshll.u32 s3, $0x7;
	[tilespmem:s18+$0x0] =	vst v10  }
0xb1: {  	s29 =	sor.u32 $0x7, s8;
	s0 =	sadd.s32 s1, s0;
	[tilespmem:s19+$0x0] =	vst v8  }
0xb2: {  	[hbm4b:s0+s5] =	stream.linear.scatter [tilespmem:s5], [sflag:$0x9], $0x2000, $0x38;
	[tilespmem:$0x11280] =	vst v63  }
0xb3: {  	s2 =	sadd.s32 s7, s29;
	s0 =	simm.s32 @!p0 $0x10  }
0xb4: {  	s2 =	sshll.u32 s2, $0xA;
	_ =	swait.ge @!p0 [sflag:s0], $0x2000  }
0xb5: {  	s7 =	sadd.s32 s4, s2;
	[sflag:s0] =	ssyncset.done @!p0 $0x0  }
0xb6: {  	s15 =	simm.s32 $0x0;
	s9 =	simm.s32 $0x2;
	[sflag:s0] =	ssyncadd.s32 @!p0 $0xFFFFE000  }
0xb7: {  	[tilespmem:s12], [sflag:$0x8] =	stream.linear.gather [hbm4b:s7+s15], $0x2000, $0x38;
	[tilespmem:$0x11280] =	vst v63  }
0xb8: {  	_ =	swait.ge [sflag:s9], $0x2000  }
0xb9: {  	[sflag:s9] =	ssyncset.done $0x0  }
0xba: {  	[sflag:s9] =	ssyncadd.s32 $0xFFFFE000  }
0xbb: {  	v8 =	vld [tilespmem:s22+$0x10008]  }
0xbc: {  	s10 =	sand.u32 $0x3E0, s15  }
0xbd: {  	s11 =	simm.s32 $0x10A80;
	s12 =	sand.u32 $0x1C00, s15;
	v17 =	vld [tilespmem:s10+$0x10E80]  }
0xbe: {  	s16 =	sand.u32 $0x60, s15;
	s0 =	sor.u32 $0x2000, s12;
	v16 =	vld [tilespmem:s11+$0x0]  }
0xbf: {  	s17 =	sor.u32 s16, s0;
	v18 =	vld [tilespmem:s11+$0x410]  }
0xc0: {  	v14 =	vld [tilespmem:s17+$0x0];
	vm0 =	vgt.s32 v8, $0x0  }
0xc1: {  	v19 =	vld [tilespmem:s17+$0x80];
	v15 =	vsel vm0, $0x3F800000, v0  }
0xc2: {  	v20 =	vld [tilespmem:s17+$0x100];
	v8 =	vperm.xlane v15, v0  }
0xc3: {  	s16 =	simm.s32 $0x10;
	v22 =	vld [tilespmem:s17+$0x180];
	v9 =	vperm.xlane v15, v1  }
0xc4: {  	s18 =	sand.u32 $0x70, s16;
	v25 =	vld [tilespmem:s17+$0x200];
	v10 =	vperm.xlane v15, v2;
	v13 =	vmul.f32 v8, v17  }
0xc5: {  	v27 =	vld [tilespmem:s17+$0x280];
	s3 =	sor.u32 s18, s0;
	s18 =	simm.s32 $0x100;
	v11 =	vperm.xlane v15, v3;
	v21 =	vmul.f32 v9, v17  }
0xc6: {  	s24 =	simm.s32 $0x10AA0;
	s2 =	simm.s32 $0x20;
	v28 =	vld [tilespmem:s11+$0x10];
	s23 =	sand.u32 $0x1C00, s18;
	v24 =	vmul.f32 v10, v17;
	v23 =	vadd.f32 v13, v16  }
0xc7: {  	s11 =	sand.u32 $0x60, s2;
	v60 =	vld [tilespmem:s24+$0x410];
	s25 =	sor.u32 $0x2000, s23;
	v12 =	vperm.xlane v15, v4;
	v26 =	vmul.f32 v11, v17;
	v21 =	vadd.f32 v21, v16  }
0xc8: {  	v29 =	vld [tilespmem:s3+$0x0];
	s26 =	sor.u32 s11, s25;
	v13 =	vperm.xlane v15, v5;
	v14 =	vadd.f32 v23, v14;
	v23 =	vadd.f32 v24, v16  }
0xc9: {  	v37 =	vld [tilespmem:s26+$0x0];
	v24 =	vmul.f32 v12, v17;
	v19 =	vadd.f32 v21, v19  }
0xca: {  	v21 =	vadd.f32 v26, v16;
	v26 =	vmul.f32 v13, v17;
	[tilespmem:s17+$0x0] =	vst v14;
	v14 =	vadd.f32 v23, v20;
	v23 =	vld [tilespmem:s3+$0x80]  }
0xcb: {  	v30 =	vmul.f32 v18, v10;
	v20 =	vadd.f32 v24, v16;
	v24 =	vld [tilespmem:s3+$0x100]  }
0xcc: {  	s10 =	sand.u32 $0x3E0, s2;
	v31 =	vmul.f32 v18, v12;
	[tilespmem:s17+$0x80] =	vst v19;
	v19 =	vadd.f32 v21, v22;
	v21 =	vadd.f32 v26, v16;
	v26 =	vld [tilespmem:s3+$0x200]  }
0xcd: {  	s19 =	sand.u32 $0x3, s15;
	v30 =	vadd.f32 v30, v28;
	v57 =	vmul.f32 v18, v13;
	v22 =	vld [tilespmem:s10+$0x10E80];
	[tilespmem:s17+$0x100] =	vst v14;
	v20 =	vadd.f32 v20, v25  }
0xce: {  	s0 =	sshll.u32 s19, $0x5;
	v31 =	vadd.f32 v31, v28;
	v25 =	vld [tilespmem:s3+$0x180];
	[tilespmem:s17+$0x180] =	vst v19;
	v19 =	vadd.f32 v21, v27;
	v21 =	vmul.f32 v18, v8  }
0xcf: {  	s0 =	sadd.s32 $0x0, s0;
	v33 =	vadd.f32 v57, v28;
	v14 =	vperm.xlane v15, v6;
	v27 =	vmul.f32 v18, v9;
	[tilespmem:s17+$0x200] =	vst v20;
	v20 =	vld [tilespmem:s3+$0x280]  }
0xd0: {  	s20 =	sor.u32 $0x300, s0;
	[tilespmem:s17+$0x280] =	vst v19;
	v19 =	vmul.f32 v18, v11;
	v58 =	vadd.f32 v21, v28;
	v21 =	vld [tilespmem:s24+$0x0];
	v24 =	vadd.f32 v24, v30  }
0xd1: {  	v27 =	vadd.f32 v27, v28;
	v56 =	vld [tilespmem:s20+$0x2000];
	v26 =	vadd.f32 v26, v31  }
0xd2: {  	v38 =	vld [tilespmem:s26+$0x80];
	v59 =	vmul.f32 v14, v17;
	v19 =	vadd.f32 v19, v28;
	v29 =	vadd.f32 v58, v29;
	[tilespmem:s3+$0x100] =	vst v24  }
0xd3: {  	v40 =	vld [tilespmem:s26+$0x180];
	v15 =	vperm.xlane v15, v7;
	v23 =	vadd.f32 v23, v27;
	v27 =	vmul.f32 v9, v22;
	[tilespmem:s3+$0x200] =	vst v26  }
0xd4: {  	s0 =	simm.s32 $0x30;
	v43 =	vld [tilespmem:s26+$0x280];
	v62 =	vmul.f32 v8, v22;
	v61 =	vadd.f32 v59, v16;
	[tilespmem:s3+$0x0] =	vst v29;
	v19 =	vadd.f32 v25, v19  }
0xd5: {  	s7 =	sand.u32 $0x70, s0;
	v30 =	vld [tilespmem:s26+$0x100];
	[tilespmem:s3+$0x80] =	vst v23;
	v25 =	vmul.f32 v11, v22;
	v23 =	vadd.f32 v27, v21;
	v20 =	vadd.f32 v20, v33  }
0xd6: {  	s12 =	sand.u32 $0x7, s15;
	s11 =	simm.s32 $0x1;
	s17 =	sor.u32 s7, s25;
	v39 =	vmul.f32 v10, v22;
	v63 =	vadd.f32 v62, v21;
	v27 =	vld [tilespmem:s26+$0x200];
	v29 =	vadd.f32 v61, v56;
	[tilespmem:s3+$0x180] =	vst v19  }
0xd7: {  	s10 =	sand.u32 $0x3, s11;
	s11 =	sshll.u32 s12, $0x4;
	v42 =	vmul.f32 v12, v22;
	v46 =	vld [tilespmem:s17+$0x0];
	v25 =	vadd.f32 v25, v21;
	v23 =	vadd.f32 v23, v38;
	[tilespmem:s3+$0x280] =	vst v20  }
0xd8: {  	s30 =	sor.u32 s15, s15;
	s11 =	sadd.s32 $0x0, s11;
	v44 =	vmul.f32 v13, v22;
	v31 =	vld [tilespmem:s17+$0x80];
	v41 =	vadd.f32 v39, v21;
	[tilespmem:s20+$0x2000] =	vst v29;
	v29 =	vadd.f32 v63, v37  }
0xd9: {  	s1 =	sor.u32 $0x380, s30;
	s11 =	sadd.s32 $0x10, s11;
	v17 =	vmul.f32 v15, v17;
	v48 =	vld [tilespmem:s17+$0x180];
	v45 =	vadd.f32 v42, v21;
	v25 =	vadd.f32 v25, v40;
	[tilespmem:s26+$0x80] =	vst v23  }
0xda: {  	s19 =	sor.u32 $0x300, s11;
	v49 =	vmul.f32 v14, v22;
	v47 =	vadd.f32 v44, v21;
	v24 =	vld [tilespmem:s1+$0x2000];
	[tilespmem:s26+$0x0] =	vst v29;
	v29 =	vadd.f32 v41, v30  }
0xdb: {  	v17 =	vadd.f32 v17, v16;
	v22 =	vmul.f32 v15, v22;
	v51 =	vld [tilespmem:s19+$0x2000];
	v27 =	vadd.f32 v45, v27;
	[tilespmem:s26+$0x180] =	vst v25  }
0xdc: {  	s10 =	sshll.u32 s10, $0x5;
	s25 =	simm.s32 $0x10AC0;
	v23 =	vmul.f32 v18, v14;
	v18 =	vmul.f32 v18, v15;
	v30 =	vld [tilespmem:s24+$0x10];
	v25 =	vadd.f32 v47, v43;
	[tilespmem:s26+$0x100] =	vst v29  }
0xdd: {  	s10 =	sadd.s32 $0x100, s10;
	v33 =	vadd.f32 v49, v21;
	v22 =	vadd.f32 v22, v21;
	v21 =	vld [tilespmem:s25+$0x10];
	[tilespmem:s26+$0x200] =	vst v27  }
0xde: {  	s10 =	sor.u32 $0x300, s10;
	v23 =	vadd.f32 v23, v28;
	v16 =	vadd.f32 v18, v28;
	v28 =	vld [tilespmem:s17+$0x200];
	[tilespmem:s26+$0x280] =	vst v25  }
0xdf: {  	s23 =	simm.s32 $0x40;
	v18 =	vmul.f32 v60, v8;
	v25 =	vld [tilespmem:s10+$0x2000];
	v19 =	vadd.f32 v17, v24;
	v17 =	vmul.f32 v60, v10  }
0xe0: {  	v20 =	vmul.f32 v60, v12;
	s20 =	sand.u32 $0x3E0, s23;
	v29 =	vld [tilespmem:s17+$0x100];
	v27 =	vmul.f32 v60, v9;
	v23 =	vadd.f32 v51, v23  }
0xe1: {  	s24 =	simm.s32 $0x200;
	v24 =	vmul.f32 v60, v11;
	v18 =	vadd.f32 v18, v30;
	v50 =	vadd.f32 v17, v30;
	v17 =	vld [tilespmem:s20+$0x10E80]  }
0xe2: {  	v26 =	vadd.f32 v27, v30;
	v27 =	vld [tilespmem:s17+$0x280];
	v20 =	vadd.f32 v20, v30;
	s20 =	sand.u32 $0x1C00, s24  }
0xe3: {  	v52 =	vmul.f32 v60, v13;
	s26 =	sand.u32 $0x60, s23;
	v24 =	vadd.f32 v24, v30;
	v34 =	vadd.f32 v18, v46;
	v18 =	vld [tilespmem:s25+$0x0];
	s20 =	sor.u32 $0x2000, s20  }
0xe4: {  	v53 =	vmul.f32 v60, v15;
	[tilespmem:s19+$0x2000] =	vst v23;
	v26 =	vadd.f32 v31, v26;
	v31 =	vld [tilespmem:s25+$0x410];
	s3 =	sor.u32 s26, s20;
	v25 =	vadd.f32 v33, v25  }
0xe5: {  	s2 =	sor.u32 s2, s18;
	v54 =	vadd.f32 v52, v30;
	[tilespmem:s1+$0x2000] =	vst v19;
	v19 =	vadd.f32 v29, v50;
	v29 =	vmul.f32 v60, v14;
	v55 =	vld [tilespmem:s3+$0x0]  }
0xe6: {  	s2 =	sor.u32 $0x380, s2;
	v28 =	vadd.f32 v28, v20;
	v24 =	vadd.f32 v48, v24;
	v57 =	vld [tilespmem:s3+$0x80];
	[tilespmem:s10+$0x2000] =	vst v25;
	v56 =	vmul.f32 v8, v17  }
0xe7: {  	[tilespmem:s17+$0x80] =	vst v26;
	v25 =	vadd.f32 v27, v54;
	v20 =	vadd.f32 v29, v30;
	v26 =	vmul.f32 v9, v17;
	v27 =	vld [tilespmem:s2+$0x2000]  }
0xe8: {  	[tilespmem:s17+$0x100] =	vst v19;
	v19 =	vadd.f32 v53, v30;
	v30 =	vld [tilespmem:s3+$0x100];
	v29 =	vadd.f32 v56, v18  }
0xe9: {  	s30 =	simm.s32 $0x2;
	v58 =	vld [tilespmem:s3+$0x180];
	[tilespmem:s17+$0x180] =	vst v24;
	v24 =	vadd.f32 v26, v18;
	v26 =	vmul.f32 v10, v17  }
0xea: {  	s31 =	simm.s32 $0x2;
	s9 =	sand.u32 $0x7, s30;
	[tilespmem:s17+$0x200] =	vst v28;
	v59 =	vld [tilespmem:s3+$0x200];
	s10 =	simm.s32 $0x50;
	v28 =	vadd.f32 v29, v55;
	v29 =	vmul.f32 v11, v17  }
0xeb: {  	s28 =	simm.s32 $0x60;
	s9 =	sshll.u32 s9, $0x4;
	v60 =	vld [tilespmem:s3+$0x280];
	s7 =	sand.u32 $0x70, s10;
	[tilespmem:s17+$0x280] =	vst v25;
	v24 =	vadd.f32 v24, v57;
	v25 =	vadd.f32 v26, v18;
	v26 =	vmul.f32 v12, v17  }
0xec: {  	s9 =	sadd.s32 $0x100, s9;
	s0 =	sor.u32 s0, s18;
	[tilespmem:s17+$0x0] =	vst v34;
	s17 =	sor.u32 s7, s20;
	v61 =	vadd.f32 v22, v27;
	v23 =	vadd.f32 v29, v18;
	v29 =	vmul.f32 v13, v17  }
0xed: {  	s9 =	sadd.s32 $0x10, s9;
	s18 =	sor.u32 $0x380, s0;
	s12 =	simm.s32 $0x4;
	v62 =	vmul.f32 v31, v11;
	v22 =	vld [tilespmem:s17+$0x0];
	[tilespmem:s3+$0x0] =	vst v28;
	v25 =	vadd.f32 v25, v30;
	v26 =	vadd.f32 v26, v18  }
0xee: {  	s0 =	simm.s32 $0x4;
	s30 =	sand.u32 $0x7, s12;
	s1 =	sor.u32 s16, s15;
	v63 =	vmul.f32 v31, v12;
	[tilespmem:s3+$0x80] =	vst v24;
	v24 =	vld [tilespmem:s17+$0x80];
	v23 =	vadd.f32 v23, v58;
	v27 =	vadd.f32 v29, v18  }
0xef: {  	s15 =	sor.u32 $0x380, s1;
	s1 =	sshll.u32 s30, $0x4;
	s7 =	sand.u32 $0x3, s31;
	v34 =	vadd.f32 v62, v21;
	v29 =	vmul.f32 v31, v9;
	[tilespmem:s3+$0x100] =	vst v25;
	v25 =	vadd.f32 v26, v59;
	v26 =	vld [tilespmem:s17+$0x100]  }
0xf0: {  	s16 =	sor.u32 $0x300, s9;
	s9 =	sadd.s32 $0x200, s1;
	s19 =	sshll.u32 s7, $0x5;
	v28 =	vmul.f32 v31, v8;
	v30 =	vmul.f32 v31, v10;
	[tilespmem:s3+$0x180] =	vst v23;
	v23 =	vadd.f32 v27, v60;
	v27 =	vld [tilespmem:s17+$0x180]  }
0xf1: {  	s26 =	sor.u32 $0x8, s22;
	s12 =	sadd.s32 $0x10, s9;
	v39 =	vmul.f32 v31, v13;
	s9 =	sadd.s32 $0x200, s19;
	v35 =	vadd.f32 v63, v21;
	[tilespmem:s3+$0x200] =	vst v25;
	v33 =	vadd.f32 v29, v21;
	v29 =	vld [tilespmem:s17+$0x200]  }
0xf2: {  	s30 =	sor.u32 s10, s24;
	s20 =	sor.u32 $0x300, s12;
	s9 =	sor.u32 $0x300, s9;
	v32 =	vadd.f32 v28, v21;
	v36 =	vadd.f32 v30, v21;
	v30 =	vld [tilespmem:s17+$0x280];
	[tilespmem:s3+$0x280] =	vst v23  }
0xf3: {  	s19 =	sor.u32 $0x380, s30;
	[tilespmem:s2+$0x2000] =	vst v61;
	s2 =	simm.s32 $0x200;
	v25 =	vmul.f32 v31, v14;
	v23 =	vmul.f32 v31, v15;
	v31 =	vadd.f32 v39, v21;
	s3 =	simm.s32 $0x6;
	v28 =	vld [tilespmem:s9+$0x2000]  }
.LBB2_7:
0xf4: {  	s10 =	sand.u32 $0x7, s3;
	s11 =	sand.u32 $0x3E0, s28;
	s12 =	sadd.s32 $0x10, s28;
	v37 =	vmul.f32 v14, v17;
	v22 =	vadd.f32 v32, v22;
	v24 =	vadd.f32 v24, v33;
	v32 =	vld [tilespmem:s16+$0x2000]  }
0xf5: {  	v26 =	vadd.f32 v26, v36;
	s24 =	sadd.s32 $0x100, s24;
	s10 =	sshll.u32 s10, $0x4;
	v33 =	vld [tilespmem:s11+$0x10E80];
	s11 =	sand.u32 $0x70, s12;
	v27 =	vadd.f32 v27, v34  }
0xf6: {  	s25 =	sadd.s32 $0x20, s25;
	s30 =	sand.u32 $0x1C00, s24;
	s10 =	sadd.s32 s24, s10;
	v34 =	vadd.f32 v37, v18;
	[tilespmem:s17+$0x0] =	vst v22;
	v22 =	vadd.f32 v29, v35;
	v29 =	vld [tilespmem:s15+$0x2000]  }
0xf7: {  	s7 =	sand.u32 $0x60, s28;
	v25 =	vadd.f32 v25, v21;
	s1 =	sor.u32 $0x2000, s30;
	v35 =	vld [tilespmem:s25+$0x0];
	s10 =	sadd.s32 $0x10, s10;
	[tilespmem:s17+$0x80] =	vst v24;
	v24 =	vadd.f32 v30, v31  }
0xf8: {  	v21 =	vadd.f32 v23, v21;
	s30 =	sor.u32 s7, s1;
	s1 =	sor.u32 s11, s1;
	v30 =	vld [tilespmem:s25+$0x410];
	s7 =	sor.u32 $0x300, s10;
	v28 =	vadd.f32 v34, v28;
	[tilespmem:s17+$0x100] =	vst v26  }
0xf9: {  	s11 =	sor.u32 s23, s2;
	s2 =	smov.u32 s24;
	s10 =	sor.u32 s12, s24;
	v23 =	vld [tilespmem:s30+$0x0];
	[tilespmem:s17+$0x180] =	vst v27;
	v26 =	vadd.f32 v32, v20;
	v20 =	vmov v25  }
0xfa: {  	s0 =	sadd.s32 $0x2, s0;
	s10 =	sor.u32 $0x380, s10;
	v25 =	vmul.f32 v8, v33;
	v27 =	vld [tilespmem:s30+$0x80];
	[tilespmem:s9+$0x2000] =	vst v28;
	s9 =	sor.u32 $0x380, s11  }
0xfb: {  	p0 =	slt.u32 s0, $0x3E;
	s23 =	smov.u32 s28;
	v28 =	vmul.f32 v9, v33;
	v31 =	vld [tilespmem:s9+$0x2000];
	[tilespmem:s17+$0x200] =	vst v22;
	v22 =	vadd.f32 v29, v16;
	v16 =	vmovc v19;
	v19 =	vmov v21  }
0xfc: {  	v29 =	vmul.f32 v15, v17;
	v17 =	vmov v33;
	v21 =	vadd.f32 v25, v35;
	v25 =	vld [tilespmem:s30+$0x100];
	[tilespmem:s17+$0x280] =	vst v24;
	s17 =	smov.u32 s1  }
0xfd: {  	v24 =	vadd.f32 v28, v35;
	v28 =	vmul.f32 v10, v17;
	v32 =	vld [tilespmem:s30+$0x180];
	v33 =	vmul.f32 v30, v8;
	[tilespmem:s16+$0x2000] =	vst v26;
	s16 =	smov.u32 s20;
	s20 =	smov.u32 s7  }
0xfe: {  	v29 =	vadd.f32 v29, v18;
	v21 =	vadd.f32 v21, v23;
	v23 =	vmul.f32 v11, v17;
	v26 =	vld [tilespmem:s30+$0x200];
	[tilespmem:s15+$0x2000] =	vst v22;
	s15 =	smov.u32 s18;
	s18 =	smov.u32 s19;
	s19 =	smov.u32 s10  }
0xff: {  	v18 =	vmovc v35;
	v22 =	vadd.f32 v24, v27;
	v24 =	vadd.f32 v28, v35;
	v27 =	vmul.f32 v12, v17;
	v28 =	vld [tilespmem:s30+$0x280]  }
0x100: {  	v34 =	vmul.f32 v13, v17;
	[tilespmem:s30+$0x0] =	vst v21;
	v23 =	vadd.f32 v23, v18;
	v21 =	vld [tilespmem:s25+$0x10];
	v29 =	vadd.f32 v29, v31  }
0x101: {  	v31 =	vmul.f32 v30, v9;
	[tilespmem:s30+$0x80] =	vst v22;
	v25 =	vadd.f32 v24, v25;
	v27 =	vadd.f32 v27, v18;
	v22 =	vld [tilespmem:s17+$0x0]  }
0x102: {  	s31 =	sadd.s32 $0x1, s31;
	v23 =	vadd.f32 v23, v32;
	v32 =	vadd.f32 v34, v18;
	v24 =	vld [tilespmem:s17+$0x80];
	v34 =	vmul.f32 v30, v10;
	[tilespmem:s9+$0x2000] =	vst v29  }
.Ltmp2:
0x103: {  	s1 =	sand.u32 $0x3, s31;
	v37 =	vmul.f32 v30, v12;
	v35 =	vmul.f32 v30, v11;
	[tilespmem:s30+$0x100] =	vst v25;
	v29 =	vadd.f32 v27, v26;
	v26 =	vld [tilespmem:s17+$0x100];
	(pc) =	sbr.rel @p0 .LBB2_7-.Ltmp2, $4  }
0x104: {  	s1 =	sshll.u32 s1, $0x5;
	v38 =	vmul.f32 v30, v13;
	v25 =	vmul.f32 v30, v14;
	[tilespmem:s30+$0x180] =	vst v23;
	v28 =	vadd.f32 v32, v28;
	v27 =	vld [tilespmem:s17+$0x180]  }
0x105: {  	s1 =	sadd.s32 s1, s24;
	v23 =	vmul.f32 v30, v15;
	[tilespmem:s30+$0x200] =	vst v29;
	v32 =	vadd.f32 v33, v21;
	v33 =	vadd.f32 v31, v21;
	v29 =	vld [tilespmem:s17+$0x200]  }
0x106: {  	s9 =	sor.u32 $0x300, s1;
	v36 =	vadd.f32 v34, v21;
	v34 =	vadd.f32 v35, v21;
	[tilespmem:s30+$0x280] =	vst v28;
	v30 =	vld [tilespmem:s17+$0x280]  }
0x107: {  	s3 =	sadd.s32 $0x2, s3;
	s28 =	sadd.s32 $0x20, s28;
	v35 =	vadd.f32 v37, v21;
	v31 =	vadd.f32 v38, v21;
	v28 =	vld [tilespmem:s9+$0x2000]  }
0x108: {  	v8 =	vadd.f32 v32, v22  }
0x109: {  	v9 =	vadd.f32 v24, v33  }
0x10a: {  	v10 =	vadd.f32 v26, v36;
	[tilespmem:s17+$0x0] =	vst v8  }
0x10b: {  	v8 =	vadd.f32 v27, v34;
	[tilespmem:s17+$0x80] =	vst v9  }
0x10c: {  	v9 =	vadd.f32 v29, v35;
	[tilespmem:s17+$0x100] =	vst v10  }
0x10d: {  	v10 =	vadd.f32 v30, v31;
	[tilespmem:s17+$0x180] =	vst v8  }
0x10e: {  	[tilespmem:s17+$0x200] =	vst v9  }
0x10f: {  	v8 =	vmul.f32 v14, v17;
	v9 =	vld [tilespmem:s16+$0x2000];
	[tilespmem:s17+$0x280] =	vst v10  }
0x110: {  	v10 =	vld [tilespmem:s20+$0x2000]  }
0x111: {  	v8 =	vadd.f32 v8, v18;
	_ =	sdelay $0x1  }
0x112: {  	v11 =	vadd.f32 v25, v21;
	v8 =	vadd.f32 v8, v28  }
0x113: {  	s0 =	sor.u32 s23, s2;
	v9 =	vadd.f32 v9, v20  }
0x114: {  	v12 =	vld [tilespmem:s15+$0x2000];
	s0 =	sor.u32 $0x380, s0;
	[tilespmem:s9+$0x2000] =	vst v8;
	v8 =	vadd.f32 v10, v11  }
0x115: {  	v10 =	vld [tilespmem:s0+$0x2000];
	[tilespmem:s16+$0x2000] =	vst v9  }
0x116: {  	v9 =	vmul.f32 v15, v17;
	v11 =	vld [tilespmem:s18+$0x2000];
	[tilespmem:s20+$0x2000] =	vst v8  }
0x117: {  	v8 =	vld [tilespmem:s19+$0x2000]  }
0x118: {  	v9 =	vadd.f32 v9, v18  }
0x119: {  	v12 =	vadd.f32 v12, v16  }
0x11a: {  	v13 =	vadd.f32 v23, v21;
	v9 =	vadd.f32 v9, v10  }
0x11b: {  	[tilespmem:s15+$0x2000] =	vst v12;
	v10 =	vadd.f32 v11, v19  }
0x11c: {  	s1 =	sadd.s32 s6, s26;
	[tilespmem:s0+$0x2000] =	vst v9;
	v8 =	vadd.f32 v8, v13  }
0x11d: {  	s0 =	sshll.u32 s1, $0x7;
	s1 =	rddreg [dreg:$0x3];
	[tilespmem:s18+$0x2000] =	vst v10  }
0x11e: {  	s2 =	simm.s32 $0x2000;
	s0 =	sadd.s32 s1, s0;
	[tilespmem:s19+$0x2000] =	vst v8  }
0x11f: {  	[hbm4b:s0+s5] =	stream.linear.scatter [tilespmem:s2], [sflag:$0xA], $0x2000, $0x38;
	[tilespmem:$0x11280] =	vst v63  }
0x120: {  	p0 =	seq.s32 s21, $0x7;
	s1 =	rddreg [dreg:$0xd]  }
0x121: {  	s0 =	simm.s32 @!p0 $0x9;
	s1 =	sadd.s32 @!p0 s8, s1  }
0x122: {  	_ =	swait.ge @!p0 [sflag:s0], $0x2000;
	s1 =	sshll.u32 @!p0 s1, $0xA  }
0x123: {  	s3 =	simm.s32 $0x3;
	[sflag:s0] =	ssyncset.done @!p0 $0x0;
	s1 =	sand.u32 @!p0 $0x1FFFE000, s1  }
0x124: {  	[sflag:s0] =	ssyncadd.s32 @!p0 $0xFFFFE000;
	s0 =	sadd.s32 @!p0 s4, s1;
	s1 =	simm.s32 @!p0 $0x0  }
0x125: {  	[tilespmem:s1], [sflag:$0x1] =	stream.linear.gather @!p0 [hbm4b:s0+s1], $0x2000, $0x38;
	[tilespmem:$0x11280] =	vst v63  }
0x126: {  	_ =	swait.ge [sflag:s3], $0x2000  }
0x127: {  	[sflag:s3] =	ssyncset.done $0x0  }
0x128: {  	[sflag:s3] =	ssyncadd.s32 $0xFFFFE000  }
0x129: {  	v8 =	vld [tilespmem:s22+$0x10010]  }
0x12a: {  	s15 =	simm.s32 $0x0  }
0x12b: {  	s7 =	sand.u32 $0x3E0, s15  }
0x12c: {  	s9 =	simm.s32 $0x10A80;
	v17 =	vld [tilespmem:s7+$0x10E80]  }
0x12d: {  	s10 =	sand.u32 $0x1C00, s15;
	s16 =	simm.s32 $0x10;
	v16 =	vld [tilespmem:s9+$0x0]  }
0x12e: {  	s12 =	sand.u32 $0x70, s16;
	s0 =	sor.u32 $0x4000, s10;
	v18 =	vld [tilespmem:s9+$0x410];
	vm0 =	vgt.s32 v8, $0x0  }
0x12f: {  	s11 =	sand.u32 $0x60, s15;
	s3 =	sor.u32 s12, s0;
	v28 =	vld [tilespmem:s9+$0x10];
	v15 =	vsel vm0, $0x3F800000, v0  }
0x130: {  	s7 =	sor.u32 s11, s0;
	v29 =	vld [tilespmem:s3+$0x0];
	v8 =	vperm.xlane v15, v0  }
0x131: {  	v14 =	vld [tilespmem:s7+$0x0];
	v9 =	vperm.xlane v15, v1  }
0x132: {  	v19 =	vld [tilespmem:s7+$0x80];
	v10 =	vperm.xlane v15, v2;
	v13 =	vmul.f32 v8, v17  }
0x133: {  	s23 =	simm.s32 $0x10AA0;
	v20 =	vld [tilespmem:s7+$0x100];
	v11 =	vperm.xlane v15, v3;
	v21 =	vmul.f32 v9, v17  }
0x134: {  	v60 =	vld [tilespmem:s23+$0x410];
	v24 =	vmul.f32 v10, v17;
	v23 =	vadd.f32 v13, v16  }
0x135: {  	v22 =	vld [tilespmem:s7+$0x180];
	v12 =	vperm.xlane v15, v4;
	v26 =	vmul.f32 v11, v17;
	v21 =	vadd.f32 v21, v16  }
0x136: {  	v25 =	vld [tilespmem:s7+$0x200];
	v13 =	vperm.xlane v15, v5;
	v14 =	vadd.f32 v23, v14;
	v23 =	vadd.f32 v24, v16  }
0x137: {  	v27 =	vld [tilespmem:s7+$0x280];
	v24 =	vmul.f32 v12, v17;
	v19 =	vadd.f32 v21, v19  }
0x138: {  	v21 =	vadd.f32 v26, v16;
	v26 =	vmul.f32 v13, v17;
	[tilespmem:s7+$0x0] =	vst v14;
	v14 =	vadd.f32 v23, v20;
	v23 =	vld [tilespmem:s3+$0x80]  }
0x139: {  	s2 =	simm.s32 $0x20;
	v20 =	vadd.f32 v24, v16;
	v24 =	vld [tilespmem:s3+$0x100]  }
0x13a: {  	s18 =	sand.u32 $0x3E0, s2;
	[tilespmem:s7+$0x80] =	vst v19;
	v19 =	vadd.f32 v21, v22;
	v21 =	vadd.f32 v26, v16;
	v26 =	vld [tilespmem:s3+$0x200]  }
0x13b: {  	v30 =	vmul.f32 v18, v10;
	v31 =	vmul.f32 v18, v12;
	v22 =	vld [tilespmem:s18+$0x10E80];
	s18 =	simm.s32 $0x100;
	v20 =	vadd.f32 v20, v25  }
0x13c: {  	s17 =	sand.u32 $0x3, s15;
	v57 =	vmul.f32 v18, v13;
	s20 =	sand.u32 $0x1C00, s18;
	v25 =	vld [tilespmem:s3+$0x180];
	[tilespmem:s7+$0x180] =	vst v19;
	v19 =	vadd.f32 v21, v27;
	v21 =	vmul.f32 v18, v8  }
0x13d: {  	s24 =	sand.u32 $0x60, s2;
	s0 =	sshll.u32 s17, $0x5;
	v30 =	vadd.f32 v30, v28;
	v31 =	vadd.f32 v31, v28;
	s10 =	sor.u32 $0x4000, s20;
	[tilespmem:s7+$0x200] =	vst v20;
	v20 =	vld [tilespmem:s3+$0x280]  }
0x13e: {  	s0 =	sadd.s32 $0x0, s0;
	v33 =	vadd.f32 v57, v28;
	[tilespmem:s7+$0x100] =	vst v14;
	v27 =	vmul.f32 v18, v9;
	s25 =	sor.u32 s24, s10;
	v58 =	vadd.f32 v21, v28;
	v21 =	vld [tilespmem:s23+$0x0]  }
0x13f: {  	s19 =	sor.u32 $0x300, s0;
	v14 =	vperm.xlane v15, v6;
	[tilespmem:s7+$0x280] =	vst v19;
	v19 =	vmul.f32 v18, v11;
	v37 =	vld [tilespmem:s25+$0x0];
	v24 =	vadd.f32 v24, v30  }
0x140: {  	v27 =	vadd.f32 v27, v28;
	v56 =	vld [tilespmem:s19+$0x4000];
	v26 =	vadd.f32 v26, v31  }
0x141: {  	v59 =	vmul.f32 v14, v17;
	v38 =	vld [tilespmem:s25+$0x80];
	v19 =	vadd.f32 v19, v28;
	v29 =	vadd.f32 v58, v29;
	[tilespmem:s3+$0x100] =	vst v24  }
0x142: {  	v15 =	vperm.xlane v15, v7;
	v40 =	vld [tilespmem:s25+$0x180];
	v23 =	vadd.f32 v23, v27;
	v27 =	vmul.f32 v9, v22;
	[tilespmem:s3+$0x200] =	vst v26  }
0x143: {  	s0 =	simm.s32 $0x30;
	v43 =	vld [tilespmem:s25+$0x280];
	v62 =	vmul.f32 v8, v22;
	v61 =	vadd.f32 v59, v16;
	[tilespmem:s3+$0x0] =	vst v29;
	v19 =	vadd.f32 v25, v19  }
0x144: {  	s30 =	sand.u32 $0x70, s0;
	v30 =	vld [tilespmem:s25+$0x100];
	[tilespmem:s3+$0x80] =	vst v23;
	v25 =	vmul.f32 v11, v22;
	v23 =	vadd.f32 v27, v21;
	v20 =	vadd.f32 v20, v33  }
0x145: {  	s11 =	sand.u32 $0x7, s15;
	s17 =	sor.u32 s30, s10;
	v39 =	vmul.f32 v10, v22;
	v63 =	vadd.f32 v62, v21;
	v27 =	vld [tilespmem:s25+$0x200];
	v29 =	vadd.f32 v61, v56;
	[tilespmem:s3+$0x180] =	vst v19  }
0x146: {  	v46 =	vld [tilespmem:s17+$0x0];
	s7 =	sshll.u32 s11, $0x4;
	v42 =	vmul.f32 v12, v22;
	v25 =	vadd.f32 v25, v21;
	v23 =	vadd.f32 v23, v38;
	[tilespmem:s3+$0x280] =	vst v20  }
0x147: {  	s26 =	sor.u32 s15, s15;
	v48 =	vld [tilespmem:s17+$0x180];
	v44 =	vmul.f32 v13, v22;
	s7 =	sadd.s32 $0x0, s7;
	v41 =	vadd.f32 v39, v21;
	[tilespmem:s19+$0x4000] =	vst v29;
	v29 =	vadd.f32 v63, v37  }
0x148: {  	s9 =	sor.u32 $0x380, s26;
	v31 =	vld [tilespmem:s17+$0x80];
	s7 =	sadd.s32 $0x10, s7;
	v45 =	vadd.f32 v42, v21;
	v25 =	vadd.f32 v25, v40;
	[tilespmem:s25+$0x80] =	vst v23  }
0x149: {  	s10 =	simm.s32 $0x1;
	v17 =	vmul.f32 v15, v17;
	v47 =	vadd.f32 v44, v21;
	s19 =	sor.u32 $0x300, s7;
	v24 =	vld [tilespmem:s9+$0x4000];
	[tilespmem:s25+$0x0] =	vst v29;
	v29 =	vadd.f32 v41, v30  }
0x14a: {  	s1 =	sand.u32 $0x3, s10;
	v23 =	vmul.f32 v18, v14;
	v18 =	vmul.f32 v18, v15;
	v51 =	vld [tilespmem:s19+$0x4000];
	v27 =	vadd.f32 v45, v27;
	[tilespmem:s25+$0x180] =	vst v25  }
0x14b: {  	s24 =	simm.s32 $0x200;
	s1 =	sshll.u32 s1, $0x5;
	v49 =	vmul.f32 v14, v22;
	v17 =	vadd.f32 v17, v16;
	v30 =	vld [tilespmem:s23+$0x10];
	v25 =	vadd.f32 v47, v43;
	[tilespmem:s25+$0x100] =	vst v29  }
0x14c: {  	s20 =	sand.u32 $0x1C00, s24;
	s1 =	sadd.s32 $0x100, s1;
	s23 =	simm.s32 $0x40;
	v23 =	vadd.f32 v23, v28;
	v16 =	vadd.f32 v18, v28;
	v28 =	vld [tilespmem:s17+$0x200];
	[tilespmem:s25+$0x200] =	vst v27  }
0x14d: {  	s30 =	sor.u32 $0x4000, s20;
	s1 =	sor.u32 $0x300, s1;
	v33 =	vadd.f32 v49, v21;
	s26 =	sand.u32 $0x60, s23;
	v29 =	vld [tilespmem:s17+$0x100];
	[tilespmem:s25+$0x280] =	vst v25  }
0x14e: {  	v18 =	vmul.f32 v60, v8;
	s3 =	sor.u32 s26, s30;
	v25 =	vld [tilespmem:s1+$0x4000];
	v19 =	vadd.f32 v17, v24;
	v17 =	vmul.f32 v60, v10  }
0x14f: {  	v20 =	vmul.f32 v60, v12;
	s12 =	sand.u32 $0x3E0, s23;
	v27 =	vmul.f32 v60, v9;
	v55 =	vld [tilespmem:s3+$0x0];
	v23 =	vadd.f32 v51, v23  }
0x150: {  	v52 =	vmul.f32 v60, v13;
	v18 =	vadd.f32 v18, v30;
	v50 =	vadd.f32 v17, v30;
	v17 =	vld [tilespmem:s12+$0x10E80]  }
0x151: {  	s25 =	simm.s32 $0x10AC0;
	v24 =	vmul.f32 v60, v11;
	v26 =	vadd.f32 v27, v30;
	v27 =	vld [tilespmem:s17+$0x280];
	v20 =	vadd.f32 v20, v30  }
0x152: {  	v54 =	vadd.f32 v52, v30;
	v34 =	vadd.f32 v18, v46;
	v18 =	vld [tilespmem:s25+$0x0]  }
0x153: {  	v53 =	vmul.f32 v60, v15;
	v57 =	vld [tilespmem:s3+$0x80];
	v24 =	vadd.f32 v24, v30;
	[tilespmem:s9+$0x4000] =	vst v19;
	v25 =	vadd.f32 v33, v25  }
0x154: {  	s2 =	sor.u32 s2, s18;
	v58 =	vld [tilespmem:s3+$0x180];
	[tilespmem:s19+$0x4000] =	vst v23;
	v26 =	vadd.f32 v31, v26;
	v19 =	vadd.f32 v29, v50;
	v29 =	vmul.f32 v60, v14  }
0x155: {  	s2 =	sor.u32 $0x380, s2;
	v31 =	vld [tilespmem:s25+$0x410];
	v28 =	vadd.f32 v28, v20;
	v24 =	vadd.f32 v48, v24;
	[tilespmem:s1+$0x4000] =	vst v25;
	v56 =	vmul.f32 v8, v17  }
0x156: {  	[tilespmem:s17+$0x80] =	vst v26;
	v25 =	vadd.f32 v27, v54;
	v20 =	vadd.f32 v29, v30;
	v26 =	vmul.f32 v9, v17;
	v27 =	vld [tilespmem:s2+$0x4000]  }
0x157: {  	v22 =	vmul.f32 v15, v22;
	[tilespmem:s17+$0x100] =	vst v19;
	v19 =	vadd.f32 v53, v30;
	v30 =	vld [tilespmem:s3+$0x100];
	v29 =	vadd.f32 v56, v18  }
0x158: {  	s31 =	simm.s32 $0x2;
	v59 =	vld [tilespmem:s3+$0x200];
	[tilespmem:s17+$0x180] =	vst v24;
	v24 =	vadd.f32 v26, v18;
	v26 =	vmul.f32 v10, v17  }
0x159: {  	s28 =	simm.s32 $0x60;
	s0 =	sor.u32 s0, s18;
	v22 =	vadd.f32 v22, v21;
	s7 =	simm.s32 $0x50;
	v21 =	vld [tilespmem:s25+$0x10];
	[tilespmem:s17+$0x200] =	vst v28;
	v28 =	vadd.f32 v29, v55;
	v29 =	vmul.f32 v11, v17  }
0x15a: {  	s18 =	sor.u32 $0x380, s0;
	s11 =	sand.u32 $0x70, s7;
	s12 =	simm.s32 $0x2;
	v60 =	vld [tilespmem:s3+$0x280];
	[tilespmem:s17+$0x280] =	vst v25;
	v24 =	vadd.f32 v24, v57;
	v25 =	vadd.f32 v26, v18;
	v26 =	vmul.f32 v12, v17  }
0x15b: {  	s0 =	simm.s32 $0x4;
	[tilespmem:s17+$0x0] =	vst v34;
	s1 =	sand.u32 $0x7, s12;
	s17 =	sor.u32 s11, s30;
	v61 =	vadd.f32 v22, v27;
	v23 =	vadd.f32 v29, v18;
	v29 =	vmul.f32 v13, v17  }
0x15c: {  	s20 =	sor.u32 s16, s15;
	s12 =	simm.s32 $0x4;
	s1 =	sshll.u32 s1, $0x4;
	v62 =	vmul.f32 v31, v11;
	v22 =	vld [tilespmem:s17+$0x0];
	[tilespmem:s3+$0x0] =	vst v28;
	v25 =	vadd.f32 v25, v30;
	v26 =	vadd.f32 v26, v18  }
0x15d: {  	s15 =	sor.u32 $0x380, s20;
	s1 =	sadd.s32 $0x100, s1;
	s30 =	sand.u32 $0x7, s12;
	v63 =	vmul.f32 v31, v12;
	[tilespmem:s3+$0x80] =	vst v24;
	v24 =	vld [tilespmem:s17+$0x80];
	v23 =	vadd.f32 v23, v58;
	v27 =	vadd.f32 v29, v18  }
0x15e: {  	s11 =	sand.u32 $0x3, s31;
	s1 =	sadd.s32 $0x10, s1;
	s10 =	sshll.u32 s30, $0x4;
	v34 =	vadd.f32 v62, v21;
	v29 =	vmul.f32 v31, v9;
	[tilespmem:s3+$0x100] =	vst v25;
	v25 =	vadd.f32 v26, v59;
	v26 =	vld [tilespmem:s17+$0x100]  }
0x15f: {  	s19 =	sshll.u32 s11, $0x5;
	s16 =	sor.u32 $0x300, s1;
	s1 =	sadd.s32 $0x200, s10;
	v28 =	vmul.f32 v31, v8;
	v30 =	vmul.f32 v31, v10;
	[tilespmem:s3+$0x180] =	vst v23;
	v23 =	vadd.f32 v27, v60;
	v27 =	vld [tilespmem:s17+$0x180]  }
0x160: {  	v39 =	vmul.f32 v31, v13;
	s30 =	sor.u32 s7, s24;
	v35 =	vadd.f32 v63, v21;
	s12 =	sadd.s32 $0x10, s1;
	s1 =	sadd.s32 $0x200, s19;
	[tilespmem:s3+$0x200] =	vst v25;
	v33 =	vadd.f32 v29, v21;
	v29 =	vld [tilespmem:s17+$0x200]  }
0x161: {  	s26 =	sor.u32 $0x10, s22;
	s19 =	sor.u32 $0x380, s30;
	s9 =	sor.u32 $0x300, s1;
	v32 =	vadd.f32 v28, v21;
	v36 =	vadd.f32 v30, v21;
	v30 =	vld [tilespmem:s17+$0x280];
	[tilespmem:s3+$0x280] =	vst v23  }
0x162: {  	s20 =	sor.u32 $0x300, s12;
	[tilespmem:s2+$0x4000] =	vst v61;
	s2 =	simm.s32 $0x200;
	v25 =	vmul.f32 v31, v14;
	v23 =	vmul.f32 v31, v15;
	v31 =	vadd.f32 v39, v21;
	s3 =	simm.s32 $0x6;
	v28 =	vld [tilespmem:s9+$0x4000]  }
.LBB2_9:
0x163: {  	s1 =	sand.u32 $0x7, s3;
	s7 =	sand.u32 $0x3E0, s28;
	s10 =	sadd.s32 $0x10, s28;
	v37 =	vmul.f32 v14, v17;
	v22 =	vadd.f32 v32, v22;
	v24 =	vadd.f32 v24, v33;
	v32 =	vld [tilespmem:s16+$0x4000]  }
0x164: {  	v26 =	vadd.f32 v26, v36;
	s24 =	sadd.s32 $0x100, s24;
	s1 =	sshll.u32 s1, $0x4;
	v33 =	vld [tilespmem:s7+$0x10E80];
	s7 =	sand.u32 $0x70, s10;
	v27 =	vadd.f32 v27, v34  }
0x165: {  	s25 =	sadd.s32 $0x20, s25;
	s11 =	sand.u32 $0x1C00, s24;
	s1 =	sadd.s32 s24, s1;
	v34 =	vadd.f32 v37, v18;
	[tilespmem:s17+$0x0] =	vst v22;
	v22 =	vadd.f32 v29, v35;
	v29 =	vld [tilespmem:s15+$0x4000]  }
0x166: {  	s12 =	sand.u32 $0x60, s28;
	v25 =	vadd.f32 v25, v21;
	s11 =	sor.u32 $0x4000, s11;
	v35 =	vld [tilespmem:s25+$0x0];
	s1 =	sadd.s32 $0x10, s1;
	[tilespmem:s17+$0x80] =	vst v24;
	v24 =	vadd.f32 v30, v31  }
0x167: {  	v21 =	vadd.f32 v23, v21;
	s30 =	sor.u32 s12, s11;
	s7 =	sor.u32 s7, s11;
	v30 =	vld [tilespmem:s25+$0x410];
	s1 =	sor.u32 $0x300, s1;
	v28 =	vadd.f32 v34, v28;
	[tilespmem:s17+$0x100] =	vst v26  }
0x168: {  	s10 =	sor.u32 s10, s24;
	s11 =	sor.u32 s23, s2;
	s2 =	smov.u32 s24;
	v23 =	vld [tilespmem:s30+$0x0];
	[tilespmem:s17+$0x180] =	vst v27;
	v26 =	vadd.f32 v32, v20;
	v20 =	vmov v25  }
0x169: {  	s0 =	sadd.s32 $0x2, s0;
	s10 =	sor.u32 $0x380, s10;
	v25 =	vmul.f32 v8, v33;
	v27 =	vld [tilespmem:s30+$0x80];
	[tilespmem:s9+$0x4000] =	vst v28;
	s9 =	sor.u32 $0x380, s11  }
0x16a: {  	p1 =	slt.u32 s0, $0x3E;
	s23 =	smov.u32 s28;
	v28 =	vmul.f32 v9, v33;
	v31 =	vld [tilespmem:s9+$0x4000];
	[tilespmem:s17+$0x200] =	vst v22;
	v22 =	vadd.f32 v29, v16;
	v16 =	vmovc v19;
	v19 =	vmov v21  }
0x16b: {  	v29 =	vmul.f32 v15, v17;
	v17 =	vmov v33;
	v21 =	vadd.f32 v25, v35;
	v25 =	vld [tilespmem:s30+$0x100];
	[tilespmem:s17+$0x280] =	vst v24;
	s17 =	smov.u32 s7  }
0x16c: {  	v24 =	vadd.f32 v28, v35;
	v28 =	vmul.f32 v10, v17;
	v32 =	vld [tilespmem:s30+$0x180];
	v33 =	vmul.f32 v30, v8;
	[tilespmem:s16+$0x4000] =	vst v26;
	s16 =	smov.u32 s20;
	s20 =	smov.u32 s1  }
0x16d: {  	v29 =	vadd.f32 v29, v18;
	v21 =	vadd.f32 v21, v23;
	v23 =	vmul.f32 v11, v17;
	v26 =	vld [tilespmem:s30+$0x200];
	[tilespmem:s15+$0x4000] =	vst v22;
	s15 =	smov.u32 s18;
	s18 =	smov.u32 s19;
	s19 =	smov.u32 s10  }
0x16e: {  	v18 =	vmovc v35;
	v22 =	vadd.f32 v24, v27;
	v24 =	vadd.f32 v28, v35;
	v27 =	vmul.f32 v12, v17;
	v28 =	vld [tilespmem:s30+$0x280]  }
0x16f: {  	v34 =	vmul.f32 v13, v17;
	[tilespmem:s30+$0x0] =	vst v21;
	v23 =	vadd.f32 v23, v18;
	v21 =	vld [tilespmem:s25+$0x10];
	v29 =	vadd.f32 v29, v31  }
0x170: {  	v31 =	vmul.f32 v30, v9;
	[tilespmem:s30+$0x80] =	vst v22;
	v25 =	vadd.f32 v24, v25;
	v27 =	vadd.f32 v27, v18;
	v22 =	vld [tilespmem:s17+$0x0]  }
0x171: {  	s31 =	sadd.s32 $0x1, s31;
	v23 =	vadd.f32 v23, v32;
	v32 =	vadd.f32 v34, v18;
	v24 =	vld [tilespmem:s17+$0x80];
	v34 =	vmul.f32 v30, v10;
	[tilespmem:s9+$0x4000] =	vst v29  }
.Ltmp3:
0x172: {  	s1 =	sand.u32 $0x3, s31;
	v37 =	vmul.f32 v30, v12;
	v35 =	vmul.f32 v30, v11;
	[tilespmem:s30+$0x100] =	vst v25;
	v29 =	vadd.f32 v27, v26;
	v26 =	vld [tilespmem:s17+$0x100];
	(pc) =	sbr.rel @p1 .LBB2_9-.Ltmp3, $4  }
0x173: {  	v38 =	vmul.f32 v30, v13;
	s1 =	sshll.u32 s1, $0x5;
	v25 =	vmul.f32 v30, v14;
	[tilespmem:s30+$0x180] =	vst v23;
	v28 =	vadd.f32 v32, v28;
	v27 =	vld [tilespmem:s17+$0x180]  }
0x174: {  	s1 =	sadd.s32 s1, s24;
	v23 =	vmul.f32 v30, v15;
	[tilespmem:s30+$0x200] =	vst v29;
	v32 =	vadd.f32 v33, v21;
	v33 =	vadd.f32 v31, v21;
	v29 =	vld [tilespmem:s17+$0x200]  }
0x175: {  	s9 =	sor.u32 $0x300, s1;
	v36 =	vadd.f32 v34, v21;
	v34 =	vadd.f32 v35, v21;
	[tilespmem:s30+$0x280] =	vst v28;
	v30 =	vld [tilespmem:s17+$0x280]  }
0x176: {  	s3 =	sadd.s32 $0x2, s3;
	s28 =	sadd.s32 $0x20, s28;
	v35 =	vadd.f32 v37, v21;
	v31 =	vadd.f32 v38, v21;
	v28 =	vld [tilespmem:s9+$0x4000]  }
0x177: {  	v8 =	vadd.f32 v32, v22  }
0x178: {  	v9 =	vadd.f32 v24, v33  }
0x179: {  	v10 =	vadd.f32 v26, v36;
	[tilespmem:s17+$0x0] =	vst v8  }
0x17a: {  	v8 =	vadd.f32 v27, v34;
	[tilespmem:s17+$0x80] =	vst v9  }
0x17b: {  	v9 =	vadd.f32 v29, v35;
	[tilespmem:s17+$0x100] =	vst v10  }
0x17c: {  	v10 =	vadd.f32 v30, v31;
	[tilespmem:s17+$0x180] =	vst v8  }
0x17d: {  	[tilespmem:s17+$0x200] =	vst v9  }
0x17e: {  	v8 =	vmul.f32 v14, v17;
	v9 =	vld [tilespmem:s16+$0x4000];
	[tilespmem:s17+$0x280] =	vst v10  }
0x17f: {  	v10 =	vld [tilespmem:s20+$0x4000]  }
0x180: {  	v8 =	vadd.f32 v8, v18;
	_ =	sdelay $0x1  }
0x181: {  	v11 =	vadd.f32 v25, v21;
	v8 =	vadd.f32 v8, v28  }
0x182: {  	s0 =	sor.u32 s23, s2;
	v9 =	vadd.f32 v9, v20  }
0x183: {  	v12 =	vld [tilespmem:s15+$0x4000];
	s0 =	sor.u32 $0x380, s0;
	[tilespmem:s9+$0x4000] =	vst v8;
	v8 =	vadd.f32 v10, v11  }
0x184: {  	v10 =	vld [tilespmem:s0+$0x4000];
	[tilespmem:s16+$0x4000] =	vst v9  }
0x185: {  	v9 =	vmul.f32 v15, v17;
	v11 =	vld [tilespmem:s18+$0x4000];
	[tilespmem:s20+$0x4000] =	vst v8  }
0x186: {  	v8 =	vld [tilespmem:s19+$0x4000]  }
0x187: {  	v9 =	vadd.f32 v9, v18  }
0x188: {  	v12 =	vadd.f32 v12, v16  }
0x189: {  	v13 =	vadd.f32 v23, v21;
	v9 =	vadd.f32 v9, v10  }
0x18a: {  	[tilespmem:s15+$0x4000] =	vst v12;
	v10 =	vadd.f32 v11, v19  }
0x18b: {  	s1 =	sadd.s32 s6, s26;
	[tilespmem:s0+$0x4000] =	vst v9;
	v8 =	vadd.f32 v8, v13  }
0x18c: {  	s0 =	sshll.u32 s1, $0x7;
	s1 =	rddreg [dreg:$0x3];
	[tilespmem:s18+$0x4000] =	vst v10  }
0x18d: {  	s2 =	simm.s32 $0x4000;
	s0 =	sadd.s32 s1, s0;
	[tilespmem:s19+$0x4000] =	vst v8  }
0x18e: {  	[hbm4b:s0+s5] =	stream.linear.scatter [tilespmem:s2], [sflag:$0xB], $0x2000, $0x38;
	[tilespmem:$0x11280] =	vst v63  }
0x18f: {  	s0 =	simm.s32 @!p0 $0xA  }
0x190: {  	_ =	swait.ge @!p0 [sflag:s0], $0x2000  }
0x191: {  	s1 =	rddreg [dreg:$0xe]  }
0x192: {  	[sflag:s0] =	ssyncset.done @!p0 $0x0;
	s1 =	sadd.s32 @!p0 s8, s1  }
0x193: {  	s3 =	simm.s32 $0x4;
	[sflag:s0] =	ssyncadd.s32 @!p0 $0xFFFFE000;
	s0 =	sshll.u32 @!p0 s1, $0xA  }
0x194: {  	s2 =	simm.s32 @!p0 $0x2000;
	s1 =	simm.s32 @!p0 $0x0;
	s0 =	sadd.s32 @!p0 s4, s0  }
0x195: {  	[tilespmem:s2], [sflag:$0x2] =	stream.linear.gather @!p0 [hbm4b:s0+s1], $0x2000, $0x38;
	[tilespmem:$0x11280] =	vst v63  }
0x196: {  	_ =	swait.ge [sflag:s3], $0x2000  }
0x197: {  	[sflag:s3] =	ssyncset.done $0x0  }
0x198: {  	[sflag:s3] =	ssyncadd.s32 $0xFFFFE000  }
0x199: {  	v8 =	vld [tilespmem:s22+$0x10018]  }
0x19a: {  	s15 =	simm.s32 $0x0  }
0x19b: {  	s7 =	sand.u32 $0x3E0, s15  }
0x19c: {  	s9 =	simm.s32 $0x10A80;
	v17 =	vld [tilespmem:s7+$0x10E80]  }
0x19d: {  	s10 =	sand.u32 $0x1C00, s15;
	s16 =	simm.s32 $0x10;
	v16 =	vld [tilespmem:s9+$0x0]  }
0x19e: {  	s12 =	sand.u32 $0x70, s16;
	s0 =	sor.u32 $0x6000, s10;
	v18 =	vld [tilespmem:s9+$0x410];
	vm0 =	vgt.s32 v8, $0x0  }
0x19f: {  	s11 =	sand.u32 $0x60, s15;
	s3 =	sor.u32 s12, s0;
	v28 =	vld [tilespmem:s9+$0x10];
	v15 =	vsel vm0, $0x3F800000, v0  }
0x1a0: {  	s7 =	sor.u32 s11, s0;
	v29 =	vld [tilespmem:s3+$0x0];
	v8 =	vperm.xlane v15, v0  }
0x1a1: {  	v14 =	vld [tilespmem:s7+$0x0];
	v9 =	vperm.xlane v15, v1  }
0x1a2: {  	v19 =	vld [tilespmem:s7+$0x80];
	v10 =	vperm.xlane v15, v2;
	v13 =	vmul.f32 v8, v17  }
0x1a3: {  	s23 =	simm.s32 $0x10AA0;
	v20 =	vld [tilespmem:s7+$0x100];
	v11 =	vperm.xlane v15, v3;
	v21 =	vmul.f32 v9, v17  }
0x1a4: {  	v60 =	vld [tilespmem:s23+$0x410];
	v24 =	vmul.f32 v10, v17;
	v23 =	vadd.f32 v13, v16  }
0x1a5: {  	v22 =	vld [tilespmem:s7+$0x180];
	v12 =	vperm.xlane v15, v4;
	v26 =	vmul.f32 v11, v17;
	v21 =	vadd.f32 v21, v16  }
0x1a6: {  	v25 =	vld [tilespmem:s7+$0x200];
	v13 =	vperm.xlane v15, v5;
	v14 =	vadd.f32 v23, v14;
	v23 =	vadd.f32 v24, v16  }
0x1a7: {  	v27 =	vld [tilespmem:s7+$0x280];
	v24 =	vmul.f32 v12, v17;
	v19 =	vadd.f32 v21, v19  }
0x1a8: {  	v21 =	vadd.f32 v26, v16;
	v26 =	vmul.f32 v13, v17;
	[tilespmem:s7+$0x0] =	vst v14;
	v14 =	vadd.f32 v23, v20;
	v23 =	vld [tilespmem:s3+$0x80]  }
0x1a9: {  	s2 =	simm.s32 $0x20;
	v20 =	vadd.f32 v24, v16;
	v24 =	vld [tilespmem:s3+$0x100]  }
0x1aa: {  	s18 =	sand.u32 $0x3E0, s2;
	[tilespmem:s7+$0x80] =	vst v19;
	v19 =	vadd.f32 v21, v22;
	v21 =	vadd.f32 v26, v16;
	v26 =	vld [tilespmem:s3+$0x200]  }
0x1ab: {  	v30 =	vmul.f32 v18, v10;
	v31 =	vmul.f32 v18, v12;
	v22 =	vld [tilespmem:s18+$0x10E80];
	s18 =	simm.s32 $0x100;
	v20 =	vadd.f32 v20, v25  }
0x1ac: {  	s17 =	sand.u32 $0x3, s15;
	v57 =	vmul.f32 v18, v13;
	s20 =	sand.u32 $0x1C00, s18;
	v25 =	vld [tilespmem:s3+$0x180];
	[tilespmem:s7+$0x180] =	vst v19;
	v19 =	vadd.f32 v21, v27;
	v21 =	vmul.f32 v18, v8  }
0x1ad: {  	s24 =	sand.u32 $0x60, s2;
	s0 =	sshll.u32 s17, $0x5;
	v30 =	vadd.f32 v30, v28;
	v31 =	vadd.f32 v31, v28;
	s10 =	sor.u32 $0x6000, s20;
	[tilespmem:s7+$0x200] =	vst v20;
	v20 =	vld [tilespmem:s3+$0x280]  }
0x1ae: {  	s0 =	sadd.s32 $0x0, s0;
	v33 =	vadd.f32 v57, v28;
	[tilespmem:s7+$0x100] =	vst v14;
	v27 =	vmul.f32 v18, v9;
	s25 =	sor.u32 s24, s10;
	v58 =	vadd.f32 v21, v28;
	v21 =	vld [tilespmem:s23+$0x0]  }
0x1af: {  	s19 =	sor.u32 $0x300, s0;
	v14 =	vperm.xlane v15, v6;
	[tilespmem:s7+$0x280] =	vst v19;
	v19 =	vmul.f32 v18, v11;
	v37 =	vld [tilespmem:s25+$0x0];
	v24 =	vadd.f32 v24, v30  }
0x1b0: {  	v27 =	vadd.f32 v27, v28;
	v56 =	vld [tilespmem:s19+$0x6000];
	v26 =	vadd.f32 v26, v31  }
0x1b1: {  	v59 =	vmul.f32 v14, v17;
	v38 =	vld [tilespmem:s25+$0x80];
	v19 =	vadd.f32 v19, v28;
	v29 =	vadd.f32 v58, v29;
	[tilespmem:s3+$0x100] =	vst v24  }
0x1b2: {  	v15 =	vperm.xlane v15, v7;
	v40 =	vld [tilespmem:s25+$0x180];
	v23 =	vadd.f32 v23, v27;
	v27 =	vmul.f32 v9, v22;
	[tilespmem:s3+$0x200] =	vst v26  }
0x1b3: {  	s0 =	simm.s32 $0x30;
	v43 =	vld [tilespmem:s25+$0x280];
	v62 =	vmul.f32 v8, v22;
	v61 =	vadd.f32 v59, v16;
	[tilespmem:s3+$0x0] =	vst v29;
	v19 =	vadd.f32 v25, v19  }
0x1b4: {  	s30 =	sand.u32 $0x70, s0;
	v30 =	vld [tilespmem:s25+$0x100];
	[tilespmem:s3+$0x80] =	vst v23;
	v25 =	vmul.f32 v11, v22;
	v23 =	vadd.f32 v27, v21;
	v20 =	vadd.f32 v20, v33  }
0x1b5: {  	s11 =	sand.u32 $0x7, s15;
	s17 =	sor.u32 s30, s10;
	v39 =	vmul.f32 v10, v22;
	v63 =	vadd.f32 v62, v21;
	v27 =	vld [tilespmem:s25+$0x200];
	v29 =	vadd.f32 v61, v56;
	[tilespmem:s3+$0x180] =	vst v19  }
0x1b6: {  	v46 =	vld [tilespmem:s17+$0x0];
	s7 =	sshll.u32 s11, $0x4;
	v42 =	vmul.f32 v12, v22;
	v25 =	vadd.f32 v25, v21;
	v23 =	vadd.f32 v23, v38;
	[tilespmem:s3+$0x280] =	vst v20  }
0x1b7: {  	s26 =	sor.u32 s15, s15;
	v48 =	vld [tilespmem:s17+$0x180];
	v44 =	vmul.f32 v13, v22;
	s7 =	sadd.s32 $0x0, s7;
	v41 =	vadd.f32 v39, v21;
	[tilespmem:s19+$0x6000] =	vst v29;
	v29 =	vadd.f32 v63, v37  }
0x1b8: {  	s9 =	sor.u32 $0x380, s26;
	v31 =	vld [tilespmem:s17+$0x80];
	s7 =	sadd.s32 $0x10, s7;
	v45 =	vadd.f32 v42, v21;
	v25 =	vadd.f32 v25, v40;
	[tilespmem:s25+$0x80] =	vst v23  }
0x1b9: {  	s10 =	simm.s32 $0x1;
	v17 =	vmul.f32 v15, v17;
	v47 =	vadd.f32 v44, v21;
	s19 =	sor.u32 $0x300, s7;
	v24 =	vld [tilespmem:s9+$0x6000];
	[tilespmem:s25+$0x0] =	vst v29;
	v29 =	vadd.f32 v41, v30  }
0x1ba: {  	s1 =	sand.u32 $0x3, s10;
	v23 =	vmul.f32 v18, v14;
	v18 =	vmul.f32 v18, v15;
	v51 =	vld [tilespmem:s19+$0x6000];
	v27 =	vadd.f32 v45, v27;
	[tilespmem:s25+$0x180] =	vst v25  }
0x1bb: {  	s24 =	simm.s32 $0x200;
	s1 =	sshll.u32 s1, $0x5;
	v49 =	vmul.f32 v14, v22;
	v17 =	vadd.f32 v17, v16;
	v30 =	vld [tilespmem:s23+$0x10];
	v25 =	vadd.f32 v47, v43;
	[tilespmem:s25+$0x100] =	vst v29  }
0x1bc: {  	s20 =	sand.u32 $0x1C00, s24;
	s1 =	sadd.s32 $0x100, s1;
	s23 =	simm.s32 $0x40;
	v23 =	vadd.f32 v23, v28;
	v16 =	vadd.f32 v18, v28;
	v28 =	vld [tilespmem:s17+$0x200];
	[tilespmem:s25+$0x200] =	vst v27  }
0x1bd: {  	s30 =	sor.u32 $0x6000, s20;
	s1 =	sor.u32 $0x300, s1;
	v33 =	vadd.f32 v49, v21;
	s26 =	sand.u32 $0x60, s23;
	v29 =	vld [tilespmem:s17+$0x100];
	[tilespmem:s25+$0x280] =	vst v25  }
0x1be: {  	v18 =	vmul.f32 v60, v8;
	s3 =	sor.u32 s26, s30;
	v25 =	vld [tilespmem:s1+$0x6000];
	v19 =	vadd.f32 v17, v24;
	v17 =	vmul.f32 v60, v10  }
0x1bf: {  	v20 =	vmul.f32 v60, v12;
	s12 =	sand.u32 $0x3E0, s23;
	v27 =	vmul.f32 v60, v9;
	v55 =	vld [tilespmem:s3+$0x0];
	v23 =	vadd.f32 v51, v23  }
0x1c0: {  	v52 =	vmul.f32 v60, v13;
	v18 =	vadd.f32 v18, v30;
	v50 =	vadd.f32 v17, v30;
	v17 =	vld [tilespmem:s12+$0x10E80]  }
0x1c1: {  	s25 =	simm.s32 $0x10AC0;
	v24 =	vmul.f32 v60, v11;
	v26 =	vadd.f32 v27, v30;
	v27 =	vld [tilespmem:s17+$0x280];
	v20 =	vadd.f32 v20, v30  }
0x1c2: {  	v54 =	vadd.f32 v52, v30;
	v34 =	vadd.f32 v18, v46;
	v18 =	vld [tilespmem:s25+$0x0]  }
0x1c3: {  	v53 =	vmul.f32 v60, v15;
	v57 =	vld [tilespmem:s3+$0x80];
	v24 =	vadd.f32 v24, v30;
	[tilespmem:s9+$0x6000] =	vst v19;
	v25 =	vadd.f32 v33, v25  }
0x1c4: {  	s2 =	sor.u32 s2, s18;
	v58 =	vld [tilespmem:s3+$0x180];
	[tilespmem:s19+$0x6000] =	vst v23;
	v26 =	vadd.f32 v31, v26;
	v19 =	vadd.f32 v29, v50;
	v29 =	vmul.f32 v60, v14  }
0x1c5: {  	s2 =	sor.u32 $0x380, s2;
	v31 =	vld [tilespmem:s25+$0x410];
	v28 =	vadd.f32 v28, v20;
	v24 =	vadd.f32 v48, v24;
	[tilespmem:s1+$0x6000] =	vst v25;
	v56 =	vmul.f32 v8, v17  }
0x1c6: {  	[tilespmem:s17+$0x80] =	vst v26;
	v25 =	vadd.f32 v27, v54;
	v20 =	vadd.f32 v29, v30;
	v26 =	vmul.f32 v9, v17;
	v27 =	vld [tilespmem:s2+$0x6000]  }
0x1c7: {  	v22 =	vmul.f32 v15, v22;
	[tilespmem:s17+$0x100] =	vst v19;
	v19 =	vadd.f32 v53, v30;
	v30 =	vld [tilespmem:s3+$0x100];
	v29 =	vadd.f32 v56, v18  }
0x1c8: {  	s31 =	simm.s32 $0x2;
	v59 =	vld [tilespmem:s3+$0x200];
	[tilespmem:s17+$0x180] =	vst v24;
	v24 =	vadd.f32 v26, v18;
	v26 =	vmul.f32 v10, v17  }
0x1c9: {  	s28 =	simm.s32 $0x60;
	s0 =	sor.u32 s0, s18;
	v22 =	vadd.f32 v22, v21;
	s7 =	simm.s32 $0x50;
	v21 =	vld [tilespmem:s25+$0x10];
	[tilespmem:s17+$0x200] =	vst v28;
	v28 =	vadd.f32 v29, v55;
	v29 =	vmul.f32 v11, v17  }
0x1ca: {  	s18 =	sor.u32 $0x380, s0;
	s11 =	sand.u32 $0x70, s7;
	s12 =	simm.s32 $0x2;
	v60 =	vld [tilespmem:s3+$0x280];
	[tilespmem:s17+$0x280] =	vst v25;
	v24 =	vadd.f32 v24, v57;
	v25 =	vadd.f32 v26, v18;
	v26 =	vmul.f32 v12, v17  }
0x1cb: {  	s0 =	simm.s32 $0x4;
	[tilespmem:s17+$0x0] =	vst v34;
	s1 =	sand.u32 $0x7, s12;
	s17 =	sor.u32 s11, s30;
	v61 =	vadd.f32 v22, v27;
	v23 =	vadd.f32 v29, v18;
	v29 =	vmul.f32 v13, v17  }
0x1cc: {  	s20 =	sor.u32 s16, s15;
	s12 =	simm.s32 $0x4;
	s1 =	sshll.u32 s1, $0x4;
	v62 =	vmul.f32 v31, v11;
	v22 =	vld [tilespmem:s17+$0x0];
	[tilespmem:s3+$0x0] =	vst v28;
	v25 =	vadd.f32 v25, v30;
	v26 =	vadd.f32 v26, v18  }
0x1cd: {  	s15 =	sor.u32 $0x380, s20;
	s1 =	sadd.s32 $0x100, s1;
	s30 =	sand.u32 $0x7, s12;
	v63 =	vmul.f32 v31, v12;
	[tilespmem:s3+$0x80] =	vst v24;
	v24 =	vld [tilespmem:s17+$0x80];
	v23 =	vadd.f32 v23, v58;
	v27 =	vadd.f32 v29, v18  }
0x1ce: {  	s11 =	sand.u32 $0x3, s31;
	s1 =	sadd.s32 $0x10, s1;
	s10 =	sshll.u32 s30, $0x4;
	v34 =	vadd.f32 v62, v21;
	v29 =	vmul.f32 v31, v9;
	[tilespmem:s3+$0x100] =	vst v25;
	v25 =	vadd.f32 v26, v59;
	v26 =	vld [tilespmem:s17+$0x100]  }
0x1cf: {  	s19 =	sshll.u32 s11, $0x5;
	s16 =	sor.u32 $0x300, s1;
	s1 =	sadd.s32 $0x200, s10;
	v28 =	vmul.f32 v31, v8;
	v30 =	vmul.f32 v31, v10;
	[tilespmem:s3+$0x180] =	vst v23;
	v23 =	vadd.f32 v27, v60;
	v27 =	vld [tilespmem:s17+$0x180]  }
0x1d0: {  	v39 =	vmul.f32 v31, v13;
	s30 =	sor.u32 s7, s24;
	v35 =	vadd.f32 v63, v21;
	s12 =	sadd.s32 $0x10, s1;
	s1 =	sadd.s32 $0x200, s19;
	[tilespmem:s3+$0x200] =	vst v25;
	v33 =	vadd.f32 v29, v21;
	v29 =	vld [tilespmem:s17+$0x200]  }
0x1d1: {  	s26 =	sor.u32 $0x18, s22;
	s19 =	sor.u32 $0x380, s30;
	s9 =	sor.u32 $0x300, s1;
	v32 =	vadd.f32 v28, v21;
	v36 =	vadd.f32 v30, v21;
	v30 =	vld [tilespmem:s17+$0x280];
	[tilespmem:s3+$0x280] =	vst v23  }
0x1d2: {  	s20 =	sor.u32 $0x300, s12;
	[tilespmem:s2+$0x6000] =	vst v61;
	s2 =	simm.s32 $0x200;
	v25 =	vmul.f32 v31, v14;
	v23 =	vmul.f32 v31, v15;
	v31 =	vadd.f32 v39, v21;
	s3 =	simm.s32 $0x6;
	v28 =	vld [tilespmem:s9+$0x6000]  }
.LBB2_11:
0x1d3: {  	s1 =	sand.u32 $0x7, s3;
	s7 =	sand.u32 $0x3E0, s28;
	s10 =	sadd.s32 $0x10, s28;
	v37 =	vmul.f32 v14, v17;
	v22 =	vadd.f32 v32, v22;
	v24 =	vadd.f32 v24, v33;
	v32 =	vld [tilespmem:s16+$0x6000]  }
0x1d4: {  	v26 =	vadd.f32 v26, v36;
	s24 =	sadd.s32 $0x100, s24;
	s1 =	sshll.u32 s1, $0x4;
	v33 =	vld [tilespmem:s7+$0x10E80];
	s7 =	sand.u32 $0x70, s10;
	v27 =	vadd.f32 v27, v34  }
0x1d5: {  	s25 =	sadd.s32 $0x20, s25;
	s11 =	sand.u32 $0x1C00, s24;
	s1 =	sadd.s32 s24, s1;
	v34 =	vadd.f32 v37, v18;
	[tilespmem:s17+$0x0] =	vst v22;
	v22 =	vadd.f32 v29, v35;
	v29 =	vld [tilespmem:s15+$0x6000]  }
0x1d6: {  	s12 =	sand.u32 $0x60, s28;
	v25 =	vadd.f32 v25, v21;
	s11 =	sor.u32 $0x6000, s11;
	v35 =	vld [tilespmem:s25+$0x0];
	s1 =	sadd.s32 $0x10, s1;
	[tilespmem:s17+$0x80] =	vst v24;
	v24 =	vadd.f32 v30, v31  }
0x1d7: {  	v21 =	vadd.f32 v23, v21;
	s30 =	sor.u32 s12, s11;
	s7 =	sor.u32 s7, s11;
	v30 =	vld [tilespmem:s25+$0x410];
	s1 =	sor.u32 $0x300, s1;
	v28 =	vadd.f32 v34, v28;
	[tilespmem:s17+$0x100] =	vst v26  }
0x1d8: {  	s10 =	sor.u32 s10, s24;
	s11 =	sor.u32 s23, s2;
	s2 =	smov.u32 s24;
	v23 =	vld [tilespmem:s30+$0x0];
	[tilespmem:s17+$0x180] =	vst v27;
	v26 =	vadd.f32 v32, v20;
	v20 =	vmov v25  }
0x1d9: {  	s0 =	sadd.s32 $0x2, s0;
	s10 =	sor.u32 $0x380, s10;
	v25 =	vmul.f32 v8, v33;
	v27 =	vld [tilespmem:s30+$0x80];
	[tilespmem:s9+$0x6000] =	vst v28;
	s9 =	sor.u32 $0x380, s11  }
0x1da: {  	p1 =	slt.u32 s0, $0x3E;
	s23 =	smov.u32 s28;
	v28 =	vmul.f32 v9, v33;
	v31 =	vld [tilespmem:s9+$0x6000];
	[tilespmem:s17+$0x200] =	vst v22;
	v22 =	vadd.f32 v29, v16;
	v16 =	vmovc v19;
	v19 =	vmov v21  }
0x1db: {  	v29 =	vmul.f32 v15, v17;
	v17 =	vmov v33;
	v21 =	vadd.f32 v25, v35;
	v25 =	vld [tilespmem:s30+$0x100];
	[tilespmem:s17+$0x280] =	vst v24;
	s17 =	smov.u32 s7  }
0x1dc: {  	v24 =	vadd.f32 v28, v35;
	v28 =	vmul.f32 v10, v17;
	v32 =	vld [tilespmem:s30+$0x180];
	v33 =	vmul.f32 v30, v8;
	[tilespmem:s16+$0x6000] =	vst v26;
	s16 =	smov.u32 s20;
	s20 =	smov.u32 s1  }
0x1dd: {  	v29 =	vadd.f32 v29, v18;
	v21 =	vadd.f32 v21, v23;
	v23 =	vmul.f32 v11, v17;
	v26 =	vld [tilespmem:s30+$0x200];
	[tilespmem:s15+$0x6000] =	vst v22;
	s15 =	smov.u32 s18;
	s18 =	smov.u32 s19;
	s19 =	smov.u32 s10  }
0x1de: {  	v18 =	vmovc v35;
	v22 =	vadd.f32 v24, v27;
	v24 =	vadd.f32 v28, v35;
	v27 =	vmul.f32 v12, v17;
	v28 =	vld [tilespmem:s30+$0x280]  }
0x1df: {  	v34 =	vmul.f32 v13, v17;
	[tilespmem:s30+$0x0] =	vst v21;
	v23 =	vadd.f32 v23, v18;
	v21 =	vld [tilespmem:s25+$0x10];
	v29 =	vadd.f32 v29, v31  }
0x1e0: {  	v31 =	vmul.f32 v30, v9;
	[tilespmem:s30+$0x80] =	vst v22;
	v25 =	vadd.f32 v24, v25;
	v27 =	vadd.f32 v27, v18;
	v22 =	vld [tilespmem:s17+$0x0]  }
0x1e1: {  	s31 =	sadd.s32 $0x1, s31;
	v23 =	vadd.f32 v23, v32;
	v32 =	vadd.f32 v34, v18;
	v24 =	vld [tilespmem:s17+$0x80];
	v34 =	vmul.f32 v30, v10;
	[tilespmem:s9+$0x6000] =	vst v29  }
.Ltmp4:
0x1e2: {  	s1 =	sand.u32 $0x3, s31;
	v37 =	vmul.f32 v30, v12;
	v35 =	vmul.f32 v30, v11;
	[tilespmem:s30+$0x100] =	vst v25;
	v29 =	vadd.f32 v27, v26;
	v26 =	vld [tilespmem:s17+$0x100];
	(pc) =	sbr.rel @p1 .LBB2_11-.Ltmp4, $4  }
0x1e3: {  	v38 =	vmul.f32 v30, v13;
	s1 =	sshll.u32 s1, $0x5;
	v25 =	vmul.f32 v30, v14;
	[tilespmem:s30+$0x180] =	vst v23;
	v28 =	vadd.f32 v32, v28;
	v27 =	vld [tilespmem:s17+$0x180]  }
0x1e4: {  	s1 =	sadd.s32 s1, s24;
	v23 =	vmul.f32 v30, v15;
	[tilespmem:s30+$0x200] =	vst v29;
	v32 =	vadd.f32 v33, v21;
	v33 =	vadd.f32 v31, v21;
	v29 =	vld [tilespmem:s17+$0x200]  }
0x1e5: {  	s9 =	sor.u32 $0x300, s1;
	v36 =	vadd.f32 v34, v21;
	v34 =	vadd.f32 v35, v21;
	[tilespmem:s30+$0x280] =	vst v28;
	v30 =	vld [tilespmem:s17+$0x280]  }
0x1e6: {  	s3 =	sadd.s32 $0x2, s3;
	s28 =	sadd.s32 $0x20, s28;
	v35 =	vadd.f32 v37, v21;
	v31 =	vadd.f32 v38, v21;
	v28 =	vld [tilespmem:s9+$0x6000]  }
0x1e7: {  	v8 =	vadd.f32 v32, v22  }
0x1e8: {  	v9 =	vadd.f32 v24, v33  }
0x1e9: {  	v10 =	vadd.f32 v26, v36;
	[tilespmem:s17+$0x0] =	vst v8  }
0x1ea: {  	v8 =	vadd.f32 v27, v34;
	[tilespmem:s17+$0x80] =	vst v9  }
0x1eb: {  	v9 =	vadd.f32 v29, v35;
	[tilespmem:s17+$0x100] =	vst v10  }
0x1ec: {  	v10 =	vadd.f32 v30, v31;
	[tilespmem:s17+$0x180] =	vst v8  }
0x1ed: {  	[tilespmem:s17+$0x200] =	vst v9  }
0x1ee: {  	v8 =	vmul.f32 v14, v17;
	v9 =	vld [tilespmem:s16+$0x6000];
	[tilespmem:s17+$0x280] =	vst v10  }
0x1ef: {  	v10 =	vld [tilespmem:s20+$0x6000]  }
0x1f0: {  	v8 =	vadd.f32 v8, v18;
	_ =	sdelay $0x1  }
0x1f1: {  	v11 =	vadd.f32 v25, v21;
	v8 =	vadd.f32 v8, v28  }
0x1f2: {  	s0 =	sor.u32 s23, s2;
	v9 =	vadd.f32 v9, v20  }
0x1f3: {  	v12 =	vld [tilespmem:s15+$0x6000];
	s0 =	sor.u32 $0x380, s0;
	[tilespmem:s9+$0x6000] =	vst v8;
	v8 =	vadd.f32 v10, v11  }
0x1f4: {  	v10 =	vld [tilespmem:s0+$0x6000];
	[tilespmem:s16+$0x6000] =	vst v9  }
0x1f5: {  	v9 =	vmul.f32 v15, v17;
	v11 =	vld [tilespmem:s18+$0x6000];
	[tilespmem:s20+$0x6000] =	vst v8  }
0x1f6: {  	v8 =	vld [tilespmem:s19+$0x6000]  }
0x1f7: {  	v9 =	vadd.f32 v9, v18  }
0x1f8: {  	v12 =	vadd.f32 v12, v16  }
0x1f9: {  	v13 =	vadd.f32 v23, v21;
	v9 =	vadd.f32 v9, v10  }
0x1fa: {  	[tilespmem:s15+$0x6000] =	vst v12;
	v10 =	vadd.f32 v11, v19  }
0x1fb: {  	s1 =	sadd.s32 s6, s26;
	[tilespmem:s0+$0x6000] =	vst v9;
	v8 =	vadd.f32 v8, v13  }
0x1fc: {  	s0 =	sshll.u32 s1, $0x7;
	s1 =	rddreg [dreg:$0x3];
	[tilespmem:s18+$0x6000] =	vst v10  }
0x1fd: {  	s2 =	simm.s32 $0x6000;
	s0 =	sadd.s32 s1, s0;
	[tilespmem:s19+$0x6000] =	vst v8  }
0x1fe: {  	[hbm4b:s0+s5] =	stream.linear.scatter [tilespmem:s2], [sflag:$0xC], $0x2000, $0x38;
	[tilespmem:$0x11280] =	vst v63  }
0x1ff: {  	s0 =	simm.s32 @!p0 $0xB  }
0x200: {  	_ =	swait.ge @!p0 [sflag:s0], $0x2000  }
0x201: {  	s1 =	rddreg [dreg:$0xf]  }
0x202: {  	s1 =	sadd.s32 @!p0 s8, s1  }
0x203: {  	[sflag:s0] =	ssyncset.done @!p0 $0x0;
	s1 =	sshll.u32 @!p0 s1, $0xA  }
0x204: {  	s3 =	simm.s32 $0x5;
	[sflag:s0] =	ssyncadd.s32 @!p0 $0xFFFFE000;
	s0 =	sand.u32 @!p0 $0x1FFFE800, s1  }
0x205: {  	s2 =	simm.s32 @!p0 $0x4000;
	s1 =	simm.s32 @!p0 $0x0;
	s0 =	sadd.s32 @!p0 s4, s0  }
0x206: {  	[tilespmem:s2], [sflag:$0x3] =	stream.linear.gather @!p0 [hbm4b:s0+s1], $0x2000, $0x38;
	[tilespmem:$0x11280] =	vst v63  }
0x207: {  	_ =	swait.ge [sflag:s3], $0x2000  }
0x208: {  	[sflag:s3] =	ssyncset.done $0x0  }
0x209: {  	[sflag:s3] =	ssyncadd.s32 $0xFFFFE000  }
0x20a: {  	v8 =	vld [tilespmem:s22+$0x10020]  }
0x20b: {  	s15 =	simm.s32 $0x0  }
0x20c: {  	s7 =	sand.u32 $0x3E0, s15  }
0x20d: {  	s9 =	simm.s32 $0x10A80;
	v17 =	vld [tilespmem:s7+$0x10E80]  }
0x20e: {  	s10 =	sand.u32 $0x1C00, s15;
	s16 =	simm.s32 $0x10;
	v16 =	vld [tilespmem:s9+$0x0]  }
0x20f: {  	s12 =	sand.u32 $0x70, s16;
	s0 =	sor.u32 $0x8000, s10;
	v18 =	vld [tilespmem:s9+$0x410];
	vm0 =	vgt.s32 v8, $0x0  }
0x210: {  	s11 =	sand.u32 $0x60, s15;
	s3 =	sor.u32 s12, s0;
	v28 =	vld [tilespmem:s9+$0x10];
	v15 =	vsel vm0, $0x3F800000, v0  }
0x211: {  	s7 =	sor.u32 s11, s0;
	v29 =	vld [tilespmem:s3+$0x0];
	v8 =	vperm.xlane v15, v0  }
0x212: {  	v14 =	vld [tilespmem:s7+$0x0];
	v9 =	vperm.xlane v15, v1  }
0x213: {  	v19 =	vld [tilespmem:s7+$0x80];
	v10 =	vperm.xlane v15, v2;
	v13 =	vmul.f32 v8, v17  }
0x214: {  	s23 =	simm.s32 $0x10AA0;
	v20 =	vld [tilespmem:s7+$0x100];
	v11 =	vperm.xlane v15, v3;
	v21 =	vmul.f32 v9, v17  }
0x215: {  	v60 =	vld [tilespmem:s23+$0x410];
	v24 =	vmul.f32 v10, v17;
	v23 =	vadd.f32 v13, v16  }
0x216: {  	v22 =	vld [tilespmem:s7+$0x180];
	v12 =	vperm.xlane v15, v4;
	v26 =	vmul.f32 v11, v17;
	v21 =	vadd.f32 v21, v16  }
0x217: {  	v25 =	vld [tilespmem:s7+$0x200];
	v13 =	vperm.xlane v15, v5;
	v14 =	vadd.f32 v23, v14;
	v23 =	vadd.f32 v24, v16  }
0x218: {  	v27 =	vld [tilespmem:s7+$0x280];
	v24 =	vmul.f32 v12, v17;
	v19 =	vadd.f32 v21, v19  }
0x219: {  	v21 =	vadd.f32 v26, v16;
	v26 =	vmul.f32 v13, v17;
	[tilespmem:s7+$0x0] =	vst v14;
	v14 =	vadd.f32 v23, v20;
	v23 =	vld [tilespmem:s3+$0x80]  }
0x21a: {  	s2 =	simm.s32 $0x20;
	v20 =	vadd.f32 v24, v16;
	v24 =	vld [tilespmem:s3+$0x100]  }
0x21b: {  	s18 =	sand.u32 $0x3E0, s2;
	[tilespmem:s7+$0x80] =	vst v19;
	v19 =	vadd.f32 v21, v22;
	v21 =	vadd.f32 v26, v16;
	v26 =	vld [tilespmem:s3+$0x200]  }
0x21c: {  	v30 =	vmul.f32 v18, v10;
	v31 =	vmul.f32 v18, v12;
	v22 =	vld [tilespmem:s18+$0x10E80];
	s18 =	simm.s32 $0x100;
	v20 =	vadd.f32 v20, v25  }
0x21d: {  	s17 =	sand.u32 $0x3, s15;
	v57 =	vmul.f32 v18, v13;
	s20 =	sand.u32 $0x1C00, s18;
	v25 =	vld [tilespmem:s3+$0x180];
	[tilespmem:s7+$0x180] =	vst v19;
	v19 =	vadd.f32 v21, v27;
	v21 =	vmul.f32 v18, v8  }
0x21e: {  	s24 =	sand.u32 $0x60, s2;
	s0 =	sshll.u32 s17, $0x5;
	v30 =	vadd.f32 v30, v28;
	v31 =	vadd.f32 v31, v28;
	s10 =	sor.u32 $0x8000, s20;
	[tilespmem:s7+$0x200] =	vst v20;
	v20 =	vld [tilespmem:s3+$0x280]  }
0x21f: {  	s0 =	sadd.s32 $0x0, s0;
	v33 =	vadd.f32 v57, v28;
	[tilespmem:s7+$0x100] =	vst v14;
	v27 =	vmul.f32 v18, v9;
	s25 =	sor.u32 s24, s10;
	v58 =	vadd.f32 v21, v28;
	v21 =	vld [tilespmem:s23+$0x0]  }
0x220: {  	s19 =	sor.u32 $0x300, s0;
	v14 =	vperm.xlane v15, v6;
	[tilespmem:s7+$0x280] =	vst v19;
	v19 =	vmul.f32 v18, v11;
	v37 =	vld [tilespmem:s25+$0x0];
	v24 =	vadd.f32 v24, v30  }
0x221: {  	v27 =	vadd.f32 v27, v28;
	v56 =	vld [tilespmem:s19+$0x8000];
	v26 =	vadd.f32 v26, v31  }
0x222: {  	v59 =	vmul.f32 v14, v17;
	v38 =	vld [tilespmem:s25+$0x80];
	v19 =	vadd.f32 v19, v28;
	v29 =	vadd.f32 v58, v29;
	[tilespmem:s3+$0x100] =	vst v24  }
0x223: {  	v15 =	vperm.xlane v15, v7;
	v40 =	vld [tilespmem:s25+$0x180];
	v23 =	vadd.f32 v23, v27;
	v27 =	vmul.f32 v9, v22;
	[tilespmem:s3+$0x200] =	vst v26  }
0x224: {  	s0 =	simm.s32 $0x30;
	v43 =	vld [tilespmem:s25+$0x280];
	v62 =	vmul.f32 v8, v22;
	v61 =	vadd.f32 v59, v16;
	[tilespmem:s3+$0x0] =	vst v29;
	v19 =	vadd.f32 v25, v19  }
0x225: {  	s30 =	sand.u32 $0x70, s0;
	v30 =	vld [tilespmem:s25+$0x100];
	[tilespmem:s3+$0x80] =	vst v23;
	v25 =	vmul.f32 v11, v22;
	v23 =	vadd.f32 v27, v21;
	v20 =	vadd.f32 v20, v33  }
0x226: {  	s11 =	sand.u32 $0x7, s15;
	s17 =	sor.u32 s30, s10;
	v39 =	vmul.f32 v10, v22;
	v63 =	vadd.f32 v62, v21;
	v27 =	vld [tilespmem:s25+$0x200];
	v29 =	vadd.f32 v61, v56;
	[tilespmem:s3+$0x180] =	vst v19  }
0x227: {  	v46 =	vld [tilespmem:s17+$0x0];
	s7 =	sshll.u32 s11, $0x4;
	v42 =	vmul.f32 v12, v22;
	v25 =	vadd.f32 v25, v21;
	v23 =	vadd.f32 v23, v38;
	[tilespmem:s3+$0x280] =	vst v20  }
0x228: {  	s26 =	sor.u32 s15, s15;
	v48 =	vld [tilespmem:s17+$0x180];
	v44 =	vmul.f32 v13, v22;
	s7 =	sadd.s32 $0x0, s7;
	v41 =	vadd.f32 v39, v21;
	[tilespmem:s19+$0x8000] =	vst v29;
	v29 =	vadd.f32 v63, v37  }
0x229: {  	s9 =	sor.u32 $0x380, s26;
	v31 =	vld [tilespmem:s17+$0x80];
	s7 =	sadd.s32 $0x10, s7;
	v45 =	vadd.f32 v42, v21;
	v25 =	vadd.f32 v25, v40;
	[tilespmem:s25+$0x80] =	vst v23  }
0x22a: {  	s10 =	simm.s32 $0x1;
	v17 =	vmul.f32 v15, v17;
	v47 =	vadd.f32 v44, v21;
	s19 =	sor.u32 $0x300, s7;
	v24 =	vld [tilespmem:s9+$0x8000];
	[tilespmem:s25+$0x0] =	vst v29;
	v29 =	vadd.f32 v41, v30  }
0x22b: {  	s1 =	sand.u32 $0x3, s10;
	v23 =	vmul.f32 v18, v14;
	v18 =	vmul.f32 v18, v15;
	v51 =	vld [tilespmem:s19+$0x8000];
	v27 =	vadd.f32 v45, v27;
	[tilespmem:s25+$0x180] =	vst v25  }
0x22c: {  	s24 =	simm.s32 $0x200;
	s1 =	sshll.u32 s1, $0x5;
	v49 =	vmul.f32 v14, v22;
	v17 =	vadd.f32 v17, v16;
	v30 =	vld [tilespmem:s23+$0x10];
	v25 =	vadd.f32 v47, v43;
	[tilespmem:s25+$0x100] =	vst v29  }
0x22d: {  	s20 =	sand.u32 $0x1C00, s24;
	s1 =	sadd.s32 $0x100, s1;
	s23 =	simm.s32 $0x40;
	v23 =	vadd.f32 v23, v28;
	v16 =	vadd.f32 v18, v28;
	v28 =	vld [tilespmem:s17+$0x200];
	[tilespmem:s25+$0x200] =	vst v27  }
0x22e: {  	s30 =	sor.u32 $0x8000, s20;
	s1 =	sor.u32 $0x300, s1;
	v33 =	vadd.f32 v49, v21;
	s26 =	sand.u32 $0x60, s23;
	v29 =	vld [tilespmem:s17+$0x100];
	[tilespmem:s25+$0x280] =	vst v25  }
0x22f: {  	v18 =	vmul.f32 v60, v8;
	s3 =	sor.u32 s26, s30;
	v25 =	vld [tilespmem:s1+$0x8000];
	v19 =	vadd.f32 v17, v24;
	v17 =	vmul.f32 v60, v10  }
0x230: {  	v20 =	vmul.f32 v60, v12;
	s12 =	sand.u32 $0x3E0, s23;
	v27 =	vmul.f32 v60, v9;
	v55 =	vld [tilespmem:s3+$0x0];
	v23 =	vadd.f32 v51, v23  }
0x231: {  	v52 =	vmul.f32 v60, v13;
	v18 =	vadd.f32 v18, v30;
	v50 =	vadd.f32 v17, v30;
	v17 =	vld [tilespmem:s12+$0x10E80]  }
0x232: {  	s25 =	simm.s32 $0x10AC0;
	v24 =	vmul.f32 v60, v11;
	v26 =	vadd.f32 v27, v30;
	v27 =	vld [tilespmem:s17+$0x280];
	v20 =	vadd.f32 v20, v30  }
0x233: {  	v54 =	vadd.f32 v52, v30;
	v34 =	vadd.f32 v18, v46;
	v18 =	vld [tilespmem:s25+$0x0]  }
0x234: {  	v53 =	vmul.f32 v60, v15;
	v57 =	vld [tilespmem:s3+$0x80];
	v24 =	vadd.f32 v24, v30;
	[tilespmem:s9+$0x8000] =	vst v19;
	v25 =	vadd.f32 v33, v25  }
0x235: {  	s2 =	sor.u32 s2, s18;
	v58 =	vld [tilespmem:s3+$0x180];
	[tilespmem:s19+$0x8000] =	vst v23;
	v26 =	vadd.f32 v31, v26;
	v19 =	vadd.f32 v29, v50;
	v29 =	vmul.f32 v60, v14  }
0x236: {  	s2 =	sor.u32 $0x380, s2;
	v31 =	vld [tilespmem:s25+$0x410];
	v28 =	vadd.f32 v28, v20;
	v24 =	vadd.f32 v48, v24;
	[tilespmem:s1+$0x8000] =	vst v25;
	v56 =	vmul.f32 v8, v17  }
0x237: {  	[tilespmem:s17+$0x80] =	vst v26;
	v25 =	vadd.f32 v27, v54;
	v20 =	vadd.f32 v29, v30;
	v26 =	vmul.f32 v9, v17;
	v27 =	vld [tilespmem:s2+$0x8000]  }
0x238: {  	v22 =	vmul.f32 v15, v22;
	[tilespmem:s17+$0x100] =	vst v19;
	v19 =	vadd.f32 v53, v30;
	v30 =	vld [tilespmem:s3+$0x100];
	v29 =	vadd.f32 v56, v18  }
0x239: {  	s31 =	simm.s32 $0x2;
	v59 =	vld [tilespmem:s3+$0x200];
	[tilespmem:s17+$0x180] =	vst v24;
	v24 =	vadd.f32 v26, v18;
	v26 =	vmul.f32 v10, v17  }
0x23a: {  	s28 =	simm.s32 $0x60;
	s0 =	sor.u32 s0, s18;
	v22 =	vadd.f32 v22, v21;
	s7 =	simm.s32 $0x50;
	v21 =	vld [tilespmem:s25+$0x10];
	[tilespmem:s17+$0x200] =	vst v28;
	v28 =	vadd.f32 v29, v55;
	v29 =	vmul.f32 v11, v17  }
0x23b: {  	s18 =	sor.u32 $0x380, s0;
	s11 =	sand.u32 $0x70, s7;
	s12 =	simm.s32 $0x2;
	v60 =	vld [tilespmem:s3+$0x280];
	[tilespmem:s17+$0x280] =	vst v25;
	v24 =	vadd.f32 v24, v57;
	v25 =	vadd.f32 v26, v18;
	v26 =	vmul.f32 v12, v17  }
0x23c: {  	s0 =	simm.s32 $0x4;
	[tilespmem:s17+$0x0] =	vst v34;
	s1 =	sand.u32 $0x7, s12;
	s17 =	sor.u32 s11, s30;
	v61 =	vadd.f32 v22, v27;
	v23 =	vadd.f32 v29, v18;
	v29 =	vmul.f32 v13, v17  }
0x23d: {  	s20 =	sor.u32 s16, s15;
	s12 =	simm.s32 $0x4;
	s1 =	sshll.u32 s1, $0x4;
	v62 =	vmul.f32 v31, v11;
	v22 =	vld [tilespmem:s17+$0x0];
	[tilespmem:s3+$0x0] =	vst v28;
	v25 =	vadd.f32 v25, v30;
	v26 =	vadd.f32 v26, v18  }
0x23e: {  	s15 =	sor.u32 $0x380, s20;
	s1 =	sadd.s32 $0x100, s1;
	s30 =	sand.u32 $0x7, s12;
	v63 =	vmul.f32 v31, v12;
	[tilespmem:s3+$0x80] =	vst v24;
	v24 =	vld [tilespmem:s17+$0x80];
	v23 =	vadd.f32 v23, v58;
	v27 =	vadd.f32 v29, v18  }
0x23f: {  	s11 =	sand.u32 $0x3, s31;
	s1 =	sadd.s32 $0x10, s1;
	s10 =	sshll.u32 s30, $0x4;
	v34 =	vadd.f32 v62, v21;
	v29 =	vmul.f32 v31, v9;
	[tilespmem:s3+$0x100] =	vst v25;
	v25 =	vadd.f32 v26, v59;
	v26 =	vld [tilespmem:s17+$0x100]  }
0x240: {  	s19 =	sshll.u32 s11, $0x5;
	s16 =	sor.u32 $0x300, s1;
	s1 =	sadd.s32 $0x200, s10;
	v28 =	vmul.f32 v31, v8;
	v30 =	vmul.f32 v31, v10;
	[tilespmem:s3+$0x180] =	vst v23;
	v23 =	vadd.f32 v27, v60;
	v27 =	vld [tilespmem:s17+$0x180]  }
0x241: {  	v39 =	vmul.f32 v31, v13;
	s30 =	sor.u32 s7, s24;
	v35 =	vadd.f32 v63, v21;
	s12 =	sadd.s32 $0x10, s1;
	s1 =	sadd.s32 $0x200, s19;
	[tilespmem:s3+$0x200] =	vst v25;
	v33 =	vadd.f32 v29, v21;
	v29 =	vld [tilespmem:s17+$0x200]  }
0x242: {  	s26 =	sor.u32 $0x20, s22;
	s19 =	sor.u32 $0x380, s30;
	s9 =	sor.u32 $0x300, s1;
	v32 =	vadd.f32 v28, v21;
	v36 =	vadd.f32 v30, v21;
	v30 =	vld [tilespmem:s17+$0x280];
	[tilespmem:s3+$0x280] =	vst v23  }
0x243: {  	s20 =	sor.u32 $0x300, s12;
	[tilespmem:s2+$0x8000] =	vst v61;
	s2 =	simm.s32 $0x200;
	v25 =	vmul.f32 v31, v14;
	v23 =	vmul.f32 v31, v15;
	v31 =	vadd.f32 v39, v21;
	s3 =	simm.s32 $0x6;
	v28 =	vld [tilespmem:s9+$0x8000]  }
.LBB2_13:
0x244: {  	s1 =	sand.u32 $0x7, s3;
	s7 =	sand.u32 $0x3E0, s28;
	s10 =	sadd.s32 $0x10, s28;
	v37 =	vmul.f32 v14, v17;
	v22 =	vadd.f32 v32, v22;
	v24 =	vadd.f32 v24, v33;
	v32 =	vld [tilespmem:s16+$0x8000]  }
0x245: {  	v26 =	vadd.f32 v26, v36;
	s24 =	sadd.s32 $0x100, s24;
	s1 =	sshll.u32 s1, $0x4;
	v33 =	vld [tilespmem:s7+$0x10E80];
	s7 =	sand.u32 $0x70, s10;
	v27 =	vadd.f32 v27, v34  }
0x246: {  	s25 =	sadd.s32 $0x20, s25;
	s11 =	sand.u32 $0x1C00, s24;
	s1 =	sadd.s32 s24, s1;
	v34 =	vadd.f32 v37, v18;
	[tilespmem:s17+$0x0] =	vst v22;
	v22 =	vadd.f32 v29, v35;
	v29 =	vld [tilespmem:s15+$0x8000]  }
0x247: {  	s12 =	sand.u32 $0x60, s28;
	v25 =	vadd.f32 v25, v21;
	s11 =	sor.u32 $0x8000, s11;
	v35 =	vld [tilespmem:s25+$0x0];
	s1 =	sadd.s32 $0x10, s1;
	[tilespmem:s17+$0x80] =	vst v24;
	v24 =	vadd.f32 v30, v31  }
0x248: {  	v21 =	vadd.f32 v23, v21;
	s30 =	sor.u32 s12, s11;
	s7 =	sor.u32 s7, s11;
	v30 =	vld [tilespmem:s25+$0x410];
	s1 =	sor.u32 $0x300, s1;
	v28 =	vadd.f32 v34, v28;
	[tilespmem:s17+$0x100] =	vst v26  }
0x249: {  	s10 =	sor.u32 s10, s24;
	s11 =	sor.u32 s23, s2;
	s2 =	smov.u32 s24;
	v23 =	vld [tilespmem:s30+$0x0];
	[tilespmem:s17+$0x180] =	vst v27;
	v26 =	vadd.f32 v32, v20;
	v20 =	vmov v25  }
0x24a: {  	s0 =	sadd.s32 $0x2, s0;
	s10 =	sor.u32 $0x380, s10;
	v25 =	vmul.f32 v8, v33;
	v27 =	vld [tilespmem:s30+$0x80];
	[tilespmem:s9+$0x8000] =	vst v28;
	s9 =	sor.u32 $0x380, s11  }
0x24b: {  	p1 =	slt.u32 s0, $0x3E;
	s23 =	smov.u32 s28;
	v28 =	vmul.f32 v9, v33;
	v31 =	vld [tilespmem:s9+$0x8000];
	[tilespmem:s17+$0x200] =	vst v22;
	v22 =	vadd.f32 v29, v16;
	v16 =	vmovc v19;
	v19 =	vmov v21  }
0x24c: {  	v29 =	vmul.f32 v15, v17;
	v17 =	vmov v33;
	v21 =	vadd.f32 v25, v35;
	v25 =	vld [tilespmem:s30+$0x100];
	[tilespmem:s17+$0x280] =	vst v24;
	s17 =	smov.u32 s7  }
0x24d: {  	v24 =	vadd.f32 v28, v35;
	v28 =	vmul.f32 v10, v17;
	v32 =	vld [tilespmem:s30+$0x180];
	v33 =	vmul.f32 v30, v8;
	[tilespmem:s16+$0x8000] =	vst v26;
	s16 =	smov.u32 s20;
	s20 =	smov.u32 s1  }
0x24e: {  	v29 =	vadd.f32 v29, v18;
	v21 =	vadd.f32 v21, v23;
	v23 =	vmul.f32 v11, v17;
	v26 =	vld [tilespmem:s30+$0x200];
	[tilespmem:s15+$0x8000] =	vst v22;
	s15 =	smov.u32 s18;
	s18 =	smov.u32 s19;
	s19 =	smov.u32 s10  }
0x24f: {  	v18 =	vmovc v35;
	v22 =	vadd.f32 v24, v27;
	v24 =	vadd.f32 v28, v35;
	v27 =	vmul.f32 v12, v17;
	v28 =	vld [tilespmem:s30+$0x280]  }
0x250: {  	v34 =	vmul.f32 v13, v17;
	[tilespmem:s30+$0x0] =	vst v21;
	v23 =	vadd.f32 v23, v18;
	v21 =	vld [tilespmem:s25+$0x10];
	v29 =	vadd.f32 v29, v31  }
0x251: {  	v31 =	vmul.f32 v30, v9;
	[tilespmem:s30+$0x80] =	vst v22;
	v25 =	vadd.f32 v24, v25;
	v27 =	vadd.f32 v27, v18;
	v22 =	vld [tilespmem:s17+$0x0]  }
0x252: {  	s31 =	sadd.s32 $0x1, s31;
	v23 =	vadd.f32 v23, v32;
	v32 =	vadd.f32 v34, v18;
	v24 =	vld [tilespmem:s17+$0x80];
	v34 =	vmul.f32 v30, v10;
	[tilespmem:s9+$0x8000] =	vst v29  }
.Ltmp5:
0x253: {  	s1 =	sand.u32 $0x3, s31;
	v37 =	vmul.f32 v30, v12;
	v35 =	vmul.f32 v30, v11;
	[tilespmem:s30+$0x100] =	vst v25;
	v29 =	vadd.f32 v27, v26;
	v26 =	vld [tilespmem:s17+$0x100];
	(pc) =	sbr.rel @p1 .LBB2_13-.Ltmp5, $4  }
0x254: {  	v38 =	vmul.f32 v30, v13;
	s1 =	sshll.u32 s1, $0x5;
	v25 =	vmul.f32 v30, v14;
	[tilespmem:s30+$0x180] =	vst v23;
	v28 =	vadd.f32 v32, v28;
	v27 =	vld [tilespmem:s17+$0x180]  }
0x255: {  	s1 =	sadd.s32 s1, s24;
	v23 =	vmul.f32 v30, v15;
	[tilespmem:s30+$0x200] =	vst v29;
	v32 =	vadd.f32 v33, v21;
	v33 =	vadd.f32 v31, v21;
	v29 =	vld [tilespmem:s17+$0x200]  }
0x256: {  	s9 =	sor.u32 $0x300, s1;
	v36 =	vadd.f32 v34, v21;
	v34 =	vadd.f32 v35, v21;
	[tilespmem:s30+$0x280] =	vst v28;
	v30 =	vld [tilespmem:s17+$0x280]  }
0x257: {  	s3 =	sadd.s32 $0x2, s3;
	s28 =	sadd.s32 $0x20, s28;
	v35 =	vadd.f32 v37, v21;
	v31 =	vadd.f32 v38, v21;
	v28 =	vld [tilespmem:s9+$0x8000]  }
0x258: {  	v8 =	vadd.f32 v32, v22  }
0x259: {  	v9 =	vadd.f32 v24, v33  }
0x25a: {  	v10 =	vadd.f32 v26, v36;
	[tilespmem:s17+$0x0] =	vst v8  }
0x25b: {  	v8 =	vadd.f32 v27, v34;
	[tilespmem:s17+$0x80] =	vst v9  }
0x25c: {  	v9 =	vadd.f32 v29, v35;
	[tilespmem:s17+$0x100] =	vst v10  }
0x25d: {  	v10 =	vadd.f32 v30, v31;
	[tilespmem:s17+$0x180] =	vst v8  }
0x25e: {  	[tilespmem:s17+$0x200] =	vst v9  }
0x25f: {  	v8 =	vmul.f32 v14, v17;
	v9 =	vld [tilespmem:s16+$0x8000];
	[tilespmem:s17+$0x280] =	vst v10  }
0x260: {  	v10 =	vld [tilespmem:s20+$0x8000]  }
0x261: {  	v8 =	vadd.f32 v8, v18;
	_ =	sdelay $0x1  }
0x262: {  	v11 =	vadd.f32 v25, v21;
	v8 =	vadd.f32 v8, v28  }
0x263: {  	s0 =	sor.u32 s23, s2;
	v9 =	vadd.f32 v9, v20  }
0x264: {  	v12 =	vld [tilespmem:s15+$0x8000];
	s0 =	sor.u32 $0x380, s0;
	[tilespmem:s9+$0x8000] =	vst v8;
	v8 =	vadd.f32 v10, v11  }
0x265: {  	v10 =	vld [tilespmem:s0+$0x8000];
	[tilespmem:s16+$0x8000] =	vst v9  }
0x266: {  	v9 =	vmul.f32 v15, v17;
	v11 =	vld [tilespmem:s18+$0x8000];
	[tilespmem:s20+$0x8000] =	vst v8  }
0x267: {  	v8 =	vld [tilespmem:s19+$0x8000]  }
0x268: {  	v9 =	vadd.f32 v9, v18  }
0x269: {  	v12 =	vadd.f32 v12, v16  }
0x26a: {  	v13 =	vadd.f32 v23, v21;
	v9 =	vadd.f32 v9, v10  }
0x26b: {  	[tilespmem:s15+$0x8000] =	vst v12;
	v10 =	vadd.f32 v11, v19  }
0x26c: {  	s3 =	sadd.s32 s6, s26;
	[tilespmem:s0+$0x8000] =	vst v9;
	v8 =	vadd.f32 v8, v13  }
0x26d: {  	s1 =	rddreg [dreg:$0x3];
	s0 =	sshll.u32 s3, $0x7;
	[tilespmem:s18+$0x8000] =	vst v10  }
0x26e: {  	s7 =	simm.s32 $0x8000;
	s0 =	sadd.s32 s1, s0;
	[tilespmem:s19+$0x8000] =	vst v8  }
0x26f: {  	[hbm4b:s0+s5] =	stream.linear.scatter [tilespmem:s7], [sflag:$0xD], $0x2000, $0x38;
	[tilespmem:$0x11280] =	vst v63  }
0x270: {  	s0 =	simm.s32 @!p0 $0xC  }
0x271: {  	_ =	swait.ge @!p0 [sflag:s0], $0x2000  }
0x272: {  	s1 =	rddreg [dreg:$0x10]  }
0x273: {  	[sflag:s0] =	ssyncset.done @!p0 $0x0;
	s1 =	sadd.s32 @!p0 s8, s1  }
0x274: {  	s2 =	simm.s32 @!p0 $0x6000;
	[sflag:s0] =	ssyncadd.s32 @!p0 $0xFFFFE000;
	s0 =	sshll.u32 @!p0 s1, $0xA  }
0x275: {  	s9 =	simm.s32 $0x6;
	s1 =	simm.s32 @!p0 $0x0;
	s0 =	sadd.s32 @!p0 s4, s0  }
0x276: {  	[tilespmem:s2], [sflag:$0x4] =	stream.linear.gather @!p0 [hbm4b:s0+s1], $0x2000, $0x38;
	[tilespmem:$0x11280] =	vst v63  }
0x277: {  	_ =	swait.ge [sflag:s9], $0x2000  }
0x278: {  	[sflag:s9] =	ssyncset.done $0x0  }
0x279: {  	[sflag:s9] =	ssyncadd.s32 $0xFFFFE000  }
0x27a: {  	s15 =	simm.s32 $0x0;
	v8 =	vld [tilespmem:s22+$0x10028]  }
0x27b: {  	s10 =	sand.u32 $0x3E0, s15  }
0x27c: {  	s11 =	simm.s32 $0x10A80;
	s12 =	sand.u32 $0x1C00, s15;
	v17 =	vld [tilespmem:s10+$0x10E80]  }
0x27d: {  	s16 =	sand.u32 $0x60, s15;
	s0 =	sor.u32 $0xA000, s12;
	v16 =	vld [tilespmem:s11+$0x0]  }
0x27e: {  	s7 =	sor.u32 s16, s0;
	v18 =	vld [tilespmem:s11+$0x410]  }
0x27f: {  	v14 =	vld [tilespmem:s7+$0x0];
	vm0 =	vgt.s32 v8, $0x0  }
0x280: {  	v19 =	vld [tilespmem:s7+$0x80];
	v15 =	vsel vm0, $0x3F800000, v0  }
0x281: {  	v20 =	vld [tilespmem:s7+$0x100];
	v8 =	vperm.xlane v15, v0  }
0x282: {  	s16 =	simm.s32 $0x10;
	v22 =	vld [tilespmem:s7+$0x180];
	v9 =	vperm.xlane v15, v1  }
0x283: {  	s18 =	sand.u32 $0x3, s15;
	s17 =	sand.u32 $0x70, s16;
	v25 =	vld [tilespmem:s7+$0x200];
	v10 =	vperm.xlane v15, v2;
	v13 =	vmul.f32 v8, v17  }
0x284: {  	s3 =	sor.u32 s17, s0;
	s0 =	sshll.u32 s18, $0x5;
	s18 =	simm.s32 $0x100;
	v27 =	vld [tilespmem:s7+$0x280];
	v11 =	vperm.xlane v15, v3;
	v21 =	vmul.f32 v9, v17  }
0x285: {  	s2 =	simm.s32 $0x20;
	v28 =	vld [tilespmem:s11+$0x10];
	s23 =	sand.u32 $0x1C00, s18;
	v24 =	vmul.f32 v10, v17;
	v23 =	vadd.f32 v13, v16  }
0x286: {  	s24 =	simm.s32 $0x10AA0;
	s25 =	sand.u32 $0x60, s2;
	v29 =	vld [tilespmem:s3+$0x0];
	s10 =	sor.u32 $0xA000, s23;
	v12 =	vperm.xlane v15, v4;
	v26 =	vmul.f32 v11, v17;
	v21 =	vadd.f32 v21, v16  }
0x287: {  	v60 =	vld [tilespmem:s24+$0x410];
	s26 =	sor.u32 s25, s10;
	v13 =	vperm.xlane v15, v5;
	v14 =	vadd.f32 v23, v14;
	v23 =	vadd.f32 v24, v16  }
0x288: {  	v37 =	vld [tilespmem:s26+$0x0];
	v24 =	vmul.f32 v12, v17;
	v19 =	vadd.f32 v21, v19  }
0x289: {  	v21 =	vadd.f32 v26, v16;
	v26 =	vmul.f32 v13, v17;
	[tilespmem:s7+$0x0] =	vst v14;
	v14 =	vadd.f32 v23, v20;
	v23 =	vld [tilespmem:s3+$0x80]  }
0x28a: {  	v30 =	vmul.f32 v18, v10;
	v20 =	vadd.f32 v24, v16;
	v24 =	vld [tilespmem:s3+$0x100]  }
0x28b: {  	s19 =	sand.u32 $0x3E0, s2;
	v31 =	vmul.f32 v18, v12;
	[tilespmem:s7+$0x80] =	vst v19;
	v19 =	vadd.f32 v21, v22;
	v21 =	vadd.f32 v26, v16;
	v26 =	vld [tilespmem:s3+$0x200]  }
0x28c: {  	v30 =	vadd.f32 v30, v28;
	v57 =	vmul.f32 v18, v13;
	v22 =	vld [tilespmem:s19+$0x10E80];
	[tilespmem:s7+$0x100] =	vst v14;
	v20 =	vadd.f32 v20, v25  }
0x28d: {  	v31 =	vadd.f32 v31, v28;
	v25 =	vld [tilespmem:s3+$0x180];
	[tilespmem:s7+$0x180] =	vst v19;
	v19 =	vadd.f32 v21, v27;
	v21 =	vmul.f32 v18, v8  }
0x28e: {  	s0 =	sadd.s32 $0x0, s0;
	v33 =	vadd.f32 v57, v28;
	v14 =	vperm.xlane v15, v6;
	v27 =	vmul.f32 v18, v9;
	[tilespmem:s7+$0x200] =	vst v20;
	v20 =	vld [tilespmem:s3+$0x280]  }
0x28f: {  	s20 =	sor.u32 $0x300, s0;
	[tilespmem:s7+$0x280] =	vst v19;
	v19 =	vmul.f32 v18, v11;
	v58 =	vadd.f32 v21, v28;
	v21 =	vld [tilespmem:s24+$0x0];
	v24 =	vadd.f32 v24, v30  }
0x290: {  	v27 =	vadd.f32 v27, v28;
	v56 =	vld [tilespmem:s20+$0xA000];
	v26 =	vadd.f32 v26, v31  }
0x291: {  	v38 =	vld [tilespmem:s26+$0x80];
	v59 =	vmul.f32 v14, v17;
	v19 =	vadd.f32 v19, v28;
	v29 =	vadd.f32 v58, v29;
	[tilespmem:s3+$0x100] =	vst v24  }
0x292: {  	v40 =	vld [tilespmem:s26+$0x180];
	v15 =	vperm.xlane v15, v7;
	v23 =	vadd.f32 v23, v27;
	v27 =	vmul.f32 v9, v22;
	[tilespmem:s3+$0x200] =	vst v26  }
0x293: {  	s0 =	simm.s32 $0x30;
	v43 =	vld [tilespmem:s26+$0x280];
	v62 =	vmul.f32 v8, v22;
	v61 =	vadd.f32 v59, v16;
	[tilespmem:s3+$0x0] =	vst v29;
	v19 =	vadd.f32 v25, v19  }
0x294: {  	s31 =	sand.u32 $0x70, s0;
	v30 =	vld [tilespmem:s26+$0x100];
	[tilespmem:s3+$0x80] =	vst v23;
	v25 =	vmul.f32 v11, v22;
	v23 =	vadd.f32 v27, v21;
	v20 =	vadd.f32 v20, v33  }
0x295: {  	s17 =	sor.u32 s31, s10;
	s10 =	sand.u32 $0x7, s15;
	s7 =	simm.s32 $0x1;
	v39 =	vmul.f32 v10, v22;
	v63 =	vadd.f32 v62, v21;
	v27 =	vld [tilespmem:s26+$0x200];
	v29 =	vadd.f32 v61, v56;
	[tilespmem:s3+$0x180] =	vst v19  }
0x296: {  	v46 =	vld [tilespmem:s17+$0x0];
	v42 =	vmul.f32 v12, v22;
	s1 =	sand.u32 $0x3, s7;
	s7 =	sshll.u32 s10, $0x4;
	v25 =	vadd.f32 v25, v21;
	v23 =	vadd.f32 v23, v38;
	[tilespmem:s3+$0x280] =	vst v20  }
0x297: {  	s30 =	sor.u32 s15, s15;
	v48 =	vld [tilespmem:s17+$0x180];
	v44 =	vmul.f32 v13, v22;
	s7 =	sadd.s32 $0x0, s7;
	v41 =	vadd.f32 v39, v21;
	[tilespmem:s20+$0xA000] =	vst v29;
	v29 =	vadd.f32 v63, v37  }
0x298: {  	s9 =	sor.u32 $0x380, s30;
	v17 =	vmul.f32 v15, v17;
	v31 =	vld [tilespmem:s17+$0x80];
	s7 =	sadd.s32 $0x10, s7;
	v45 =	vadd.f32 v42, v21;
	v25 =	vadd.f32 v25, v40;
	[tilespmem:s26+$0x80] =	vst v23  }
0x299: {  	v49 =	vmul.f32 v14, v22;
	s19 =	sor.u32 $0x300, s7;
	v47 =	vadd.f32 v44, v21;
	v24 =	vld [tilespmem:s9+$0xA000];
	[tilespmem:s26+$0x0] =	vst v29;
	v29 =	vadd.f32 v41, v30  }
0x29a: {  	v17 =	vadd.f32 v17, v16;
	v22 =	vmul.f32 v15, v22;
	v51 =	vld [tilespmem:s19+$0xA000];
	v27 =	vadd.f32 v45, v27;
	[tilespmem:s26+$0x180] =	vst v25  }
0x29b: {  	s25 =	simm.s32 $0x10AC0;
	s1 =	sshll.u32 s1, $0x5;
	v23 =	vmul.f32 v18, v14;
	v18 =	vmul.f32 v18, v15;
	v30 =	vld [tilespmem:s24+$0x10];
	v25 =	vadd.f32 v47, v43;
	[tilespmem:s26+$0x100] =	vst v29  }
0x29c: {  	s1 =	sadd.s32 $0x100, s1;
	v33 =	vadd.f32 v49, v21;
	v22 =	vadd.f32 v22, v21;
	v21 =	vld [tilespmem:s25+$0x10];
	[tilespmem:s26+$0x200] =	vst v27  }
0x29d: {  	s1 =	sor.u32 $0x300, s1;
	v23 =	vadd.f32 v23, v28;
	v16 =	vadd.f32 v18, v28;
	v28 =	vld [tilespmem:s17+$0x200];
	[tilespmem:s26+$0x280] =	vst v25  }
0x29e: {  	s23 =	simm.s32 $0x40;
	v18 =	vmul.f32 v60, v8;
	v25 =	vld [tilespmem:s1+$0xA000];
	v19 =	vadd.f32 v17, v24;
	v17 =	vmul.f32 v60, v10  }
0x29f: {  	s11 =	sand.u32 $0x3E0, s23;
	v20 =	vmul.f32 v60, v12;
	s24 =	simm.s32 $0x200;
	v29 =	vld [tilespmem:s17+$0x100];
	v27 =	vmul.f32 v60, v9;
	v23 =	vadd.f32 v51, v23  }
0x2a0: {  	v52 =	vmul.f32 v60, v13;
	s12 =	sand.u32 $0x1C00, s24;
	v18 =	vadd.f32 v18, v30;
	v50 =	vadd.f32 v17, v30;
	v17 =	vld [tilespmem:s11+$0x10E80]  }
0x2a1: {  	s20 =	sand.u32 $0x60, s23;
	s26 =	sor.u32 $0xA000, s12;
	v24 =	vmul.f32 v60, v11;
	v26 =	vadd.f32 v27, v30;
	v27 =	vld [tilespmem:s17+$0x280];
	v20 =	vadd.f32 v20, v30  }
0x2a2: {  	s3 =	sor.u32 s20, s26;
	v54 =	vadd.f32 v52, v30;
	v34 =	vadd.f32 v18, v46;
	v18 =	vld [tilespmem:s25+$0x0]  }
0x2a3: {  	v53 =	vmul.f32 v60, v15;
	v55 =	vld [tilespmem:s3+$0x0];
	[tilespmem:s19+$0xA000] =	vst v23;
	v24 =	vadd.f32 v24, v30;
	v25 =	vadd.f32 v33, v25  }
0x2a4: {  	s2 =	sor.u32 s2, s18;
	v57 =	vld [tilespmem:s3+$0x80];
	[tilespmem:s9+$0xA000] =	vst v19;
	v26 =	vadd.f32 v31, v26;
	v19 =	vadd.f32 v29, v50;
	v29 =	vmul.f32 v60, v14  }
0x2a5: {  	s2 =	sor.u32 $0x380, s2;
	v31 =	vld [tilespmem:s25+$0x410];
	v28 =	vadd.f32 v28, v20;
	v24 =	vadd.f32 v48, v24;
	[tilespmem:s1+$0xA000] =	vst v25;
	v56 =	vmul.f32 v8, v17  }
0x2a6: {  	[tilespmem:s17+$0x80] =	vst v26;
	v25 =	vadd.f32 v27, v54;
	v20 =	vadd.f32 v29, v30;
	v26 =	vmul.f32 v9, v17;
	v27 =	vld [tilespmem:s2+$0xA000]  }
0x2a7: {  	[tilespmem:s17+$0x100] =	vst v19;
	v19 =	vadd.f32 v53, v30;
	v30 =	vld [tilespmem:s3+$0x100];
	v29 =	vadd.f32 v56, v18  }
0x2a8: {  	s28 =	simm.s32 $0x60;
	v58 =	vld [tilespmem:s3+$0x180];
	[tilespmem:s17+$0x180] =	vst v24;
	v24 =	vadd.f32 v26, v18;
	v26 =	vmul.f32 v10, v17  }
0x2a9: {  	s30 =	simm.s32 $0x2;
	s22 =	sor.u32 $0x28, s22;
	s7 =	simm.s32 $0x50;
	v59 =	vld [tilespmem:s3+$0x200];
	[tilespmem:s17+$0x200] =	vst v28;
	v28 =	vadd.f32 v29, v55;
	v29 =	vmul.f32 v11, v17  }
0x2aa: {  	s0 =	sor.u32 s0, s18;
	s31 =	sor.u32 s16, s15;
	s11 =	sand.u32 $0x70, s7;
	v60 =	vld [tilespmem:s3+$0x280];
	[tilespmem:s17+$0x280] =	vst v25;
	v24 =	vadd.f32 v24, v57;
	v25 =	vadd.f32 v26, v18;
	v26 =	vmul.f32 v12, v17  }
0x2ab: {  	s18 =	sor.u32 $0x380, s0;
	[tilespmem:s17+$0x0] =	vst v34;
	s1 =	sand.u32 $0x7, s30;
	s17 =	sor.u32 s11, s26;
	v61 =	vadd.f32 v22, v27;
	v23 =	vadd.f32 v29, v18;
	v29 =	vmul.f32 v13, v17  }
0x2ac: {  	s15 =	sor.u32 $0x380, s31;
	s12 =	simm.s32 $0x4;
	s1 =	sshll.u32 s1, $0x4;
	v62 =	vmul.f32 v31, v11;
	v22 =	vld [tilespmem:s17+$0x0];
	[tilespmem:s3+$0x0] =	vst v28;
	v25 =	vadd.f32 v25, v30;
	v26 =	vadd.f32 v26, v18  }
0x2ad: {  	s1 =	sadd.s32 $0x100, s1;
	s11 =	sand.u32 $0x7, s12;
	s26 =	simm.s32 $0x2;
	v63 =	vmul.f32 v31, v12;
	[tilespmem:s3+$0x80] =	vst v24;
	v24 =	vld [tilespmem:s17+$0x80];
	v23 =	vadd.f32 v23, v58;
	v27 =	vadd.f32 v29, v18  }
0x2ae: {  	s1 =	sadd.s32 $0x10, s1;
	s12 =	sshll.u32 s11, $0x4;
	s19 =	sand.u32 $0x3, s26;
	v34 =	vadd.f32 v62, v21;
	v29 =	vmul.f32 v31, v9;
	[tilespmem:s3+$0x100] =	vst v25;
	v25 =	vadd.f32 v26, v59;
	v26 =	vld [tilespmem:s17+$0x100]  }
0x2af: {  	s16 =	sor.u32 $0x300, s1;
	s1 =	sadd.s32 $0x200, s12;
	s30 =	sshll.u32 s19, $0x5;
	v28 =	vmul.f32 v31, v8;
	v30 =	vmul.f32 v31, v10;
	[tilespmem:s3+$0x180] =	vst v23;
	v23 =	vadd.f32 v27, v60;
	v27 =	vld [tilespmem:s17+$0x180]  }
0x2b0: {  	s31 =	sor.u32 s7, s24;
	v39 =	vmul.f32 v31, v13;
	v35 =	vadd.f32 v63, v21;
	s20 =	sadd.s32 $0x10, s1;
	s1 =	sadd.s32 $0x200, s30;
	[tilespmem:s3+$0x200] =	vst v25;
	v33 =	vadd.f32 v29, v21;
	v29 =	vld [tilespmem:s17+$0x200]  }
0x2b1: {  	s0 =	simm.s32 $0x4;
	s19 =	sor.u32 $0x380, s31;
	s9 =	sor.u32 $0x300, s1;
	v32 =	vadd.f32 v28, v21;
	v36 =	vadd.f32 v30, v21;
	v30 =	vld [tilespmem:s17+$0x280];
	[tilespmem:s3+$0x280] =	vst v23  }
0x2b2: {  	s20 =	sor.u32 $0x300, s20;
	[tilespmem:s2+$0xA000] =	vst v61;
	s2 =	simm.s32 $0x200;
	v25 =	vmul.f32 v31, v14;
	v23 =	vmul.f32 v31, v15;
	v31 =	vadd.f32 v39, v21;
	s3 =	simm.s32 $0x6;
	v28 =	vld [tilespmem:s9+$0xA000]  }
.LBB2_15:
0x2b3: {  	s1 =	sand.u32 $0x7, s3;
	s7 =	sand.u32 $0x3E0, s28;
	s10 =	sadd.s32 $0x10, s28;
	v37 =	vmul.f32 v14, v17;
	v22 =	vadd.f32 v32, v22;
	v24 =	vadd.f32 v24, v33;
	v32 =	vld [tilespmem:s16+$0xA000]  }
0x2b4: {  	v26 =	vadd.f32 v26, v36;
	s24 =	sadd.s32 $0x100, s24;
	s1 =	sshll.u32 s1, $0x4;
	v33 =	vld [tilespmem:s7+$0x10E80];
	s7 =	sand.u32 $0x70, s10;
	v27 =	vadd.f32 v27, v34  }
0x2b5: {  	s25 =	sadd.s32 $0x20, s25;
	s11 =	sand.u32 $0x1C00, s24;
	s1 =	sadd.s32 s24, s1;
	v34 =	vadd.f32 v37, v18;
	[tilespmem:s17+$0x0] =	vst v22;
	v22 =	vadd.f32 v29, v35;
	v29 =	vld [tilespmem:s15+$0xA000]  }
0x2b6: {  	s12 =	sand.u32 $0x60, s28;
	v25 =	vadd.f32 v25, v21;
	s11 =	sor.u32 $0xA000, s11;
	v35 =	vld [tilespmem:s25+$0x0];
	s1 =	sadd.s32 $0x10, s1;
	[tilespmem:s17+$0x80] =	vst v24;
	v24 =	vadd.f32 v30, v31  }
0x2b7: {  	v21 =	vadd.f32 v23, v21;
	s30 =	sor.u32 s12, s11;
	s7 =	sor.u32 s7, s11;
	v30 =	vld [tilespmem:s25+$0x410];
	s1 =	sor.u32 $0x300, s1;
	v28 =	vadd.f32 v34, v28;
	[tilespmem:s17+$0x100] =	vst v26  }
0x2b8: {  	s10 =	sor.u32 s10, s24;
	s11 =	sor.u32 s23, s2;
	s2 =	smov.u32 s24;
	v23 =	vld [tilespmem:s30+$0x0];
	[tilespmem:s17+$0x180] =	vst v27;
	v26 =	vadd.f32 v32, v20;
	v20 =	vmov v25  }
0x2b9: {  	s0 =	sadd.s32 $0x2, s0;
	s10 =	sor.u32 $0x380, s10;
	v25 =	vmul.f32 v8, v33;
	v27 =	vld [tilespmem:s30+$0x80];
	[tilespmem:s9+$0xA000] =	vst v28;
	s9 =	sor.u32 $0x380, s11  }
0x2ba: {  	p1 =	slt.u32 s0, $0x3E;
	s23 =	smov.u32 s28;
	v28 =	vmul.f32 v9, v33;
	v31 =	vld [tilespmem:s9+$0xA000];
	[tilespmem:s17+$0x200] =	vst v22;
	v22 =	vadd.f32 v29, v16;
	v16 =	vmovc v19;
	v19 =	vmov v21  }
0x2bb: {  	v29 =	vmul.f32 v15, v17;
	v17 =	vmov v33;
	v21 =	vadd.f32 v25, v35;
	v25 =	vld [tilespmem:s30+$0x100];
	[tilespmem:s17+$0x280] =	vst v24;
	s17 =	smov.u32 s7  }
0x2bc: {  	v24 =	vadd.f32 v28, v35;
	v28 =	vmul.f32 v10, v17;
	v32 =	vld [tilespmem:s30+$0x180];
	v33 =	vmul.f32 v30, v8;
	[tilespmem:s16+$0xA000] =	vst v26;
	s16 =	smov.u32 s20;
	s20 =	smov.u32 s1  }
0x2bd: {  	v29 =	vadd.f32 v29, v18;
	v21 =	vadd.f32 v21, v23;
	v23 =	vmul.f32 v11, v17;
	v26 =	vld [tilespmem:s30+$0x200];
	[tilespmem:s15+$0xA000] =	vst v22;
	s15 =	smov.u32 s18;
	s18 =	smov.u32 s19;
	s19 =	smov.u32 s10  }
0x2be: {  	v18 =	vmovc v35;
	v22 =	vadd.f32 v24, v27;
	v24 =	vadd.f32 v28, v35;
	v27 =	vmul.f32 v12, v17;
	v28 =	vld [tilespmem:s30+$0x280]  }
0x2bf: {  	v34 =	vmul.f32 v13, v17;
	[tilespmem:s30+$0x0] =	vst v21;
	v23 =	vadd.f32 v23, v18;
	v21 =	vld [tilespmem:s25+$0x10];
	v29 =	vadd.f32 v29, v31  }
0x2c0: {  	v31 =	vmul.f32 v30, v9;
	[tilespmem:s30+$0x80] =	vst v22;
	v25 =	vadd.f32 v24, v25;
	v27 =	vadd.f32 v27, v18;
	v22 =	vld [tilespmem:s17+$0x0]  }
0x2c1: {  	s26 =	sadd.s32 $0x1, s26;
	v23 =	vadd.f32 v23, v32;
	v32 =	vadd.f32 v34, v18;
	v24 =	vld [tilespmem:s17+$0x80];
	v34 =	vmul.f32 v30, v10;
	[tilespmem:s9+$0xA000] =	vst v29  }
.Ltmp6:
0x2c2: {  	s1 =	sand.u32 $0x3, s26;
	v37 =	vmul.f32 v30, v12;
	v35 =	vmul.f32 v30, v11;
	[tilespmem:s30+$0x100] =	vst v25;
	v29 =	vadd.f32 v27, v26;
	v26 =	vld [tilespmem:s17+$0x100];
	(pc) =	sbr.rel @p1 .LBB2_15-.Ltmp6, $4  }
0x2c3: {  	v38 =	vmul.f32 v30, v13;
	s1 =	sshll.u32 s1, $0x5;
	v25 =	vmul.f32 v30, v14;
	[tilespmem:s30+$0x180] =	vst v23;
	v28 =	vadd.f32 v32, v28;
	v27 =	vld [tilespmem:s17+$0x180]  }
0x2c4: {  	s1 =	sadd.s32 s1, s24;
	v23 =	vmul.f32 v30, v15;
	[tilespmem:s30+$0x200] =	vst v29;
	v32 =	vadd.f32 v33, v21;
	v33 =	vadd.f32 v31, v21;
	v29 =	vld [tilespmem:s17+$0x200]  }
0x2c5: {  	s9 =	sor.u32 $0x300, s1;
	v36 =	vadd.f32 v34, v21;
	v34 =	vadd.f32 v35, v21;
	[tilespmem:s30+$0x280] =	vst v28;
	v30 =	vld [tilespmem:s17+$0x280]  }
0x2c6: {  	s3 =	sadd.s32 $0x2, s3;
	s28 =	sadd.s32 $0x20, s28;
	v35 =	vadd.f32 v37, v21;
	v31 =	vadd.f32 v38, v21;
	v28 =	vld [tilespmem:s9+$0xA000]  }
0x2c7: {  	v8 =	vadd.f32 v32, v22  }
0x2c8: {  	v9 =	vadd.f32 v24, v33  }
0x2c9: {  	v10 =	vadd.f32 v26, v36;
	[tilespmem:s17+$0x0] =	vst v8  }
0x2ca: {  	v8 =	vadd.f32 v27, v34;
	[tilespmem:s17+$0x80] =	vst v9  }
0x2cb: {  	v9 =	vadd.f32 v29, v35;
	[tilespmem:s17+$0x100] =	vst v10  }
0x2cc: {  	v10 =	vadd.f32 v30, v31;
	[tilespmem:s17+$0x180] =	vst v8  }
0x2cd: {  	[tilespmem:s17+$0x200] =	vst v9  }
0x2ce: {  	v8 =	vmul.f32 v14, v17;
	v9 =	vld [tilespmem:s16+$0xA000];
	[tilespmem:s17+$0x280] =	vst v10  }
0x2cf: {  	v10 =	vld [tilespmem:s20+$0xA000]  }
0x2d0: {  	v8 =	vadd.f32 v8, v18;
	_ =	sdelay $0x1  }
0x2d1: {  	v11 =	vadd.f32 v25, v21;
	v8 =	vadd.f32 v8, v28  }
0x2d2: {  	s0 =	sor.u32 s23, s2;
	v9 =	vadd.f32 v9, v20  }
0x2d3: {  	v12 =	vld [tilespmem:s15+$0xA000];
	s0 =	sor.u32 $0x380, s0;
	[tilespmem:s9+$0xA000] =	vst v8;
	v8 =	vadd.f32 v10, v11  }
0x2d4: {  	v10 =	vld [tilespmem:s0+$0xA000];
	[tilespmem:s16+$0xA000] =	vst v9  }
0x2d5: {  	v9 =	vmul.f32 v15, v17;
	v11 =	vld [tilespmem:s18+$0xA000];
	[tilespmem:s20+$0xA000] =	vst v8  }
0x2d6: {  	v8 =	vld [tilespmem:s19+$0xA000]  }
0x2d7: {  	v9 =	vadd.f32 v9, v18  }
0x2d8: {  	v12 =	vadd.f32 v12, v16  }
0x2d9: {  	v13 =	vadd.f32 v23, v21;
	v9 =	vadd.f32 v9, v10  }
0x2da: {  	[tilespmem:s15+$0xA000] =	vst v12;
	v10 =	vadd.f32 v11, v19  }
0x2db: {  	s7 =	sadd.s32 s6, s22;
	[tilespmem:s0+$0xA000] =	vst v9;
	v8 =	vadd.f32 v8, v13  }
0x2dc: {  	s1 =	rddreg [dreg:$0x3];
	s0 =	sshll.u32 s7, $0x7;
	[tilespmem:s18+$0xA000] =	vst v10  }
0x2dd: {  	s9 =	simm.s32 $0xA000;
	s0 =	sadd.s32 s1, s0;
	[tilespmem:s19+$0xA000] =	vst v8  }
0x2de: {  	[hbm4b:s0+s5] =	stream.linear.scatter [tilespmem:s9], [sflag:$0xE], $0x2000, $0x38;
	[tilespmem:$0x11280] =	vst v63  }
0x2df: {  	s0 =	simm.s32 @!p0 $0xD  }
0x2e0: {  	_ =	swait.ge @!p0 [sflag:s0], $0x2000  }
0x2e1: {  	s1 =	rddreg [dreg:$0x11]  }
0x2e2: {  	s1 =	sadd.s32 @!p0 s8, s1  }
0x2e3: {  	[sflag:s0] =	ssyncset.done @!p0 $0x0;
	s1 =	sshll.u32 @!p0 s1, $0xA  }
0x2e4: {  	s2 =	simm.s32 @!p0 $0x8000;
	[sflag:s0] =	ssyncadd.s32 @!p0 $0xFFFFE000;
	s0 =	sand.u32 @!p0 $0x1FFFF000, s1  }
0x2e5: {  	s10 =	simm.s32 $0x7;
	s1 =	simm.s32 @!p0 $0x0;
	s0 =	sadd.s32 @!p0 s4, s0  }
0x2e6: {  	[tilespmem:s2], [sflag:$0x5] =	stream.linear.gather @!p0 [hbm4b:s0+s1], $0x2000, $0x38;
	[tilespmem:$0x11280] =	vst v63  }
0x2e7: {  	_ =	swait.ge [sflag:s10], $0x2000  }
0x2e8: {  	[sflag:s10] =	ssyncset.done $0x0  }
0x2e9: {  	s13 =	sshll.u32 s13, $0x3;
	[sflag:s10] =	ssyncadd.s32 $0xFFFFE000  }
0x2ea: {  	s15 =	simm.s32 $0x0;
	v8 =	vld [tilespmem:s13+$0x10000]  }
0x2eb: {  	s11 =	sand.u32 $0x3E0, s15  }
0x2ec: {  	s12 =	simm.s32 $0x10A80;
	s17 =	sand.u32 $0x1C00, s15;
	v17 =	vld [tilespmem:s11+$0x10E80]  }
0x2ed: {  	s18 =	sand.u32 $0x60, s15;
	s0 =	sor.u32 $0xC000, s17;
	v16 =	vld [tilespmem:s12+$0x0]  }
0x2ee: {  	s7 =	sor.u32 s18, s0;
	v18 =	vld [tilespmem:s12+$0x410]  }
0x2ef: {  	v14 =	vld [tilespmem:s7+$0x0];
	vm0 =	vgt.s32 v8, $0x0  }
0x2f0: {  	v19 =	vld [tilespmem:s7+$0x80];
	v15 =	vsel vm0, $0x3F800000, v0  }
0x2f1: {  	v20 =	vld [tilespmem:s7+$0x100];
	v8 =	vperm.xlane v15, v0  }
0x2f2: {  	v22 =	vld [tilespmem:s7+$0x180];
	v9 =	vperm.xlane v15, v1  }
0x2f3: {  	s16 =	simm.s32 $0x10;
	v25 =	vld [tilespmem:s7+$0x200];
	v10 =	vperm.xlane v15, v2;
	v13 =	vmul.f32 v8, v17  }
0x2f4: {  	s19 =	sand.u32 $0x70, s16;
	s18 =	simm.s32 $0x100;
	v27 =	vld [tilespmem:s7+$0x280];
	v11 =	vperm.xlane v15, v3;
	v21 =	vmul.f32 v9, v17  }
0x2f5: {  	s2 =	simm.s32 $0x20;
	s3 =	sor.u32 s19, s0;
	s24 =	sand.u32 $0x1C00, s18;
	v28 =	vld [tilespmem:s12+$0x10];
	v24 =	vmul.f32 v10, v17;
	v23 =	vadd.f32 v13, v16  }
0x2f6: {  	s25 =	simm.s32 $0x10AA0;
	s26 =	sand.u32 $0x60, s2;
	s10 =	sor.u32 $0xC000, s24;
	v29 =	vld [tilespmem:s3+$0x0];
	v12 =	vperm.xlane v15, v4;
	v26 =	vmul.f32 v11, v17;
	v21 =	vadd.f32 v21, v16  }
0x2f7: {  	s28 =	sor.u32 s26, s10;
	v60 =	vld [tilespmem:s25+$0x410];
	v13 =	vperm.xlane v15, v5;
	v14 =	vadd.f32 v23, v14;
	v23 =	vadd.f32 v24, v16  }
0x2f8: {  	v37 =	vld [tilespmem:s28+$0x0];
	v24 =	vmul.f32 v12, v17;
	v19 =	vadd.f32 v21, v19  }
0x2f9: {  	v21 =	vadd.f32 v26, v16;
	v26 =	vmul.f32 v13, v17;
	[tilespmem:s7+$0x0] =	vst v14;
	v14 =	vadd.f32 v23, v20;
	v23 =	vld [tilespmem:s3+$0x80]  }
0x2fa: {  	v30 =	vmul.f32 v18, v10;
	v20 =	vadd.f32 v24, v16;
	v24 =	vld [tilespmem:s3+$0x100]  }
0x2fb: {  	s22 =	sand.u32 $0x3E0, s2;
	v31 =	vmul.f32 v18, v12;
	[tilespmem:s7+$0x80] =	vst v19;
	v19 =	vadd.f32 v21, v22;
	v21 =	vadd.f32 v26, v16;
	v26 =	vld [tilespmem:s3+$0x200]  }
0x2fc: {  	s20 =	sand.u32 $0x3, s15;
	v30 =	vadd.f32 v30, v28;
	v57 =	vmul.f32 v18, v13;
	v22 =	vld [tilespmem:s22+$0x10E80];
	[tilespmem:s7+$0x100] =	vst v14;
	v20 =	vadd.f32 v20, v25  }
0x2fd: {  	s0 =	sshll.u32 s20, $0x5;
	v31 =	vadd.f32 v31, v28;
	v25 =	vld [tilespmem:s3+$0x180];
	[tilespmem:s7+$0x180] =	vst v19;
	v19 =	vadd.f32 v21, v27;
	v21 =	vmul.f32 v18, v8  }
0x2fe: {  	s0 =	sadd.s32 $0x0, s0;
	v33 =	vadd.f32 v57, v28;
	v14 =	vperm.xlane v15, v6;
	v27 =	vmul.f32 v18, v9;
	[tilespmem:s7+$0x200] =	vst v20;
	v20 =	vld [tilespmem:s3+$0x280]  }
0x2ff: {  	s23 =	sor.u32 $0x300, s0;
	[tilespmem:s7+$0x280] =	vst v19;
	v19 =	vmul.f32 v18, v11;
	v58 =	vadd.f32 v21, v28;
	v21 =	vld [tilespmem:s25+$0x0];
	v24 =	vadd.f32 v24, v30  }
0x300: {  	v27 =	vadd.f32 v27, v28;
	v56 =	vld [tilespmem:s23+$0xC000];
	v26 =	vadd.f32 v26, v31  }
0x301: {  	v38 =	vld [tilespmem:s28+$0x80];
	v59 =	vmul.f32 v14, v17;
	v19 =	vadd.f32 v19, v28;
	v29 =	vadd.f32 v58, v29;
	[tilespmem:s3+$0x100] =	vst v24  }
0x302: {  	v40 =	vld [tilespmem:s28+$0x180];
	v15 =	vperm.xlane v15, v7;
	v23 =	vadd.f32 v23, v27;
	v27 =	vmul.f32 v9, v22;
	[tilespmem:s3+$0x200] =	vst v26  }
0x303: {  	s0 =	simm.s32 $0x30;
	v43 =	vld [tilespmem:s28+$0x280];
	v62 =	vmul.f32 v8, v22;
	v61 =	vadd.f32 v59, v16;
	[tilespmem:s3+$0x0] =	vst v29;
	v19 =	vadd.f32 v25, v19  }
0x304: {  	s31 =	sand.u32 $0x70, s0;
	v30 =	vld [tilespmem:s28+$0x100];
	[tilespmem:s3+$0x80] =	vst v23;
	v25 =	vmul.f32 v11, v22;
	v23 =	vadd.f32 v27, v21;
	v20 =	vadd.f32 v20, v33  }
0x305: {  	s12 =	sand.u32 $0x7, s15;
	s17 =	sor.u32 s31, s10;
	v39 =	vmul.f32 v10, v22;
	v63 =	vadd.f32 v62, v21;
	v27 =	vld [tilespmem:s28+$0x200];
	v29 =	vadd.f32 v61, v56;
	[tilespmem:s3+$0x180] =	vst v19  }
0x306: {  	v46 =	vld [tilespmem:s17+$0x0];
	s7 =	sshll.u32 s12, $0x4;
	v42 =	vmul.f32 v12, v22;
	v25 =	vadd.f32 v25, v21;
	v23 =	vadd.f32 v23, v38;
	[tilespmem:s3+$0x280] =	vst v20  }
0x307: {  	s30 =	sor.u32 s15, s15;
	v48 =	vld [tilespmem:s17+$0x180];
	v44 =	vmul.f32 v13, v22;
	s7 =	sadd.s32 $0x0, s7;
	v41 =	vadd.f32 v39, v21;
	[tilespmem:s23+$0xC000] =	vst v29;
	v29 =	vadd.f32 v63, v37  }
0x308: {  	s9 =	sor.u32 $0x380, s30;
	v17 =	vmul.f32 v15, v17;
	v31 =	vld [tilespmem:s17+$0x80];
	s7 =	sadd.s32 $0x10, s7;
	v45 =	vadd.f32 v42, v21;
	v25 =	vadd.f32 v25, v40;
	[tilespmem:s28+$0x80] =	vst v23  }
0x309: {  	s11 =	simm.s32 $0x1;
	v49 =	vmul.f32 v14, v22;
	s20 =	sor.u32 $0x300, s7;
	v47 =	vadd.f32 v44, v21;
	v24 =	vld [tilespmem:s9+$0xC000];
	[tilespmem:s28+$0x0] =	vst v29;
	v29 =	vadd.f32 v41, v30  }
0x30a: {  	s1 =	sand.u32 $0x3, s11;
	v17 =	vadd.f32 v17, v16;
	v22 =	vmul.f32 v15, v22;
	v51 =	vld [tilespmem:s20+$0xC000];
	v27 =	vadd.f32 v45, v27;
	[tilespmem:s28+$0x180] =	vst v25  }
0x30b: {  	s24 =	simm.s32 $0x10AC0;
	s1 =	sshll.u32 s1, $0x5;
	v23 =	vmul.f32 v18, v14;
	v18 =	vmul.f32 v18, v15;
	v30 =	vld [tilespmem:s25+$0x10];
	v25 =	vadd.f32 v47, v43;
	[tilespmem:s28+$0x100] =	vst v29  }
0x30c: {  	s1 =	sadd.s32 $0x100, s1;
	v33 =	vadd.f32 v49, v21;
	v22 =	vadd.f32 v22, v21;
	v21 =	vld [tilespmem:s24+$0x10];
	[tilespmem:s28+$0x200] =	vst v27  }
0x30d: {  	s1 =	sor.u32 $0x300, s1;
	v23 =	vadd.f32 v23, v28;
	v16 =	vadd.f32 v18, v28;
	v28 =	vld [tilespmem:s17+$0x200];
	[tilespmem:s28+$0x280] =	vst v25  }
0x30e: {  	s22 =	simm.s32 $0x40;
	v18 =	vmul.f32 v60, v8;
	v25 =	vld [tilespmem:s1+$0xC000];
	v19 =	vadd.f32 v17, v24;
	v17 =	vmul.f32 v60, v10  }
0x30f: {  	s19 =	sand.u32 $0x3E0, s22;
	v20 =	vmul.f32 v60, v12;
	s23 =	simm.s32 $0x200;
	v29 =	vld [tilespmem:s17+$0x100];
	v27 =	vmul.f32 v60, v9;
	v23 =	vadd.f32 v51, v23  }
0x310: {  	v52 =	vmul.f32 v60, v13;
	s25 =	sand.u32 $0x1C00, s23;
	v18 =	vadd.f32 v18, v30;
	v50 =	vadd.f32 v17, v30;
	v17 =	vld [tilespmem:s19+$0x10E80]  }
0x311: {  	s26 =	sand.u32 $0x60, s22;
	s28 =	sor.u32 $0xC000, s25;
	v24 =	vmul.f32 v60, v11;
	v26 =	vadd.f32 v27, v30;
	v27 =	vld [tilespmem:s17+$0x280];
	v20 =	vadd.f32 v20, v30  }
0x312: {  	s3 =	sor.u32 s26, s28;
	v54 =	vadd.f32 v52, v30;
	v34 =	vadd.f32 v18, v46;
	v18 =	vld [tilespmem:s24+$0x0]  }
0x313: {  	v53 =	vmul.f32 v60, v15;
	v55 =	vld [tilespmem:s3+$0x0];
	[tilespmem:s20+$0xC000] =	vst v23;
	v24 =	vadd.f32 v24, v30;
	v25 =	vadd.f32 v33, v25  }
0x314: {  	s2 =	sor.u32 s2, s18;
	v57 =	vld [tilespmem:s3+$0x80];
	[tilespmem:s9+$0xC000] =	vst v19;
	v26 =	vadd.f32 v31, v26;
	v19 =	vadd.f32 v29, v50;
	v29 =	vmul.f32 v60, v14  }
0x315: {  	s2 =	sor.u32 $0x380, s2;
	v31 =	vld [tilespmem:s24+$0x410];
	v28 =	vadd.f32 v28, v20;
	v24 =	vadd.f32 v48, v24;
	[tilespmem:s1+$0xC000] =	vst v25;
	v56 =	vmul.f32 v8, v17  }
0x316: {  	[tilespmem:s17+$0x80] =	vst v26;
	v25 =	vadd.f32 v27, v54;
	v20 =	vadd.f32 v29, v30;
	v26 =	vmul.f32 v9, v17;
	v27 =	vld [tilespmem:s2+$0xC000]  }
0x317: {  	[tilespmem:s17+$0x100] =	vst v19;
	v19 =	vadd.f32 v53, v30;
	v30 =	vld [tilespmem:s3+$0x100];
	v29 =	vadd.f32 v56, v18  }
0x318: {  	v58 =	vld [tilespmem:s3+$0x180];
	[tilespmem:s17+$0x180] =	vst v24;
	v24 =	vadd.f32 v26, v18;
	v26 =	vmul.f32 v10, v17  }
0x319: {  	s16 =	sor.u32 s16, s15;
	s30 =	simm.s32 $0x2;
	s31 =	simm.s32 $0x50;
	v59 =	vld [tilespmem:s3+$0x200];
	[tilespmem:s17+$0x200] =	vst v28;
	v28 =	vadd.f32 v29, v55;
	v29 =	vmul.f32 v11, v17  }
0x31a: {  	s15 =	sor.u32 $0x380, s16;
	s0 =	sor.u32 s0, s18;
	s11 =	sand.u32 $0x70, s31;
	v60 =	vld [tilespmem:s3+$0x280];
	[tilespmem:s17+$0x280] =	vst v25;
	v24 =	vadd.f32 v24, v57;
	v25 =	vadd.f32 v26, v18;
	v26 =	vmul.f32 v12, v17  }
0x31b: {  	s18 =	sor.u32 $0x380, s0;
	[tilespmem:s17+$0x0] =	vst v34;
	s1 =	sand.u32 $0x7, s30;
	s17 =	sor.u32 s11, s28;
	v61 =	vadd.f32 v22, v27;
	v23 =	vadd.f32 v29, v18;
	v29 =	vmul.f32 v13, v17  }
0x31c: {  	s0 =	simm.s32 $0x4;
	s12 =	simm.s32 $0x4;
	s1 =	sshll.u32 s1, $0x4;
	v62 =	vmul.f32 v31, v11;
	v22 =	vld [tilespmem:s17+$0x0];
	[tilespmem:s3+$0x0] =	vst v28;
	v25 =	vadd.f32 v25, v30;
	v26 =	vadd.f32 v26, v18  }
0x31d: {  	s25 =	simm.s32 $0x2;
	s19 =	sand.u32 $0x7, s12;
	s1 =	sadd.s32 $0x100, s1;
	v63 =	vmul.f32 v31, v12;
	[tilespmem:s3+$0x80] =	vst v24;
	v24 =	vld [tilespmem:s17+$0x80];
	v23 =	vadd.f32 v23, v58;
	v27 =	vadd.f32 v29, v18  }
0x31e: {  	s26 =	sand.u32 $0x3, s25;
	s20 =	sshll.u32 s19, $0x4;
	s1 =	sadd.s32 $0x10, s1;
	v34 =	vadd.f32 v62, v21;
	v29 =	vmul.f32 v31, v9;
	[tilespmem:s3+$0x100] =	vst v25;
	v25 =	vadd.f32 v26, v59;
	v26 =	vld [tilespmem:s17+$0x100]  }
0x31f: {  	s30 =	sshll.u32 s26, $0x5;
	s16 =	sor.u32 $0x300, s1;
	s1 =	sadd.s32 $0x200, s20;
	v28 =	vmul.f32 v31, v8;
	v30 =	vmul.f32 v31, v10;
	[tilespmem:s3+$0x180] =	vst v23;
	v23 =	vadd.f32 v27, v60;
	v27 =	vld [tilespmem:s17+$0x180]  }
0x320: {  	s31 =	sor.u32 s31, s23;
	v39 =	vmul.f32 v31, v13;
	v35 =	vadd.f32 v63, v21;
	s28 =	sadd.s32 $0x10, s1;
	s1 =	sadd.s32 $0x200, s30;
	[tilespmem:s3+$0x200] =	vst v25;
	v33 =	vadd.f32 v29, v21;
	v29 =	vld [tilespmem:s17+$0x200]  }
0x321: {  	s19 =	sor.u32 $0x380, s31;
	s26 =	simm.s32 $0x60;
	s9 =	sor.u32 $0x300, s1;
	v32 =	vadd.f32 v28, v21;
	v36 =	vadd.f32 v30, v21;
	v30 =	vld [tilespmem:s17+$0x280];
	[tilespmem:s3+$0x280] =	vst v23  }
0x322: {  	s20 =	sor.u32 $0x300, s28;
	[tilespmem:s2+$0xC000] =	vst v61;
	s2 =	simm.s32 $0x200;
	v25 =	vmul.f32 v31, v14;
	v23 =	vmul.f32 v31, v15;
	v31 =	vadd.f32 v39, v21;
	s3 =	simm.s32 $0x6;
	v28 =	vld [tilespmem:s9+$0xC000]  }
.LBB2_17:
0x323: {  	s1 =	sand.u32 $0x7, s3;
	s7 =	sand.u32 $0x3E0, s26;
	s10 =	sadd.s32 $0x10, s26;
	v37 =	vmul.f32 v14, v17;
	v22 =	vadd.f32 v32, v22;
	v24 =	vadd.f32 v24, v33;
	v32 =	vld [tilespmem:s16+$0xC000]  }
0x324: {  	v26 =	vadd.f32 v26, v36;
	s23 =	sadd.s32 $0x100, s23;
	s1 =	sshll.u32 s1, $0x4;
	v33 =	vld [tilespmem:s7+$0x10E80];
	s7 =	sand.u32 $0x70, s10;
	v27 =	vadd.f32 v27, v34  }
0x325: {  	s24 =	sadd.s32 $0x20, s24;
	s11 =	sand.u32 $0x1C00, s23;
	s1 =	sadd.s32 s23, s1;
	v34 =	vadd.f32 v37, v18;
	[tilespmem:s17+$0x0] =	vst v22;
	v22 =	vadd.f32 v29, v35;
	v29 =	vld [tilespmem:s15+$0xC000]  }
0x326: {  	s12 =	sand.u32 $0x60, s26;
	v25 =	vadd.f32 v25, v21;
	s11 =	sor.u32 $0xC000, s11;
	v35 =	vld [tilespmem:s24+$0x0];
	s1 =	sadd.s32 $0x10, s1;
	[tilespmem:s17+$0x80] =	vst v24;
	v24 =	vadd.f32 v30, v31  }
0x327: {  	v21 =	vadd.f32 v23, v21;
	s28 =	sor.u32 s12, s11;
	s7 =	sor.u32 s7, s11;
	v30 =	vld [tilespmem:s24+$0x410];
	s1 =	sor.u32 $0x300, s1;
	v28 =	vadd.f32 v34, v28;
	[tilespmem:s17+$0x100] =	vst v26  }
0x328: {  	s10 =	sor.u32 s10, s23;
	s11 =	sor.u32 s22, s2;
	s2 =	smov.u32 s23;
	v23 =	vld [tilespmem:s28+$0x0];
	[tilespmem:s17+$0x180] =	vst v27;
	v26 =	vadd.f32 v32, v20;
	v20 =	vmov v25  }
0x329: {  	s0 =	sadd.s32 $0x2, s0;
	s10 =	sor.u32 $0x380, s10;
	v25 =	vmul.f32 v8, v33;
	v27 =	vld [tilespmem:s28+$0x80];
	[tilespmem:s9+$0xC000] =	vst v28;
	s9 =	sor.u32 $0x380, s11  }
0x32a: {  	p1 =	slt.u32 s0, $0x3E;
	s22 =	smov.u32 s26;
	v28 =	vmul.f32 v9, v33;
	v31 =	vld [tilespmem:s9+$0xC000];
	[tilespmem:s17+$0x200] =	vst v22;
	v22 =	vadd.f32 v29, v16;
	v16 =	vmovc v19;
	v19 =	vmov v21  }
0x32b: {  	v29 =	vmul.f32 v15, v17;
	v17 =	vmov v33;
	v21 =	vadd.f32 v25, v35;
	v25 =	vld [tilespmem:s28+$0x100];
	[tilespmem:s17+$0x280] =	vst v24;
	s17 =	smov.u32 s7  }
0x32c: {  	v24 =	vadd.f32 v28, v35;
	v28 =	vmul.f32 v10, v17;
	v32 =	vld [tilespmem:s28+$0x180];
	v33 =	vmul.f32 v30, v8;
	[tilespmem:s16+$0xC000] =	vst v26;
	s16 =	smov.u32 s20;
	s20 =	smov.u32 s1  }
0x32d: {  	v29 =	vadd.f32 v29, v18;
	v21 =	vadd.f32 v21, v23;
	v23 =	vmul.f32 v11, v17;
	v26 =	vld [tilespmem:s28+$0x200];
	[tilespmem:s15+$0xC000] =	vst v22;
	s15 =	smov.u32 s18;
	s18 =	smov.u32 s19;
	s19 =	smov.u32 s10  }
0x32e: {  	v18 =	vmovc v35;
	v22 =	vadd.f32 v24, v27;
	v24 =	vadd.f32 v28, v35;
	v27 =	vmul.f32 v12, v17;
	v28 =	vld [tilespmem:s28+$0x280]  }
0x32f: {  	v34 =	vmul.f32 v13, v17;
	[tilespmem:s28+$0x0] =	vst v21;
	v23 =	vadd.f32 v23, v18;
	v21 =	vld [tilespmem:s24+$0x10];
	v29 =	vadd.f32 v29, v31  }
0x330: {  	v31 =	vmul.f32 v30, v9;
	[tilespmem:s28+$0x80] =	vst v22;
	v25 =	vadd.f32 v24, v25;
	v27 =	vadd.f32 v27, v18;
	v22 =	vld [tilespmem:s17+$0x0]  }
0x331: {  	s25 =	sadd.s32 $0x1, s25;
	v23 =	vadd.f32 v23, v32;
	v32 =	vadd.f32 v34, v18;
	v24 =	vld [tilespmem:s17+$0x80];
	v34 =	vmul.f32 v30, v10;
	[tilespmem:s9+$0xC000] =	vst v29  }
.Ltmp7:
0x332: {  	s1 =	sand.u32 $0x3, s25;
	v37 =	vmul.f32 v30, v12;
	v35 =	vmul.f32 v30, v11;
	[tilespmem:s28+$0x100] =	vst v25;
	v29 =	vadd.f32 v27, v26;
	v26 =	vld [tilespmem:s17+$0x100];
	(pc) =	sbr.rel @p1 .LBB2_17-.Ltmp7, $4  }
0x333: {  	v38 =	vmul.f32 v30, v13;
	s1 =	sshll.u32 s1, $0x5;
	v25 =	vmul.f32 v30, v14;
	[tilespmem:s28+$0x180] =	vst v23;
	v28 =	vadd.f32 v32, v28;
	v27 =	vld [tilespmem:s17+$0x180]  }
0x334: {  	s1 =	sadd.s32 s1, s23;
	v23 =	vmul.f32 v30, v15;
	[tilespmem:s28+$0x200] =	vst v29;
	v32 =	vadd.f32 v33, v21;
	v33 =	vadd.f32 v31, v21;
	v29 =	vld [tilespmem:s17+$0x200]  }
0x335: {  	s9 =	sor.u32 $0x300, s1;
	v36 =	vadd.f32 v34, v21;
	v34 =	vadd.f32 v35, v21;
	[tilespmem:s28+$0x280] =	vst v28;
	v30 =	vld [tilespmem:s17+$0x280]  }
0x336: {  	s3 =	sadd.s32 $0x2, s3;
	s26 =	sadd.s32 $0x20, s26;
	v35 =	vadd.f32 v37, v21;
	v31 =	vadd.f32 v38, v21;
	v28 =	vld [tilespmem:s9+$0xC000]  }
0x337: {  	v8 =	vadd.f32 v32, v22  }
0x338: {  	v9 =	vadd.f32 v24, v33  }
0x339: {  	v10 =	vadd.f32 v26, v36;
	[tilespmem:s17+$0x0] =	vst v8  }
0x33a: {  	v8 =	vadd.f32 v27, v34;
	[tilespmem:s17+$0x80] =	vst v9  }
0x33b: {  	v9 =	vadd.f32 v29, v35;
	[tilespmem:s17+$0x100] =	vst v10  }
0x33c: {  	v10 =	vadd.f32 v30, v31;
	[tilespmem:s17+$0x180] =	vst v8  }
0x33d: {  	[tilespmem:s17+$0x200] =	vst v9  }
0x33e: {  	v8 =	vmul.f32 v14, v17;
	v9 =	vld [tilespmem:s16+$0xC000];
	[tilespmem:s17+$0x280] =	vst v10  }
0x33f: {  	v10 =	vld [tilespmem:s20+$0xC000]  }
0x340: {  	v8 =	vadd.f32 v8, v18;
	_ =	sdelay $0x1  }
0x341: {  	v11 =	vadd.f32 v25, v21;
	v8 =	vadd.f32 v8, v28  }
0x342: {  	s0 =	sor.u32 s22, s2;
	v9 =	vadd.f32 v9, v20  }
0x343: {  	v12 =	vld [tilespmem:s15+$0xC000];
	s0 =	sor.u32 $0x380, s0;
	[tilespmem:s9+$0xC000] =	vst v8;
	v8 =	vadd.f32 v10, v11  }
0x344: {  	v10 =	vld [tilespmem:s0+$0xC000];
	[tilespmem:s16+$0xC000] =	vst v9  }
0x345: {  	v9 =	vmul.f32 v15, v17;
	v11 =	vld [tilespmem:s18+$0xC000];
	[tilespmem:s20+$0xC000] =	vst v8  }
0x346: {  	v8 =	vld [tilespmem:s19+$0xC000]  }
0x347: {  	v9 =	vadd.f32 v9, v18  }
0x348: {  	v12 =	vadd.f32 v12, v16  }
0x349: {  	v13 =	vadd.f32 v23, v21;
	v9 =	vadd.f32 v9, v10  }
0x34a: {  	[tilespmem:s15+$0xC000] =	vst v12;
	v10 =	vadd.f32 v11, v19  }
0x34b: {  	s16 =	sadd.s32 s6, s13;
	[tilespmem:s0+$0xC000] =	vst v9;
	v8 =	vadd.f32 v8, v13  }
0x34c: {  	s1 =	rddreg [dreg:$0x3];
	s0 =	sshll.u32 s16, $0x7;
	[tilespmem:s18+$0xC000] =	vst v10  }
0x34d: {  	s28 =	simm.s32 $0xC000;
	s0 =	sadd.s32 s1, s0;
	[tilespmem:s19+$0xC000] =	vst v8  }
0x34e: {  	[hbm4b:s0+s5] =	stream.linear.scatter [tilespmem:s28], [sflag:$0xF], $0x2000, $0x38;
	[tilespmem:$0x11280] =	vst v63  }
0x34f: {  	s0 =	simm.s32 @!p0 $0xE  }
0x350: {  	_ =	swait.ge @!p0 [sflag:s0], $0x2000  }
0x351: {  	s1 =	rddreg [dreg:$0x12]  }
0x352: {  	[sflag:s0] =	ssyncset.done @!p0 $0x0;
	s1 =	sadd.s32 @!p0 s8, s1  }
0x353: {  	s2 =	simm.s32 @!p0 $0xA000;
	[sflag:s0] =	ssyncadd.s32 @!p0 $0xFFFFE000;
	s0 =	sshll.u32 @!p0 s1, $0xA  }
0x354: {  	s17 =	simm.s32 $0x8;
	s1 =	simm.s32 @!p0 $0x0;
	s0 =	sadd.s32 @!p0 s4, s0  }
0x355: {  	[tilespmem:s2], [sflag:$0x6] =	stream.linear.gather @!p0 [hbm4b:s0+s1], $0x2000, $0x38;
	[tilespmem:$0x11280] =	vst v63  }
0x356: {  	_ =	swait.ge [sflag:s17], $0x2000  }
0x357: {  	[sflag:s17] =	ssyncset.done $0x0  }
0x358: {  	s8 =	sshll.u32 s29, $0x3;
	[sflag:s17] =	ssyncadd.s32 $0xFFFFE000  }
0x359: {  	s15 =	simm.s32 $0x0;
	v8 =	vld [tilespmem:s8+$0x10000]  }
0x35a: {  	s18 =	sand.u32 $0x3E0, s15  }
0x35b: {  	s20 =	sand.u32 $0x1C00, s15;
	s19 =	simm.s32 $0x10A80;
	v17 =	vld [tilespmem:s18+$0x10E80]  }
0x35c: {  	s22 =	sand.u32 $0x60, s15;
	s0 =	sor.u32 $0xE000, s20;
	v16 =	vld [tilespmem:s19+$0x0]  }
0x35d: {  	s7 =	sor.u32 s22, s0;
	v18 =	vld [tilespmem:s19+$0x410]  }
0x35e: {  	v14 =	vld [tilespmem:s7+$0x0];
	vm0 =	vgt.s32 v8, $0x0  }
0x35f: {  	v19 =	vld [tilespmem:s7+$0x80];
	v15 =	vsel vm0, $0x3F800000, v0  }
0x360: {  	v20 =	vld [tilespmem:s7+$0x100];
	v8 =	vperm.xlane v15, v0  }
0x361: {  	v22 =	vld [tilespmem:s7+$0x180];
	v9 =	vperm.xlane v15, v1  }
0x362: {  	s16 =	simm.s32 $0x10;
	v25 =	vld [tilespmem:s7+$0x200];
	v10 =	vperm.xlane v15, v2;
	v13 =	vmul.f32 v8, v17  }
0x363: {  	s23 =	sand.u32 $0x70, s16;
	v27 =	vld [tilespmem:s7+$0x280];
	s18 =	simm.s32 $0x100;
	v11 =	vperm.xlane v15, v3;
	v21 =	vmul.f32 v9, v17  }
0x364: {  	s2 =	simm.s32 $0x20;
	s3 =	sor.u32 s23, s0;
	v28 =	vld [tilespmem:s19+$0x10];
	s29 =	sand.u32 $0x1C00, s18;
	v24 =	vmul.f32 v10, v17;
	v23 =	vadd.f32 v13, v16  }
0x365: {  	s30 =	simm.s32 $0x10AA0;
	s31 =	sand.u32 $0x60, s2;
	v29 =	vld [tilespmem:s3+$0x0];
	s10 =	sor.u32 $0xE000, s29;
	v12 =	vperm.xlane v15, v4;
	v26 =	vmul.f32 v11, v17;
	v21 =	vadd.f32 v21, v16  }
0x366: {  	v60 =	vld [tilespmem:s30+$0x410];
	s11 =	sor.u32 s31, s10;
	v13 =	vperm.xlane v15, v5;
	v14 =	vadd.f32 v23, v14;
	v23 =	vadd.f32 v24, v16  }
0x367: {  	v37 =	vld [tilespmem:s11+$0x0];
	v24 =	vmul.f32 v12, v17;
	v19 =	vadd.f32 v21, v19  }
0x368: {  	v21 =	vadd.f32 v26, v16;
	v26 =	vmul.f32 v13, v17;
	[tilespmem:s7+$0x0] =	vst v14;
	v14 =	vadd.f32 v23, v20;
	v23 =	vld [tilespmem:s3+$0x80]  }
0x369: {  	v20 =	vadd.f32 v24, v16;
	v24 =	vld [tilespmem:s3+$0x100]  }
0x36a: {  	s25 =	sand.u32 $0x3E0, s2;
	v30 =	vmul.f32 v18, v10;
	[tilespmem:s7+$0x80] =	vst v19;
	v19 =	vadd.f32 v21, v22;
	v21 =	vadd.f32 v26, v16;
	v26 =	vld [tilespmem:s3+$0x200]  }
0x36b: {  	s24 =	sand.u32 $0x3, s15;
	v31 =	vmul.f32 v18, v12;
	v22 =	vld [tilespmem:s25+$0x10E80];
	[tilespmem:s7+$0x100] =	vst v14;
	v20 =	vadd.f32 v20, v25  }
0x36c: {  	s0 =	sshll.u32 s24, $0x5;
	v30 =	vadd.f32 v30, v28;
	v25 =	vld [tilespmem:s3+$0x180];
	[tilespmem:s7+$0x180] =	vst v19;
	v19 =	vadd.f32 v21, v27;
	v21 =	vmul.f32 v18, v8  }
0x36d: {  	s0 =	sadd.s32 $0x0, s0;
	v31 =	vadd.f32 v31, v28;
	v14 =	vperm.xlane v15, v6;
	v27 =	vmul.f32 v18, v9;
	[tilespmem:s7+$0x200] =	vst v20;
	v20 =	vld [tilespmem:s3+$0x280]  }
0x36e: {  	s26 =	sor.u32 $0x300, s0;
	[tilespmem:s7+$0x280] =	vst v19;
	v19 =	vmul.f32 v18, v11;
	v58 =	vadd.f32 v21, v28;
	v21 =	vld [tilespmem:s30+$0x0];
	v24 =	vadd.f32 v24, v30  }
0x36f: {  	v57 =	vmul.f32 v18, v13;
	v27 =	vadd.f32 v27, v28;
	v56 =	vld [tilespmem:s26+$0xE000];
	v26 =	vadd.f32 v26, v31  }
0x370: {  	v38 =	vld [tilespmem:s11+$0x80];
	v59 =	vmul.f32 v14, v17;
	v19 =	vadd.f32 v19, v28;
	v29 =	vadd.f32 v58, v29;
	[tilespmem:s3+$0x100] =	vst v24  }
0x371: {  	v40 =	vld [tilespmem:s11+$0x180];
	v33 =	vadd.f32 v57, v28;
	v23 =	vadd.f32 v23, v27;
	v27 =	vmul.f32 v9, v22;
	[tilespmem:s3+$0x200] =	vst v26  }
0x372: {  	s0 =	simm.s32 $0x30;
	v43 =	vld [tilespmem:s11+$0x280];
	v62 =	vmul.f32 v8, v22;
	v61 =	vadd.f32 v59, v16;
	[tilespmem:s3+$0x0] =	vst v29;
	v19 =	vadd.f32 v25, v19  }
0x373: {  	s17 =	sand.u32 $0x70, s0;
	v30 =	vld [tilespmem:s11+$0x100];
	[tilespmem:s3+$0x80] =	vst v23;
	v25 =	vmul.f32 v11, v22;
	v23 =	vadd.f32 v27, v21;
	v20 =	vadd.f32 v20, v33  }
0x374: {  	s22 =	sand.u32 $0x7, s15;
	s19 =	sor.u32 s17, s10;
	v39 =	vmul.f32 v10, v22;
	v63 =	vadd.f32 v62, v21;
	v27 =	vld [tilespmem:s11+$0x200];
	v29 =	vadd.f32 v61, v56;
	[tilespmem:s3+$0x180] =	vst v19  }
0x375: {  	s12 =	sor.u32 s15, s15;
	v46 =	vld [tilespmem:s19+$0x0];
	s7 =	sshll.u32 s22, $0x4;
	v42 =	vmul.f32 v12, v22;
	v25 =	vadd.f32 v25, v21;
	v23 =	vadd.f32 v23, v38;
	[tilespmem:s3+$0x280] =	vst v20  }
0x376: {  	s9 =	sor.u32 $0x380, s12;
	v48 =	vld [tilespmem:s19+$0x180];
	v44 =	vmul.f32 v13, v22;
	s7 =	sadd.s32 $0x0, s7;
	v41 =	vadd.f32 v39, v21;
	[tilespmem:s26+$0xE000] =	vst v29;
	v29 =	vadd.f32 v63, v37  }
0x377: {  	s13 =	simm.s32 $0x40;
	v15 =	vperm.xlane v15, v7;
	s22 =	simm.s32 $0x200;
	v31 =	vld [tilespmem:s19+$0x80];
	s7 =	sadd.s32 $0x10, s7;
	v45 =	vadd.f32 v42, v21;
	v25 =	vadd.f32 v25, v40;
	[tilespmem:s11+$0x80] =	vst v23  }
0x378: {  	s20 =	simm.s32 $0x1;
	s25 =	sand.u32 $0x1C00, s22;
	s24 =	sor.u32 $0x300, s7;
	v47 =	vadd.f32 v44, v21;
	v24 =	vld [tilespmem:s9+$0xE000];
	[tilespmem:s11+$0x0] =	vst v29;
	v29 =	vadd.f32 v41, v30  }
0x379: {  	s1 =	sand.u32 $0x3, s20;
	v17 =	vmul.f32 v15, v17;
	v49 =	vmul.f32 v14, v22;
	s29 =	sor.u32 $0xE000, s25;
	v51 =	vld [tilespmem:s24+$0xE000];
	s26 =	sand.u32 $0x60, s13;
	v27 =	vadd.f32 v45, v27;
	[tilespmem:s11+$0x180] =	vst v25  }
0x37a: {  	s1 =	sshll.u32 s1, $0x5;
	v23 =	vmul.f32 v18, v14;
	v18 =	vmul.f32 v18, v15;
	s3 =	sor.u32 s26, s29;
	v30 =	vld [tilespmem:s30+$0x10];
	v25 =	vadd.f32 v47, v43;
	[tilespmem:s11+$0x100] =	vst v29  }
0x37b: {  	s1 =	sadd.s32 $0x100, s1;
	v17 =	vadd.f32 v17, v16;
	v33 =	vadd.f32 v49, v21;
	v55 =	vld [tilespmem:s3+$0x0];
	[tilespmem:s11+$0x200] =	vst v27  }
0x37c: {  	s1 =	sor.u32 $0x300, s1;
	v23 =	vadd.f32 v23, v28;
	v16 =	vadd.f32 v18, v28;
	v28 =	vld [tilespmem:s19+$0x200];
	[tilespmem:s11+$0x280] =	vst v25  }
0x37d: {  	v18 =	vmul.f32 v60, v8;
	v25 =	vld [tilespmem:s1+$0xE000];
	v19 =	vadd.f32 v17, v24;
	v17 =	vmul.f32 v60, v10  }
0x37e: {  	s23 =	sand.u32 $0x3E0, s13;
	v20 =	vmul.f32 v60, v12;
	v29 =	vld [tilespmem:s19+$0x100];
	v27 =	vmul.f32 v60, v9;
	v23 =	vadd.f32 v51, v23  }
0x37f: {  	v52 =	vmul.f32 v60, v13;
	v18 =	vadd.f32 v18, v30;
	v50 =	vadd.f32 v17, v30;
	v17 =	vld [tilespmem:s23+$0x10E80]  }
0x380: {  	v24 =	vmul.f32 v60, v11;
	v26 =	vadd.f32 v27, v30;
	v27 =	vld [tilespmem:s19+$0x280];
	v20 =	vadd.f32 v20, v30;
	s23 =	simm.s32 $0x10AC0  }
0x381: {  	v54 =	vadd.f32 v52, v30;
	v34 =	vadd.f32 v18, v46;
	v18 =	vld [tilespmem:s23+$0x0]  }
0x382: {  	v53 =	vmul.f32 v60, v15;
	v57 =	vld [tilespmem:s3+$0x80];
	[tilespmem:s24+$0xE000] =	vst v23;
	v24 =	vadd.f32 v24, v30;
	v25 =	vadd.f32 v33, v25  }
0x383: {  	s2 =	sor.u32 s2, s18;
	v58 =	vld [tilespmem:s3+$0x180];
	[tilespmem:s9+$0xE000] =	vst v19;
	v26 =	vadd.f32 v31, v26;
	v19 =	vadd.f32 v29, v50;
	v29 =	vmul.f32 v60, v14  }
0x384: {  	s2 =	sor.u32 $0x380, s2;
	v31 =	vld [tilespmem:s23+$0x410];
	v28 =	vadd.f32 v28, v20;
	v24 =	vadd.f32 v48, v24;
	[tilespmem:s1+$0xE000] =	vst v25;
	v56 =	vmul.f32 v8, v17  }
0x385: {  	[tilespmem:s19+$0x80] =	vst v26;
	v25 =	vadd.f32 v27, v54;
	v20 =	vadd.f32 v29, v30;
	v26 =	vmul.f32 v9, v17;
	v27 =	vld [tilespmem:s2+$0xE000]  }
0x386: {  	v22 =	vmul.f32 v15, v22;
	[tilespmem:s19+$0x100] =	vst v19;
	v19 =	vadd.f32 v53, v30;
	v30 =	vld [tilespmem:s3+$0x100];
	v29 =	vadd.f32 v56, v18  }
0x387: {  	v59 =	vld [tilespmem:s3+$0x200];
	[tilespmem:s19+$0x180] =	vst v24;
	v24 =	vadd.f32 v26, v18;
	v26 =	vmul.f32 v10, v17  }
0x388: {  	s12 =	simm.s32 $0x4;
	s20 =	sor.u32 s16, s15;
	s31 =	simm.s32 $0x50;
	v22 =	vadd.f32 v22, v21;
	v21 =	vld [tilespmem:s23+$0x10];
	[tilespmem:s19+$0x200] =	vst v28;
	v28 =	vadd.f32 v29, v55;
	v29 =	vmul.f32 v11, v17  }
0x389: {  	s15 =	sor.u32 $0x380, s20;
	s30 =	simm.s32 $0x2;
	s11 =	sand.u32 $0x70, s31;
	v60 =	vld [tilespmem:s3+$0x280];
	[tilespmem:s19+$0x280] =	vst v25;
	v24 =	vadd.f32 v24, v57;
	v25 =	vadd.f32 v26, v18;
	v26 =	vmul.f32 v12, v17  }
0x38a: {  	s0 =	sor.u32 s0, s18;
	s17 =	sor.u32 s11, s29;
	[tilespmem:s19+$0x0] =	vst v34;
	s1 =	sand.u32 $0x7, s30;
	v61 =	vadd.f32 v22, v27;
	v23 =	vadd.f32 v29, v18;
	v29 =	vmul.f32 v13, v17  }
0x38b: {  	s18 =	sor.u32 $0x380, s0;
	s24 =	sand.u32 $0x7, s12;
	s1 =	sshll.u32 s1, $0x4;
	v62 =	vmul.f32 v31, v11;
	v22 =	vld [tilespmem:s17+$0x0];
	[tilespmem:s3+$0x0] =	vst v28;
	v25 =	vadd.f32 v25, v30;
	v26 =	vadd.f32 v26, v18  }
0x38c: {  	s25 =	sshll.u32 s24, $0x4;
	s24 =	simm.s32 $0x2;
	s1 =	sadd.s32 $0x100, s1;
	v63 =	vmul.f32 v31, v12;
	[tilespmem:s3+$0x80] =	vst v24;
	v24 =	vld [tilespmem:s17+$0x80];
	v23 =	vadd.f32 v23, v58;
	v27 =	vadd.f32 v29, v18  }
0x38d: {  	s0 =	simm.s32 $0x4;
	s26 =	sand.u32 $0x3, s24;
	s1 =	sadd.s32 $0x10, s1;
	v34 =	vadd.f32 v62, v21;
	v29 =	vmul.f32 v31, v9;
	[tilespmem:s3+$0x100] =	vst v25;
	v25 =	vadd.f32 v26, v59;
	v26 =	vld [tilespmem:s17+$0x100]  }
0x38e: {  	s30 =	sshll.u32 s26, $0x5;
	s16 =	sor.u32 $0x300, s1;
	s1 =	sadd.s32 $0x200, s25;
	v28 =	vmul.f32 v31, v8;
	v30 =	vmul.f32 v31, v10;
	[tilespmem:s3+$0x180] =	vst v23;
	v23 =	vadd.f32 v27, v60;
	v27 =	vld [tilespmem:s17+$0x180]  }
0x38f: {  	s31 =	sor.u32 s31, s22;
	v39 =	vmul.f32 v31, v13;
	v35 =	vadd.f32 v63, v21;
	s29 =	sadd.s32 $0x10, s1;
	s1 =	sadd.s32 $0x200, s30;
	[tilespmem:s3+$0x200] =	vst v25;
	v33 =	vadd.f32 v29, v21;
	v29 =	vld [tilespmem:s17+$0x200]  }
0x390: {  	s19 =	sor.u32 $0x380, s31;
	s25 =	simm.s32 $0x60;
	s9 =	sor.u32 $0x300, s1;
	v32 =	vadd.f32 v28, v21;
	v36 =	vadd.f32 v30, v21;
	v30 =	vld [tilespmem:s17+$0x280];
	[tilespmem:s3+$0x280] =	vst v23  }
0x391: {  	s20 =	sor.u32 $0x300, s29;
	[tilespmem:s2+$0xE000] =	vst v61;
	s2 =	simm.s32 $0x200;
	v25 =	vmul.f32 v31, v14;
	v23 =	vmul.f32 v31, v15;
	v31 =	vadd.f32 v39, v21;
	s3 =	simm.s32 $0x6;
	v28 =	vld [tilespmem:s9+$0xE000]  }
.LBB2_19:
0x392: {  	s1 =	sand.u32 $0x7, s3;
	s7 =	sand.u32 $0x3E0, s25;
	s10 =	sadd.s32 $0x10, s25;
	v37 =	vmul.f32 v14, v17;
	v22 =	vadd.f32 v32, v22;
	v24 =	vadd.f32 v24, v33;
	v32 =	vld [tilespmem:s16+$0xE000]  }
0x393: {  	v26 =	vadd.f32 v26, v36;
	s22 =	sadd.s32 $0x100, s22;
	s1 =	sshll.u32 s1, $0x4;
	v33 =	vld [tilespmem:s7+$0x10E80];
	s7 =	sand.u32 $0x70, s10;
	v27 =	vadd.f32 v27, v34  }
0x394: {  	s23 =	sadd.s32 $0x20, s23;
	s11 =	sand.u32 $0x1C00, s22;
	s1 =	sadd.s32 s22, s1;
	v34 =	vadd.f32 v37, v18;
	[tilespmem:s17+$0x0] =	vst v22;
	v22 =	vadd.f32 v29, v35;
	v29 =	vld [tilespmem:s15+$0xE000]  }
0x395: {  	s12 =	sand.u32 $0x60, s25;
	v25 =	vadd.f32 v25, v21;
	s11 =	sor.u32 $0xE000, s11;
	v35 =	vld [tilespmem:s23+$0x0];
	s1 =	sadd.s32 $0x10, s1;
	[tilespmem:s17+$0x80] =	vst v24;
	v24 =	vadd.f32 v30, v31  }
0x396: {  	v21 =	vadd.f32 v23, v21;
	s26 =	sor.u32 s12, s11;
	s7 =	sor.u32 s7, s11;
	v30 =	vld [tilespmem:s23+$0x410];
	s1 =	sor.u32 $0x300, s1;
	v28 =	vadd.f32 v34, v28;
	[tilespmem:s17+$0x100] =	vst v26  }
0x397: {  	s10 =	sor.u32 s10, s22;
	s11 =	sor.u32 s13, s2;
	s2 =	smov.u32 s22;
	v23 =	vld [tilespmem:s26+$0x0];
	[tilespmem:s17+$0x180] =	vst v27;
	v26 =	vadd.f32 v32, v20;
	v20 =	vmov v25  }
0x398: {  	s0 =	sadd.s32 $0x2, s0;
	s10 =	sor.u32 $0x380, s10;
	v25 =	vmul.f32 v8, v33;
	v27 =	vld [tilespmem:s26+$0x80];
	[tilespmem:s9+$0xE000] =	vst v28;
	s9 =	sor.u32 $0x380, s11  }
0x399: {  	p0 =	slt.u32 s0, $0x3E;
	s13 =	smov.u32 s25;
	v28 =	vmul.f32 v9, v33;
	v31 =	vld [tilespmem:s9+$0xE000];
	[tilespmem:s17+$0x200] =	vst v22;
	v22 =	vadd.f32 v29, v16;
	v16 =	vmovc v19;
	v19 =	vmov v21  }
0x39a: {  	v29 =	vmul.f32 v15, v17;
	v17 =	vmov v33;
	v21 =	vadd.f32 v25, v35;
	v25 =	vld [tilespmem:s26+$0x100];
	[tilespmem:s17+$0x280] =	vst v24;
	s17 =	smov.u32 s7  }
0x39b: {  	v24 =	vadd.f32 v28, v35;
	v28 =	vmul.f32 v10, v17;
	v32 =	vld [tilespmem:s26+$0x180];
	v33 =	vmul.f32 v30, v8;
	[tilespmem:s16+$0xE000] =	vst v26;
	s16 =	smov.u32 s20;
	s20 =	smov.u32 s1  }
0x39c: {  	v29 =	vadd.f32 v29, v18;
	v21 =	vadd.f32 v21, v23;
	v23 =	vmul.f32 v11, v17;
	v26 =	vld [tilespmem:s26+$0x200];
	[tilespmem:s15+$0xE000] =	vst v22;
	s15 =	smov.u32 s18;
	s18 =	smov.u32 s19;
	s19 =	smov.u32 s10  }
0x39d: {  	v18 =	vmovc v35;
	v22 =	vadd.f32 v24, v27;
	v24 =	vadd.f32 v28, v35;
	v27 =	vmul.f32 v12, v17;
	v28 =	vld [tilespmem:s26+$0x280]  }
0x39e: {  	v34 =	vmul.f32 v13, v17;
	[tilespmem:s26+$0x0] =	vst v21;
	v23 =	vadd.f32 v23, v18;
	v21 =	vld [tilespmem:s23+$0x10];
	v29 =	vadd.f32 v29, v31  }
0x39f: {  	v31 =	vmul.f32 v30, v9;
	[tilespmem:s26+$0x80] =	vst v22;
	v25 =	vadd.f32 v24, v25;
	v27 =	vadd.f32 v27, v18;
	v22 =	vld [tilespmem:s17+$0x0]  }
0x3a0: {  	s24 =	sadd.s32 $0x1, s24;
	v23 =	vadd.f32 v23, v32;
	v32 =	vadd.f32 v34, v18;
	v24 =	vld [tilespmem:s17+$0x80];
	v34 =	vmul.f32 v30, v10;
	[tilespmem:s9+$0xE000] =	vst v29  }
.Ltmp8:
0x3a1: {  	s1 =	sand.u32 $0x3, s24;
	v37 =	vmul.f32 v30, v12;
	v35 =	vmul.f32 v30, v11;
	[tilespmem:s26+$0x100] =	vst v25;
	v29 =	vadd.f32 v27, v26;
	v26 =	vld [tilespmem:s17+$0x100];
	(pc) =	sbr.rel @p0 .LBB2_19-.Ltmp8, $4  }
0x3a2: {  	v38 =	vmul.f32 v30, v13;
	s1 =	sshll.u32 s1, $0x5;
	v25 =	vmul.f32 v30, v14;
	[tilespmem:s26+$0x180] =	vst v23;
	v28 =	vadd.f32 v32, v28;
	v27 =	vld [tilespmem:s17+$0x180]  }
0x3a3: {  	s1 =	sadd.s32 s1, s22;
	v23 =	vmul.f32 v30, v15;
	[tilespmem:s26+$0x200] =	vst v29;
	v32 =	vadd.f32 v33, v21;
	v33 =	vadd.f32 v31, v21;
	v29 =	vld [tilespmem:s17+$0x200]  }
0x3a4: {  	s9 =	sor.u32 $0x300, s1;
	v36 =	vadd.f32 v34, v21;
	v34 =	vadd.f32 v35, v21;
	[tilespmem:s26+$0x280] =	vst v28;
	v30 =	vld [tilespmem:s17+$0x280]  }
0x3a5: {  	s3 =	sadd.s32 $0x2, s3;
	s25 =	sadd.s32 $0x20, s25;
	v35 =	vadd.f32 v37, v21;
	v31 =	vadd.f32 v38, v21;
	v28 =	vld [tilespmem:s9+$0xE000]  }
0x3a6: {  	v8 =	vadd.f32 v32, v22  }
0x3a7: {  	v9 =	vadd.f32 v24, v33  }
0x3a8: {  	v10 =	vadd.f32 v26, v36;
	[tilespmem:s17+$0x0] =	vst v8  }
0x3a9: {  	v8 =	vadd.f32 v27, v34;
	[tilespmem:s17+$0x80] =	vst v9  }
0x3aa: {  	v57 =	vadd.f32 v29, v35;
	[tilespmem:s17+$0x100] =	vst v10  }
0x3ab: {  	v59 =	vld [tilespmem:s16+$0xE000];
	v58 =	vadd.f32 v30, v31;
	[tilespmem:s17+$0x180] =	vst v8  }
0x3ac: {  	[tilespmem:s17+$0x200] =	vst v57  }
0x3ad: {  	v8 =	vmul.f32 v14, v17;
	[tilespmem:s17+$0x280] =	vst v58  }
0x3ae: {  	v10 =	vld [tilespmem:s20+$0xE000]  }
0x3af: {  	v8 =	vadd.f32 v8, v18  }
0x3b0: {  	v9 =	vadd.f32 v59, v20  }
0x3b1: {  	v11 =	vadd.f32 v25, v21;
	v8 =	vadd.f32 v8, v28  }
0x3b2: {  	[tilespmem:s16+$0xE000] =	vst v9  }
0x3b3: {  	s0 =	sor.u32 s13, s2;
	v12 =	vld [tilespmem:s15+$0xE000];
	[tilespmem:s9+$0xE000] =	vst v8;
	v8 =	vadd.f32 v10, v11  }
0x3b4: {  	s0 =	sor.u32 $0x380, s0;
	v62 =	vld [tilespmem:s18+$0xE000]  }
0x3b5: {  	v60 =	vld [tilespmem:s0+$0xE000];
	[tilespmem:s20+$0xE000] =	vst v8  }
0x3b6: {  	v61 =	vmul.f32 v15, v17;
	v8 =	vld [tilespmem:s19+$0xE000];
	_ =	sdelay $0x1  }
0x3b7: {  	v12 =	vadd.f32 v12, v16;
	v9 =	vadd.f32 v61, v18  }
0x3b8: {  	v13 =	vadd.f32 v23, v21;
	s21 =	sadd.s32 $0x1, s21;
	v63 =	vadd.f32 v62, v19  }
0x3b9: {  	p0 =	sne.s32 s21, $0x8;
	[tilespmem:s15+$0xE000] =	vst v12;
	v9 =	vadd.f32 v9, v60  }
.Ltmp9:
0x3ba: {  	s31 =	sadd.s32 s6, s8;
	[tilespmem:s18+$0xE000] =	vst v63;
	v8 =	vadd.f32 v8, v13;
	(pc) =	sbr.rel @p0 .LBB2_4-.Ltmp9, $4  }
0x3bb: {  	s1 =	rddreg [dreg:$0x3];
	[tilespmem:s0+$0xE000] =	vst v9;
	s0 =	sshll.u32 s31, $0x7  }
0x3bc: {  	s12 =	simm.s32 $0xE000;
	s0 =	sadd.s32 s1, s0;
	[tilespmem:s19+$0xE000] =	vst v8  }
0x3bd: {  	[hbm4b:s0+s5] =	stream.linear.scatter [tilespmem:s12], [sflag:$0x10], $0x2000, $0x38;
	[tilespmem:$0x11280] =	vst v63  }
0x3be: {  	s7 =	rddreg [dreg:$0x5]  }
0x3bf: {  	s0 =	simm.s32 $0x9  }
0x3c0: {  	_ =	swait.ge [sflag:s0], $0x2000  }
0x3c1: {  	[sflag:s0] =	ssyncset.done $0x0  }
0x3c2: {  	s23 =	simm.s32 $0xA;
	[sflag:s0] =	ssyncadd.s32 $0xFFFFE000  }
0x3c3: {  	_ =	swait.ge [sflag:s23], $0x2000  }
0x3c4: {  	[sflag:s23] =	ssyncset.done $0x0  }
0x3c5: {  	s24 =	simm.s32 $0xB;
	[sflag:s23] =	ssyncadd.s32 $0xFFFFE000  }
0x3c6: {  	_ =	swait.ge [sflag:s24], $0x2000  }
0x3c7: {  	[sflag:s24] =	ssyncset.done $0x0  }
0x3c8: {  	s25 =	simm.s32 $0xC;
	[sflag:s24] =	ssyncadd.s32 $0xFFFFE000  }
0x3c9: {  	_ =	swait.ge [sflag:s25], $0x2000  }
0x3ca: {  	[sflag:s25] =	ssyncset.done $0x0  }
0x3cb: {  	s26 =	simm.s32 $0xD;
	[sflag:s25] =	ssyncadd.s32 $0xFFFFE000  }
0x3cc: {  	_ =	swait.ge [sflag:s26], $0x2000  }
0x3cd: {  	[sflag:s26] =	ssyncset.done $0x0  }
0x3ce: {  	s29 =	simm.s32 $0xE;
	[sflag:s26] =	ssyncadd.s32 $0xFFFFE000  }
0x3cf: {  	_ =	swait.ge [sflag:s29], $0x2000  }
0x3d0: {  	[sflag:s29] =	ssyncset.done $0x0  }
0x3d1: {  	s30 =	simm.s32 $0xF;
	[sflag:s29] =	ssyncadd.s32 $0xFFFFE000  }
0x3d2: {  	_ =	swait.ge [sflag:s30], $0x2000  }
0x3d3: {  	[sflag:s30] =	ssyncset.done $0x0  }
0x3d4: {  	s3 =	simm.s32 $0x10;
	[sflag:s30] =	ssyncadd.s32 $0xFFFFE000  }
0x3d5: {  	_ =	swait.ge [sflag:s3], $0x2000  }
0x3d6: {  	s1 =	rddreg [dreg:$0x14]  }
0x3d7: {  	s31 =	rddreg [dreg:$0x13];
	s1 =	sadd.s32 $0x1, s1  }
0x3d8: {  	p0 =	sne.s32 s1, s31  }
.Ltmp10:
0x3d9: {  	_ = 	snop;
	(pc) =	sbr.rel @p0 .LBB2_1-.Ltmp10, $3  }
0x3da: {  	_ =	sdelay $0x1  }
0x3db: {  	[sflag:s3] =	ssyncset.done $0x0  }
0x3dc: {  	[sflag:s3] =	ssyncadd.s32 $0xFFFFE000  }
0x3dd: {  	_ =	sfence.sel $0x180000  }
0x3de: {  	[bflag:$0x0] =	sbarrier.arrive $0xFFFF  }
0x3df: {  	_ =	strace $0x90000047  }
0x3e0: {  	s0 =	stileid.u32;
	[bflag:$0x2] =	sbarrier.arrive $0xFFFF  }
0x3e1: {  	p0 =	sne.s32 s0, $0x0;
	s0 =	rddreg [dreg:$0x4]  }
0x3e2: {  	s0 =	sadd.s32 @!p0 $0x100000, s0  }
0x3e3: {  	[sflag:s0] =	ssyncadd.tile.s32 @!p0 $0x1;
	_ =	shalt  }
.Lfunc_end2:
_tile_overlayer_lowered:
.L_overlay_start_2:
0x3e4: {  	(tag) =	ssettag $0x2  }
0x3e5: {  	s0 =	rddreg [dreg:$0x0];
	s2 =	stileid.u32  }
0x3e6: {  	s1 =	rddreg [dreg:$0x1];
	p0 =	sne.s32 s2, $0x0  }
0x3e7: {  	s3 =	rddreg [dreg:$0x2];
	[bflag:$0x3] =	sbarrier.arrive $0xFFFF;
	s2 =	simm.s32 @!p0 $0x1C11  }
0x3e8: {  	[timem:s3], [sflag:s2] =	dma.local @!p0 [hbm:s0], s1  }
0x3e9: {  	s0 =	simm.s32 @!p0 $0x11  }
0x3ea: {  	_ =	swait.ge @!p0 [sflag:s0], s1  }
0x3eb: {  	s1 =	ssub.s32 @!p0 $0x0, s1;
	[sflag:s0] =	ssyncset.done @!p0 $0x0  }
0x3ec: {  	[sflag:s0] =	ssyncadd.s32 @!p0 s1  }
0x3ed: {  	[bflag:$0x3] =	sbarrier.arrive $0xFFFF  }
0x3ee: {  	_ =	shalt  }

</sc_bundles>
